<compile_context>
chip_gen: v7x
topology: tpu7x:2x2x1
jax: 0.10.2.dev20260603
libtpu: 0.0.44.dev20260713+nightly
codegen_flags: <defaults>
</compile_context>

<pallas_src>
import functools

import jax
import jax.numpy as jnp
from jax import lax
from jax.experimental import pallas as pl
from jax.experimental.pallas import tpu as pltpu, tpu_sc as plsc

NUM_FIXED_ROWS = 900000
NUM_TRAIN_ROWS = 100000
DIM = 64

NC, NS, L = 2, 16, 16
NW = NC * NS

B_TOTAL = 4096 * 200
PER_W = B_TOTAL // NW
CH = 256
NV = CH // L
N_CHUNKS = PER_W // CH
TMAX = PER_W + CH + L


def _sc_body(inp_hbm, fixed_hbm, train_hbm, out_hbm,
             idx_all, rows0, rows1, tpos1d, tpos_st, idxb_st,
             semg, semw0, semw1):
    wid = lax.axis_index("s") * NC + lax.axis_index("c")
    base = wid * PER_W
    lanes = lax.iota(jnp.int32, L)

    pltpu.sync_copy(inp_hbm.at[pl.ds(base, PER_W)], idx_all)

    def drain_write(rows_b, semw_b):
        pltpu.make_async_copy(rows_b, out_hbm.at[pl.ds(0, CH)],
                              semw_b).wait()

    pltpu.async_copy(rows0, out_hbm.at[pl.ds(base, CH)], semw0)
    pltpu.async_copy(rows1, out_hbm.at[pl.ds(base + CH, CH)], semw1)

    def step(j, n, rows_b, semw_b):
        drain_write(rows_b, semw_b)
        descs = []
        for k in range(NV):
            idx = idx_all[pl.ds(j * CH + k * L, L)]
            is_t = idx >= NUM_FIXED_ROWS
            idxf = jnp.minimum(idx, NUM_FIXED_ROWS - 1)
            descs.append(pltpu.async_copy(
                fixed_hbm.at[idxf], rows_b.at[pl.ds(k * L, L)], semg))
            key = jnp.where(is_t, lanes, lanes + L)
            gpos = lanes + (base + j * CH + k * L)
            _, pos_s = plsc.sort_key_val(key, gpos)
            tpos1d[pl.ds(n, L)] = pos_s
            n = n + jnp.sum(is_t.astype(jnp.int32))
        for d in descs:
            d.wait()
        pltpu.async_copy(rows_b, out_hbm.at[pl.ds(base + j * CH, CH)],
                         semw_b)
        return n

    def pair_body(i, n):
        n = step(2 * i, n, rows0, semw0)
        n = step(2 * i + 1, n, rows1, semw1)
        return n

    n = lax.fori_loop(0, N_CHUNKS // 2, pair_body, jnp.int32(0))
    drain_write(rows0, semw0)
    drain_write(rows1, semw1)

    first = tpos1d[pl.ds(0, L)]
    e0 = jnp.sum(jnp.where(lanes == 0, first, 0))
    evec = jnp.zeros((L,), jnp.int32) + e0

    def pad_body(i, _):
        tpos1d[pl.ds(n + i * L, L)] = evec
        return 0

    lax.fori_loop(0, CH // L, pad_body, 0)

    nch_b = (n + CH - 1) // CH

    def pass_b_step(j, _):
        for k in range(NV):
            tpos_st[pl.ds(k * L, L)] = tpos1d[pl.ds(j * CH + k * L, L)]
        pltpu.async_copy(inp_hbm.at[tpos_st], idxb_st, semg).wait()
        gd = []
        for k in range(NV):
            tix = idxb_st[pl.ds(k * L, L)] - NUM_FIXED_ROWS
            gd.append(pltpu.async_copy(
                train_hbm.at[tix], rows0.at[pl.ds(k * L, L)], semg))
        for d in gd:
            d.wait()
        pltpu.async_copy(rows0, out_hbm.at[tpos_st], semg).wait()
        return 0

    lax.fori_loop(0, nch_b, pass_b_step, 0)


@jax.jit
def _sc_lookup(inp_flat, fixed_weights, trainable_weight):
    mesh = plsc.VectorSubcoreMesh(
        core_axis_name="c", subcore_axis_name="s",
        num_cores=NC, num_subcores=NS)
    fn = pl.kernel(
        _sc_body,
        out_type=jax.ShapeDtypeStruct((B_TOTAL, DIM), jnp.float32),
        mesh=mesh,
        scratch_types=[
            pltpu.VMEM((PER_W,), jnp.int32),
            pltpu.VMEM((CH, DIM), jnp.float32),
            pltpu.VMEM((CH, DIM), jnp.float32),
            pltpu.VMEM((TMAX,), jnp.int32),
            pltpu.VMEM((CH,), jnp.int32),
            pltpu.VMEM((CH,), jnp.int32),
            pltpu.SemaphoreType.DMA,
            pltpu.SemaphoreType.DMA,
            pltpu.SemaphoreType.DMA,
        ],
        compiler_params=pltpu.CompilerParams(
            use_tc_tiling_on_sc=False, needs_layout_passes=False),
    )
    return fn(inp_flat, fixed_weights, trainable_weight)


def kernel(inp, fixed_weights, trainable_weight):
    inp_flat = inp.reshape(-1).astype(jnp.int32)
    out = _sc_lookup(inp_flat, fixed_weights, trainable_weight)
    return out.reshape(inp.shape + (DIM,))

# --- scband reference (transcript-rebuilt; emitter-appended) ---
"""Pipeline reference for scband-partially-fixed-embedding-30837865185767 (READ-ONLY COPY).

The authoritative reference and input builder live on the scoring server;
editing this copy changes nothing except your own understanding.
"""

import jax, jax.numpy as jnp
import numpy as np

NUM_FIXED = 900000
NUM_TO_LEARN = 100000
EMBED_DIM = 64

def setup_inputs(seed: int = 0) -> dict:
    key = jax.random.key(seed)
    k1, k2, k3 = jax.random.split(key, 3)
    inp = jax.random.randint(k1, (4096, 200), 0, NUM_FIXED + NUM_TO_LEARN)
    fixed_weights = jax.random.normal(k2, (NUM_FIXED, EMBED_DIM), dtype=jnp.float32) * 0.02
    # kaiming_uniform_ default (a=sqrt(5)) -> bound = sqrt(6 / ((1 + a^2) * fan_in)) = sqrt(1/fan_in)
    bound = float(np.sqrt(1.0 / EMBED_DIM))
    trainable_weight = jax.random.uniform(k3, (NUM_TO_LEARN, EMBED_DIM), minval=-bound, maxval=bound, dtype=jnp.float32)
    return {"inp": inp, "fixed_weights": fixed_weights, "trainable_weight": trainable_weight}

def reference(inp, fixed_weights, trainable_weight):
    # weight buffer = [fixed ; trainable] rebuilt each forward (as in torch module)
    weight = jnp.concatenate([fixed_weights, trainable_weight], axis=0)
    # F.embedding forward with padding_idx only affects gradients, forward is a plain gather
    return jnp.take(weight, inp, axis=0)

if __name__ == "__main__":
    import jax
    _d = setup_inputs()
    print(jax.jit(kernel)(*tuple(_d.values())))

</pallas_src>

<mosaic_0001>
#map = affine_map<(d0, d1) -> (0)>
#map1 = affine_map<(d0, d1) -> (0, 0)>
module attributes {stable_mosaic.version = 14 : i64} {
  func.func @_sc_body(%arg0: i32, %arg1: i32, %arg2: memref<819200xi32, #tpu.memory_space<hbm>>, %arg3: memref<900000x64xf32, #tpu.memory_space<hbm>>, %arg4: memref<100000x64xf32, #tpu.memory_space<hbm>>, %arg5: memref<819200x64xf32, #tpu.memory_space<hbm>>, %arg6: memref<25600xi32, #tpu.memory_space<vmem>>, %arg7: memref<256x64xf32, #tpu.memory_space<vmem>>, %arg8: memref<256x64xf32, #tpu.memory_space<vmem>>, %arg9: memref<25872xi32, #tpu.memory_space<vmem>>, %arg10: memref<256xi32, #tpu.memory_space<vmem>>, %arg11: memref<256xi32, #tpu.memory_space<vmem>>, %arg12: memref<!tpu.dma_semaphore, #tpu.memory_space<semaphore_mem>>, %arg13: memref<!tpu.dma_semaphore, #tpu.memory_space<semaphore_mem>>, %arg14: memref<!tpu.dma_semaphore, #tpu.memory_space<semaphore_mem>>) attributes {dimension_semantics = [#tpu.dimension_semantics<core_parallel>, #tpu.dimension_semantics<subcore_parallel>], iteration_bounds = array<i64: 2, 16>, scalar_prefetch = 0 : i64, scratch_operands = 9 : i64, tpu.core_type = #tpu.core_type<sc_vector_subcore>, window_params = [{transform_indices = #map}, {transform_indices = #map1}, {transform_indices = #map1}, {transform_indices = #map1}]} {
    %mul3A = arith.constant 2 : i32
    %mul3A_0 = arith.muli %arg1, %mul3A : i32
    %add3A = arith.addi %mul3A_0, %arg0 : i32
    %mul3A_1 = arith.constant 25600 : i32
    %mul3A_2 = arith.muli %add3A, %mul3A_1 : i32
    %iota3A = tpu.iota {dimensions = array<i32: 0>} : vector<16xi32>
    "tpu.region"() ({
      %run_scoped3A = tpu.sem_alloc : memref<!tpu.dma_semaphore, #tpu.memory_space<semaphore_mem>>
      %dma_start3A_79 = tpu.memref_slice %arg2[%mul3A_2] : memref<819200xi32, #tpu.memory_space<hbm>> -> memref<25600xi32, #tpu.memory_space<hbm>>
      %dma_start3A_80 = tpu.memref_slice %arg2[%mul3A_2] : memref<819200xi32, #tpu.memory_space<hbm>> -> memref<25600xi32, #tpu.memory_space<hbm>>
      tpu.enqueue_dma source(%dma_start3A_80 : memref<25600xi32, #tpu.memory_space<hbm>>) target(%arg6 : memref<25600xi32, #tpu.memory_space<vmem>>) target_semaphore(%run_scoped3A : memref<!tpu.dma_semaphore, #tpu.memory_space<semaphore_mem>>)
      %dma_wait3A_81 = tpu.memref_slice %arg2[%mul3A_2] : memref<819200xi32, #tpu.memory_space<hbm>> -> memref<25600xi32, #tpu.memory_space<hbm>>
      %dma_wait3A_82 = tpu.memref_slice %arg2[%mul3A_2] : memref<819200xi32, #tpu.memory_space<hbm>> -> memref<25600xi32, #tpu.memory_space<hbm>>
      tpu.wait_dma2 semaphore(%run_scoped3A : memref<!tpu.dma_semaphore, #tpu.memory_space<semaphore_mem>>) src(%dma_wait3A_82 : memref<25600xi32, #tpu.memory_space<hbm>>) dst(%arg6 : memref<25600xi32, #tpu.memory_space<vmem>>)
      tpu.yield
    }) : () -> ()
    %dma_start3A = arith.constant 0 : i32
    %dma_start3A_3 = tpu.memref_slice %arg5[%mul3A_2, %dma_start3A] : memref<819200x64xf32, #tpu.memory_space<hbm>> -> memref<256x64xf32, #tpu.memory_space<hbm>>
    %dma_start3A_4 = arith.constant 0 : i32
    %dma_start3A_5 = tpu.memref_slice %arg5[%mul3A_2, %dma_start3A_4] : memref<819200x64xf32, #tpu.memory_space<hbm>> -> memref<256x64xf32, #tpu.memory_space<hbm>>
    tpu.enqueue_dma source(%arg7 : memref<256x64xf32, #tpu.memory_space<vmem>>) target(%dma_start3A_5 : memref<256x64xf32, #tpu.memory_space<hbm>>) target_semaphore(%arg13 : memref<!tpu.dma_semaphore, #tpu.memory_space<semaphore_mem>>)
    %add3A_6 = arith.constant 256 : i32
    %add3A_7 = arith.addi %mul3A_2, %add3A_6 : i32
    %dma_start3A_8 = arith.constant 0 : i32
    %dma_start3A_9 = tpu.memref_slice %arg5[%add3A_7, %dma_start3A_8] : memref<819200x64xf32, #tpu.memory_space<hbm>> -> memref<256x64xf32, #tpu.memory_space<hbm>>
    %dma_start3A_10 = arith.constant 0 : i32
    %dma_start3A_11 = tpu.memref_slice %arg5[%add3A_7, %dma_start3A_10] : memref<819200x64xf32, #tpu.memory_space<hbm>> -> memref<256x64xf32, #tpu.memory_space<hbm>>
    tpu.enqueue_dma source(%arg8 : memref<256x64xf32, #tpu.memory_space<vmem>>) target(%dma_start3A_11 : memref<256x64xf32, #tpu.memory_space<hbm>>) target_semaphore(%arg14 : memref<!tpu.dma_semaphore, #tpu.memory_space<semaphore_mem>>)
    %scan3A = arith.constant 0 : i32
    %scan3A_12 = arith.constant 0 : i32
    %scan3A_13 = arith.constant 50 : i32
    %scan3A_14 = arith.addi %scan3A_12, %scan3A_13 : i32
    %scan3A_15 = arith.constant 1 : i32
    %scan3A_16 = scf.for %scan3A_79 = %scan3A_12 to %scan3A_14 step %scan3A_15 iter_args(%scan3A_80 = %scan3A) -> (i32)  : i32 {
      %mul3A_81 = arith.constant 2 : i32
      %mul3A_82 = arith.muli %mul3A_81, %scan3A_79 : i32
      %dma_wait3A_83 = arith.constant 0 : i32
      %dma_wait3A_84 = arith.constant 0 : i32
      %dma_wait3A_85 = tpu.memref_slice %arg5[%dma_wait3A_83, %dma_wait3A_84] : memref<819200x64xf32, #tpu.memory_space<hbm>> -> memref<256x64xf32, #tpu.memory_space<hbm>>
      %dma_wait3A_86 = arith.constant 0 : i32
      %dma_wait3A_87 = arith.constant 0 : i32
      %dma_wait3A_88 = tpu.memref_slice %arg5[%dma_wait3A_86, %dma_wait3A_87] : memref<819200x64xf32, #tpu.memory_space<hbm>> -> memref<256x64xf32, #tpu.memory_space<hbm>>
      tpu.wait_dma2 semaphore(%arg13 : memref<!tpu.dma_semaphore, #tpu.memory_space<semaphore_mem>>) src(%arg7 : memref<256x64xf32, #tpu.memory_space<vmem>>) dst(%dma_wait3A_88 : memref<256x64xf32, #tpu.memory_space<hbm>>)
      %mul3A_89 = arith.constant 256 : i32
      %mul3A_90 = arith.muli %mul3A_82, %mul3A_89 : i32
      %add3A_91 = arith.constant 0 : i32
      %add3A_92 = arith.addi %mul3A_90, %add3A_91 : i32
      %get3A_93 = arith.index_cast %add3A_92 : i32 to index
      %get3A_94 = tpu.vector_load %arg6[%get3A_93] {strides = array<i32>} : memref<25600xi32, #tpu.memory_space<vmem>>, vector<16xi32>,
      %ge3A = arith.constant 900000 : i32
      %ge3A_95 = vector.broadcast %ge3A : i32 to vector<16xi32>
      %ge3A_96 = arith.cmpi sge, %get3A_94, %ge3A_95 : vector<16xi32>
      %min3A = arith.constant 899999 : i32
      %min3A_97 = vector.broadcast %min3A : i32 to vector<16xi32>
      %min3A_98 = arith.minsi %get3A_94, %min3A_97 : vector<16xi32>
      %dma_start3A_99 = arith.constant 0 : i32
      %dma_start3A_100 = arith.constant 0 : i32
      %dma_start3A_101 = tpu.memref_slice %arg7[%dma_start3A_99, %dma_start3A_100] : memref<256x64xf32, #tpu.memory_space<vmem>> -> memref<16x64xf32, #tpu.memory_space<vmem>>
      %dma_start3A_102 = arith.constant 0 : i32
      %dma_start3A_103 = arith.constant 0 : i32
      %dma_start3A_104 = tpu.memref_slice %arg3[%dma_start3A_102, %dma_start3A_103] : memref<900000x64xf32, #tpu.memory_space<hbm>> -> memref<900000x64xf32, #tpu.memory_space<hbm>>
      tpu.enqueue_indirect_dma source(%dma_start3A_104 : memref<900000x64xf32, #tpu.memory_space<hbm>>) target(%dma_start3A_101 : memref<16x64xf32, #tpu.memory_space<vmem>>) offsets(%min3A_98 : vector<16xi32>) semaphore(%arg12 : memref<!tpu.dma_semaphore, #tpu.memory_space<semaphore_mem>>)
      %add3A_105 = arith.constant 16 : i32
      %add3A_106 = vector.broadcast %add3A_105 : i32 to vector<16xi32>
      %add3A_107 = arith.addi %iota3A, %add3A_106 : vector<16xi32>
      %select_n3A_108 = arith.select %ge3A_96, %iota3A, %add3A_107 : vector<16xi1>, vector<16xi32>
      %mul3A_109 = arith.constant 256 : i32
      %mul3A_110 = arith.muli %mul3A_82, %mul3A_109 : i32
      %add3A_111 = arith.addi %mul3A_2, %mul3A_110 : i32
      %add3A_112 = arith.constant 0 : i32
      %add3A_113 = arith.addi %add3A_111, %add3A_112 : i32
      %add3A_114 = vector.broadcast %add3A_113 : i32 to vector<16xi32>
      %add3A_115 = arith.addi %iota3A, %add3A_114 : vector<16xi32>
      %masked_sort3A = arith.constant dense<true> : vector<16xi1>
      %masked_sort3A_116 = arith.constant -2147483648 : i32
      %masked_sort3A_117 = vector.broadcast %masked_sort3A_116 : i32 to vector<16xi32>
      %masked_sort3A_118 = arith.xori %select_n3A_108, %masked_sort3A_117 : vector<16xi32>
      %masked_sort3A_119, %masked_sort3A_120, %masked_sort3A_121 = tpu.sort %masked_sort3A_118, %add3A_115 masked %masked_sort3A : (vector<16xi32>, vector<16xi32>, vector<16xi1>) -> (vector<16xi1>, vector<16xi32>, vector<16xi32>)
      %masked_sort3A_122 = arith.xori %masked_sort3A_120, %masked_sort3A_117 : vector<16xi32>
      %swap3A = arith.index_cast %scan3A_80 : i32 to index
      %swap3A_123 = tpu.vector_load %arg9[%swap3A] {strides = array<i32>} : memref<25872xi32, #tpu.memory_space<vmem>>, vector<16xi32>,
      tpu.vector_store %arg9[%swap3A], %masked_sort3A_121 {strides = array<i32>} : memref<25872xi32, #tpu.memory_space<vmem>>, vector<16xi32>,
      %convert_element_type3A = arith.extui %ge3A_96 : vector<16xi1> to vector<16xi32>
      %reduce_sum3A_124 = arith.constant true
      %reduce_sum3A_125 = vector.broadcast %reduce_sum3A_124 : i1 to vector<16xi1>
      %reduce_sum3A_126 = tpu.scan <sum>, %convert_element_type3A masked %reduce_sum3A_125 : vector<16xi32>, vector<16xi1> -> vector<16xi32>
      %reduce_sum3A_127 = vector.extract %reduce_sum3A_126[15] : i32 from vector<16xi32>
      %add3A_128 = arith.addi %scan3A_80, %reduce_sum3A_127 : i32
      %mul3A_129 = arith.constant 256 : i32
      %mul3A_130 = arith.muli %mul3A_82, %mul3A_129 : i32
      %add3A_131 = arith.constant 16 : i32
      %add3A_132 = arith.addi %mul3A_130, %add3A_131 : i32
      %get3A_133 = arith.index_cast %add3A_132 : i32 to index
      %get3A_134 = tpu.vector_load %arg6[%get3A_133] {strides = array<i32>} : memref<25600xi32, #tpu.memory_space<vmem>>, vector<16xi32>,
      %ge3A_135 = arith.constant 900000 : i32
      %ge3A_136 = vector.broadcast %ge3A_135 : i32 to vector<16xi32>
      %ge3A_137 = arith.cmpi sge, %get3A_134, %ge3A_136 : vector<16xi32>
      %min3A_138 = arith.constant 899999 : i32
      %min3A_139 = vector.broadcast %min3A_138 : i32 to vector<16xi32>
      %min3A_140 = arith.minsi %get3A_134, %min3A_139 : vector<16xi32>
      %dma_start3A_141 = arith.constant 16 : i32
      %dma_start3A_142 = arith.constant 0 : i32
      %dma_start3A_143 = tpu.memref_slice %arg7[%dma_start3A_141, %dma_start3A_142] : memref<256x64xf32, #tpu.memory_space<vmem>> -> memref<16x64xf32, #tpu.memory_space<vmem>>
      %dma_start3A_144 = arith.constant 0 : i32
      %dma_start3A_145 = arith.constant 0 : i32
      %dma_start3A_146 = tpu.memref_slice %arg3[%dma_start3A_144, %dma_start3A_145] : memref<900000x64xf32, #tpu.memory_space<hbm>> -> memref<900000x64xf32, #tpu.memory_space<hbm>>
      tpu.enqueue_indirect_dma source(%dma_start3A_146 : memref<900000x64xf32, #tpu.memory_space<hbm>>) target(%dma_start3A_143 : memref<16x64xf32, #tpu.memory_space<vmem>>) offsets(%min3A_140 : vector<16xi32>) semaphore(%arg12 : memref<!tpu.dma_semaphore, #tpu.memory_space<semaphore_mem>>)
      %add3A_147 = arith.constant 16 : i32
      %add3A_148 = vector.broadcast %add3A_147 : i32 to vector<16xi32>
      %add3A_149 = arith.addi %iota3A, %add3A_148 : vector<16xi32>
      %select_n3A_150 = arith.select %ge3A_137, %iota3A, %add3A_149 : vector<16xi1>, vector<16xi32>
      %mul3A_151 = arith.constant 256 : i32
      %mul3A_152 = arith.muli %mul3A_82, %mul3A_151 : i32
      %add3A_153 = arith.addi %mul3A_2, %mul3A_152 : i32
      %add3A_154 = arith.constant 16 : i32
      %add3A_155 = arith.addi %add3A_153, %add3A_154 : i32
      %add3A_156 = vector.broadcast %add3A_155 : i32 to vector<16xi32>
      %add3A_157 = arith.addi %iota3A, %add3A_156 : vector<16xi32>
      %masked_sort3A_158 = arith.constant dense<true> : vector<16xi1>
      %masked_sort3A_159 = arith.constant -2147483648 : i32
      %masked_sort3A_160 = vector.broadcast %masked_sort3A_159 : i32 to vector<16xi32>
      %masked_sort3A_161 = arith.xori %select_n3A_150, %masked_sort3A_160 : vector<16xi32>
      %masked_sort3A_162, %masked_sort3A_163, %masked_sort3A_164 = tpu.sort %masked_sort3A_161, %add3A_157 masked %masked_sort3A_158 : (vector<16xi32>, vector<16xi32>, vector<16xi1>) -> (vector<16xi1>, vector<16xi32>, vector<16xi32>)
      %masked_sort3A_165 = arith.xori %masked_sort3A_163, %masked_sort3A_160 : vector<16xi32>
      %swap3A_166 = arith.index_cast %add3A_128 : i32 to index
      %swap3A_167 = tpu.vector_load %arg9[%swap3A_166] {strides = array<i32>} : memref<25872xi32, #tpu.memory_space<vmem>>, vector<16xi32>,
      tpu.vector_store %arg9[%swap3A_166], %masked_sort3A_164 {strides = array<i32>} : memref<25872xi32, #tpu.memory_space<vmem>>, vector<16xi32>,
      %convert_element_type3A_168 = arith.extui %ge3A_137 : vector<16xi1> to vector<16xi32>
      %reduce_sum3A_169 = arith.constant true
      %reduce_sum3A_170 = vector.broadcast %reduce_sum3A_169 : i1 to vector<16xi1>
      %reduce_sum3A_171 = tpu.scan <sum>, %convert_element_type3A_168 masked %reduce_sum3A_170 : vector<16xi32>, vector<16xi1> -> vector<16xi32>
      %reduce_sum3A_172 = vector.extract %reduce_sum3A_171[15] : i32 from vector<16xi32>
      %add3A_173 = arith.addi %add3A_128, %reduce_sum3A_172 : i32
      %mul3A_174 = arith.constant 256 : i32
      %mul3A_175 = arith.muli %mul3A_82, %mul3A_174 : i32
      %add3A_176 = arith.constant 32 : i32
      %add3A_177 = arith.addi %mul3A_175, %add3A_176 : i32
      %get3A_178 = arith.index_cast %add3A_177 : i32 to index
      %get3A_179 = tpu.vector_load %arg6[%get3A_178] {strides = array<i32>} : memref<25600xi32, #tpu.memory_space<vmem>>, vector<16xi32>,
      %ge3A_180 = arith.constant 900000 : i32
      %ge3A_181 = vector.broadcast %ge3A_180 : i32 to vector<16xi32>
      %ge3A_182 = arith.cmpi sge, %get3A_179, %ge3A_181 : vector<16xi32>
      %min3A_183 = arith.constant 899999 : i32
      %min3A_184 = vector.broadcast %min3A_183 : i32 to vector<16xi32>
      %min3A_185 = arith.minsi %get3A_179, %min3A_184 : vector<16xi32>
      %dma_start3A_186 = arith.constant 32 : i32
      %dma_start3A_187 = arith.constant 0 : i32
      %dma_start3A_188 = tpu.memref_slice %arg7[%dma_start3A_186, %dma_start3A_187] : memref<256x64xf32, #tpu.memory_space<vmem>> -> memref<16x64xf32, #tpu.memory_space<vmem>>
      %dma_start3A_189 = arith.constant 0 : i32
      %dma_start3A_190 = arith.constant 0 : i32
      %dma_start3A_191 = tpu.memref_slice %arg3[%dma_start3A_189, %dma_start3A_190] : memref<900000x64xf32, #tpu.memory_space<hbm>> -> memref<900000x64xf32, #tpu.memory_space<hbm>>
      tpu.enqueue_indirect_dma source(%dma_start3A_191 : memref<900000x64xf32, #tpu.memory_space<hbm>>) target(%dma_start3A_188 : memref<16x64xf32, #tpu.memory_space<vmem>>) offsets(%min3A_185 : vector<16xi32>) semaphore(%arg12 : memref<!tpu.dma_semaphore, #tpu.memory_space<semaphore_mem>>)
      %add3A_192 = arith.constant 16 : i32
      %add3A_193 = vector.broadcast %add3A_192 : i32 to vector<16xi32>
      %add3A_194 = arith.addi %iota3A, %add3A_193 : vector<16xi32>
      %select_n3A_195 = arith.select %ge3A_182, %iota3A, %add3A_194 : vector<16xi1>, vector<16xi32>
      %mul3A_196 = arith.constant 256 : i32
      %mul3A_197 = arith.muli %mul3A_82, %mul3A_196 : i32
      %add3A_198 = arith.addi %mul3A_2, %mul3A_197 : i32
      %add3A_199 = arith.constant 32 : i32
      %add3A_200 = arith.addi %add3A_198, %add3A_199 : i32
      %add3A_201 = vector.broadcast %add3A_200 : i32 to vector<16xi32>
      %add3A_202 = arith.addi %iota3A, %add3A_201 : vector<16xi32>
      %masked_sort3A_203 = arith.constant dense<true> : vector<16xi1>
      %masked_sort3A_204 = arith.constant -2147483648 : i32
      %masked_sort3A_205 = vector.broadcast %masked_sort3A_204 : i32 to vector<16xi32>
      %masked_sort3A_206 = arith.xori %select_n3A_195, %masked_sort3A_205 : vector<16xi32>
      %masked_sort3A_207, %masked_sort3A_208, %masked_sort3A_209 = tpu.sort %masked_sort3A_206, %add3A_202 masked %masked_sort3A_203 : (vector<16xi32>, vector<16xi32>, vector<16xi1>) -> (vector<16xi1>, vector<16xi32>, vector<16xi32>)
      %masked_sort3A_210 = arith.xori %masked_sort3A_208, %masked_sort3A_205 : vector<16xi32>
      %swap3A_211 = arith.index_cast %add3A_173 : i32 to index
      %swap3A_212 = tpu.vector_load %arg9[%swap3A_211] {strides = array<i32>} : memref<25872xi32, #tpu.memory_space<vmem>>, vector<16xi32>,
      tpu.vector_store %arg9[%swap3A_211], %masked_sort3A_209 {strides = array<i32>} : memref<25872xi32, #tpu.memory_space<vmem>>, vector<16xi32>,
      %convert_element_type3A_213 = arith.extui %ge3A_182 : vector<16xi1> to vector<16xi32>
      %reduce_sum3A_214 = arith.constant true
      %reduce_sum3A_215 = vector.broadcast %reduce_sum3A_214 : i1 to vector<16xi1>
      %reduce_sum3A_216 = tpu.scan <sum>, %convert_element_type3A_213 masked %reduce_sum3A_215 : vector<16xi32>, vector<16xi1> -> vector<16xi32>
      %reduce_sum3A_217 = vector.extract %reduce_sum3A_216[15] : i32 from vector<16xi32>
      %add3A_218 = arith.addi %add3A_173, %reduce_sum3A_217 : i32
      %mul3A_219 = arith.constant 256 : i32
      %mul3A_220 = arith.muli %mul3A_82, %mul3A_219 : i32
      %add3A_221 = arith.constant 48 : i32
      %add3A_222 = arith.addi %mul3A_220, %add3A_221 : i32
      %get3A_223 = arith.index_cast %add3A_222 : i32 to index
      %get3A_224 = tpu.vector_load %arg6[%get3A_223] {strides = array<i32>} : memref<25600xi32, #tpu.memory_space<vmem>>, vector<16xi32>,
      %ge3A_225 = arith.constant 900000 : i32
      %ge3A_226 = vector.broadcast %ge3A_225 : i32 to vector<16xi32>
      %ge3A_227 = arith.cmpi sge, %get3A_224, %ge3A_226 : vector<16xi32>
      %min3A_228 = arith.constant 899999 : i32
      %min3A_229 = vector.broadcast %min3A_228 : i32 to vector<16xi32>
      %min3A_230 = arith.minsi %get3A_224, %min3A_229 : vector<16xi32>
      %dma_start3A_231 = arith.constant 48 : i32
      %dma_start3A_232 = arith.constant 0 : i32
      %dma_start3A_233 = tpu.memref_slice %arg7[%dma_start3A_231, %dma_start3A_232] : memref<256x64xf32, #tpu.memory_space<vmem>> -> memref<16x64xf32, #tpu.memory_space<vmem>>
      %dma_start3A_234 = arith.constant 0 : i32
      %dma_start3A_235 = arith.constant 0 : i32
      %dma_start3A_236 = tpu.memref_slice %arg3[%dma_start3A_234, %dma_start3A_235] : memref<900000x64xf32, #tpu.memory_space<hbm>> -> memref<900000x64xf32, #tpu.memory_space<hbm>>
      tpu.enqueue_indirect_dma source(%dma_start3A_236 : memref<900000x64xf32, #tpu.memory_space<hbm>>) target(%dma_start3A_233 : memref<16x64xf32, #tpu.memory_space<vmem>>) offsets(%min3A_230 : vector<16xi32>) semaphore(%arg12 : memref<!tpu.dma_semaphore, #tpu.memory_space<semaphore_mem>>)
      %add3A_237 = arith.constant 16 : i32
      %add3A_238 = vector.broadcast %add3A_237 : i32 to vector<16xi32>
      %add3A_239 = arith.addi %iota3A, %add3A_238 : vector<16xi32>
      %select_n3A_240 = arith.select %ge3A_227, %iota3A, %add3A_239 : vector<16xi1>, vector<16xi32>
      %mul3A_241 = arith.constant 256 : i32
      %mul3A_242 = arith.muli %mul3A_82, %mul3A_241 : i32
      %add3A_243 = arith.addi %mul3A_2, %mul3A_242 : i32
      %add3A_244 = arith.constant 48 : i32
      %add3A_245 = arith.addi %add3A_243, %add3A_244 : i32
      %add3A_246 = vector.broadcast %add3A_245 : i32 to vector<16xi32>
      %add3A_247 = arith.addi %iota3A, %add3A_246 : vector<16xi32>
      %masked_sort3A_248 = arith.constant dense<true> : vector<16xi1>
      %masked_sort3A_249 = arith.constant -2147483648 : i32
      %masked_sort3A_250 = vector.broadcast %masked_sort3A_249 : i32 to vector<16xi32>
      %masked_sort3A_251 = arith.xori %select_n3A_240, %masked_sort3A_250 : vector<16xi32>
      %masked_sort3A_252, %masked_sort3A_253, %masked_sort3A_254 = tpu.sort %masked_sort3A_251, %add3A_247 masked %masked_sort3A_248 : (vector<16xi32>, vector<16xi32>, vector<16xi1>) -> (vector<16xi1>, vector<16xi32>, vector<16xi32>)
      %masked_sort3A_255 = arith.xori %masked_sort3A_253, %masked_sort3A_250 : vector<16xi32>
      %swap3A_256 = arith.index_cast %add3A_218 : i32 to index
      %swap3A_257 = tpu.vector_load %arg9[%swap3A_256] {strides = array<i32>} : memref<25872xi32, #tpu.memory_space<vmem>>, vector<16xi32>,
      tpu.vector_store %arg9[%swap3A_256], %masked_sort3A_254 {strides = array<i32>} : memref<25872xi32, #tpu.memory_space<vmem>>, vector<16xi32>,
      %convert_element_type3A_258 = arith.extui %ge3A_227 : vector<16xi1> to vector<16xi32>
      %reduce_sum3A_259 = arith.constant true
      %reduce_sum3A_260 = vector.broadcast %reduce_sum3A_259 : i1 to vector<16xi1>
      %reduce_sum3A_261 = tpu.scan <sum>, %convert_element_type3A_258 masked %reduce_sum3A_260 : vector<16xi32>, vector<16xi1> -> vector<16xi32>
      %reduce_sum3A_262 = vector.extract %reduce_sum3A_261[15] : i32 from vector<16xi32>
      %add3A_263 = arith.addi %add3A_218, %reduce_sum3A_262 : i32
      %mul3A_264 = arith.constant 256 : i32
      %mul3A_265 = arith.muli %mul3A_82, %mul3A_264 : i32
      %add3A_266 = arith.constant 64 : i32
      %add3A_267 = arith.addi %mul3A_265, %add3A_266 : i32
      %get3A_268 = arith.index_cast %add3A_267 : i32 to index
      %get3A_269 = tpu.vector_load %arg6[%get3A_268] {strides = array<i32>} : memref<25600xi32, #tpu.memory_space<vmem>>, vector<16xi32>,
      %ge3A_270 = arith.constant 900000 : i32
      %ge3A_271 = vector.broadcast %ge3A_270 : i32 to vector<16xi32>
      %ge3A_272 = arith.cmpi sge, %get3A_269, %ge3A_271 : vector<16xi32>
      %min3A_273 = arith.constant 899999 : i32
      %min3A_274 = vector.broadcast %min3A_273 : i32 to vector<16xi32>
      %min3A_275 = arith.minsi %get3A_269, %min3A_274 : vector<16xi32>
      %dma_start3A_276 = arith.constant 64 : i32
      %dma_start3A_277 = arith.constant 0 : i32
      %dma_start3A_278 = tpu.memref_slice %arg7[%dma_start3A_276, %dma_start3A_277] : memref<256x64xf32, #tpu.memory_space<vmem>> -> memref<16x64xf32, #tpu.memory_space<vmem>>
      %dma_start3A_279 = arith.constant 0 : i32
      %dma_start3A_280 = arith.constant 0 : i32
      %dma_start3A_281 = tpu.memref_slice %arg3[%dma_start3A_279, %dma_start3A_280] : memref<900000x64xf32, #tpu.memory_space<hbm>> -> memref<900000x64xf32, #tpu.memory_space<hbm>>
      tpu.enqueue_indirect_dma source(%dma_start3A_281 : memref<900000x64xf32, #tpu.memory_space<hbm>>) target(%dma_start3A_278 : memref<16x64xf32, #tpu.memory_space<vmem>>) offsets(%min3A_275 : vector<16xi32>) semaphore(%arg12 : memref<!tpu.dma_semaphore, #tpu.memory_space<semaphore_mem>>)
      %add3A_282 = arith.constant 16 : i32
      %add3A_283 = vector.broadcast %add3A_282 : i32 to vector<16xi32>
      %add3A_284 = arith.addi %iota3A, %add3A_283 : vector<16xi32>
      %select_n3A_285 = arith.select %ge3A_272, %iota3A, %add3A_284 : vector<16xi1>, vector<16xi32>
      %mul3A_286 = arith.constant 256 : i32
      %mul3A_287 = arith.muli %mul3A_82, %mul3A_286 : i32
      %add3A_288 = arith.addi %mul3A_2, %mul3A_287 : i32
      %add3A_289 = arith.constant 64 : i32
      %add3A_290 = arith.addi %add3A_288, %add3A_289 : i32
      %add3A_291 = vector.broadcast %add3A_290 : i32 to vector<16xi32>
      %add3A_292 = arith.addi %iota3A, %add3A_291 : vector<16xi32>
      %masked_sort3A_293 = arith.constant dense<true> : vector<16xi1>
      %masked_sort3A_294 = arith.constant -2147483648 : i32
      %masked_sort3A_295 = vector.broadcast %masked_sort3A_294 : i32 to vector<16xi32>
      %masked_sort3A_296 = arith.xori %select_n3A_285, %masked_sort3A_295 : vector<16xi32>
      %masked_sort3A_297, %masked_sort3A_298, %masked_sort3A_299 = tpu.sort %masked_sort3A_296, %add3A_292 masked %masked_sort3A_293 : (vector<16xi32>, vector<16xi32>, vector<16xi1>) -> (vector<16xi1>, vector<16xi32>, vector<16xi32>)
      %masked_sort3A_300 = arith.xori %masked_sort3A_298, %masked_sort3A_295 : vector<16xi32>
      %swap3A_301 = arith.index_cast %add3A_263 : i32 to index
      %swap3A_302 = tpu.vector_load %arg9[%swap3A_301] {strides = array<i32>} : memref<25872xi32, #tpu.memory_space<vmem>>, vector<16xi32>,
      tpu.vector_store %arg9[%swap3A_301], %masked_sort3A_299 {strides = array<i32>} : memref<25872xi32, #tpu.memory_space<vmem>>, vector<16xi32>,
      %convert_element_type3A_303 = arith.extui %ge3A_272 : vector<16xi1> to vector<16xi32>
      %reduce_sum3A_304 = arith.constant true
      %reduce_sum3A_305 = vector.broadcast %reduce_sum3A_304 : i1 to vector<16xi1>
      %reduce_sum3A_306 = tpu.scan <sum>, %convert_element_type3A_303 masked %reduce_sum3A_305 : vector<16xi32>, vector<16xi1> -> vector<16xi32>
      %reduce_sum3A_307 = vector.extract %reduce_sum3A_306[15] : i32 from vector<16xi32>
      %add3A_308 = arith.addi %add3A_263, %reduce_sum3A_307 : i32
      %mul3A_309 = arith.constant 256 : i32
      %mul3A_310 = arith.muli %mul3A_82, %mul3A_309 : i32
      %add3A_311 = arith.constant 80 : i32
      %add3A_312 = arith.addi %mul3A_310, %add3A_311 : i32
      %get3A_313 = arith.index_cast %add3A_312 : i32 to index
      %get3A_314 = tpu.vector_load %arg6[%get3A_313] {strides = array<i32>} : memref<25600xi32, #tpu.memory_space<vmem>>, vector<16xi32>,
      %ge3A_315 = arith.constant 900000 : i32
      %ge3A_316 = vector.broadcast %ge3A_315 : i32 to vector<16xi32>
      %ge3A_317 = arith.cmpi sge, %get3A_314, %ge3A_316 : vector<16xi32>
      %min3A_318 = arith.constant 899999 : i32
      %min3A_319 = vector.broadcast %min3A_318 : i32 to vector<16xi32>
      %min3A_320 = arith.minsi %get3A_314, %min3A_319 : vector<16xi32>
      %dma_start3A_321 = arith.constant 80 : i32
      %dma_start3A_322 = arith.constant 0 : i32
      %dma_start3A_323 = tpu.memref_slice %arg7[%dma_start3A_321, %dma_start3A_322] : memref<256x64xf32, #tpu.memory_space<vmem>> -> memref<16x64xf32, #tpu.memory_space<vmem>>
      %dma_start3A_324 = arith.constant 0 : i32
      %dma_start3A_325 = arith.constant 0 : i32
      %dma_start3A_326 = tpu.memref_slice %arg3[%dma_start3A_324, %dma_start3A_325] : memref<900000x64xf32, #tpu.memory_space<hbm>> -> memref<900000x64xf32, #tpu.memory_space<hbm>>
      tpu.enqueue_indirect_dma source(%dma_start3A_326 : memref<900000x64xf32, #tpu.memory_space<hbm>>) target(%dma_start3A_323 : memref<16x64xf32, #tpu.memory_space<vmem>>) offsets(%min3A_320 : vector<16xi32>) semaphore(%arg12 : memref<!tpu.dma_semaphore, #tpu.memory_space<semaphore_mem>>)
      %add3A_327 = arith.constant 16 : i32
      %add3A_328 = vector.broadcast %add3A_327 : i32 to vector<16xi32>
      %add3A_329 = arith.addi %iota3A, %add3A_328 : vector<16xi32>
      %select_n3A_330 = arith.select %ge3A_317, %iota3A, %add3A_329 : vector<16xi1>, vector<16xi32>
      %mul3A_331 = arith.constant 256 : i32
      %mul3A_332 = arith.muli %mul3A_82, %mul3A_331 : i32
      %add3A_333 = arith.addi %mul3A_2, %mul3A_332 : i32
      %add3A_334 = arith.constant 80 : i32
      %add3A_335 = arith.addi %add3A_333, %add3A_334 : i32
      %add3A_336 = vector.broadcast %add3A_335 : i32 to vector<16xi32>
      %add3A_337 = arith.addi %iota3A, %add3A_336 : vector<16xi32>
      %masked_sort3A_338 = arith.constant dense<true> : vector<16xi1>
      %masked_sort3A_339 = arith.constant -2147483648 : i32
      %masked_sort3A_340 = vector.broadcast %masked_sort3A_339 : i32 to vector<16xi32>
      %masked_sort3A_341 = arith.xori %select_n3A_330, %masked_sort3A_340 : vector<16xi32>
      %masked_sort3A_342, %masked_sort3A_343, %masked_sort3A_344 = tpu.sort %masked_sort3A_341, %add3A_337 masked %masked_sort3A_338 : (vector<16xi32>, vector<16xi32>, vector<16xi1>) -> (vector<16xi1>, vector<16xi32>, vector<16xi32>)
      %masked_sort3A_345 = arith.xori %masked_sort3A_343, %masked_sort3A_340 : vector<16xi32>
      %swap3A_346 = arith.index_cast %add3A_308 : i32 to index
      %swap3A_347 = tpu.vector_load %arg9[%swap3A_346] {strides = array<i32>} : memref<25872xi32, #tpu.memory_space<vmem>>, vector<16xi32>,
      tpu.vector_store %arg9[%swap3A_346], %masked_sort3A_344 {strides = array<i32>} : memref<25872xi32, #tpu.memory_space<vmem>>, vector<16xi32>,
      %convert_element_type3A_348 = arith.extui %ge3A_317 : vector<16xi1> to vector<16xi32>
      %reduce_sum3A_349 = arith.constant true
      %reduce_sum3A_350 = vector.broadcast %reduce_sum3A_349 : i1 to vector<16xi1>
      %reduce_sum3A_351 = tpu.scan <sum>, %convert_element_type3A_348 masked %reduce_sum3A_350 : vector<16xi32>, vector<16xi1> -> vector<16xi32>
      %reduce_sum3A_352 = vector.extract %reduce_sum3A_351[15] : i32 from vector<16xi32>
      %add3A_353 = arith.addi %add3A_308, %reduce_sum3A_352 : i32
      %mul3A_354 = arith.constant 256 : i32
      %mul3A_355 = arith.muli %mul3A_82, %mul3A_354 : i32
      %add3A_356 = arith.constant 96 : i32
      %add3A_357 = arith.addi %mul3A_355, %add3A_356 : i32
      %get3A_358 = arith.index_cast %add3A_357 : i32 to index
      %get3A_359 = tpu.vector_load %arg6[%get3A_358] {strides = array<i32>} : memref<25600xi32, #tpu.memory_space<vmem>>, vector<16xi32>,
      %ge3A_360 = arith.constant 900000 : i32
      %ge3A_361 = vector.broadcast %ge3A_360 : i32 to vector<16xi32>
      %ge3A_362 = arith.cmpi sge, %get3A_359, %ge3A_361 : vector<16xi32>
      %min3A_363 = arith.constant 899999 : i32
      %min3A_364 = vector.broadcast %min3A_363 : i32 to vector<16xi32>
      %min3A_365 = arith.minsi %get3A_359, %min3A_364 : vector<16xi32>
      %dma_start3A_366 = arith.constant 96 : i32
      %dma_start3A_367 = arith.constant 0 : i32
      %dma_start3A_368 = tpu.memref_slice %arg7[%dma_start3A_366, %dma_start3A_367] : memref<256x64xf32, #tpu.memory_space<vmem>> -> memref<16x64xf32, #tpu.memory_space<vmem>>
      %dma_start3A_369 = arith.constant 0 : i32
      %dma_start3A_370 = arith.constant 0 : i32
      %dma_start3A_371 = tpu.memref_slice %arg3[%dma_start3A_369, %dma_start3A_370] : memref<900000x64xf32, #tpu.memory_space<hbm>> -> memref<900000x64xf32, #tpu.memory_space<hbm>>
      tpu.enqueue_indirect_dma source(%dma_start3A_371 : memref<900000x64xf32, #tpu.memory_space<hbm>>) target(%dma_start3A_368 : memref<16x64xf32, #tpu.memory_space<vmem>>) offsets(%min3A_365 : vector<16xi32>) semaphore(%arg12 : memref<!tpu.dma_semaphore, #tpu.memory_space<semaphore_mem>>)
      %add3A_372 = arith.constant 16 : i32
      %add3A_373 = vector.broadcast %add3A_372 : i32 to vector<16xi32>
      %add3A_374 = arith.addi %iota3A, %add3A_373 : vector<16xi32>
      %select_n3A_375 = arith.select %ge3A_362, %iota3A, %add3A_374 : vector<16xi1>, vector<16xi32>
      %mul3A_376 = arith.constant 256 : i32
      %mul3A_377 = arith.muli %mul3A_82, %mul3A_376 : i32
      %add3A_378 = arith.addi %mul3A_2, %mul3A_377 : i32
      %add3A_379 = arith.constant 96 : i32
      %add3A_380 = arith.addi %add3A_378, %add3A_379 : i32
      %add3A_381 = vector.broadcast %add3A_380 : i32 to vector<16xi32>
      %add3A_382 = arith.addi %iota3A, %add3A_381 : vector<16xi32>
      %masked_sort3A_383 = arith.constant dense<true> : vector<16xi1>
      %masked_sort3A_384 = arith.constant -2147483648 : i32
      %masked_sort3A_385 = vector.broadcast %masked_sort3A_384 : i32 to vector<16xi32>
      %masked_sort3A_386 = arith.xori %select_n3A_375, %masked_sort3A_385 : vector<16xi32>
      %masked_sort3A_387, %masked_sort3A_388, %masked_sort3A_389 = tpu.sort %masked_sort3A_386, %add3A_382 masked %masked_sort3A_383 : (vector<16xi32>, vector<16xi32>, vector<16xi1>) -> (vector<16xi1>, vector<16xi32>, vector<16xi32>)
      %masked_sort3A_390 = arith.xori %masked_sort3A_388, %masked_sort3A_385 : vector<16xi32>
      %swap3A_391 = arith.index_cast %add3A_353 : i32 to index
      %swap3A_392 = tpu.vector_load %arg9[%swap3A_391] {strides = array<i32>} : memref<25872xi32, #tpu.memory_space<vmem>>, vector<16xi32>,
      tpu.vector_store %arg9[%swap3A_391], %masked_sort3A_389 {strides = array<i32>} : memref<25872xi32, #tpu.memory_space<vmem>>, vector<16xi32>,
      %convert_element_type3A_393 = arith.extui %ge3A_362 : vector<16xi1> to vector<16xi32>
      %reduce_sum3A_394 = arith.constant true
      %reduce_sum3A_395 = vector.broadcast %reduce_sum3A_394 : i1 to vector<16xi1>
      %reduce_sum3A_396 = tpu.scan <sum>, %convert_element_type3A_393 masked %reduce_sum3A_395 : vector<16xi32>, vector<16xi1> -> vector<16xi32>
      %reduce_sum3A_397 = vector.extract %reduce_sum3A_396[15] : i32 from vector<16xi32>
      %add3A_398 = arith.addi %add3A_353, %reduce_sum3A_397 : i32
      %mul3A_399 = arith.constant 256 : i32
      %mul3A_400 = arith.muli %mul3A_82, %mul3A_399 : i32
      %add3A_401 = arith.constant 112 : i32
      %add3A_402 = arith.addi %mul3A_400, %add3A_401 : i32
      %get3A_403 = arith.index_cast %add3A_402 : i32 to index
      %get3A_404 = tpu.vector_load %arg6[%get3A_403] {strides = array<i32>} : memref<25600xi32, #tpu.memory_space<vmem>>, vector<16xi32>,
      %ge3A_405 = arith.constant 900000 : i32
      %ge3A_406 = vector.broadcast %ge3A_405 : i32 to vector<16xi32>
      %ge3A_407 = arith.cmpi sge, %get3A_404, %ge3A_406 : vector<16xi32>
      %min3A_408 = arith.constant 899999 : i32
      %min3A_409 = vector.broadcast %min3A_408 : i32 to vector<16xi32>
      %min3A_410 = arith.minsi %get3A_404, %min3A_409 : vector<16xi32>
      %dma_start3A_411 = arith.constant 112 : i32
      %dma_start3A_412 = arith.constant 0 : i32
      %dma_start3A_413 = tpu.memref_slice %arg7[%dma_start3A_411, %dma_start3A_412] : memref<256x64xf32, #tpu.memory_space<vmem>> -> memref<16x64xf32, #tpu.memory_space<vmem>>
      %dma_start3A_414 = arith.constant 0 : i32
      %dma_start3A_415 = arith.constant 0 : i32
      %dma_start3A_416 = tpu.memref_slice %arg3[%dma_start3A_414, %dma_start3A_415] : memref<900000x64xf32, #tpu.memory_space<hbm>> -> memref<900000x64xf32, #tpu.memory_space<hbm>>
      tpu.enqueue_indirect_dma source(%dma_start3A_416 : memref<900000x64xf32, #tpu.memory_space<hbm>>) target(%dma_start3A_413 : memref<16x64xf32, #tpu.memory_space<vmem>>) offsets(%min3A_410 : vector<16xi32>) semaphore(%arg12 : memref<!tpu.dma_semaphore, #tpu.memory_space<semaphore_mem>>)
      %add3A_417 = arith.constant 16 : i32
      %add3A_418 = vector.broadcast %add3A_417 : i32 to vector<16xi32>
      %add3A_419 = arith.addi %iota3A, %add3A_418 : vector<16xi32>
      %select_n3A_420 = arith.select %ge3A_407, %iota3A, %add3A_419 : vector<16xi1>, vector<16xi32>
      %mul3A_421 = arith.constant 256 : i32
      %mul3A_422 = arith.muli %mul3A_82, %mul3A_421 : i32
      %add3A_423 = arith.addi %mul3A_2, %mul3A_422 : i32
      %add3A_424 = arith.constant 112 : i32
      %add3A_425 = arith.addi %add3A_423, %add3A_424 : i32
      %add3A_426 = vector.broadcast %add3A_425 : i32 to vector<16xi32>
      %add3A_427 = arith.addi %iota3A, %add3A_426 : vector<16xi32>
      %masked_sort3A_428 = arith.constant dense<true> : vector<16xi1>
      %masked_sort3A_429 = arith.constant -2147483648 : i32
      %masked_sort3A_430 = vector.broadcast %masked_sort3A_429 : i32 to vector<16xi32>
      %masked_sort3A_431 = arith.xori %select_n3A_420, %masked_sort3A_430 : vector<16xi32>
      %masked_sort3A_432, %masked_sort3A_433, %masked_sort3A_434 = tpu.sort %masked_sort3A_431, %add3A_427 masked %masked_sort3A_428 : (vector<16xi32>, vector<16xi32>, vector<16xi1>) -> (vector<16xi1>, vector<16xi32>, vector<16xi32>)
      %masked_sort3A_435 = arith.xori %masked_sort3A_433, %masked_sort3A_430 : vector<16xi32>
      %swap3A_436 = arith.index_cast %add3A_398 : i32 to index
      %swap3A_437 = tpu.vector_load %arg9[%swap3A_436] {strides = array<i32>} : memref<25872xi32, #tpu.memory_space<vmem>>, vector<16xi32>,
      tpu.vector_store %arg9[%swap3A_436], %masked_sort3A_434 {strides = array<i32>} : memref<25872xi32, #tpu.memory_space<vmem>>, vector<16xi32>,
      %convert_element_type3A_438 = arith.extui %ge3A_407 : vector<16xi1> to vector<16xi32>
      %reduce_sum3A_439 = arith.constant true
      %reduce_sum3A_440 = vector.broadcast %reduce_sum3A_439 : i1 to vector<16xi1>
      %reduce_sum3A_441 = tpu.scan <sum>, %convert_element_type3A_438 masked %reduce_sum3A_440 : vector<16xi32>, vector<16xi1> -> vector<16xi32>
      %reduce_sum3A_442 = vector.extract %reduce_sum3A_441[15] : i32 from vector<16xi32>
      %add3A_443 = arith.addi %add3A_398, %reduce_sum3A_442 : i32
      %mul3A_444 = arith.constant 256 : i32
      %mul3A_445 = arith.muli %mul3A_82, %mul3A_444 : i32
      %add3A_446 = arith.constant 128 : i32
      %add3A_447 = arith.addi %mul3A_445, %add3A_446 : i32
      %get3A_448 = arith.index_cast %add3A_447 : i32 to index
      %get3A_449 = tpu.vector_load %arg6[%get3A_448] {strides = array<i32>} : memref<25600xi32, #tpu.memory_space<vmem>>, vector<16xi32>,
      %ge3A_450 = arith.constant 900000 : i32
      %ge3A_451 = vector.broadcast %ge3A_450 : i32 to vector<16xi32>
      %ge3A_452 = arith.cmpi sge, %get3A_449, %ge3A_451 : vector<16xi32>
      %min3A_453 = arith.constant 899999 : i32
      %min3A_454 = vector.broadcast %min3A_453 : i32 to vector<16xi32>
      %min3A_455 = arith.minsi %get3A_449, %min3A_454 : vector<16xi32>
      %dma_start3A_456 = arith.constant 128 : i32
      %dma_start3A_457 = arith.constant 0 : i32
      %dma_start3A_458 = tpu.memref_slice %arg7[%dma_start3A_456, %dma_start3A_457] : memref<256x64xf32, #tpu.memory_space<vmem>> -> memref<16x64xf32, #tpu.memory_space<vmem>>
      %dma_start3A_459 = arith.constant 0 : i32
      %dma_start3A_460 = arith.constant 0 : i32
      %dma_start3A_461 = tpu.memref_slice %arg3[%dma_start3A_459, %dma_start3A_460] : memref<900000x64xf32, #tpu.memory_space<hbm>> -> memref<900000x64xf32, #tpu.memory_space<hbm>>
      tpu.enqueue_indirect_dma source(%dma_start3A_461 : memref<900000x64xf32, #tpu.memory_space<hbm>>) target(%dma_start3A_458 : memref<16x64xf32, #tpu.memory_space<vmem>>) offsets(%min3A_455 : vector<16xi32>) semaphore(%arg12 : memref<!tpu.dma_semaphore, #tpu.memory_space<semaphore_mem>>)
      %add3A_462 = arith.constant 16 : i32
      %add3A_463 = vector.broadcast %add3A_462 : i32 to vector<16xi32>
      %add3A_464 = arith.addi %iota3A, %add3A_463 : vector<16xi32>
      %select_n3A_465 = arith.select %ge3A_452, %iota3A, %add3A_464 : vector<16xi1>, vector<16xi32>
      %mul3A_466 = arith.constant 256 : i32
      %mul3A_467 = arith.muli %mul3A_82, %mul3A_466 : i32
      %add3A_468 = arith.addi %mul3A_2, %mul3A_467 : i32
      %add3A_469 = arith.constant 128 : i32
      %add3A_470 = arith.addi %add3A_468, %add3A_469 : i32
      %add3A_471 = vector.broadcast %add3A_470 : i32 to vector<16xi32>
      %add3A_472 = arith.addi %iota3A, %add3A_471 : vector<16xi32>
      %masked_sort3A_473 = arith.constant dense<true> : vector<16xi1>
      %masked_sort3A_474 = arith.constant -2147483648 : i32
      %masked_sort3A_475 = vector.broadcast %masked_sort3A_474 : i32 to vector<16xi32>
      %masked_sort3A_476 = arith.xori %select_n3A_465, %masked_sort3A_475 : vector<16xi32>
      %masked_sort3A_477, %masked_sort3A_478, %masked_sort3A_479 = tpu.sort %masked_sort3A_476, %add3A_472 masked %masked_sort3A_473 : (vector<16xi32>, vector<16xi32>, vector<16xi1>) -> (vector<16xi1>, vector<16xi32>, vector<16xi32>)
      %masked_sort3A_480 = arith.xori %masked_sort3A_478, %masked_sort3A_475 : vector<16xi32>
      %swap3A_481 = arith.index_cast %add3A_443 : i32 to index
      %swap3A_482 = tpu.vector_load %arg9[%swap3A_481] {strides = array<i32>} : memref<25872xi32, #tpu.memory_space<vmem>>, vector<16xi32>,
      tpu.vector_store %arg9[%swap3A_481], %masked_sort3A_479 {strides = array<i32>} : memref<25872xi32, #tpu.memory_space<vmem>>, vector<16xi32>,
      %convert_element_type3A_483 = arith.extui %ge3A_452 : vector<16xi1> to vector<16xi32>
      %reduce_sum3A_484 = arith.constant true
      %reduce_sum3A_485 = vector.broadcast %reduce_sum3A_484 : i1 to vector<16xi1>
      %reduce_sum3A_486 = tpu.scan <sum>, %convert_element_type3A_483 masked %reduce_sum3A_485 : vector<16xi32>, vector<16xi1> -> vector<16xi32>
      %reduce_sum3A_487 = vector.extract %reduce_sum3A_486[15] : i32 from vector<16xi32>
      %add3A_488 = arith.addi %add3A_443, %reduce_sum3A_487 : i32
      %mul3A_489 = arith.constant 256 : i32
      %mul3A_490 = arith.muli %mul3A_82, %mul3A_489 : i32
      %add3A_491 = arith.constant 144 : i32
      %add3A_492 = arith.addi %mul3A_490, %add3A_491 : i32
      %get3A_493 = arith.index_cast %add3A_492 : i32 to index
      %get3A_494 = tpu.vector_load %arg6[%get3A_493] {strides = array<i32>} : memref<25600xi32, #tpu.memory_space<vmem>>, vector<16xi32>,
      %ge3A_495 = arith.constant 900000 : i32
      %ge3A_496 = vector.broadcast %ge3A_495 : i32 to vector<16xi32>
      %ge3A_497 = arith.cmpi sge, %get3A_494, %ge3A_496 : vector<16xi32>
      %min3A_498 = arith.constant 899999 : i32
      %min3A_499 = vector.broadcast %min3A_498 : i32 to vector<16xi32>
      %min3A_500 = arith.minsi %get3A_494, %min3A_499 : vector<16xi32>
      %dma_start3A_501 = arith.constant 144 : i32
      %dma_start3A_502 = arith.constant 0 : i32
      %dma_start3A_503 = tpu.memref_slice %arg7[%dma_start3A_501, %dma_start3A_502] : memref<256x64xf32, #tpu.memory_space<vmem>> -> memref<16x64xf32, #tpu.memory_space<vmem>>
      %dma_start3A_504 = arith.constant 0 : i32
      %dma_start3A_505 = arith.constant 0 : i32
      %dma_start3A_506 = tpu.memref_slice %arg3[%dma_start3A_504, %dma_start3A_505] : memref<900000x64xf32, #tpu.memory_space<hbm>> -> memref<900000x64xf32, #tpu.memory_space<hbm>>
      tpu.enqueue_indirect_dma source(%dma_start3A_506 : memref<900000x64xf32, #tpu.memory_space<hbm>>) target(%dma_start3A_503 : memref<16x64xf32, #tpu.memory_space<vmem>>) offsets(%min3A_500 : vector<16xi32>) semaphore(%arg12 : memref<!tpu.dma_semaphore, #tpu.memory_space<semaphore_mem>>)
      %add3A_507 = arith.constant 16 : i32
      %add3A_508 = vector.broadcast %add3A_507 : i32 to vector<16xi32>
      %add3A_509 = arith.addi %iota3A, %add3A_508 : vector<16xi32>
      %select_n3A_510 = arith.select %ge3A_497, %iota3A, %add3A_509 : vector<16xi1>, vector<16xi32>
      %mul3A_511 = arith.constant 256 : i32
      %mul3A_512 = arith.muli %mul3A_82, %mul3A_511 : i32
      %add3A_513 = arith.addi %mul3A_2, %mul3A_512 : i32
      %add3A_514 = arith.constant 144 : i32
      %add3A_515 = arith.addi %add3A_513, %add3A_514 : i32
      %add3A_516 = vector.broadcast %add3A_515 : i32 to vector<16xi32>
      %add3A_517 = arith.addi %iota3A, %add3A_516 : vector<16xi32>
      %masked_sort3A_518 = arith.constant dense<true> : vector<16xi1>
      %masked_sort3A_519 = arith.constant -2147483648 : i32
      %masked_sort3A_520 = vector.broadcast %masked_sort3A_519 : i32 to vector<16xi32>
      %masked_sort3A_521 = arith.xori %select_n3A_510, %masked_sort3A_520 : vector<16xi32>
      %masked_sort3A_522, %masked_sort3A_523, %masked_sort3A_524 = tpu.sort %masked_sort3A_521, %add3A_517 masked %masked_sort3A_518 : (vector<16xi32>, vector<16xi32>, vector<16xi1>) -> (vector<16xi1>, vector<16xi32>, vector<16xi32>)
      %masked_sort3A_525 = arith.xori %masked_sort3A_523, %masked_sort3A_520 : vector<16xi32>
      %swap3A_526 = arith.index_cast %add3A_488 : i32 to index
      %swap3A_527 = tpu.vector_load %arg9[%swap3A_526] {strides = array<i32>} : memref<25872xi32, #tpu.memory_space<vmem>>, vector<16xi32>,
      tpu.vector_store %arg9[%swap3A_526], %masked_sort3A_524 {strides = array<i32>} : memref<25872xi32, #tpu.memory_space<vmem>>, vector<16xi32>,
      %convert_element_type3A_528 = arith.extui %ge3A_497 : vector<16xi1> to vector<16xi32>
      %reduce_sum3A_529 = arith.constant true
      %reduce_sum3A_530 = vector.broadcast %reduce_sum3A_529 : i1 to vector<16xi1>
      %reduce_sum3A_531 = tpu.scan <sum>, %convert_element_type3A_528 masked %reduce_sum3A_530 : vector<16xi32>, vector<16xi1> -> vector<16xi32>
      %reduce_sum3A_532 = vector.extract %reduce_sum3A_531[15] : i32 from vector<16xi32>
      %add3A_533 = arith.addi %add3A_488, %reduce_sum3A_532 : i32
      %mul3A_534 = arith.constant 256 : i32
      %mul3A_535 = arith.muli %mul3A_82, %mul3A_534 : i32
      %add3A_536 = arith.constant 160 : i32
      %add3A_537 = arith.addi %mul3A_535, %add3A_536 : i32
      %get3A_538 = arith.index_cast %add3A_537 : i32 to index
      %get3A_539 = tpu.vector_load %arg6[%get3A_538] {strides = array<i32>} : memref<25600xi32, #tpu.memory_space<vmem>>, vector<16xi32>,
      %ge3A_540 = arith.constant 900000 : i32
      %ge3A_541 = vector.broadcast %ge3A_540 : i32 to vector<16xi32>
      %ge3A_542 = arith.cmpi sge, %get3A_539, %ge3A_541 : vector<16xi32>
      %min3A_543 = arith.constant 899999 : i32
      %min3A_544 = vector.broadcast %min3A_543 : i32 to vector<16xi32>
      %min3A_545 = arith.minsi %get3A_539, %min3A_544 : vector<16xi32>
      %dma_start3A_546 = arith.constant 160 : i32
      %dma_start3A_547 = arith.constant 0 : i32
      %dma_start3A_548 = tpu.memref_slice %arg7[%dma_start3A_546, %dma_start3A_547] : memref<256x64xf32, #tpu.memory_space<vmem>> -> memref<16x64xf32, #tpu.memory_space<vmem>>
      %dma_start3A_549 = arith.constant 0 : i32
      %dma_start3A_550 = arith.constant 0 : i32
      %dma_start3A_551 = tpu.memref_slice %arg3[%dma_start3A_549, %dma_start3A_550] : memref<900000x64xf32, #tpu.memory_space<hbm>> -> memref<900000x64xf32, #tpu.memory_space<hbm>>
      tpu.enqueue_indirect_dma source(%dma_start3A_551 : memref<900000x64xf32, #tpu.memory_space<hbm>>) target(%dma_start3A_548 : memref<16x64xf32, #tpu.memory_space<vmem>>) offsets(%min3A_545 : vector<16xi32>) semaphore(%arg12 : memref<!tpu.dma_semaphore, #tpu.memory_space<semaphore_mem>>)
      %add3A_552 = arith.constant 16 : i32
      %add3A_553 = vector.broadcast %add3A_552 : i32 to vector<16xi32>
      %add3A_554 = arith.addi %iota3A, %add3A_553 : vector<16xi32>
      %select_n3A_555 = arith.select %ge3A_542, %iota3A, %add3A_554 : vector<16xi1>, vector<16xi32>
      %mul3A_556 = arith.constant 256 : i32
      %mul3A_557 = arith.muli %mul3A_82, %mul3A_556 : i32
      %add3A_558 = arith.addi %mul3A_2, %mul3A_557 : i32
      %add3A_559 = arith.constant 160 : i32
      %add3A_560 = arith.addi %add3A_558, %add3A_559 : i32
      %add3A_561 = vector.broadcast %add3A_560 : i32 to vector<16xi32>
      %add3A_562 = arith.addi %iota3A, %add3A_561 : vector<16xi32>
      %masked_sort3A_563 = arith.constant dense<true> : vector<16xi1>
      %masked_sort3A_564 = arith.constant -2147483648 : i32
      %masked_sort3A_565 = vector.broadcast %masked_sort3A_564 : i32 to vector<16xi32>
      %masked_sort3A_566 = arith.xori %select_n3A_555, %masked_sort3A_565 : vector<16xi32>
      %masked_sort3A_567, %masked_sort3A_568, %masked_sort3A_569 = tpu.sort %masked_sort3A_566, %add3A_562 masked %masked_sort3A_563 : (vector<16xi32>, vector<16xi32>, vector<16xi1>) -> (vector<16xi1>, vector<16xi32>, vector<16xi32>)
      %masked_sort3A_570 = arith.xori %masked_sort3A_568, %masked_sort3A_565 : vector<16xi32>
      %swap3A_571 = arith.index_cast %add3A_533 : i32 to index
      %swap3A_572 = tpu.vector_load %arg9[%swap3A_571] {strides = array<i32>} : memref<25872xi32, #tpu.memory_space<vmem>>, vector<16xi32>,
      tpu.vector_store %arg9[%swap3A_571], %masked_sort3A_569 {strides = array<i32>} : memref<25872xi32, #tpu.memory_space<vmem>>, vector<16xi32>,
      %convert_element_type3A_573 = arith.extui %ge3A_542 : vector<16xi1> to vector<16xi32>
      %reduce_sum3A_574 = arith.constant true
      %reduce_sum3A_575 = vector.broadcast %reduce_sum3A_574 : i1 to vector<16xi1>
      %reduce_sum3A_576 = tpu.scan <sum>, %convert_element_type3A_573 masked %reduce_sum3A_575 : vector<16xi32>, vector<16xi1> -> vector<16xi32>
      %reduce_sum3A_577 = vector.extract %reduce_sum3A_576[15] : i32 from vector<16xi32>
      %add3A_578 = arith.addi %add3A_533, %reduce_sum3A_577 : i32
      %mul3A_579 = arith.constant 256 : i32
      %mul3A_580 = arith.muli %mul3A_82, %mul3A_579 : i32
      %add3A_581 = arith.constant 176 : i32
      %add3A_582 = arith.addi %mul3A_580, %add3A_581 : i32
      %get3A_583 = arith.index_cast %add3A_582 : i32 to index
      %get3A_584 = tpu.vector_load %arg6[%get3A_583] {strides = array<i32>} : memref<25600xi32, #tpu.memory_space<vmem>>, vector<16xi32>,
      %ge3A_585 = arith.constant 900000 : i32
      %ge3A_586 = vector.broadcast %ge3A_585 : i32 to vector<16xi32>
      %ge3A_587 = arith.cmpi sge, %get3A_584, %ge3A_586 : vector<16xi32>
      %min3A_588 = arith.constant 899999 : i32
      %min3A_589 = vector.broadcast %min3A_588 : i32 to vector<16xi32>
      %min3A_590 = arith.minsi %get3A_584, %min3A_589 : vector<16xi32>
      %dma_start3A_591 = arith.constant 176 : i32
      %dma_start3A_592 = arith.constant 0 : i32
      %dma_start3A_593 = tpu.memref_slice %arg7[%dma_start3A_591, %dma_start3A_592] : memref<256x64xf32, #tpu.memory_space<vmem>> -> memref<16x64xf32, #tpu.memory_space<vmem>>
      %dma_start3A_594 = arith.constant 0 : i32
      %dma_start3A_595 = arith.constant 0 : i32
      %dma_start3A_596 = tpu.memref_slice %arg3[%dma_start3A_594, %dma_start3A_595] : memref<900000x64xf32, #tpu.memory_space<hbm>> -> memref<900000x64xf32, #tpu.memory_space<hbm>>
      tpu.enqueue_indirect_dma source(%dma_start3A_596 : memref<900000x64xf32, #tpu.memory_space<hbm>>) target(%dma_start3A_593 : memref<16x64xf32, #tpu.memory_space<vmem>>) offsets(%min3A_590 : vector<16xi32>) semaphore(%arg12 : memref<!tpu.dma_semaphore, #tpu.memory_space<semaphore_mem>>)
      %add3A_597 = arith.constant 16 : i32
      %add3A_598 = vector.broadcast %add3A_597 : i32 to vector<16xi32>
      %add3A_599 = arith.addi %iota3A, %add3A_598 : vector<16xi32>
      %select_n3A_600 = arith.select %ge3A_587, %iota3A, %add3A_599 : vector<16xi1>, vector<16xi32>
      %mul3A_601 = arith.constant 256 : i32
      %mul3A_602 = arith.muli %mul3A_82, %mul3A_601 : i32
      %add3A_603 = arith.addi %mul3A_2, %mul3A_602 : i32
      %add3A_604 = arith.constant 176 : i32
      %add3A_605 = arith.addi %add3A_603, %add3A_604 : i32
      %add3A_606 = vector.broadcast %add3A_605 : i32 to vector<16xi32>
      %add3A_607 = arith.addi %iota3A, %add3A_606 : vector<16xi32>
      %masked_sort3A_608 = arith.constant dense<true> : vector<16xi1>
      %masked_sort3A_609 = arith.constant -2147483648 : i32
      %masked_sort3A_610 = vector.broadcast %masked_sort3A_609 : i32 to vector<16xi32>
      %masked_sort3A_611 = arith.xori %select_n3A_600, %masked_sort3A_610 : vector<16xi32>
      %masked_sort3A_612, %masked_sort3A_613, %masked_sort3A_614 = tpu.sort %masked_sort3A_611, %add3A_607 masked %masked_sort3A_608 : (vector<16xi32>, vector<16xi32>, vector<16xi1>) -> (vector<16xi1>, vector<16xi32>, vector<16xi32>)
      %masked_sort3A_615 = arith.xori %masked_sort3A_613, %masked_sort3A_610 : vector<16xi32>
      %swap3A_616 = arith.index_cast %add3A_578 : i32 to index
      %swap3A_617 = tpu.vector_load %arg9[%swap3A_616] {strides = array<i32>} : memref<25872xi32, #tpu.memory_space<vmem>>, vector<16xi32>,
      tpu.vector_store %arg9[%swap3A_616], %masked_sort3A_614 {strides = array<i32>} : memref<25872xi32, #tpu.memory_space<vmem>>, vector<16xi32>,
      %convert_element_type3A_618 = arith.extui %ge3A_587 : vector<16xi1> to vector<16xi32>
      %reduce_sum3A_619 = arith.constant true
      %reduce_sum3A_620 = vector.broadcast %reduce_sum3A_619 : i1 to vector<16xi1>
      %reduce_sum3A_621 = tpu.scan <sum>, %convert_element_type3A_618 masked %reduce_sum3A_620 : vector<16xi32>, vector<16xi1> -> vector<16xi32>
      %reduce_sum3A_622 = vector.extract %reduce_sum3A_621[15] : i32 from vector<16xi32>
      %add3A_623 = arith.addi %add3A_578, %reduce_sum3A_622 : i32
      %mul3A_624 = arith.constant 256 : i32
      %mul3A_625 = arith.muli %mul3A_82, %mul3A_624 : i32
      %add3A_626 = arith.constant 192 : i32
      %add3A_627 = arith.addi %mul3A_625, %add3A_626 : i32
      %get3A_628 = arith.index_cast %add3A_627 : i32 to index
      %get3A_629 = tpu.vector_load %arg6[%get3A_628] {strides = array<i32>} : memref<25600xi32, #tpu.memory_space<vmem>>, vector<16xi32>,
      %ge3A_630 = arith.constant 900000 : i32
      %ge3A_631 = vector.broadcast %ge3A_630 : i32 to vector<16xi32>
      %ge3A_632 = arith.cmpi sge, %get3A_629, %ge3A_631 : vector<16xi32>
      %min3A_633 = arith.constant 899999 : i32
      %min3A_634 = vector.broadcast %min3A_633 : i32 to vector<16xi32>
      %min3A_635 = arith.minsi %get3A_629, %min3A_634 : vector<16xi32>
      %dma_start3A_636 = arith.constant 192 : i32
      %dma_start3A_637 = arith.constant 0 : i32
      %dma_start3A_638 = tpu.memref_slice %arg7[%dma_start3A_636, %dma_start3A_637] : memref<256x64xf32, #tpu.memory_space<vmem>> -> memref<16x64xf32, #tpu.memory_space<vmem>>
      %dma_start3A_639 = arith.constant 0 : i32
      %dma_start3A_640 = arith.constant 0 : i32
      %dma_start3A_641 = tpu.memref_slice %arg3[%dma_start3A_639, %dma_start3A_640] : memref<900000x64xf32, #tpu.memory_space<hbm>> -> memref<900000x64xf32, #tpu.memory_space<hbm>>
      tpu.enqueue_indirect_dma source(%dma_start3A_641 : memref<900000x64xf32, #tpu.memory_space<hbm>>) target(%dma_start3A_638 : memref<16x64xf32, #tpu.memory_space<vmem>>) offsets(%min3A_635 : vector<16xi32>) semaphore(%arg12 : memref<!tpu.dma_semaphore, #tpu.memory_space<semaphore_mem>>)
      %add3A_642 = arith.constant 16 : i32
      %add3A_643 = vector.broadcast %add3A_642 : i32 to vector<16xi32>
      %add3A_644 = arith.addi %iota3A, %add3A_643 : vector<16xi32>
      %select_n3A_645 = arith.select %ge3A_632, %iota3A, %add3A_644 : vector<16xi1>, vector<16xi32>
      %mul3A_646 = arith.constant 256 : i32
      %mul3A_647 = arith.muli %mul3A_82, %mul3A_646 : i32
      %add3A_648 = arith.addi %mul3A_2, %mul3A_647 : i32
      %add3A_649 = arith.constant 192 : i32
      %add3A_650 = arith.addi %add3A_648, %add3A_649 : i32
      %add3A_651 = vector.broadcast %add3A_650 : i32 to vector<16xi32>
      %add3A_652 = arith.addi %iota3A, %add3A_651 : vector<16xi32>
      %masked_sort3A_653 = arith.constant dense<true> : vector<16xi1>
      %masked_sort3A_654 = arith.constant -2147483648 : i32
      %masked_sort3A_655 = vector.broadcast %masked_sort3A_654 : i32 to vector<16xi32>
      %masked_sort3A_656 = arith.xori %select_n3A_645, %masked_sort3A_655 : vector<16xi32>
      %masked_sort3A_657, %masked_sort3A_658, %masked_sort3A_659 = tpu.sort %masked_sort3A_656, %add3A_652 masked %masked_sort3A_653 : (vector<16xi32>, vector<16xi32>, vector<16xi1>) -> (vector<16xi1>, vector<16xi32>, vector<16xi32>)
      %masked_sort3A_660 = arith.xori %masked_sort3A_658, %masked_sort3A_655 : vector<16xi32>
      %swap3A_661 = arith.index_cast %add3A_623 : i32 to index
      %swap3A_662 = tpu.vector_load %arg9[%swap3A_661] {strides = array<i32>} : memref<25872xi32, #tpu.memory_space<vmem>>, vector<16xi32>,
      tpu.vector_store %arg9[%swap3A_661], %masked_sort3A_659 {strides = array<i32>} : memref<25872xi32, #tpu.memory_space<vmem>>, vector<16xi32>,
      %convert_element_type3A_663 = arith.extui %ge3A_632 : vector<16xi1> to vector<16xi32>
      %reduce_sum3A_664 = arith.constant true
      %reduce_sum3A_665 = vector.broadcast %reduce_sum3A_664 : i1 to vector<16xi1>
      %reduce_sum3A_666 = tpu.scan <sum>, %convert_element_type3A_663 masked %reduce_sum3A_665 : vector<16xi32>, vector<16xi1> -> vector<16xi32>
      %reduce_sum3A_667 = vector.extract %reduce_sum3A_666[15] : i32 from vector<16xi32>
      %add3A_668 = arith.addi %add3A_623, %reduce_sum3A_667 : i32
      %mul3A_669 = arith.constant 256 : i32
      %mul3A_670 = arith.muli %mul3A_82, %mul3A_669 : i32
      %add3A_671 = arith.constant 208 : i32
      %add3A_672 = arith.addi %mul3A_670, %add3A_671 : i32
      %get3A_673 = arith.index_cast %add3A_672 : i32 to index
      %get3A_674 = tpu.vector_load %arg6[%get3A_673] {strides = array<i32>} : memref<25600xi32, #tpu.memory_space<vmem>>, vector<16xi32>,
      %ge3A_675 = arith.constant 900000 : i32
      %ge3A_676 = vector.broadcast %ge3A_675 : i32 to vector<16xi32>
      %ge3A_677 = arith.cmpi sge, %get3A_674, %ge3A_676 : vector<16xi32>
      %min3A_678 = arith.constant 899999 : i32
      %min3A_679 = vector.broadcast %min3A_678 : i32 to vector<16xi32>
      %min3A_680 = arith.minsi %get3A_674, %min3A_679 : vector<16xi32>
      %dma_start3A_681 = arith.constant 208 : i32
      %dma_start3A_682 = arith.constant 0 : i32
      %dma_start3A_683 = tpu.memref_slice %arg7[%dma_start3A_681, %dma_start3A_682] : memref<256x64xf32, #tpu.memory_space<vmem>> -> memref<16x64xf32, #tpu.memory_space<vmem>>
      %dma_start3A_684 = arith.constant 0 : i32
      %dma_start3A_685 = arith.constant 0 : i32
      %dma_start3A_686 = tpu.memref_slice %arg3[%dma_start3A_684, %dma_start3A_685] : memref<900000x64xf32, #tpu.memory_space<hbm>> -> memref<900000x64xf32, #tpu.memory_space<hbm>>
      tpu.enqueue_indirect_dma source(%dma_start3A_686 : memref<900000x64xf32, #tpu.memory_space<hbm>>) target(%dma_start3A_683 : memref<16x64xf32, #tpu.memory_space<vmem>>) offsets(%min3A_680 : vector<16xi32>) semaphore(%arg12 : memref<!tpu.dma_semaphore, #tpu.memory_space<semaphore_mem>>)
      %add3A_687 = arith.constant 16 : i32
      %add3A_688 = vector.broadcast %add3A_687 : i32 to vector<16xi32>
      %add3A_689 = arith.addi %iota3A, %add3A_688 : vector<16xi32>
      %select_n3A_690 = arith.select %ge3A_677, %iota3A, %add3A_689 : vector<16xi1>, vector<16xi32>
      %mul3A_691 = arith.constant 256 : i32
      %mul3A_692 = arith.muli %mul3A_82, %mul3A_691 : i32
      %add3A_693 = arith.addi %mul3A_2, %mul3A_692 : i32
      %add3A_694 = arith.constant 208 : i32
      %add3A_695 = arith.addi %add3A_693, %add3A_694 : i32
      %add3A_696 = vector.broadcast %add3A_695 : i32 to vector<16xi32>
      %add3A_697 = arith.addi %iota3A, %add3A_696 : vector<16xi32>
      %masked_sort3A_698 = arith.constant dense<true> : vector<16xi1>
      %masked_sort3A_699 = arith.constant -2147483648 : i32
      %masked_sort3A_700 = vector.broadcast %masked_sort3A_699 : i32 to vector<16xi32>
      %masked_sort3A_701 = arith.xori %select_n3A_690, %masked_sort3A_700 : vector<16xi32>
      %masked_sort3A_702, %masked_sort3A_703, %masked_sort3A_704 = tpu.sort %masked_sort3A_701, %add3A_697 masked %masked_sort3A_698 : (vector<16xi32>, vector<16xi32>, vector<16xi1>) -> (vector<16xi1>, vector<16xi32>, vector<16xi32>)
      %masked_sort3A_705 = arith.xori %masked_sort3A_703, %masked_sort3A_700 : vector<16xi32>
      %swap3A_706 = arith.index_cast %add3A_668 : i32 to index
      %swap3A_707 = tpu.vector_load %arg9[%swap3A_706] {strides = array<i32>} : memref<25872xi32, #tpu.memory_space<vmem>>, vector<16xi32>,
      tpu.vector_store %arg9[%swap3A_706], %masked_sort3A_704 {strides = array<i32>} : memref<25872xi32, #tpu.memory_space<vmem>>, vector<16xi32>,
      %convert_element_type3A_708 = arith.extui %ge3A_677 : vector<16xi1> to vector<16xi32>
      %reduce_sum3A_709 = arith.constant true
      %reduce_sum3A_710 = vector.broadcast %reduce_sum3A_709 : i1 to vector<16xi1>
      %reduce_sum3A_711 = tpu.scan <sum>, %convert_element_type3A_708 masked %reduce_sum3A_710 : vector<16xi32>, vector<16xi1> -> vector<16xi32>
      %reduce_sum3A_712 = vector.extract %reduce_sum3A_711[15] : i32 from vector<16xi32>
      %add3A_713 = arith.addi %add3A_668, %reduce_sum3A_712 : i32
      %mul3A_714 = arith.constant 256 : i32
      %mul3A_715 = arith.muli %mul3A_82, %mul3A_714 : i32
      %add3A_716 = arith.constant 224 : i32
      %add3A_717 = arith.addi %mul3A_715, %add3A_716 : i32
      %get3A_718 = arith.index_cast %add3A_717 : i32 to index
      %get3A_719 = tpu.vector_load %arg6[%get3A_718] {strides = array<i32>} : memref<25600xi32, #tpu.memory_space<vmem>>, vector<16xi32>,
      %ge3A_720 = arith.constant 900000 : i32
      %ge3A_721 = vector.broadcast %ge3A_720 : i32 to vector<16xi32>
      %ge3A_722 = arith.cmpi sge, %get3A_719, %ge3A_721 : vector<16xi32>
      %min3A_723 = arith.constant 899999 : i32
      %min3A_724 = vector.broadcast %min3A_723 : i32 to vector<16xi32>
      %min3A_725 = arith.minsi %get3A_719, %min3A_724 : vector<16xi32>
      %dma_start3A_726 = arith.constant 224 : i32
      %dma_start3A_727 = arith.constant 0 : i32
      %dma_start3A_728 = tpu.memref_slice %arg7[%dma_start3A_726, %dma_start3A_727] : memref<256x64xf32, #tpu.memory_space<vmem>> -> memref<16x64xf32, #tpu.memory_space<vmem>>
      %dma_start3A_729 = arith.constant 0 : i32
      %dma_start3A_730 = arith.constant 0 : i32
      %dma_start3A_731 = tpu.memref_slice %arg3[%dma_start3A_729, %dma_start3A_730] : memref<900000x64xf32, #tpu.memory_space<hbm>> -> memref<900000x64xf32, #tpu.memory_space<hbm>>
      tpu.enqueue_indirect_dma source(%dma_start3A_731 : memref<900000x64xf32, #tpu.memory_space<hbm>>) target(%dma_start3A_728 : memref<16x64xf32, #tpu.memory_space<vmem>>) offsets(%min3A_725 : vector<16xi32>) semaphore(%arg12 : memref<!tpu.dma_semaphore, #tpu.memory_space<semaphore_mem>>)
      %add3A_732 = arith.constant 16 : i32
      %add3A_733 = vector.broadcast %add3A_732 : i32 to vector<16xi32>
      %add3A_734 = arith.addi %iota3A, %add3A_733 : vector<16xi32>
      %select_n3A_735 = arith.select %ge3A_722, %iota3A, %add3A_734 : vector<16xi1>, vector<16xi32>
      %mul3A_736 = arith.constant 256 : i32
      %mul3A_737 = arith.muli %mul3A_82, %mul3A_736 : i32
      %add3A_738 = arith.addi %mul3A_2, %mul3A_737 : i32
      %add3A_739 = arith.constant 224 : i32
      %add3A_740 = arith.addi %add3A_738, %add3A_739 : i32
      %add3A_741 = vector.broadcast %add3A_740 : i32 to vector<16xi32>
      %add3A_742 = arith.addi %iota3A, %add3A_741 : vector<16xi32>
      %masked_sort3A_743 = arith.constant dense<true> : vector<16xi1>
      %masked_sort3A_744 = arith.constant -2147483648 : i32
      %masked_sort3A_745 = vector.broadcast %masked_sort3A_744 : i32 to vector<16xi32>
      %masked_sort3A_746 = arith.xori %select_n3A_735, %masked_sort3A_745 : vector<16xi32>
      %masked_sort3A_747, %masked_sort3A_748, %masked_sort3A_749 = tpu.sort %masked_sort3A_746, %add3A_742 masked %masked_sort3A_743 : (vector<16xi32>, vector<16xi32>, vector<16xi1>) -> (vector<16xi1>, vector<16xi32>, vector<16xi32>)
      %masked_sort3A_750 = arith.xori %masked_sort3A_748, %masked_sort3A_745 : vector<16xi32>
      %swap3A_751 = arith.index_cast %add3A_713 : i32 to index
      %swap3A_752 = tpu.vector_load %arg9[%swap3A_751] {strides = array<i32>} : memref<25872xi32, #tpu.memory_space<vmem>>, vector<16xi32>,
      tpu.vector_store %arg9[%swap3A_751], %masked_sort3A_749 {strides = array<i32>} : memref<25872xi32, #tpu.memory_space<vmem>>, vector<16xi32>,
      %convert_element_type3A_753 = arith.extui %ge3A_722 : vector<16xi1> to vector<16xi32>
      %reduce_sum3A_754 = arith.constant true
      %reduce_sum3A_755 = vector.broadcast %reduce_sum3A_754 : i1 to vector<16xi1>
      %reduce_sum3A_756 = tpu.scan <sum>, %convert_element_type3A_753 masked %reduce_sum3A_755 : vector<16xi32>, vector<16xi1> -> vector<16xi32>
      %reduce_sum3A_757 = vector.extract %reduce_sum3A_756[15] : i32 from vector<16xi32>
      %add3A_758 = arith.addi %add3A_713, %reduce_sum3A_757 : i32
      %mul3A_759 = arith.constant 256 : i32
      %mul3A_760 = arith.muli %mul3A_82, %mul3A_759 : i32
      %add3A_761 = arith.constant 240 : i32
      %add3A_762 = arith.addi %mul3A_760, %add3A_761 : i32
      %get3A_763 = arith.index_cast %add3A_762 : i32 to index
      %get3A_764 = tpu.vector_load %arg6[%get3A_763] {strides = array<i32>} : memref<25600xi32, #tpu.memory_space<vmem>>, vector<16xi32>,
      %ge3A_765 = arith.constant 900000 : i32
      %ge3A_766 = vector.broadcast %ge3A_765 : i32 to vector<16xi32>
      %ge3A_767 = arith.cmpi sge, %get3A_764, %ge3A_766 : vector<16xi32>
      %min3A_768 = arith.constant 899999 : i32
      %min3A_769 = vector.broadcast %min3A_768 : i32 to vector<16xi32>
      %min3A_770 = arith.minsi %get3A_764, %min3A_769 : vector<16xi32>
      %dma_start3A_771 = arith.constant 240 : i32
      %dma_start3A_772 = arith.constant 0 : i32
      %dma_start3A_773 = tpu.memref_slice %arg7[%dma_start3A_771, %dma_start3A_772] : memref<256x64xf32, #tpu.memory_space<vmem>> -> memref<16x64xf32, #tpu.memory_space<vmem>>
      %dma_start3A_774 = arith.constant 0 : i32
      %dma_start3A_775 = arith.constant 0 : i32
      %dma_start3A_776 = tpu.memref_slice %arg3[%dma_start3A_774, %dma_start3A_775] : memref<900000x64xf32, #tpu.memory_space<hbm>> -> memref<900000x64xf32, #tpu.memory_space<hbm>>
      tpu.enqueue_indirect_dma source(%dma_start3A_776 : memref<900000x64xf32, #tpu.memory_space<hbm>>) target(%dma_start3A_773 : memref<16x64xf32, #tpu.memory_space<vmem>>) offsets(%min3A_770 : vector<16xi32>) semaphore(%arg12 : memref<!tpu.dma_semaphore, #tpu.memory_space<semaphore_mem>>)
      %add3A_777 = arith.constant 16 : i32
      %add3A_778 = vector.broadcast %add3A_777 : i32 to vector<16xi32>
      %add3A_779 = arith.addi %iota3A, %add3A_778 : vector<16xi32>
      %select_n3A_780 = arith.select %ge3A_767, %iota3A, %add3A_779 : vector<16xi1>, vector<16xi32>
      %mul3A_781 = arith.constant 256 : i32
      %mul3A_782 = arith.muli %mul3A_82, %mul3A_781 : i32
      %add3A_783 = arith.addi %mul3A_2, %mul3A_782 : i32
      %add3A_784 = arith.constant 240 : i32
      %add3A_785 = arith.addi %add3A_783, %add3A_784 : i32
      %add3A_786 = vector.broadcast %add3A_785 : i32 to vector<16xi32>
      %add3A_787 = arith.addi %iota3A, %add3A_786 : vector<16xi32>
      %masked_sort3A_788 = arith.constant dense<true> : vector<16xi1>
      %masked_sort3A_789 = arith.constant -2147483648 : i32
      %masked_sort3A_790 = vector.broadcast %masked_sort3A_789 : i32 to vector<16xi32>
      %masked_sort3A_791 = arith.xori %select_n3A_780, %masked_sort3A_790 : vector<16xi32>
      %masked_sort3A_792, %masked_sort3A_793, %masked_sort3A_794 = tpu.sort %masked_sort3A_791, %add3A_787 masked %masked_sort3A_788 : (vector<16xi32>, vector<16xi32>, vector<16xi1>) -> (vector<16xi1>, vector<16xi32>, vector<16xi32>)
      %masked_sort3A_795 = arith.xori %masked_sort3A_793, %masked_sort3A_790 : vector<16xi32>
      %swap3A_796 = arith.index_cast %add3A_758 : i32 to index
      %swap3A_797 = tpu.vector_load %arg9[%swap3A_796] {strides = array<i32>} : memref<25872xi32, #tpu.memory_space<vmem>>, vector<16xi32>,
      tpu.vector_store %arg9[%swap3A_796], %masked_sort3A_794 {strides = array<i32>} : memref<25872xi32, #tpu.memory_space<vmem>>, vector<16xi32>,
      %convert_element_type3A_798 = arith.extui %ge3A_767 : vector<16xi1> to vector<16xi32>
      %reduce_sum3A_799 = arith.constant true
      %reduce_sum3A_800 = vector.broadcast %reduce_sum3A_799 : i1 to vector<16xi1>
      %reduce_sum3A_801 = tpu.scan <sum>, %convert_element_type3A_798 masked %reduce_sum3A_800 : vector<16xi32>, vector<16xi1> -> vector<16xi32>
      %reduce_sum3A_802 = vector.extract %reduce_sum3A_801[15] : i32 from vector<16xi32>
      %add3A_803 = arith.addi %add3A_758, %reduce_sum3A_802 : i32
      %dma_wait3A_804 = arith.constant 0 : i32
      %dma_wait3A_805 = arith.constant 0 : i32
      %dma_wait3A_806 = tpu.memref_slice %arg7[%dma_wait3A_804, %dma_wait3A_805] : memref<256x64xf32, #tpu.memory_space<vmem>> -> memref<16x64xf32, #tpu.memory_space<vmem>>
      %dma_wait3A_807 = arith.constant 0 : i32
      %dma_wait3A_808 = arith.constant 0 : i32
      %dma_wait3A_809 = tpu.memref_slice %arg3[%dma_wait3A_807, %dma_wait3A_808] : memref<900000x64xf32, #tpu.memory_space<hbm>> -> memref<900000x64xf32, #tpu.memory_space<hbm>>
      tpu.wait_indirect_dma semaphore(%arg12 : memref<!tpu.dma_semaphore, #tpu.memory_space<semaphore_mem>>) src(%dma_wait3A_809 : memref<900000x64xf32, #tpu.memory_space<hbm>>) dst(%dma_wait3A_806 : memref<16x64xf32, #tpu.memory_space<vmem>>)
      %dma_wait3A_810 = arith.constant 16 : i32
      %dma_wait3A_811 = arith.constant 0 : i32
      %dma_wait3A_812 = tpu.memref_slice %arg7[%dma_wait3A_810, %dma_wait3A_811] : memref<256x64xf32, #tpu.memory_space<vmem>> -> memref<16x64xf32, #tpu.memory_space<vmem>>
      %dma_wait3A_813 = arith.constant 0 : i32
      %dma_wait3A_814 = arith.constant 0 : i32
      %dma_wait3A_815 = tpu.memref_slice %arg3[%dma_wait3A_813, %dma_wait3A_814] : memref<900000x64xf32, #tpu.memory_space<hbm>> -> memref<900000x64xf32, #tpu.memory_space<hbm>>
      tpu.wait_indirect_dma semaphore(%arg12 : memref<!tpu.dma_semaphore, #tpu.memory_space<semaphore_mem>>) src(%dma_wait3A_815 : memref<900000x64xf32, #tpu.memory_space<hbm>>) dst(%dma_wait3A_812 : memref<16x64xf32, #tpu.memory_space<vmem>>)
      %dma_wait3A_816 = arith.constant 32 : i32
      %dma_wait3A_817 = arith.constant 0 : i32
      %dma_wait3A_818 = tpu.memref_slice %arg7[%dma_wait3A_816, %dma_wait3A_817] : memref<256x64xf32, #tpu.memory_space<vmem>> -> memref<16x64xf32, #tpu.memory_space<vmem>>
      %dma_wait3A_819 = arith.constant 0 : i32
      %dma_wait3A_820 = arith.constant 0 : i32
      %dma_wait3A_821 = tpu.memref_slice %arg3[%dma_wait3A_819, %dma_wait3A_820] : memref<900000x64xf32, #tpu.memory_space<hbm>> -> memref<900000x64xf32, #tpu.memory_space<hbm>>
      tpu.wait_indirect_dma semaphore(%arg12 : memref<!tpu.dma_semaphore, #tpu.memory_space<semaphore_mem>>) src(%dma_wait3A_821 : memref<900000x64xf32, #tpu.memory_space<hbm>>) dst(%dma_wait3A_818 : memref<16x64xf32, #tpu.memory_space<vmem>>)
      %dma_wait3A_822 = arith.constant 48 : i32
      %dma_wait3A_823 = arith.constant 0 : i32
      %dma_wait3A_824 = tpu.memref_slice %arg7[%dma_wait3A_822, %dma_wait3A_823] : memref<256x64xf32, #tpu.memory_space<vmem>> -> memref<16x64xf32, #tpu.memory_space<vmem>>
      %dma_wait3A_825 = arith.constant 0 : i32
      %dma_wait3A_826 = arith.constant 0 : i32
      %dma_wait3A_827 = tpu.memref_slice %arg3[%dma_wait3A_825, %dma_wait3A_826] : memref<900000x64xf32, #tpu.memory_space<hbm>> -> memref<900000x64xf32, #tpu.memory_space<hbm>>
      tpu.wait_indirect_dma semaphore(%arg12 : memref<!tpu.dma_semaphore, #tpu.memory_space<semaphore_mem>>) src(%dma_wait3A_827 : memref<900000x64xf32, #tpu.memory_space<hbm>>) dst(%dma_wait3A_824 : memref<16x64xf32, #tpu.memory_space<vmem>>)
      %dma_wait3A_828 = arith.constant 64 : i32
      %dma_wait3A_829 = arith.constant 0 : i32
      %dma_wait3A_830 = tpu.memref_slice %arg7[%dma_wait3A_828, %dma_wait3A_829] : memref<256x64xf32, #tpu.memory_space<vmem>> -> memref<16x64xf32, #tpu.memory_space<vmem>>
      %dma_wait3A_831 = arith.constant 0 : i32
      %dma_wait3A_832 = arith.constant 0 : i32
      %dma_wait3A_833 = tpu.memref_slice %arg3[%dma_wait3A_831, %dma_wait3A_832] : memref<900000x64xf32, #tpu.memory_space<hbm>> -> memref<900000x64xf32, #tpu.memory_space<hbm>>
      tpu.wait_indirect_dma semaphore(%arg12 : memref<!tpu.dma_semaphore, #tpu.memory_space<semaphore_mem>>) src(%dma_wait3A_833 : memref<900000x64xf32, #tpu.memory_space<hbm>>) dst(%dma_wait3A_830 : memref<16x64xf32, #tpu.memory_space<vmem>>)
      %dma_wait3A_834 = arith.constant 80 : i32
      %dma_wait3A_835 = arith.constant 0 : i32
      %dma_wait3A_836 = tpu.memref_slice %arg7[%dma_wait3A_834, %dma_wait3A_835] : memref<256x64xf32, #tpu.memory_space<vmem>> -> memref<16x64xf32, #tpu.memory_space<vmem>>
      %dma_wait3A_837 = arith.constant 0 : i32
      %dma_wait3A_838 = arith.constant 0 : i32
      %dma_wait3A_839 = tpu.memref_slice %arg3[%dma_wait3A_837, %dma_wait3A_838] : memref<900000x64xf32, #tpu.memory_space<hbm>> -> memref<900000x64xf32, #tpu.memory_space<hbm>>
      tpu.wait_indirect_dma semaphore(%arg12 : memref<!tpu.dma_semaphore, #tpu.memory_space<semaphore_mem>>) src(%dma_wait3A_839 : memref<900000x64xf32, #tpu.memory_space<hbm>>) dst(%dma_wait3A_836 : memref<16x64xf32, #tpu.memory_space<vmem>>)
      %dma_wait3A_840 = arith.constant 96 : i32
      %dma_wait3A_841 = arith.constant 0 : i32
      %dma_wait3A_842 = tpu.memref_slice %arg7[%dma_wait3A_840, %dma_wait3A_841] : memref<256x64xf32, #tpu.memory_space<vmem>> -> memref<16x64xf32, #tpu.memory_space<vmem>>
      %dma_wait3A_843 = arith.constant 0 : i32
      %dma_wait3A_844 = arith.constant 0 : i32
      %dma_wait3A_845 = tpu.memref_slice %arg3[%dma_wait3A_843, %dma_wait3A_844] : memref<900000x64xf32, #tpu.memory_space<hbm>> -> memref<900000x64xf32, #tpu.memory_space<hbm>>
      tpu.wait_indirect_dma semaphore(%arg12 : memref<!tpu.dma_semaphore, #tpu.memory_space<semaphore_mem>>) src(%dma_wait3A_845 : memref<900000x64xf32, #tpu.memory_space<hbm>>) dst(%dma_wait3A_842 : memref<16x64xf32, #tpu.memory_space<vmem>>)
      %dma_wait3A_846 = arith.constant 112 : i32
      %dma_wait3A_847 = arith.constant 0 : i32
      %dma_wait3A_848 = tpu.memref_slice %arg7[%dma_wait3A_846, %dma_wait3A_847] : memref<256x64xf32, #tpu.memory_space<vmem>> -> memref<16x64xf32, #tpu.memory_space<vmem>>
      %dma_wait3A_849 = arith.constant 0 : i32
      %dma_wait3A_850 = arith.constant 0 : i32
      %dma_wait3A_851 = tpu.memref_slice %arg3[%dma_wait3A_849, %dma_wait3A_850] : memref<900000x64xf32, #tpu.memory_space<hbm>> -> memref<900000x64xf32, #tpu.memory_space<hbm>>
      tpu.wait_indirect_dma semaphore(%arg12 : memref<!tpu.dma_semaphore, #tpu.memory_space<semaphore_mem>>) src(%dma_wait3A_851 : memref<900000x64xf32, #tpu.memory_space<hbm>>) dst(%dma_wait3A_848 : memref<16x64xf32, #tpu.memory_space<vmem>>)
      %dma_wait3A_852 = arith.constant 128 : i32
      %dma_wait3A_853 = arith.constant 0 : i32
      %dma_wait3A_854 = tpu.memref_slice %arg7[%dma_wait3A_852, %dma_wait3A_853] : memref<256x64xf32, #tpu.memory_space<vmem>> -> memref<16x64xf32, #tpu.memory_space<vmem>>
      %dma_wait3A_855 = arith.constant 0 : i32
      %dma_wait3A_856 = arith.constant 0 : i32
      %dma_wait3A_857 = tpu.memref_slice %arg3[%dma_wait3A_855, %dma_wait3A_856] : memref<900000x64xf32, #tpu.memory_space<hbm>> -> memref<900000x64xf32, #tpu.memory_space<hbm>>
      tpu.wait_indirect_dma semaphore(%arg12 : memref<!tpu.dma_semaphore, #tpu.memory_space<semaphore_mem>>) src(%dma_wait3A_857 : memref<900000x64xf32, #tpu.memory_space<hbm>>) dst(%dma_wait3A_854 : memref<16x64xf32, #tpu.memory_space<vmem>>)
      %dma_wait3A_858 = arith.constant 144 : i32
      %dma_wait3A_859 = arith.constant 0 : i32
      %dma_wait3A_860 = tpu.memref_slice %arg7[%dma_wait3A_858, %dma_wait3A_859] : memref<256x64xf32, #tpu.memory_space<vmem>> -> memref<16x64xf32, #tpu.memory_space<vmem>>
      %dma_wait3A_861 = arith.constant 0 : i32
      %dma_wait3A_862 = arith.constant 0 : i32
      %dma_wait3A_863 = tpu.memref_slice %arg3[%dma_wait3A_861, %dma_wait3A_862] : memref<900000x64xf32, #tpu.memory_space<hbm>> -> memref<900000x64xf32, #tpu.memory_space<hbm>>
      tpu.wait_indirect_dma semaphore(%arg12 : memref<!tpu.dma_semaphore, #tpu.memory_space<semaphore_mem>>) src(%dma_wait3A_863 : memref<900000x64xf32, #tpu.memory_space<hbm>>) dst(%dma_wait3A_860 : memref<16x64xf32, #tpu.memory_space<vmem>>)
      %dma_wait3A_864 = arith.constant 160 : i32
      %dma_wait3A_865 = arith.constant 0 : i32
      %dma_wait3A_866 = tpu.memref_slice %arg7[%dma_wait3A_864, %dma_wait3A_865] : memref<256x64xf32, #tpu.memory_space<vmem>> -> memref<16x64xf32, #tpu.memory_space<vmem>>
      %dma_wait3A_867 = arith.constant 0 : i32
      %dma_wait3A_868 = arith.constant 0 : i32
      %dma_wait3A_869 = tpu.memref_slice %arg3[%dma_wait3A_867, %dma_wait3A_868] : memref<900000x64xf32, #tpu.memory_space<hbm>> -> memref<900000x64xf32, #tpu.memory_space<hbm>>
      tpu.wait_indirect_dma semaphore(%arg12 : memref<!tpu.dma_semaphore, #tpu.memory_space<semaphore_mem>>) src(%dma_wait3A_869 : memref<900000x64xf32, #tpu.memory_space<hbm>>) dst(%dma_wait3A_866 : memref<16x64xf32, #tpu.memory_space<vmem>>)
      %dma_wait3A_870 = arith.constant 176 : i32
      %dma_wait3A_871 = arith.constant 0 : i32
      %dma_wait3A_872 = tpu.memref_slice %arg7[%dma_wait3A_870, %dma_wait3A_871] : memref<256x64xf32, #tpu.memory_space<vmem>> -> memref<16x64xf32, #tpu.memory_space<vmem>>
      %dma_wait3A_873 = arith.constant 0 : i32
      %dma_wait3A_874 = arith.constant 0 : i32
      %dma_wait3A_875 = tpu.memref_slice %arg3[%dma_wait3A_873, %dma_wait3A_874] : memref<900000x64xf32, #tpu.memory_space<hbm>> -> memref<900000x64xf32, #tpu.memory_space<hbm>>
      tpu.wait_indirect_dma semaphore(%arg12 : memref<!tpu.dma_semaphore, #tpu.memory_space<semaphore_mem>>) src(%dma_wait3A_875 : memref<900000x64xf32, #tpu.memory_space<hbm>>) dst(%dma_wait3A_872 : memref<16x64xf32, #tpu.memory_space<vmem>>)
      %dma_wait3A_876 = arith.constant 192 : i32
      %dma_wait3A_877 = arith.constant 0 : i32
      %dma_wait3A_878 = tpu.memref_slice %arg7[%dma_wait3A_876, %dma_wait3A_877] : memref<256x64xf32, #tpu.memory_space<vmem>> -> memref<16x64xf32, #tpu.memory_space<vmem>>
      %dma_wait3A_879 = arith.constant 0 : i32
      %dma_wait3A_880 = arith.constant 0 : i32
      %dma_wait3A_881 = tpu.memref_slice %arg3[%dma_wait3A_879, %dma_wait3A_880] : memref<900000x64xf32, #tpu.memory_space<hbm>> -> memref<900000x64xf32, #tpu.memory_space<hbm>>
      tpu.wait_indirect_dma semaphore(%arg12 : memref<!tpu.dma_semaphore, #tpu.memory_space<semaphore_mem>>) src(%dma_wait3A_881 : memref<900000x64xf32, #tpu.memory_space<hbm>>) dst(%dma_wait3A_878 : memref<16x64xf32, #tpu.memory_space<vmem>>)
      %dma_wait3A_882 = arith.constant 208 : i32
      %dma_wait3A_883 = arith.constant 0 : i32
      %dma_wait3A_884 = tpu.memref_slice %arg7[%dma_wait3A_882, %dma_wait3A_883] : memref<256x64xf32, #tpu.memory_space<vmem>> -> memref<16x64xf32, #tpu.memory_space<vmem>>
      %dma_wait3A_885 = arith.constant 0 : i32
      %dma_wait3A_886 = arith.constant 0 : i32
      %dma_wait3A_887 = tpu.memref_slice %arg3[%dma_wait3A_885, %dma_wait3A_886] : memref<900000x64xf32, #tpu.memory_space<hbm>> -> memref<900000x64xf32, #tpu.memory_space<hbm>>
      tpu.wait_indirect_dma semaphore(%arg12 : memref<!tpu.dma_semaphore, #tpu.memory_space<semaphore_mem>>) src(%dma_wait3A_887 : memref<900000x64xf32, #tpu.memory_space<hbm>>) dst(%dma_wait3A_884 : memref<16x64xf32, #tpu.memory_space<vmem>>)
      %dma_wait3A_888 = arith.constant 224 : i32
      %dma_wait3A_889 = arith.constant 0 : i32
      %dma_wait3A_890 = tpu.memref_slice %arg7[%dma_wait3A_888, %dma_wait3A_889] : memref<256x64xf32, #tpu.memory_space<vmem>> -> memref<16x64xf32, #tpu.memory_space<vmem>>
      %dma_wait3A_891 = arith.constant 0 : i32
      %dma_wait3A_892 = arith.constant 0 : i32
      %dma_wait3A_893 = tpu.memref_slice %arg3[%dma_wait3A_891, %dma_wait3A_892] : memref<900000x64xf32, #tpu.memory_space<hbm>> -> memref<900000x64xf32, #tpu.memory_space<hbm>>
      tpu.wait_indirect_dma semaphore(%arg12 : memref<!tpu.dma_semaphore, #tpu.memory_space<semaphore_mem>>) src(%dma_wait3A_893 : memref<900000x64xf32, #tpu.memory_space<hbm>>) dst(%dma_wait3A_890 : memref<16x64xf32, #tpu.memory_space<vmem>>)
      %dma_wait3A_894 = arith.constant 240 : i32
      %dma_wait3A_895 = arith.constant 0 : i32
      %dma_wait3A_896 = tpu.memref_slice %arg7[%dma_wait3A_894, %dma_wait3A_895] : memref<256x64xf32, #tpu.memory_space<vmem>> -> memref<16x64xf32, #tpu.memory_space<vmem>>
      %dma_wait3A_897 = arith.constant 0 : i32
      %dma_wait3A_898 = arith.constant 0 : i32
      %dma_wait3A_899 = tpu.memref_slice %arg3[%dma_wait3A_897, %dma_wait3A_898] : memref<900000x64xf32, #tpu.memory_space<hbm>> -> memref<900000x64xf32, #tpu.memory_space<hbm>>
      tpu.wait_indirect_dma semaphore(%arg12 : memref<!tpu.dma_semaphore, #tpu.memory_space<semaphore_mem>>) src(%dma_wait3A_899 : memref<900000x64xf32, #tpu.memory_space<hbm>>) dst(%dma_wait3A_896 : memref<16x64xf32, #tpu.memory_space<vmem>>)
      %mul3A_900 = arith.constant 256 : i32
      %mul3A_901 = arith.muli %mul3A_82, %mul3A_900 : i32
      %add3A_902 = arith.addi %mul3A_2, %mul3A_901 : i32
      %dma_start3A_903 = arith.constant 0 : i32
      %dma_start3A_904 = tpu.memref_slice %arg5[%add3A_902, %dma_start3A_903] : memref<819200x64xf32, #tpu.memory_space<hbm>> -> memref<256x64xf32, #tpu.memory_space<hbm>>
      %dma_start3A_905 = arith.constant 0 : i32
      %dma_start3A_906 = tpu.memref_slice %arg5[%add3A_902, %dma_start3A_905] : memref<819200x64xf32, #tpu.memory_space<hbm>> -> memref<256x64xf32, #tpu.memory_space<hbm>>
      tpu.enqueue_dma source(%arg7 : memref<256x64xf32, #tpu.memory_space<vmem>>) target(%dma_start3A_906 : memref<256x64xf32, #tpu.memory_space<hbm>>) target_semaphore(%arg13 : memref<!tpu.dma_semaphore, #tpu.memory_space<semaphore_mem>>)
      %mul3A_907 = arith.constant 2 : i32
      %mul3A_908 = arith.muli %mul3A_907, %scan3A_79 : i32
      %add3A_909 = arith.constant 1 : i32
      %add3A_910 = arith.addi %mul3A_908, %add3A_909 : i32
      %dma_wait3A_911 = arith.constant 0 : i32
      %dma_wait3A_912 = arith.constant 0 : i32
      %dma_wait3A_913 = tpu.memref_slice %arg5[%dma_wait3A_911, %dma_wait3A_912] : memref<819200x64xf32, #tpu.memory_space<hbm>> -> memref<256x64xf32, #tpu.memory_space<hbm>>
      %dma_wait3A_914 = arith.constant 0 : i32
      %dma_wait3A_915 = arith.constant 0 : i32
      %dma_wait3A_916 = tpu.memref_slice %arg5[%dma_wait3A_914, %dma_wait3A_915] : memref<819200x64xf32, #tpu.memory_space<hbm>> -> memref<256x64xf32, #tpu.memory_space<hbm>>
      tpu.wait_dma2 semaphore(%arg14 : memref<!tpu.dma_semaphore, #tpu.memory_space<semaphore_mem>>) src(%arg8 : memref<256x64xf32, #tpu.memory_space<vmem>>) dst(%dma_wait3A_916 : memref<256x64xf32, #tpu.memory_space<hbm>>)
      %mul3A_917 = arith.constant 256 : i32
      %mul3A_918 = arith.muli %add3A_910, %mul3A_917 : i32
      %add3A_919 = arith.constant 0 : i32
      %add3A_920 = arith.addi %mul3A_918, %add3A_919 : i32
      %get3A_921 = arith.index_cast %add3A_920 : i32 to index
      %get3A_922 = tpu.vector_load %arg6[%get3A_921] {strides = array<i32>} : memref<25600xi32, #tpu.memory_space<vmem>>, vector<16xi32>,
      %ge3A_923 = arith.constant 900000 : i32
      %ge3A_924 = vector.broadcast %ge3A_923 : i32 to vector<16xi32>
      %ge3A_925 = arith.cmpi sge, %get3A_922, %ge3A_924 : vector<16xi32>
      %min3A_926 = arith.constant 899999 : i32
      %min3A_927 = vector.broadcast %min3A_926 : i32 to vector<16xi32>
      %min3A_928 = arith.minsi %get3A_922, %min3A_927 : vector<16xi32>
      %dma_start3A_929 = arith.constant 0 : i32
      %dma_start3A_930 = arith.constant 0 : i32
      %dma_start3A_931 = tpu.memref_slice %arg8[%dma_start3A_929, %dma_start3A_930] : memref<256x64xf32, #tpu.memory_space<vmem>> -> memref<16x64xf32, #tpu.memory_space<vmem>>
      %dma_start3A_932 = arith.constant 0 : i32
      %dma_start3A_933 = arith.constant 0 : i32
      %dma_start3A_934 = tpu.memref_slice %arg3[%dma_start3A_932, %dma_start3A_933] : memref<900000x64xf32, #tpu.memory_space<hbm>> -> memref<900000x64xf32, #tpu.memory_space<hbm>>
      tpu.enqueue_indirect_dma source(%dma_start3A_934 : memref<900000x64xf32, #tpu.memory_space<hbm>>) target(%dma_start3A_931 : memref<16x64xf32, #tpu.memory_space<vmem>>) offsets(%min3A_928 : vector<16xi32>) semaphore(%arg12 : memref<!tpu.dma_semaphore, #tpu.memory_space<semaphore_mem>>)
      %add3A_935 = arith.constant 16 : i32
      %add3A_936 = vector.broadcast %add3A_935 : i32 to vector<16xi32>
      %add3A_937 = arith.addi %iota3A, %add3A_936 : vector<16xi32>
      %select_n3A_938 = arith.select %ge3A_925, %iota3A, %add3A_937 : vector<16xi1>, vector<16xi32>
      %mul3A_939 = arith.constant 256 : i32
      %mul3A_940 = arith.muli %add3A_910, %mul3A_939 : i32
      %add3A_941 = arith.addi %mul3A_2, %mul3A_940 : i32
      %add3A_942 = arith.constant 0 : i32
      %add3A_943 = arith.addi %add3A_941, %add3A_942 : i32
      %add3A_944 = vector.broadcast %add3A_943 : i32 to vector<16xi32>
      %add3A_945 = arith.addi %iota3A, %add3A_944 : vector<16xi32>
      %masked_sort3A_946 = arith.constant dense<true> : vector<16xi1>
      %masked_sort3A_947 = arith.constant -2147483648 : i32
      %masked_sort3A_948 = vector.broadcast %masked_sort3A_947 : i32 to vector<16xi32>
      %masked_sort3A_949 = arith.xori %select_n3A_938, %masked_sort3A_948 : vector<16xi32>
      %masked_sort3A_950, %masked_sort3A_951, %masked_sort3A_952 = tpu.sort %masked_sort3A_949, %add3A_945 masked %masked_sort3A_946 : (vector<16xi32>, vector<16xi32>, vector<16xi1>) -> (vector<16xi1>, vector<16xi32>, vector<16xi32>)
      %masked_sort3A_953 = arith.xori %masked_sort3A_951, %masked_sort3A_948 : vector<16xi32>
      %swap3A_954 = arith.index_cast %add3A_803 : i32 to index
      %swap3A_955 = tpu.vector_load %arg9[%swap3A_954] {strides = array<i32>} : memref<25872xi32, #tpu.memory_space<vmem>>, vector<16xi32>,
      tpu.vector_store %arg9[%swap3A_954], %masked_sort3A_952 {strides = array<i32>} : memref<25872xi32, #tpu.memory_space<vmem>>, vector<16xi32>,
      %convert_element_type3A_956 = arith.extui %ge3A_925 : vector<16xi1> to vector<16xi32>
      %reduce_sum3A_957 = arith.constant true
      %reduce_sum3A_958 = vector.broadcast %reduce_sum3A_957 : i1 to vector<16xi1>
      %reduce_sum3A_959 = tpu.scan <sum>, %convert_element_type3A_956 masked %reduce_sum3A_958 : vector<16xi32>, vector<16xi1> -> vector<16xi32>
      %reduce_sum3A_960 = vector.extract %reduce_sum3A_959[15] : i32 from vector<16xi32>
      %add3A_961 = arith.addi %add3A_803, %reduce_sum3A_960 : i32
      %mul3A_962 = arith.constant 256 : i32
      %mul3A_963 = arith.muli %add3A_910, %mul3A_962 : i32
      %add3A_964 = arith.constant 16 : i32
      %add3A_965 = arith.addi %mul3A_963, %add3A_964 : i32
      %get3A_966 = arith.index_cast %add3A_965 : i32 to index
      %get3A_967 = tpu.vector_load %arg6[%get3A_966] {strides = array<i32>} : memref<25600xi32, #tpu.memory_space<vmem>>, vector<16xi32>,
      %ge3A_968 = arith.constant 900000 : i32
      %ge3A_969 = vector.broadcast %ge3A_968 : i32 to vector<16xi32>
      %ge3A_970 = arith.cmpi sge, %get3A_967, %ge3A_969 : vector<16xi32>
      %min3A_971 = arith.constant 899999 : i32
      %min3A_972 = vector.broadcast %min3A_971 : i32 to vector<16xi32>
      %min3A_973 = arith.minsi %get3A_967, %min3A_972 : vector<16xi32>
      %dma_start3A_974 = arith.constant 16 : i32
      %dma_start3A_975 = arith.constant 0 : i32
      %dma_start3A_976 = tpu.memref_slice %arg8[%dma_start3A_974, %dma_start3A_975] : memref<256x64xf32, #tpu.memory_space<vmem>> -> memref<16x64xf32, #tpu.memory_space<vmem>>
      %dma_start3A_977 = arith.constant 0 : i32
      %dma_start3A_978 = arith.constant 0 : i32
      %dma_start3A_979 = tpu.memref_slice %arg3[%dma_start3A_977, %dma_start3A_978] : memref<900000x64xf32, #tpu.memory_space<hbm>> -> memref<900000x64xf32, #tpu.memory_space<hbm>>
      tpu.enqueue_indirect_dma source(%dma_start3A_979 : memref<900000x64xf32, #tpu.memory_space<hbm>>) target(%dma_start3A_976 : memref<16x64xf32, #tpu.memory_space<vmem>>) offsets(%min3A_973 : vector<16xi32>) semaphore(%arg12 : memref<!tpu.dma_semaphore, #tpu.memory_space<semaphore_mem>>)
      %add3A_980 = arith.constant 16 : i32
      %add3A_981 = vector.broadcast %add3A_980 : i32 to vector<16xi32>
      %add3A_982 = arith.addi %iota3A, %add3A_981 : vector<16xi32>
      %select_n3A_983 = arith.select %ge3A_970, %iota3A, %add3A_982 : vector<16xi1>, vector<16xi32>
      %mul3A_984 = arith.constant 256 : i32
      %mul3A_985 = arith.muli %add3A_910, %mul3A_984 : i32
      %add3A_986 = arith.addi %mul3A_2, %mul3A_985 : i32
      %add3A_987 = arith.constant 16 : i32
      %add3A_988 = arith.addi %add3A_986, %add3A_987 : i32
      %add3A_989 = vector.broadcast %add3A_988 : i32 to vector<16xi32>
      %add3A_990 = arith.addi %iota3A, %add3A_989 : vector<16xi32>
      %masked_sort3A_991 = arith.constant dense<true> : vector<16xi1>
      %masked_sort3A_992 = arith.constant -2147483648 : i32
      %masked_sort3A_993 = vector.broadcast %masked_sort3A_992 : i32 to vector<16xi32>
      %masked_sort3A_994 = arith.xori %select_n3A_983, %masked_sort3A_993 : vector<16xi32>
      %masked_sort3A_995, %masked_sort3A_996, %masked_sort3A_997 = tpu.sort %masked_sort3A_994, %add3A_990 masked %masked_sort3A_991 : (vector<16xi32>, vector<16xi32>, vector<16xi1>) -> (vector<16xi1>, vector<16xi32>, vector<16xi32>)
      %masked_sort3A_998 = arith.xori %masked_sort3A_996, %masked_sort3A_993 : vector<16xi32>
      %swap3A_999 = arith.index_cast %add3A_961 : i32 to index
      %swap3A_1000 = tpu.vector_load %arg9[%swap3A_999] {strides = array<i32>} : memref<25872xi32, #tpu.memory_space<vmem>>, vector<16xi32>,
      tpu.vector_store %arg9[%swap3A_999], %masked_sort3A_997 {strides = array<i32>} : memref<25872xi32, #tpu.memory_space<vmem>>, vector<16xi32>,
      %convert_element_type3A_1001 = arith.extui %ge3A_970 : vector<16xi1> to vector<16xi32>
      %reduce_sum3A_1002 = arith.constant true
      %reduce_sum3A_1003 = vector.broadcast %reduce_sum3A_1002 : i1 to vector<16xi1>
      %reduce_sum3A_1004 = tpu.scan <sum>, %convert_element_type3A_1001 masked %reduce_sum3A_1003 : vector<16xi32>, vector<16xi1> -> vector<16xi32>
      %reduce_sum3A_1005 = vector.extract %reduce_sum3A_1004[15] : i32 from vector<16xi32>
      %add3A_1006 = arith.addi %add3A_961, %reduce_sum3A_1005 : i32
      %mul3A_1007 = arith.constant 256 : i32
      %mul3A_1008 = arith.muli %add3A_910, %mul3A_1007 : i32
      %add3A_1009 = arith.constant 32 : i32
      %add3A_1010 = arith.addi %mul3A_1008, %add3A_1009 : i32
      %get3A_1011 = arith.index_cast %add3A_1010 : i32 to index
      %get3A_1012 = tpu.vector_load %arg6[%get3A_1011] {strides = array<i32>} : memref<25600xi32, #tpu.memory_space<vmem>>, vector<16xi32>,
      %ge3A_1013 = arith.constant 900000 : i32
      %ge3A_1014 = vector.broadcast %ge3A_1013 : i32 to vector<16xi32>
      %ge3A_1015 = arith.cmpi sge, %get3A_1012, %ge3A_1014 : vector<16xi32>
      %min3A_1016 = arith.constant 899999 : i32
      %min3A_1017 = vector.broadcast %min3A_1016 : i32 to vector<16xi32>
      %min3A_1018 = arith.minsi %get3A_1012, %min3A_1017 : vector<16xi32>
      %dma_start3A_1019 = arith.constant 32 : i32
      %dma_start3A_1020 = arith.constant 0 : i32
      %dma_start3A_1021 = tpu.memref_slice %arg8[%dma_start3A_1019, %dma_start3A_1020] : memref<256x64xf32, #tpu.memory_space<vmem>> -> memref<16x64xf32, #tpu.memory_space<vmem>>
      %dma_start3A_1022 = arith.constant 0 : i32
      %dma_start3A_1023 = arith.constant 0 : i32
      %dma_start3A_1024 = tpu.memref_slice %arg3[%dma_start3A_1022, %dma_start3A_1023] : memref<900000x64xf32, #tpu.memory_space<hbm>> -> memref<900000x64xf32, #tpu.memory_space<hbm>>
      tpu.enqueue_indirect_dma source(%dma_start3A_1024 : memref<900000x64xf32, #tpu.memory_space<hbm>>) target(%dma_start3A_1021 : memref<16x64xf32, #tpu.memory_space<vmem>>) offsets(%min3A_1018 : vector<16xi32>) semaphore(%arg12 : memref<!tpu.dma_semaphore, #tpu.memory_space<semaphore_mem>>)
      %add3A_1025 = arith.constant 16 : i32
      %add3A_1026 = vector.broadcast %add3A_1025 : i32 to vector<16xi32>
      %add3A_1027 = arith.addi %iota3A, %add3A_1026 : vector<16xi32>
      %select_n3A_1028 = arith.select %ge3A_1015, %iota3A, %add3A_1027 : vector<16xi1>, vector<16xi32>
      %mul3A_1029 = arith.constant 256 : i32
      %mul3A_1030 = arith.muli %add3A_910, %mul3A_1029 : i32
      %add3A_1031 = arith.addi %mul3A_2, %mul3A_1030 : i32
      %add3A_1032 = arith.constant 32 : i32
      %add3A_1033 = arith.addi %add3A_1031, %add3A_1032 : i32
      %add3A_1034 = vector.broadcast %add3A_1033 : i32 to vector<16xi32>
      %add3A_1035 = arith.addi %iota3A, %add3A_1034 : vector<16xi32>
      %masked_sort3A_1036 = arith.constant dense<true> : vector<16xi1>
      %masked_sort3A_1037 = arith.constant -2147483648 : i32
      %masked_sort3A_1038 = vector.broadcast %masked_sort3A_1037 : i32 to vector<16xi32>
      %masked_sort3A_1039 = arith.xori %select_n3A_1028, %masked_sort3A_1038 : vector<16xi32>
      %masked_sort3A_1040, %masked_sort3A_1041, %masked_sort3A_1042 = tpu.sort %masked_sort3A_1039, %add3A_1035 masked %masked_sort3A_1036 : (vector<16xi32>, vector<16xi32>, vector<16xi1>) -> (vector<16xi1>, vector<16xi32>, vector<16xi32>)
      %masked_sort3A_1043 = arith.xori %masked_sort3A_1041, %masked_sort3A_1038 : vector<16xi32>
      %swap3A_1044 = arith.index_cast %add3A_1006 : i32 to index
      %swap3A_1045 = tpu.vector_load %arg9[%swap3A_1044] {strides = array<i32>} : memref<25872xi32, #tpu.memory_space<vmem>>, vector<16xi32>,
      tpu.vector_store %arg9[%swap3A_1044], %masked_sort3A_1042 {strides = array<i32>} : memref<25872xi32, #tpu.memory_space<vmem>>, vector<16xi32>,
      %convert_element_type3A_1046 = arith.extui %ge3A_1015 : vector<16xi1> to vector<16xi32>
      %reduce_sum3A_1047 = arith.constant true
      %reduce_sum3A_1048 = vector.broadcast %reduce_sum3A_1047 : i1 to vector<16xi1>
      %reduce_sum3A_1049 = tpu.scan <sum>, %convert_element_type3A_1046 masked %reduce_sum3A_1048 : vector<16xi32>, vector<16xi1> -> vector<16xi32>
      %reduce_sum3A_1050 = vector.extract %reduce_sum3A_1049[15] : i32 from vector<16xi32>
      %add3A_1051 = arith.addi %add3A_1006, %reduce_sum3A_1050 : i32
      %mul3A_1052 = arith.constant 256 : i32
      %mul3A_1053 = arith.muli %add3A_910, %mul3A_1052 : i32
      %add3A_1054 = arith.constant 48 : i32
      %add3A_1055 = arith.addi %mul3A_1053, %add3A_1054 : i32
      %get3A_1056 = arith.index_cast %add3A_1055 : i32 to index
      %get3A_1057 = tpu.vector_load %arg6[%get3A_1056] {strides = array<i32>} : memref<25600xi32, #tpu.memory_space<vmem>>, vector<16xi32>,
      %ge3A_1058 = arith.constant 900000 : i32
      %ge3A_1059 = vector.broadcast %ge3A_1058 : i32 to vector<16xi32>
      %ge3A_1060 = arith.cmpi sge, %get3A_1057, %ge3A_1059 : vector<16xi32>
      %min3A_1061 = arith.constant 899999 : i32
      %min3A_1062 = vector.broadcast %min3A_1061 : i32 to vector<16xi32>
      %min3A_1063 = arith.minsi %get3A_1057, %min3A_1062 : vector<16xi32>
      %dma_start3A_1064 = arith.constant 48 : i32
      %dma_start3A_1065 = arith.constant 0 : i32
      %dma_start3A_1066 = tpu.memref_slice %arg8[%dma_start3A_1064, %dma_start3A_1065] : memref<256x64xf32, #tpu.memory_space<vmem>> -> memref<16x64xf32, #tpu.memory_space<vmem>>
      %dma_start3A_1067 = arith.constant 0 : i32
      %dma_start3A_1068 = arith.constant 0 : i32
      %dma_start3A_1069 = tpu.memref_slice %arg3[%dma_start3A_1067, %dma_start3A_1068] : memref<900000x64xf32, #tpu.memory_space<hbm>> -> memref<900000x64xf32, #tpu.memory_space<hbm>>
      tpu.enqueue_indirect_dma source(%dma_start3A_1069 : memref<900000x64xf32, #tpu.memory_space<hbm>>) target(%dma_start3A_1066 : memref<16x64xf32, #tpu.memory_space<vmem>>) offsets(%min3A_1063 : vector<16xi32>) semaphore(%arg12 : memref<!tpu.dma_semaphore, #tpu.memory_space<semaphore_mem>>)
      %add3A_1070 = arith.constant 16 : i32
      %add3A_1071 = vector.broadcast %add3A_1070 : i32 to vector<16xi32>
      %add3A_1072 = arith.addi %iota3A, %add3A_1071 : vector<16xi32>
      %select_n3A_1073 = arith.select %ge3A_1060, %iota3A, %add3A_1072 : vector<16xi1>, vector<16xi32>
      %mul3A_1074 = arith.constant 256 : i32
      %mul3A_1075 = arith.muli %add3A_910, %mul3A_1074 : i32
      %add3A_1076 = arith.addi %mul3A_2, %mul3A_1075 : i32
      %add3A_1077 = arith.constant 48 : i32
      %add3A_1078 = arith.addi %add3A_1076, %add3A_1077 : i32
      %add3A_1079 = vector.broadcast %add3A_1078 : i32 to vector<16xi32>
      %add3A_1080 = arith.addi %iota3A, %add3A_1079 : vector<16xi32>
      %masked_sort3A_1081 = arith.constant dense<true> : vector<16xi1>
      %masked_sort3A_1082 = arith.constant -2147483648 : i32
      %masked_sort3A_1083 = vector.broadcast %masked_sort3A_1082 : i32 to vector<16xi32>
      %masked_sort3A_1084 = arith.xori %select_n3A_1073, %masked_sort3A_1083 : vector<16xi32>
      %masked_sort3A_1085, %masked_sort3A_1086, %masked_sort3A_1087 = tpu.sort %masked_sort3A_1084, %add3A_1080 masked %masked_sort3A_1081 : (vector<16xi32>, vector<16xi32>, vector<16xi1>) -> (vector<16xi1>, vector<16xi32>, vector<16xi32>)
      %masked_sort3A_1088 = arith.xori %masked_sort3A_1086, %masked_sort3A_1083 : vector<16xi32>
      %swap3A_1089 = arith.index_cast %add3A_1051 : i32 to index
      %swap3A_1090 = tpu.vector_load %arg9[%swap3A_1089] {strides = array<i32>} : memref<25872xi32, #tpu.memory_space<vmem>>, vector<16xi32>,
      tpu.vector_store %arg9[%swap3A_1089], %masked_sort3A_1087 {strides = array<i32>} : memref<25872xi32, #tpu.memory_space<vmem>>, vector<16xi32>,
      %convert_element_type3A_1091 = arith.extui %ge3A_1060 : vector<16xi1> to vector<16xi32>
      %reduce_sum3A_1092 = arith.constant true
      %reduce_sum3A_1093 = vector.broadcast %reduce_sum3A_1092 : i1 to vector<16xi1>
      %reduce_sum3A_1094 = tpu.scan <sum>, %convert_element_type3A_1091 masked %reduce_sum3A_1093 : vector<16xi32>, vector<16xi1> -> vector<16xi32>
      %reduce_sum3A_1095 = vector.extract %reduce_sum3A_1094[15] : i32 from vector<16xi32>
      %add3A_1096 = arith.addi %add3A_1051, %reduce_sum3A_1095 : i32
      %mul3A_1097 = arith.constant 256 : i32
      %mul3A_1098 = arith.muli %add3A_910, %mul3A_1097 : i32
      %add3A_1099 = arith.constant 64 : i32
      %add3A_1100 = arith.addi %mul3A_1098, %add3A_1099 : i32
      %get3A_1101 = arith.index_cast %add3A_1100 : i32 to index
      %get3A_1102 = tpu.vector_load %arg6[%get3A_1101] {strides = array<i32>} : memref<25600xi32, #tpu.memory_space<vmem>>, vector<16xi32>,
      %ge3A_1103 = arith.constant 900000 : i32
      %ge3A_1104 = vector.broadcast %ge3A_1103 : i32 to vector<16xi32>
      %ge3A_1105 = arith.cmpi sge, %get3A_1102, %ge3A_1104 : vector<16xi32>
      %min3A_1106 = arith.constant 899999 : i32
      %min3A_1107 = vector.broadcast %min3A_1106 : i32 to vector<16xi32>
      %min3A_1108 = arith.minsi %get3A_1102, %min3A_1107 : vector<16xi32>
      %dma_start3A_1109 = arith.constant 64 : i32
      %dma_start3A_1110 = arith.constant 0 : i32
      %dma_start3A_1111 = tpu.memref_slice %arg8[%dma_start3A_1109, %dma_start3A_1110] : memref<256x64xf32, #tpu.memory_space<vmem>> -> memref<16x64xf32, #tpu.memory_space<vmem>>
      %dma_start3A_1112 = arith.constant 0 : i32
      %dma_start3A_1113 = arith.constant 0 : i32
      %dma_start3A_1114 = tpu.memref_slice %arg3[%dma_start3A_1112, %dma_start3A_1113] : memref<900000x64xf32, #tpu.memory_space<hbm>> -> memref<900000x64xf32, #tpu.memory_space<hbm>>
      tpu.enqueue_indirect_dma source(%dma_start3A_1114 : memref<900000x64xf32, #tpu.memory_space<hbm>>) target(%dma_start3A_1111 : memref<16x64xf32, #tpu.memory_space<vmem>>) offsets(%min3A_1108 : vector<16xi32>) semaphore(%arg12 : memref<!tpu.dma_semaphore, #tpu.memory_space<semaphore_mem>>)
      %add3A_1115 = arith.constant 16 : i32
      %add3A_1116 = vector.broadcast %add3A_1115 : i32 to vector<16xi32>
      %add3A_1117 = arith.addi %iota3A, %add3A_1116 : vector<16xi32>
      %select_n3A_1118 = arith.select %ge3A_1105, %iota3A, %add3A_1117 : vector<16xi1>, vector<16xi32>
      %mul3A_1119 = arith.constant 256 : i32
      %mul3A_1120 = arith.muli %add3A_910, %mul3A_1119 : i32
      %add3A_1121 = arith.addi %mul3A_2, %mul3A_1120 : i32
      %add3A_1122 = arith.constant 64 : i32
      %add3A_1123 = arith.addi %add3A_1121, %add3A_1122 : i32
      %add3A_1124 = vector.broadcast %add3A_1123 : i32 to vector<16xi32>
      %add3A_1125 = arith.addi %iota3A, %add3A_1124 : vector<16xi32>
      %masked_sort3A_1126 = arith.constant dense<true> : vector<16xi1>
      %masked_sort3A_1127 = arith.constant -2147483648 : i32
      %masked_sort3A_1128 = vector.broadcast %masked_sort3A_1127 : i32 to vector<16xi32>
      %masked_sort3A_1129 = arith.xori %select_n3A_1118, %masked_sort3A_1128 : vector<16xi32>
      %masked_sort3A_1130, %masked_sort3A_1131, %masked_sort3A_1132 = tpu.sort %masked_sort3A_1129, %add3A_1125 masked %masked_sort3A_1126 : (vector<16xi32>, vector<16xi32>, vector<16xi1>) -> (vector<16xi1>, vector<16xi32>, vector<16xi32>)
      %masked_sort3A_1133 = arith.xori %masked_sort3A_1131, %masked_sort3A_1128 : vector<16xi32>
      %swap3A_1134 = arith.index_cast %add3A_1096 : i32 to index
      %swap3A_1135 = tpu.vector_load %arg9[%swap3A_1134] {strides = array<i32>} : memref<25872xi32, #tpu.memory_space<vmem>>, vector<16xi32>,
      tpu.vector_store %arg9[%swap3A_1134], %masked_sort3A_1132 {strides = array<i32>} : memref<25872xi32, #tpu.memory_space<vmem>>, vector<16xi32>,
      %convert_element_type3A_1136 = arith.extui %ge3A_1105 : vector<16xi1> to vector<16xi32>
      %reduce_sum3A_1137 = arith.constant true
      %reduce_sum3A_1138 = vector.broadcast %reduce_sum3A_1137 : i1 to vector<16xi1>
      %reduce_sum3A_1139 = tpu.scan <sum>, %convert_element_type3A_1136 masked %reduce_sum3A_1138 : vector<16xi32>, vector<16xi1> -> vector<16xi32>
      %reduce_sum3A_1140 = vector.extract %reduce_sum3A_1139[15] : i32 from vector<16xi32>
      %add3A_1141 = arith.addi %add3A_1096, %reduce_sum3A_1140 : i32
      %mul3A_1142 = arith.constant 256 : i32
      %mul3A_1143 = arith.muli %add3A_910, %mul3A_1142 : i32
      %add3A_1144 = arith.constant 80 : i32
      %add3A_1145 = arith.addi %mul3A_1143, %add3A_1144 : i32
      %get3A_1146 = arith.index_cast %add3A_1145 : i32 to index
      %get3A_1147 = tpu.vector_load %arg6[%get3A_1146] {strides = array<i32>} : memref<25600xi32, #tpu.memory_space<vmem>>, vector<16xi32>,
      %ge3A_1148 = arith.constant 900000 : i32
      %ge3A_1149 = vector.broadcast %ge3A_1148 : i32 to vector<16xi32>
      %ge3A_1150 = arith.cmpi sge, %get3A_1147, %ge3A_1149 : vector<16xi32>
      %min3A_1151 = arith.constant 899999 : i32
      %min3A_1152 = vector.broadcast %min3A_1151 : i32 to vector<16xi32>
      %min3A_1153 = arith.minsi %get3A_1147, %min3A_1152 : vector<16xi32>
      %dma_start3A_1154 = arith.constant 80 : i32
      %dma_start3A_1155 = arith.constant 0 : i32
      %dma_start3A_1156 = tpu.memref_slice %arg8[%dma_start3A_1154, %dma_start3A_1155] : memref<256x64xf32, #tpu.memory_space<vmem>> -> memref<16x64xf32, #tpu.memory_space<vmem>>
      %dma_start3A_1157 = arith.constant 0 : i32
      %dma_start3A_1158 = arith.constant 0 : i32
      %dma_start3A_1159 = tpu.memref_slice %arg3[%dma_start3A_1157, %dma_start3A_1158] : memref<900000x64xf32, #tpu.memory_space<hbm>> -> memref<900000x64xf32, #tpu.memory_space<hbm>>
      tpu.enqueue_indirect_dma source(%dma_start3A_1159 : memref<900000x64xf32, #tpu.memory_space<hbm>>) target(%dma_start3A_1156 : memref<16x64xf32, #tpu.memory_space<vmem>>) offsets(%min3A_1153 : vector<16xi32>) semaphore(%arg12 : memref<!tpu.dma_semaphore, #tpu.memory_space<semaphore_mem>>)
      %add3A_1160 = arith.constant 16 : i32
      %add3A_1161 = vector.broadcast %add3A_1160 : i32 to vector<16xi32>
      %add3A_1162 = arith.addi %iota3A, %add3A_1161 : vector<16xi32>
      %select_n3A_1163 = arith.select %ge3A_1150, %iota3A, %add3A_1162 : vector<16xi1>, vector<16xi32>
      %mul3A_1164 = arith.constant 256 : i32
      %mul3A_1165 = arith.muli %add3A_910, %mul3A_1164 : i32
      %add3A_1166 = arith.addi %mul3A_2, %mul3A_1165 : i32
      %add3A_1167 = arith.constant 80 : i32
      %add3A_1168 = arith.addi %add3A_1166, %add3A_1167 : i32
      %add3A_1169 = vector.broadcast %add3A_1168 : i32 to vector<16xi32>
      %add3A_1170 = arith.addi %iota3A, %add3A_1169 : vector<16xi32>
      %masked_sort3A_1171 = arith.constant dense<true> : vector<16xi1>
      %masked_sort3A_1172 = arith.constant -2147483648 : i32
      %masked_sort3A_1173 = vector.broadcast %masked_sort3A_1172 : i32 to vector<16xi32>
      %masked_sort3A_1174 = arith.xori %select_n3A_1163, %masked_sort3A_1173 : vector<16xi32>
      %masked_sort3A_1175, %masked_sort3A_1176, %masked_sort3A_1177 = tpu.sort %masked_sort3A_1174, %add3A_1170 masked %masked_sort3A_1171 : (vector<16xi32>, vector<16xi32>, vector<16xi1>) -> (vector<16xi1>, vector<16xi32>, vector<16xi32>)
      %masked_sort3A_1178 = arith.xori %masked_sort3A_1176, %masked_sort3A_1173 : vector<16xi32>
      %swap3A_1179 = arith.index_cast %add3A_1141 : i32 to index
      %swap3A_1180 = tpu.vector_load %arg9[%swap3A_1179] {strides = array<i32>} : memref<25872xi32, #tpu.memory_space<vmem>>, vector<16xi32>,
      tpu.vector_store %arg9[%swap3A_1179], %masked_sort3A_1177 {strides = array<i32>} : memref<25872xi32, #tpu.memory_space<vmem>>, vector<16xi32>,
      %convert_element_type3A_1181 = arith.extui %ge3A_1150 : vector<16xi1> to vector<16xi32>
      %reduce_sum3A_1182 = arith.constant true
      %reduce_sum3A_1183 = vector.broadcast %reduce_sum3A_1182 : i1 to vector<16xi1>
      %reduce_sum3A_1184 = tpu.scan <sum>, %convert_element_type3A_1181 masked %reduce_sum3A_1183 : vector<16xi32>, vector<16xi1> -> vector<16xi32>
      %reduce_sum3A_1185 = vector.extract %reduce_sum3A_1184[15] : i32 from vector<16xi32>
      %add3A_1186 = arith.addi %add3A_1141, %reduce_sum3A_1185 : i32
      %mul3A_1187 = arith.constant 256 : i32
      %mul3A_1188 = arith.muli %add3A_910, %mul3A_1187 : i32
      %add3A_1189 = arith.constant 96 : i32
      %add3A_1190 = arith.addi %mul3A_1188, %add3A_1189 : i32
      %get3A_1191 = arith.index_cast %add3A_1190 : i32 to index
      %get3A_1192 = tpu.vector_load %arg6[%get3A_1191] {strides = array<i32>} : memref<25600xi32, #tpu.memory_space<vmem>>, vector<16xi32>,
      %ge3A_1193 = arith.constant 900000 : i32
      %ge3A_1194 = vector.broadcast %ge3A_1193 : i32 to vector<16xi32>
      %ge3A_1195 = arith.cmpi sge, %get3A_1192, %ge3A_1194 : vector<16xi32>
      %min3A_1196 = arith.constant 899999 : i32
      %min3A_1197 = vector.broadcast %min3A_1196 : i32 to vector<16xi32>
      %min3A_1198 = arith.minsi %get3A_1192, %min3A_1197 : vector<16xi32>
      %dma_start3A_1199 = arith.constant 96 : i32
      %dma_start3A_1200 = arith.constant 0 : i32
      %dma_start3A_1201 = tpu.memref_slice %arg8[%dma_start3A_1199, %dma_start3A_1200] : memref<256x64xf32, #tpu.memory_space<vmem>> -> memref<16x64xf32, #tpu.memory_space<vmem>>
      %dma_start3A_1202 = arith.constant 0 : i32
      %dma_start3A_1203 = arith.constant 0 : i32
      %dma_start3A_1204 = tpu.memref_slice %arg3[%dma_start3A_1202, %dma_start3A_1203] : memref<900000x64xf32, #tpu.memory_space<hbm>> -> memref<900000x64xf32, #tpu.memory_space<hbm>>
      tpu.enqueue_indirect_dma source(%dma_start3A_1204 : memref<900000x64xf32, #tpu.memory_space<hbm>>) target(%dma_start3A_1201 : memref<16x64xf32, #tpu.memory_space<vmem>>) offsets(%min3A_1198 : vector<16xi32>) semaphore(%arg12 : memref<!tpu.dma_semaphore, #tpu.memory_space<semaphore_mem>>)
      %add3A_1205 = arith.constant 16 : i32
      %add3A_1206 = vector.broadcast %add3A_1205 : i32 to vector<16xi32>
      %add3A_1207 = arith.addi %iota3A, %add3A_1206 : vector<16xi32>
      %select_n3A_1208 = arith.select %ge3A_1195, %iota3A, %add3A_1207 : vector<16xi1>, vector<16xi32>
      %mul3A_1209 = arith.constant 256 : i32
      %mul3A_1210 = arith.muli %add3A_910, %mul3A_1209 : i32
      %add3A_1211 = arith.addi %mul3A_2, %mul3A_1210 : i32
      %add3A_1212 = arith.constant 96 : i32
      %add3A_1213 = arith.addi %add3A_1211, %add3A_1212 : i32
      %add3A_1214 = vector.broadcast %add3A_1213 : i32 to vector<16xi32>
      %add3A_1215 = arith.addi %iota3A, %add3A_1214 : vector<16xi32>
      %masked_sort3A_1216 = arith.constant dense<true> : vector<16xi1>
      %masked_sort3A_1217 = arith.constant -2147483648 : i32
      %masked_sort3A_1218 = vector.broadcast %masked_sort3A_1217 : i32 to vector<16xi32>
      %masked_sort3A_1219 = arith.xori %select_n3A_1208, %masked_sort3A_1218 : vector<16xi32>
      %masked_sort3A_1220, %masked_sort3A_1221, %masked_sort3A_1222 = tpu.sort %masked_sort3A_1219, %add3A_1215 masked %masked_sort3A_1216 : (vector<16xi32>, vector<16xi32>, vector<16xi1>) -> (vector<16xi1>, vector<16xi32>, vector<16xi32>)
      %masked_sort3A_1223 = arith.xori %masked_sort3A_1221, %masked_sort3A_1218 : vector<16xi32>
      %swap3A_1224 = arith.index_cast %add3A_1186 : i32 to index
      %swap3A_1225 = tpu.vector_load %arg9[%swap3A_1224] {strides = array<i32>} : memref<25872xi32, #tpu.memory_space<vmem>>, vector<16xi32>,
      tpu.vector_store %arg9[%swap3A_1224], %masked_sort3A_1222 {strides = array<i32>} : memref<25872xi32, #tpu.memory_space<vmem>>, vector<16xi32>,
      %convert_element_type3A_1226 = arith.extui %ge3A_1195 : vector<16xi1> to vector<16xi32>
      %reduce_sum3A_1227 = arith.constant true
      %reduce_sum3A_1228 = vector.broadcast %reduce_sum3A_1227 : i1 to vector<16xi1>
      %reduce_sum3A_1229 = tpu.scan <sum>, %convert_element_type3A_1226 masked %reduce_sum3A_1228 : vector<16xi32>, vector<16xi1> -> vector<16xi32>
      %reduce_sum3A_1230 = vector.extract %reduce_sum3A_1229[15] : i32 from vector<16xi32>
      %add3A_1231 = arith.addi %add3A_1186, %reduce_sum3A_1230 : i32
      %mul3A_1232 = arith.constant 256 : i32
      %mul3A_1233 = arith.muli %add3A_910, %mul3A_1232 : i32
      %add3A_1234 = arith.constant 112 : i32
      %add3A_1235 = arith.addi %mul3A_1233, %add3A_1234 : i32
      %get3A_1236 = arith.index_cast %add3A_1235 : i32 to index
      %get3A_1237 = tpu.vector_load %arg6[%get3A_1236] {strides = array<i32>} : memref<25600xi32, #tpu.memory_space<vmem>>, vector<16xi32>,
      %ge3A_1238 = arith.constant 900000 : i32
      %ge3A_1239 = vector.broadcast %ge3A_1238 : i32 to vector<16xi32>
      %ge3A_1240 = arith.cmpi sge, %get3A_1237, %ge3A_1239 : vector<16xi32>
      %min3A_1241 = arith.constant 899999 : i32
      %min3A_1242 = vector.broadcast %min3A_1241 : i32 to vector<16xi32>
      %min3A_1243 = arith.minsi %get3A_1237, %min3A_1242 : vector<16xi32>
      %dma_start3A_1244 = arith.constant 112 : i32
      %dma_start3A_1245 = arith.constant 0 : i32
      %dma_start3A_1246 = tpu.memref_slice %arg8[%dma_start3A_1244, %dma_start3A_1245] : memref<256x64xf32, #tpu.memory_space<vmem>> -> memref<16x64xf32, #tpu.memory_space<vmem>>
      %dma_start3A_1247 = arith.constant 0 : i32
      %dma_start3A_1248 = arith.constant 0 : i32
      %dma_start3A_1249 = tpu.memref_slice %arg3[%dma_start3A_1247, %dma_start3A_1248] : memref<900000x64xf32, #tpu.memory_space<hbm>> -> memref<900000x64xf32, #tpu.memory_space<hbm>>
      tpu.enqueue_indirect_dma source(%dma_start3A_1249 : memref<900000x64xf32, #tpu.memory_space<hbm>>) target(%dma_start3A_1246 : memref<16x64xf32, #tpu.memory_space<vmem>>) offsets(%min3A_1243 : vector<16xi32>) semaphore(%arg12 : memref<!tpu.dma_semaphore, #tpu.memory_space<semaphore_mem>>)
      %add3A_1250 = arith.constant 16 : i32
      %add3A_1251 = vector.broadcast %add3A_1250 : i32 to vector<16xi32>
      %add3A_1252 = arith.addi %iota3A, %add3A_1251 : vector<16xi32>
      %select_n3A_1253 = arith.select %ge3A_1240, %iota3A, %add3A_1252 : vector<16xi1>, vector<16xi32>
      %mul3A_1254 = arith.constant 256 : i32
      %mul3A_1255 = arith.muli %add3A_910, %mul3A_1254 : i32
      %add3A_1256 = arith.addi %mul3A_2, %mul3A_1255 : i32
      %add3A_1257 = arith.constant 112 : i32
      %add3A_1258 = arith.addi %add3A_1256, %add3A_1257 : i32
      %add3A_1259 = vector.broadcast %add3A_1258 : i32 to vector<16xi32>
      %add3A_1260 = arith.addi %iota3A, %add3A_1259 : vector<16xi32>
      %masked_sort3A_1261 = arith.constant dense<true> : vector<16xi1>
      %masked_sort3A_1262 = arith.constant -2147483648 : i32
      %masked_sort3A_1263 = vector.broadcast %masked_sort3A_1262 : i32 to vector<16xi32>
      %masked_sort3A_1264 = arith.xori %select_n3A_1253, %masked_sort3A_1263 : vector<16xi32>
      %masked_sort3A_1265, %masked_sort3A_1266, %masked_sort3A_1267 = tpu.sort %masked_sort3A_1264, %add3A_1260 masked %masked_sort3A_1261 : (vector<16xi32>, vector<16xi32>, vector<16xi1>) -> (vector<16xi1>, vector<16xi32>, vector<16xi32>)
      %masked_sort3A_1268 = arith.xori %masked_sort3A_1266, %masked_sort3A_1263 : vector<16xi32>
      %swap3A_1269 = arith.index_cast %add3A_1231 : i32 to index
      %swap3A_1270 = tpu.vector_load %arg9[%swap3A_1269] {strides = array<i32>} : memref<25872xi32, #tpu.memory_space<vmem>>, vector<16xi32>,
      tpu.vector_store %arg9[%swap3A_1269], %masked_sort3A_1267 {strides = array<i32>} : memref<25872xi32, #tpu.memory_space<vmem>>, vector<16xi32>,
      %convert_element_type3A_1271 = arith.extui %ge3A_1240 : vector<16xi1> to vector<16xi32>
      %reduce_sum3A_1272 = arith.constant true
      %reduce_sum3A_1273 = vector.broadcast %reduce_sum3A_1272 : i1 to vector<16xi1>
      %reduce_sum3A_1274 = tpu.scan <sum>, %convert_element_type3A_1271 masked %reduce_sum3A_1273 : vector<16xi32>, vector<16xi1> -> vector<16xi32>
      %reduce_sum3A_1275 = vector.extract %reduce_sum3A_1274[15] : i32 from vector<16xi32>
      %add3A_1276 = arith.addi %add3A_1231, %reduce_sum3A_1275 : i32
      %mul3A_1277 = arith.constant 256 : i32
      %mul3A_1278 = arith.muli %add3A_910, %mul3A_1277 : i32
      %add3A_1279 = arith.constant 128 : i32
      %add3A_1280 = arith.addi %mul3A_1278, %add3A_1279 : i32
      %get3A_1281 = arith.index_cast %add3A_1280 : i32 to index
      %get3A_1282 = tpu.vector_load %arg6[%get3A_1281] {strides = array<i32>} : memref<25600xi32, #tpu.memory_space<vmem>>, vector<16xi32>,
      %ge3A_1283 = arith.constant 900000 : i32
      %ge3A_1284 = vector.broadcast %ge3A_1283 : i32 to vector<16xi32>
      %ge3A_1285 = arith.cmpi sge, %get3A_1282, %ge3A_1284 : vector<16xi32>
      %min3A_1286 = arith.constant 899999 : i32
      %min3A_1287 = vector.broadcast %min3A_1286 : i32 to vector<16xi32>
      %min3A_1288 = arith.minsi %get3A_1282, %min3A_1287 : vector<16xi32>
      %dma_start3A_1289 = arith.constant 128 : i32
      %dma_start3A_1290 = arith.constant 0 : i32
      %dma_start3A_1291 = tpu.memref_slice %arg8[%dma_start3A_1289, %dma_start3A_1290] : memref<256x64xf32, #tpu.memory_space<vmem>> -> memref<16x64xf32, #tpu.memory_space<vmem>>
      %dma_start3A_1292 = arith.constant 0 : i32
      %dma_start3A_1293 = arith.constant 0 : i32
      %dma_start3A_1294 = tpu.memref_slice %arg3[%dma_start3A_1292, %dma_start3A_1293] : memref<900000x64xf32, #tpu.memory_space<hbm>> -> memref<900000x64xf32, #tpu.memory_space<hbm>>
      tpu.enqueue_indirect_dma source(%dma_start3A_1294 : memref<900000x64xf32, #tpu.memory_space<hbm>>) target(%dma_start3A_1291 : memref<16x64xf32, #tpu.memory_space<vmem>>) offsets(%min3A_1288 : vector<16xi32>) semaphore(%arg12 : memref<!tpu.dma_semaphore, #tpu.memory_space<semaphore_mem>>)
      %add3A_1295 = arith.constant 16 : i32
      %add3A_1296 = vector.broadcast %add3A_1295 : i32 to vector<16xi32>
      %add3A_1297 = arith.addi %iota3A, %add3A_1296 : vector<16xi32>
      %select_n3A_1298 = arith.select %ge3A_1285, %iota3A, %add3A_1297 : vector<16xi1>, vector<16xi32>
      %mul3A_1299 = arith.constant 256 : i32
      %mul3A_1300 = arith.muli %add3A_910, %mul3A_1299 : i32
      %add3A_1301 = arith.addi %mul3A_2, %mul3A_1300 : i32
      %add3A_1302 = arith.constant 128 : i32
      %add3A_1303 = arith.addi %add3A_1301, %add3A_1302 : i32
      %add3A_1304 = vector.broadcast %add3A_1303 : i32 to vector<16xi32>
      %add3A_1305 = arith.addi %iota3A, %add3A_1304 : vector<16xi32>
      %masked_sort3A_1306 = arith.constant dense<true> : vector<16xi1>
      %masked_sort3A_1307 = arith.constant -2147483648 : i32
      %masked_sort3A_1308 = vector.broadcast %masked_sort3A_1307 : i32 to vector<16xi32>
      %masked_sort3A_1309 = arith.xori %select_n3A_1298, %masked_sort3A_1308 : vector<16xi32>
      %masked_sort3A_1310, %masked_sort3A_1311, %masked_sort3A_1312 = tpu.sort %masked_sort3A_1309, %add3A_1305 masked %masked_sort3A_1306 : (vector<16xi32>, vector<16xi32>, vector<16xi1>) -> (vector<16xi1>, vector<16xi32>, vector<16xi32>)
      %masked_sort3A_1313 = arith.xori %masked_sort3A_1311, %masked_sort3A_1308 : vector<16xi32>
      %swap3A_1314 = arith.index_cast %add3A_1276 : i32 to index
      %swap3A_1315 = tpu.vector_load %arg9[%swap3A_1314] {strides = array<i32>} : memref<25872xi32, #tpu.memory_space<vmem>>, vector<16xi32>,
      tpu.vector_store %arg9[%swap3A_1314], %masked_sort3A_1312 {strides = array<i32>} : memref<25872xi32, #tpu.memory_space<vmem>>, vector<16xi32>,
      %convert_element_type3A_1316 = arith.extui %ge3A_1285 : vector<16xi1> to vector<16xi32>
      %reduce_sum3A_1317 = arith.constant true
      %reduce_sum3A_1318 = vector.broadcast %reduce_sum3A_1317 : i1 to vector<16xi1>
      %reduce_sum3A_1319 = tpu.scan <sum>, %convert_element_type3A_1316 masked %reduce_sum3A_1318 : vector<16xi32>, vector<16xi1> -> vector<16xi32>
      %reduce_sum3A_1320 = vector.extract %reduce_sum3A_1319[15] : i32 from vector<16xi32>
      %add3A_1321 = arith.addi %add3A_1276, %reduce_sum3A_1320 : i32
      %mul3A_1322 = arith.constant 256 : i32
      %mul3A_1323 = arith.muli %add3A_910, %mul3A_1322 : i32
      %add3A_1324 = arith.constant 144 : i32
      %add3A_1325 = arith.addi %mul3A_1323, %add3A_1324 : i32
      %get3A_1326 = arith.index_cast %add3A_1325 : i32 to index
      %get3A_1327 = tpu.vector_load %arg6[%get3A_1326] {strides = array<i32>} : memref<25600xi32, #tpu.memory_space<vmem>>, vector<16xi32>,
      %ge3A_1328 = arith.constant 900000 : i32
      %ge3A_1329 = vector.broadcast %ge3A_1328 : i32 to vector<16xi32>
      %ge3A_1330 = arith.cmpi sge, %get3A_1327, %ge3A_1329 : vector<16xi32>
      %min3A_1331 = arith.constant 899999 : i32
      %min3A_1332 = vector.broadcast %min3A_1331 : i32 to vector<16xi32>
      %min3A_1333 = arith.minsi %get3A_1327, %min3A_1332 : vector<16xi32>
      %dma_start3A_1334 = arith.constant 144 : i32
      %dma_start3A_1335 = arith.constant 0 : i32
      %dma_start3A_1336 = tpu.memref_slice %arg8[%dma_start3A_1334, %dma_start3A_1335] : memref<256x64xf32, #tpu.memory_space<vmem>> -> memref<16x64xf32, #tpu.memory_space<vmem>>
      %dma_start3A_1337 = arith.constant 0 : i32
      %dma_start3A_1338 = arith.constant 0 : i32
      %dma_start3A_1339 = tpu.memref_slice %arg3[%dma_start3A_1337, %dma_start3A_1338] : memref<900000x64xf32, #tpu.memory_space<hbm>> -> memref<900000x64xf32, #tpu.memory_space<hbm>>
      tpu.enqueue_indirect_dma source(%dma_start3A_1339 : memref<900000x64xf32, #tpu.memory_space<hbm>>) target(%dma_start3A_1336 : memref<16x64xf32, #tpu.memory_space<vmem>>) offsets(%min3A_1333 : vector<16xi32>) semaphore(%arg12 : memref<!tpu.dma_semaphore, #tpu.memory_space<semaphore_mem>>)
      %add3A_1340 = arith.constant 16 : i32
      %add3A_1341 = vector.broadcast %add3A_1340 : i32 to vector<16xi32>
      %add3A_1342 = arith.addi %iota3A, %add3A_1341 : vector<16xi32>
      %select_n3A_1343 = arith.select %ge3A_1330, %iota3A, %add3A_1342 : vector<16xi1>, vector<16xi32>
      %mul3A_1344 = arith.constant 256 : i32
      %mul3A_1345 = arith.muli %add3A_910, %mul3A_1344 : i32
      %add3A_1346 = arith.addi %mul3A_2, %mul3A_1345 : i32
      %add3A_1347 = arith.constant 144 : i32
      %add3A_1348 = arith.addi %add3A_1346, %add3A_1347 : i32
      %add3A_1349 = vector.broadcast %add3A_1348 : i32 to vector<16xi32>
      %add3A_1350 = arith.addi %iota3A, %add3A_1349 : vector<16xi32>
      %masked_sort3A_1351 = arith.constant dense<true> : vector<16xi1>
      %masked_sort3A_1352 = arith.constant -2147483648 : i32
      %masked_sort3A_1353 = vector.broadcast %masked_sort3A_1352 : i32 to vector<16xi32>
      %masked_sort3A_1354 = arith.xori %select_n3A_1343, %masked_sort3A_1353 : vector<16xi32>
      %masked_sort3A_1355, %masked_sort3A_1356, %masked_sort3A_1357 = tpu.sort %masked_sort3A_1354, %add3A_1350 masked %masked_sort3A_1351 : (vector<16xi32>, vector<16xi32>, vector<16xi1>) -> (vector<16xi1>, vector<16xi32>, vector<16xi32>)
      %masked_sort3A_1358 = arith.xori %masked_sort3A_1356, %masked_sort3A_1353 : vector<16xi32>
      %swap3A_1359 = arith.index_cast %add3A_1321 : i32 to index
      %swap3A_1360 = tpu.vector_load %arg9[%swap3A_1359] {strides = array<i32>} : memref<25872xi32, #tpu.memory_space<vmem>>, vector<16xi32>,
      tpu.vector_store %arg9[%swap3A_1359], %masked_sort3A_1357 {strides = array<i32>} : memref<25872xi32, #tpu.memory_space<vmem>>, vector<16xi32>,
      %convert_element_type3A_1361 = arith.extui %ge3A_1330 : vector<16xi1> to vector<16xi32>
      %reduce_sum3A_1362 = arith.constant true
      %reduce_sum3A_1363 = vector.broadcast %reduce_sum3A_1362 : i1 to vector<16xi1>
      %reduce_sum3A_1364 = tpu.scan <sum>, %convert_element_type3A_1361 masked %reduce_sum3A_1363 : vector<16xi32>, vector<16xi1> -> vector<16xi32>
      %reduce_sum3A_1365 = vector.extract %reduce_sum3A_1364[15] : i32 from vector<16xi32>
      %add3A_1366 = arith.addi %add3A_1321, %reduce_sum3A_1365 : i32
      %mul3A_1367 = arith.constant 256 : i32
      %mul3A_1368 = arith.muli %add3A_910, %mul3A_1367 : i32
      %add3A_1369 = arith.constant 160 : i32
      %add3A_1370 = arith.addi %mul3A_1368, %add3A_1369 : i32
      %get3A_1371 = arith.index_cast %add3A_1370 : i32 to index
      %get3A_1372 = tpu.vector_load %arg6[%get3A_1371] {strides = array<i32>} : memref<25600xi32, #tpu.memory_space<vmem>>, vector<16xi32>,
      %ge3A_1373 = arith.constant 900000 : i32
      %ge3A_1374 = vector.broadcast %ge3A_1373 : i32 to vector<16xi32>
      %ge3A_1375 = arith.cmpi sge, %get3A_1372, %ge3A_1374 : vector<16xi32>
      %min3A_1376 = arith.constant 899999 : i32
      %min3A_1377 = vector.broadcast %min3A_1376 : i32 to vector<16xi32>
      %min3A_1378 = arith.minsi %get3A_1372, %min3A_1377 : vector<16xi32>
      %dma_start3A_1379 = arith.constant 160 : i32
      %dma_start3A_1380 = arith.constant 0 : i32
      %dma_start3A_1381 = tpu.memref_slice %arg8[%dma_start3A_1379, %dma_start3A_1380] : memref<256x64xf32, #tpu.memory_space<vmem>> -> memref<16x64xf32, #tpu.memory_space<vmem>>
      %dma_start3A_1382 = arith.constant 0 : i32
      %dma_start3A_1383 = arith.constant 0 : i32
      %dma_start3A_1384 = tpu.memref_slice %arg3[%dma_start3A_1382, %dma_start3A_1383] : memref<900000x64xf32, #tpu.memory_space<hbm>> -> memref<900000x64xf32, #tpu.memory_space<hbm>>
      tpu.enqueue_indirect_dma source(%dma_start3A_1384 : memref<900000x64xf32, #tpu.memory_space<hbm>>) target(%dma_start3A_1381 : memref<16x64xf32, #tpu.memory_space<vmem>>) offsets(%min3A_1378 : vector<16xi32>) semaphore(%arg12 : memref<!tpu.dma_semaphore, #tpu.memory_space<semaphore_mem>>)
      %add3A_1385 = arith.constant 16 : i32
      %add3A_1386 = vector.broadcast %add3A_1385 : i32 to vector<16xi32>
      %add3A_1387 = arith.addi %iota3A, %add3A_1386 : vector<16xi32>
      %select_n3A_1388 = arith.select %ge3A_1375, %iota3A, %add3A_1387 : vector<16xi1>, vector<16xi32>
      %mul3A_1389 = arith.constant 256 : i32
      %mul3A_1390 = arith.muli %add3A_910, %mul3A_1389 : i32
      %add3A_1391 = arith.addi %mul3A_2, %mul3A_1390 : i32
      %add3A_1392 = arith.constant 160 : i32
      %add3A_1393 = arith.addi %add3A_1391, %add3A_1392 : i32
      %add3A_1394 = vector.broadcast %add3A_1393 : i32 to vector<16xi32>
      %add3A_1395 = arith.addi %iota3A, %add3A_1394 : vector<16xi32>
      %masked_sort3A_1396 = arith.constant dense<true> : vector<16xi1>
      %masked_sort3A_1397 = arith.constant -2147483648 : i32
      %masked_sort3A_1398 = vector.broadcast %masked_sort3A_1397 : i32 to vector<16xi32>
      %masked_sort3A_1399 = arith.xori %select_n3A_1388, %masked_sort3A_1398 : vector<16xi32>
      %masked_sort3A_1400, %masked_sort3A_1401, %masked_sort3A_1402 = tpu.sort %masked_sort3A_1399, %add3A_1395 masked %masked_sort3A_1396 : (vector<16xi32>, vector<16xi32>, vector<16xi1>) -> (vector<16xi1>, vector<16xi32>, vector<16xi32>)
      %masked_sort3A_1403 = arith.xori %masked_sort3A_1401, %masked_sort3A_1398 : vector<16xi32>
      %swap3A_1404 = arith.index_cast %add3A_1366 : i32 to index
      %swap3A_1405 = tpu.vector_load %arg9[%swap3A_1404] {strides = array<i32>} : memref<25872xi32, #tpu.memory_space<vmem>>, vector<16xi32>,
      tpu.vector_store %arg9[%swap3A_1404], %masked_sort3A_1402 {strides = array<i32>} : memref<25872xi32, #tpu.memory_space<vmem>>, vector<16xi32>,
      %convert_element_type3A_1406 = arith.extui %ge3A_1375 : vector<16xi1> to vector<16xi32>
      %reduce_sum3A_1407 = arith.constant true
      %reduce_sum3A_1408 = vector.broadcast %reduce_sum3A_1407 : i1 to vector<16xi1>
      %reduce_sum3A_1409 = tpu.scan <sum>, %convert_element_type3A_1406 masked %reduce_sum3A_1408 : vector<16xi32>, vector<16xi1> -> vector<16xi32>
      %reduce_sum3A_1410 = vector.extract %reduce_sum3A_1409[15] : i32 from vector<16xi32>
      %add3A_1411 = arith.addi %add3A_1366, %reduce_sum3A_1410 : i32
      %mul3A_1412 = arith.constant 256 : i32
      %mul3A_1413 = arith.muli %add3A_910, %mul3A_1412 : i32
      %add3A_1414 = arith.constant 176 : i32
      %add3A_1415 = arith.addi %mul3A_1413, %add3A_1414 : i32
      %get3A_1416 = arith.index_cast %add3A_1415 : i32 to index
      %get3A_1417 = tpu.vector_load %arg6[%get3A_1416] {strides = array<i32>} : memref<25600xi32, #tpu.memory_space<vmem>>, vector<16xi32>,
      %ge3A_1418 = arith.constant 900000 : i32
      %ge3A_1419 = vector.broadcast %ge3A_1418 : i32 to vector<16xi32>
      %ge3A_1420 = arith.cmpi sge, %get3A_1417, %ge3A_1419 : vector<16xi32>
      %min3A_1421 = arith.constant 899999 : i32
      %min3A_1422 = vector.broadcast %min3A_1421 : i32 to vector<16xi32>
      %min3A_1423 = arith.minsi %get3A_1417, %min3A_1422 : vector<16xi32>
      %dma_start3A_1424 = arith.constant 176 : i32
      %dma_start3A_1425 = arith.constant 0 : i32
      %dma_start3A_1426 = tpu.memref_slice %arg8[%dma_start3A_1424, %dma_start3A_1425] : memref<256x64xf32, #tpu.memory_space<vmem>> -> memref<16x64xf32, #tpu.memory_space<vmem>>
      %dma_start3A_1427 = arith.constant 0 : i32
      %dma_start3A_1428 = arith.constant 0 : i32
      %dma_start3A_1429 = tpu.memref_slice %arg3[%dma_start3A_1427, %dma_start3A_1428] : memref<900000x64xf32, #tpu.memory_space<hbm>> -> memref<900000x64xf32, #tpu.memory_space<hbm>>
      tpu.enqueue_indirect_dma source(%dma_start3A_1429 : memref<900000x64xf32, #tpu.memory_space<hbm>>) target(%dma_start3A_1426 : memref<16x64xf32, #tpu.memory_space<vmem>>) offsets(%min3A_1423 : vector<16xi32>) semaphore(%arg12 : memref<!tpu.dma_semaphore, #tpu.memory_space<semaphore_mem>>)
      %add3A_1430 = arith.constant 16 : i32
      %add3A_1431 = vector.broadcast %add3A_1430 : i32 to vector<16xi32>
      %add3A_1432 = arith.addi %iota3A, %add3A_1431 : vector<16xi32>
      %select_n3A_1433 = arith.select %ge3A_1420, %iota3A, %add3A_1432 : vector<16xi1>, vector<16xi32>
      %mul3A_1434 = arith.constant 256 : i32
      %mul3A_1435 = arith.muli %add3A_910, %mul3A_1434 : i32
      %add3A_1436 = arith.addi %mul3A_2, %mul3A_1435 : i32
      %add3A_1437 = arith.constant 176 : i32
      %add3A_1438 = arith.addi %add3A_1436, %add3A_1437 : i32
      %add3A_1439 = vector.broadcast %add3A_1438 : i32 to vector<16xi32>
      %add3A_1440 = arith.addi %iota3A, %add3A_1439 : vector<16xi32>
      %masked_sort3A_1441 = arith.constant dense<true> : vector<16xi1>
      %masked_sort3A_1442 = arith.constant -2147483648 : i32
      %masked_sort3A_1443 = vector.broadcast %masked_sort3A_1442 : i32 to vector<16xi32>
      %masked_sort3A_1444 = arith.xori %select_n3A_1433, %masked_sort3A_1443 : vector<16xi32>
      %masked_sort3A_1445, %masked_sort3A_1446, %masked_sort3A_1447 = tpu.sort %masked_sort3A_1444, %add3A_1440 masked %masked_sort3A_1441 : (vector<16xi32>, vector<16xi32>, vector<16xi1>) -> (vector<16xi1>, vector<16xi32>, vector<16xi32>)
      %masked_sort3A_1448 = arith.xori %masked_sort3A_1446, %masked_sort3A_1443 : vector<16xi32>
      %swap3A_1449 = arith.index_cast %add3A_1411 : i32 to index
      %swap3A_1450 = tpu.vector_load %arg9[%swap3A_1449] {strides = array<i32>} : memref<25872xi32, #tpu.memory_space<vmem>>, vector<16xi32>,
      tpu.vector_store %arg9[%swap3A_1449], %masked_sort3A_1447 {strides = array<i32>} : memref<25872xi32, #tpu.memory_space<vmem>>, vector<16xi32>,
      %convert_element_type3A_1451 = arith.extui %ge3A_1420 : vector<16xi1> to vector<16xi32>
      %reduce_sum3A_1452 = arith.constant true
      %reduce_sum3A_1453 = vector.broadcast %reduce_sum3A_1452 : i1 to vector<16xi1>
      %reduce_sum3A_1454 = tpu.scan <sum>, %convert_element_type3A_1451 masked %reduce_sum3A_1453 : vector<16xi32>, vector<16xi1> -> vector<16xi32>
      %reduce_sum3A_1455 = vector.extract %reduce_sum3A_1454[15] : i32 from vector<16xi32>
      %add3A_1456 = arith.addi %add3A_1411, %reduce_sum3A_1455 : i32
      %mul3A_1457 = arith.constant 256 : i32
      %mul3A_1458 = arith.muli %add3A_910, %mul3A_1457 : i32
      %add3A_1459 = arith.constant 192 : i32
      %add3A_1460 = arith.addi %mul3A_1458, %add3A_1459 : i32
      %get3A_1461 = arith.index_cast %add3A_1460 : i32 to index
      %get3A_1462 = tpu.vector_load %arg6[%get3A_1461] {strides = array<i32>} : memref<25600xi32, #tpu.memory_space<vmem>>, vector<16xi32>,
      %ge3A_1463 = arith.constant 900000 : i32
      %ge3A_1464 = vector.broadcast %ge3A_1463 : i32 to vector<16xi32>
      %ge3A_1465 = arith.cmpi sge, %get3A_1462, %ge3A_1464 : vector<16xi32>
      %min3A_1466 = arith.constant 899999 : i32
      %min3A_1467 = vector.broadcast %min3A_1466 : i32 to vector<16xi32>
      %min3A_1468 = arith.minsi %get3A_1462, %min3A_1467 : vector<16xi32>
      %dma_start3A_1469 = arith.constant 192 : i32
      %dma_start3A_1470 = arith.constant 0 : i32
      %dma_start3A_1471 = tpu.memref_slice %arg8[%dma_start3A_1469, %dma_start3A_1470] : memref<256x64xf32, #tpu.memory_space<vmem>> -> memref<16x64xf32, #tpu.memory_space<vmem>>
      %dma_start3A_1472 = arith.constant 0 : i32
      %dma_start3A_1473 = arith.constant 0 : i32
      %dma_start3A_1474 = tpu.memref_slice %arg3[%dma_start3A_1472, %dma_start3A_1473] : memref<900000x64xf32, #tpu.memory_space<hbm>> -> memref<900000x64xf32, #tpu.memory_space<hbm>>
      tpu.enqueue_indirect_dma source(%dma_start3A_1474 : memref<900000x64xf32, #tpu.memory_space<hbm>>) target(%dma_start3A_1471 : memref<16x64xf32, #tpu.memory_space<vmem>>) offsets(%min3A_1468 : vector<16xi32>) semaphore(%arg12 : memref<!tpu.dma_semaphore, #tpu.memory_space<semaphore_mem>>)
      %add3A_1475 = arith.constant 16 : i32
      %add3A_1476 = vector.broadcast %add3A_1475 : i32 to vector<16xi32>
      %add3A_1477 = arith.addi %iota3A, %add3A_1476 : vector<16xi32>
      %select_n3A_1478 = arith.select %ge3A_1465, %iota3A, %add3A_1477 : vector<16xi1>, vector<16xi32>
      %mul3A_1479 = arith.constant 256 : i32
      %mul3A_1480 = arith.muli %add3A_910, %mul3A_1479 : i32
      %add3A_1481 = arith.addi %mul3A_2, %mul3A_1480 : i32
      %add3A_1482 = arith.constant 192 : i32
      %add3A_1483 = arith.addi %add3A_1481, %add3A_1482 : i32
      %add3A_1484 = vector.broadcast %add3A_1483 : i32 to vector<16xi32>
      %add3A_1485 = arith.addi %iota3A, %add3A_1484 : vector<16xi32>
      %masked_sort3A_1486 = arith.constant dense<true> : vector<16xi1>
      %masked_sort3A_1487 = arith.constant -2147483648 : i32
      %masked_sort3A_1488 = vector.broadcast %masked_sort3A_1487 : i32 to vector<16xi32>
      %masked_sort3A_1489 = arith.xori %select_n3A_1478, %masked_sort3A_1488 : vector<16xi32>
      %masked_sort3A_1490, %masked_sort3A_1491, %masked_sort3A_1492 = tpu.sort %masked_sort3A_1489, %add3A_1485 masked %masked_sort3A_1486 : (vector<16xi32>, vector<16xi32>, vector<16xi1>) -> (vector<16xi1>, vector<16xi32>, vector<16xi32>)
      %masked_sort3A_1493 = arith.xori %masked_sort3A_1491, %masked_sort3A_1488 : vector<16xi32>
      %swap3A_1494 = arith.index_cast %add3A_1456 : i32 to index
      %swap3A_1495 = tpu.vector_load %arg9[%swap3A_1494] {strides = array<i32>} : memref<25872xi32, #tpu.memory_space<vmem>>, vector<16xi32>,
      tpu.vector_store %arg9[%swap3A_1494], %masked_sort3A_1492 {strides = array<i32>} : memref<25872xi32, #tpu.memory_space<vmem>>, vector<16xi32>,
      %convert_element_type3A_1496 = arith.extui %ge3A_1465 : vector<16xi1> to vector<16xi32>
      %reduce_sum3A_1497 = arith.constant true
      %reduce_sum3A_1498 = vector.broadcast %reduce_sum3A_1497 : i1 to vector<16xi1>
      %reduce_sum3A_1499 = tpu.scan <sum>, %convert_element_type3A_1496 masked %reduce_sum3A_1498 : vector<16xi32>, vector<16xi1> -> vector<16xi32>
      %reduce_sum3A_1500 = vector.extract %reduce_sum3A_1499[15] : i32 from vector<16xi32>
      %add3A_1501 = arith.addi %add3A_1456, %reduce_sum3A_1500 : i32
      %mul3A_1502 = arith.constant 256 : i32
      %mul3A_1503 = arith.muli %add3A_910, %mul3A_1502 : i32
      %add3A_1504 = arith.constant 208 : i32
      %add3A_1505 = arith.addi %mul3A_1503, %add3A_1504 : i32
      %get3A_1506 = arith.index_cast %add3A_1505 : i32 to index
      %get3A_1507 = tpu.vector_load %arg6[%get3A_1506] {strides = array<i32>} : memref<25600xi32, #tpu.memory_space<vmem>>, vector<16xi32>,
      %ge3A_1508 = arith.constant 900000 : i32
      %ge3A_1509 = vector.broadcast %ge3A_1508 : i32 to vector<16xi32>
      %ge3A_1510 = arith.cmpi sge, %get3A_1507, %ge3A_1509 : vector<16xi32>
      %min3A_1511 = arith.constant 899999 : i32
      %min3A_1512 = vector.broadcast %min3A_1511 : i32 to vector<16xi32>
      %min3A_1513 = arith.minsi %get3A_1507, %min3A_1512 : vector<16xi32>
      %dma_start3A_1514 = arith.constant 208 : i32
      %dma_start3A_1515 = arith.constant 0 : i32
      %dma_start3A_1516 = tpu.memref_slice %arg8[%dma_start3A_1514, %dma_start3A_1515] : memref<256x64xf32, #tpu.memory_space<vmem>> -> memref<16x64xf32, #tpu.memory_space<vmem>>
      %dma_start3A_1517 = arith.constant 0 : i32
      %dma_start3A_1518 = arith.constant 0 : i32
      %dma_start3A_1519 = tpu.memref_slice %arg3[%dma_start3A_1517, %dma_start3A_1518] : memref<900000x64xf32, #tpu.memory_space<hbm>> -> memref<900000x64xf32, #tpu.memory_space<hbm>>
      tpu.enqueue_indirect_dma source(%dma_start3A_1519 : memref<900000x64xf32, #tpu.memory_space<hbm>>) target(%dma_start3A_1516 : memref<16x64xf32, #tpu.memory_space<vmem>>) offsets(%min3A_1513 : vector<16xi32>) semaphore(%arg12 : memref<!tpu.dma_semaphore, #tpu.memory_space<semaphore_mem>>)
      %add3A_1520 = arith.constant 16 : i32
      %add3A_1521 = vector.broadcast %add3A_1520 : i32 to vector<16xi32>
      %add3A_1522 = arith.addi %iota3A, %add3A_1521 : vector<16xi32>
      %select_n3A_1523 = arith.select %ge3A_1510, %iota3A, %add3A_1522 : vector<16xi1>, vector<16xi32>
      %mul3A_1524 = arith.constant 256 : i32
      %mul3A_1525 = arith.muli %add3A_910, %mul3A_1524 : i32
      %add3A_1526 = arith.addi %mul3A_2, %mul3A_1525 : i32
      %add3A_1527 = arith.constant 208 : i32
      %add3A_1528 = arith.addi %add3A_1526, %add3A_1527 : i32
      %add3A_1529 = vector.broadcast %add3A_1528 : i32 to vector<16xi32>
      %add3A_1530 = arith.addi %iota3A, %add3A_1529 : vector<16xi32>
      %masked_sort3A_1531 = arith.constant dense<true> : vector<16xi1>
      %masked_sort3A_1532 = arith.constant -2147483648 : i32
      %masked_sort3A_1533 = vector.broadcast %masked_sort3A_1532 : i32 to vector<16xi32>
      %masked_sort3A_1534 = arith.xori %select_n3A_1523, %masked_sort3A_1533 : vector<16xi32>
      %masked_sort3A_1535, %masked_sort3A_1536, %masked_sort3A_1537 = tpu.sort %masked_sort3A_1534, %add3A_1530 masked %masked_sort3A_1531 : (vector<16xi32>, vector<16xi32>, vector<16xi1>) -> (vector<16xi1>, vector<16xi32>, vector<16xi32>)
      %masked_sort3A_1538 = arith.xori %masked_sort3A_1536, %masked_sort3A_1533 : vector<16xi32>
      %swap3A_1539 = arith.index_cast %add3A_1501 : i32 to index
      %swap3A_1540 = tpu.vector_load %arg9[%swap3A_1539] {strides = array<i32>} : memref<25872xi32, #tpu.memory_space<vmem>>, vector<16xi32>,
      tpu.vector_store %arg9[%swap3A_1539], %masked_sort3A_1537 {strides = array<i32>} : memref<25872xi32, #tpu.memory_space<vmem>>, vector<16xi32>,
      %convert_element_type3A_1541 = arith.extui %ge3A_1510 : vector<16xi1> to vector<16xi32>
      %reduce_sum3A_1542 = arith.constant true
      %reduce_sum3A_1543 = vector.broadcast %reduce_sum3A_1542 : i1 to vector<16xi1>
      %reduce_sum3A_1544 = tpu.scan <sum>, %convert_element_type3A_1541 masked %reduce_sum3A_1543 : vector<16xi32>, vector<16xi1> -> vector<16xi32>
      %reduce_sum3A_1545 = vector.extract %reduce_sum3A_1544[15] : i32 from vector<16xi32>
      %add3A_1546 = arith.addi %add3A_1501, %reduce_sum3A_1545 : i32
      %mul3A_1547 = arith.constant 256 : i32
      %mul3A_1548 = arith.muli %add3A_910, %mul3A_1547 : i32
      %add3A_1549 = arith.constant 224 : i32
      %add3A_1550 = arith.addi %mul3A_1548, %add3A_1549 : i32
      %get3A_1551 = arith.index_cast %add3A_1550 : i32 to index
      %get3A_1552 = tpu.vector_load %arg6[%get3A_1551] {strides = array<i32>} : memref<25600xi32, #tpu.memory_space<vmem>>, vector<16xi32>,
      %ge3A_1553 = arith.constant 900000 : i32
      %ge3A_1554 = vector.broadcast %ge3A_1553 : i32 to vector<16xi32>
      %ge3A_1555 = arith.cmpi sge, %get3A_1552, %ge3A_1554 : vector<16xi32>
      %min3A_1556 = arith.constant 899999 : i32
      %min3A_1557 = vector.broadcast %min3A_1556 : i32 to vector<16xi32>
      %min3A_1558 = arith.minsi %get3A_1552, %min3A_1557 : vector<16xi32>
      %dma_start3A_1559 = arith.constant 224 : i32
      %dma_start3A_1560 = arith.constant 0 : i32
      %dma_start3A_1561 = tpu.memref_slice %arg8[%dma_start3A_1559, %dma_start3A_1560] : memref<256x64xf32, #tpu.memory_space<vmem>> -> memref<16x64xf32, #tpu.memory_space<vmem>>
      %dma_start3A_1562 = arith.constant 0 : i32
      %dma_start3A_1563 = arith.constant 0 : i32
      %dma_start3A_1564 = tpu.memref_slice %arg3[%dma_start3A_1562, %dma_start3A_1563] : memref<900000x64xf32, #tpu.memory_space<hbm>> -> memref<900000x64xf32, #tpu.memory_space<hbm>>
      tpu.enqueue_indirect_dma source(%dma_start3A_1564 : memref<900000x64xf32, #tpu.memory_space<hbm>>) target(%dma_start3A_1561 : memref<16x64xf32, #tpu.memory_space<vmem>>) offsets(%min3A_1558 : vector<16xi32>) semaphore(%arg12 : memref<!tpu.dma_semaphore, #tpu.memory_space<semaphore_mem>>)
      %add3A_1565 = arith.constant 16 : i32
      %add3A_1566 = vector.broadcast %add3A_1565 : i32 to vector<16xi32>
      %add3A_1567 = arith.addi %iota3A, %add3A_1566 : vector<16xi32>
      %select_n3A_1568 = arith.select %ge3A_1555, %iota3A, %add3A_1567 : vector<16xi1>, vector<16xi32>
      %mul3A_1569 = arith.constant 256 : i32
      %mul3A_1570 = arith.muli %add3A_910, %mul3A_1569 : i32
      %add3A_1571 = arith.addi %mul3A_2, %mul3A_1570 : i32
      %add3A_1572 = arith.constant 224 : i32
      %add3A_1573 = arith.addi %add3A_1571, %add3A_1572 : i32
      %add3A_1574 = vector.broadcast %add3A_1573 : i32 to vector<16xi32>
      %add3A_1575 = arith.addi %iota3A, %add3A_1574 : vector<16xi32>
      %masked_sort3A_1576 = arith.constant dense<true> : vector<16xi1>
      %masked_sort3A_1577 = arith.constant -2147483648 : i32
      %masked_sort3A_1578 = vector.broadcast %masked_sort3A_1577 : i32 to vector<16xi32>
      %masked_sort3A_1579 = arith.xori %select_n3A_1568, %masked_sort3A_1578 : vector<16xi32>
      %masked_sort3A_1580, %masked_sort3A_1581, %masked_sort3A_1582 = tpu.sort %masked_sort3A_1579, %add3A_1575 masked %masked_sort3A_1576 : (vector<16xi32>, vector<16xi32>, vector<16xi1>) -> (vector<16xi1>, vector<16xi32>, vector<16xi32>)
      %masked_sort3A_1583 = arith.xori %masked_sort3A_1581, %masked_sort3A_1578 : vector<16xi32>
      %swap3A_1584 = arith.index_cast %add3A_1546 : i32 to index
      %swap3A_1585 = tpu.vector_load %arg9[%swap3A_1584] {strides = array<i32>} : memref<25872xi32, #tpu.memory_space<vmem>>, vector<16xi32>,
      tpu.vector_store %arg9[%swap3A_1584], %masked_sort3A_1582 {strides = array<i32>} : memref<25872xi32, #tpu.memory_space<vmem>>, vector<16xi32>,
      %convert_element_type3A_1586 = arith.extui %ge3A_1555 : vector<16xi1> to vector<16xi32>
      %reduce_sum3A_1587 = arith.constant true
      %reduce_sum3A_1588 = vector.broadcast %reduce_sum3A_1587 : i1 to vector<16xi1>
      %reduce_sum3A_1589 = tpu.scan <sum>, %convert_element_type3A_1586 masked %reduce_sum3A_1588 : vector<16xi32>, vector<16xi1> -> vector<16xi32>
      %reduce_sum3A_1590 = vector.extract %reduce_sum3A_1589[15] : i32 from vector<16xi32>
      %add3A_1591 = arith.addi %add3A_1546, %reduce_sum3A_1590 : i32
      %mul3A_1592 = arith.constant 256 : i32
      %mul3A_1593 = arith.muli %add3A_910, %mul3A_1592 : i32
      %add3A_1594 = arith.constant 240 : i32
      %add3A_1595 = arith.addi %mul3A_1593, %add3A_1594 : i32
      %get3A_1596 = arith.index_cast %add3A_1595 : i32 to index
      %get3A_1597 = tpu.vector_load %arg6[%get3A_1596] {strides = array<i32>} : memref<25600xi32, #tpu.memory_space<vmem>>, vector<16xi32>,
      %ge3A_1598 = arith.constant 900000 : i32
      %ge3A_1599 = vector.broadcast %ge3A_1598 : i32 to vector<16xi32>
      %ge3A_1600 = arith.cmpi sge, %get3A_1597, %ge3A_1599 : vector<16xi32>
      %min3A_1601 = arith.constant 899999 : i32
      %min3A_1602 = vector.broadcast %min3A_1601 : i32 to vector<16xi32>
      %min3A_1603 = arith.minsi %get3A_1597, %min3A_1602 : vector<16xi32>
      %dma_start3A_1604 = arith.constant 240 : i32
      %dma_start3A_1605 = arith.constant 0 : i32
      %dma_start3A_1606 = tpu.memref_slice %arg8[%dma_start3A_1604, %dma_start3A_1605] : memref<256x64xf32, #tpu.memory_space<vmem>> -> memref<16x64xf32, #tpu.memory_space<vmem>>
      %dma_start3A_1607 = arith.constant 0 : i32
      %dma_start3A_1608 = arith.constant 0 : i32
      %dma_start3A_1609 = tpu.memref_slice %arg3[%dma_start3A_1607, %dma_start3A_1608] : memref<900000x64xf32, #tpu.memory_space<hbm>> -> memref<900000x64xf32, #tpu.memory_space<hbm>>
      tpu.enqueue_indirect_dma source(%dma_start3A_1609 : memref<900000x64xf32, #tpu.memory_space<hbm>>) target(%dma_start3A_1606 : memref<16x64xf32, #tpu.memory_space<vmem>>) offsets(%min3A_1603 : vector<16xi32>) semaphore(%arg12 : memref<!tpu.dma_semaphore, #tpu.memory_space<semaphore_mem>>)
      %add3A_1610 = arith.constant 16 : i32
      %add3A_1611 = vector.broadcast %add3A_1610 : i32 to vector<16xi32>
      %add3A_1612 = arith.addi %iota3A, %add3A_1611 : vector<16xi32>
      %select_n3A_1613 = arith.select %ge3A_1600, %iota3A, %add3A_1612 : vector<16xi1>, vector<16xi32>
      %mul3A_1614 = arith.constant 256 : i32
      %mul3A_1615 = arith.muli %add3A_910, %mul3A_1614 : i32
      %add3A_1616 = arith.addi %mul3A_2, %mul3A_1615 : i32
      %add3A_1617 = arith.constant 240 : i32
      %add3A_1618 = arith.addi %add3A_1616, %add3A_1617 : i32
      %add3A_1619 = vector.broadcast %add3A_1618 : i32 to vector<16xi32>
      %add3A_1620 = arith.addi %iota3A, %add3A_1619 : vector<16xi32>
      %masked_sort3A_1621 = arith.constant dense<true> : vector<16xi1>
      %masked_sort3A_1622 = arith.constant -2147483648 : i32
      %masked_sort3A_1623 = vector.broadcast %masked_sort3A_1622 : i32 to vector<16xi32>
      %masked_sort3A_1624 = arith.xori %select_n3A_1613, %masked_sort3A_1623 : vector<16xi32>
      %masked_sort3A_1625, %masked_sort3A_1626, %masked_sort3A_1627 = tpu.sort %masked_sort3A_1624, %add3A_1620 masked %masked_sort3A_1621 : (vector<16xi32>, vector<16xi32>, vector<16xi1>) -> (vector<16xi1>, vector<16xi32>, vector<16xi32>)
      %masked_sort3A_1628 = arith.xori %masked_sort3A_1626, %masked_sort3A_1623 : vector<16xi32>
      %swap3A_1629 = arith.index_cast %add3A_1591 : i32 to index
      %swap3A_1630 = tpu.vector_load %arg9[%swap3A_1629] {strides = array<i32>} : memref<25872xi32, #tpu.memory_space<vmem>>, vector<16xi32>,
      tpu.vector_store %arg9[%swap3A_1629], %masked_sort3A_1627 {strides = array<i32>} : memref<25872xi32, #tpu.memory_space<vmem>>, vector<16xi32>,
      %convert_element_type3A_1631 = arith.extui %ge3A_1600 : vector<16xi1> to vector<16xi32>
      %reduce_sum3A_1632 = arith.constant true
      %reduce_sum3A_1633 = vector.broadcast %reduce_sum3A_1632 : i1 to vector<16xi1>
      %reduce_sum3A_1634 = tpu.scan <sum>, %convert_element_type3A_1631 masked %reduce_sum3A_1633 : vector<16xi32>, vector<16xi1> -> vector<16xi32>
      %reduce_sum3A_1635 = vector.extract %reduce_sum3A_1634[15] : i32 from vector<16xi32>
      %add3A_1636 = arith.addi %add3A_1591, %reduce_sum3A_1635 : i32
      %dma_wait3A_1637 = arith.constant 0 : i32
      %dma_wait3A_1638 = arith.constant 0 : i32
      %dma_wait3A_1639 = tpu.memref_slice %arg8[%dma_wait3A_1637, %dma_wait3A_1638] : memref<256x64xf32, #tpu.memory_space<vmem>> -> memref<16x64xf32, #tpu.memory_space<vmem>>
      %dma_wait3A_1640 = arith.constant 0 : i32
      %dma_wait3A_1641 = arith.constant 0 : i32
      %dma_wait3A_1642 = tpu.memref_slice %arg3[%dma_wait3A_1640, %dma_wait3A_1641] : memref<900000x64xf32, #tpu.memory_space<hbm>> -> memref<900000x64xf32, #tpu.memory_space<hbm>>
      tpu.wait_indirect_dma semaphore(%arg12 : memref<!tpu.dma_semaphore, #tpu.memory_space<semaphore_mem>>) src(%dma_wait3A_1642 : memref<900000x64xf32, #tpu.memory_space<hbm>>) dst(%dma_wait3A_1639 : memref<16x64xf32, #tpu.memory_space<vmem>>)
      %dma_wait3A_1643 = arith.constant 16 : i32
      %dma_wait3A_1644 = arith.constant 0 : i32
      %dma_wait3A_1645 = tpu.memref_slice %arg8[%dma_wait3A_1643, %dma_wait3A_1644] : memref<256x64xf32, #tpu.memory_space<vmem>> -> memref<16x64xf32, #tpu.memory_space<vmem>>
      %dma_wait3A_1646 = arith.constant 0 : i32
      %dma_wait3A_1647 = arith.constant 0 : i32
      %dma_wait3A_1648 = tpu.memref_slice %arg3[%dma_wait3A_1646, %dma_wait3A_1647] : memref<900000x64xf32, #tpu.memory_space<hbm>> -> memref<900000x64xf32, #tpu.memory_space<hbm>>
      tpu.wait_indirect_dma semaphore(%arg12 : memref<!tpu.dma_semaphore, #tpu.memory_space<semaphore_mem>>) src(%dma_wait3A_1648 : memref<900000x64xf32, #tpu.memory_space<hbm>>) dst(%dma_wait3A_1645 : memref<16x64xf32, #tpu.memory_space<vmem>>)
      %dma_wait3A_1649 = arith.constant 32 : i32
      %dma_wait3A_1650 = arith.constant 0 : i32
      %dma_wait3A_1651 = tpu.memref_slice %arg8[%dma_wait3A_1649, %dma_wait3A_1650] : memref<256x64xf32, #tpu.memory_space<vmem>> -> memref<16x64xf32, #tpu.memory_space<vmem>>
      %dma_wait3A_1652 = arith.constant 0 : i32
      %dma_wait3A_1653 = arith.constant 0 : i32
      %dma_wait3A_1654 = tpu.memref_slice %arg3[%dma_wait3A_1652, %dma_wait3A_1653] : memref<900000x64xf32, #tpu.memory_space<hbm>> -> memref<900000x64xf32, #tpu.memory_space<hbm>>
      tpu.wait_indirect_dma semaphore(%arg12 : memref<!tpu.dma_semaphore, #tpu.memory_space<semaphore_mem>>) src(%dma_wait3A_1654 : memref<900000x64xf32, #tpu.memory_space<hbm>>) dst(%dma_wait3A_1651 : memref<16x64xf32, #tpu.memory_space<vmem>>)
      %dma_wait3A_1655 = arith.constant 48 : i32
      %dma_wait3A_1656 = arith.constant 0 : i32
      %dma_wait3A_1657 = tpu.memref_slice %arg8[%dma_wait3A_1655, %dma_wait3A_1656] : memref<256x64xf32, #tpu.memory_space<vmem>> -> memref<16x64xf32, #tpu.memory_space<vmem>>
      %dma_wait3A_1658 = arith.constant 0 : i32
      %dma_wait3A_1659 = arith.constant 0 : i32
      %dma_wait3A_1660 = tpu.memref_slice %arg3[%dma_wait3A_1658, %dma_wait3A_1659] : memref<900000x64xf32, #tpu.memory_space<hbm>> -> memref<900000x64xf32, #tpu.memory_space<hbm>>
      tpu.wait_indirect_dma semaphore(%arg12 : memref<!tpu.dma_semaphore, #tpu.memory_space<semaphore_mem>>) src(%dma_wait3A_1660 : memref<900000x64xf32, #tpu.memory_space<hbm>>) dst(%dma_wait3A_1657 : memref<16x64xf32, #tpu.memory_space<vmem>>)
      %dma_wait3A_1661 = arith.constant 64 : i32
      %dma_wait3A_1662 = arith.constant 0 : i32
      %dma_wait3A_1663 = tpu.memref_slice %arg8[%dma_wait3A_1661, %dma_wait3A_1662] : memref<256x64xf32, #tpu.memory_space<vmem>> -> memref<16x64xf32, #tpu.memory_space<vmem>>
      %dma_wait3A_1664 = arith.constant 0 : i32
      %dma_wait3A_1665 = arith.constant 0 : i32
      %dma_wait3A_1666 = tpu.memref_slice %arg3[%dma_wait3A_1664, %dma_wait3A_1665] : memref<900000x64xf32, #tpu.memory_space<hbm>> -> memref<900000x64xf32, #tpu.memory_space<hbm>>
      tpu.wait_indirect_dma semaphore(%arg12 : memref<!tpu.dma_semaphore, #tpu.memory_space<semaphore_mem>>) src(%dma_wait3A_1666 : memref<900000x64xf32, #tpu.memory_space<hbm>>) dst(%dma_wait3A_1663 : memref<16x64xf32, #tpu.memory_space<vmem>>)
      %dma_wait3A_1667 = arith.constant 80 : i32
      %dma_wait3A_1668 = arith.constant 0 : i32
      %dma_wait3A_1669 = tpu.memref_slice %arg8[%dma_wait3A_1667, %dma_wait3A_1668] : memref<256x64xf32, #tpu.memory_space<vmem>> -> memref<16x64xf32, #tpu.memory_space<vmem>>
      %dma_wait3A_1670 = arith.constant 0 : i32
      %dma_wait3A_1671 = arith.constant 0 : i32
      %dma_wait3A_1672 = tpu.memref_slice %arg3[%dma_wait3A_1670, %dma_wait3A_1671] : memref<900000x64xf32, #tpu.memory_space<hbm>> -> memref<900000x64xf32, #tpu.memory_space<hbm>>
      tpu.wait_indirect_dma semaphore(%arg12 : memref<!tpu.dma_semaphore, #tpu.memory_space<semaphore_mem>>) src(%dma_wait3A_1672 : memref<900000x64xf32, #tpu.memory_space<hbm>>) dst(%dma_wait3A_1669 : memref<16x64xf32, #tpu.memory_space<vmem>>)
      %dma_wait3A_1673 = arith.constant 96 : i32
      %dma_wait3A_1674 = arith.constant 0 : i32
      %dma_wait3A_1675 = tpu.memref_slice %arg8[%dma_wait3A_1673, %dma_wait3A_1674] : memref<256x64xf32, #tpu.memory_space<vmem>> -> memref<16x64xf32, #tpu.memory_space<vmem>>
      %dma_wait3A_1676 = arith.constant 0 : i32
      %dma_wait3A_1677 = arith.constant 0 : i32
      %dma_wait3A_1678 = tpu.memref_slice %arg3[%dma_wait3A_1676, %dma_wait3A_1677] : memref<900000x64xf32, #tpu.memory_space<hbm>> -> memref<900000x64xf32, #tpu.memory_space<hbm>>
      tpu.wait_indirect_dma semaphore(%arg12 : memref<!tpu.dma_semaphore, #tpu.memory_space<semaphore_mem>>) src(%dma_wait3A_1678 : memref<900000x64xf32, #tpu.memory_space<hbm>>) dst(%dma_wait3A_1675 : memref<16x64xf32, #tpu.memory_space<vmem>>)
      %dma_wait3A_1679 = arith.constant 112 : i32
      %dma_wait3A_1680 = arith.constant 0 : i32
      %dma_wait3A_1681 = tpu.memref_slice %arg8[%dma_wait3A_1679, %dma_wait3A_1680] : memref<256x64xf32, #tpu.memory_space<vmem>> -> memref<16x64xf32, #tpu.memory_space<vmem>>
      %dma_wait3A_1682 = arith.constant 0 : i32
      %dma_wait3A_1683 = arith.constant 0 : i32
      %dma_wait3A_1684 = tpu.memref_slice %arg3[%dma_wait3A_1682, %dma_wait3A_1683] : memref<900000x64xf32, #tpu.memory_space<hbm>> -> memref<900000x64xf32, #tpu.memory_space<hbm>>
      tpu.wait_indirect_dma semaphore(%arg12 : memref<!tpu.dma_semaphore, #tpu.memory_space<semaphore_mem>>) src(%dma_wait3A_1684 : memref<900000x64xf32, #tpu.memory_space<hbm>>) dst(%dma_wait3A_1681 : memref<16x64xf32, #tpu.memory_space<vmem>>)
      %dma_wait3A_1685 = arith.constant 128 : i32
      %dma_wait3A_1686 = arith.constant 0 : i32
      %dma_wait3A_1687 = tpu.memref_slice %arg8[%dma_wait3A_1685, %dma_wait3A_1686] : memref<256x64xf32, #tpu.memory_space<vmem>> -> memref<16x64xf32, #tpu.memory_space<vmem>>
      %dma_wait3A_1688 = arith.constant 0 : i32
      %dma_wait3A_1689 = arith.constant 0 : i32
      %dma_wait3A_1690 = tpu.memref_slice %arg3[%dma_wait3A_1688, %dma_wait3A_1689] : memref<900000x64xf32, #tpu.memory_space<hbm>> -> memref<900000x64xf32, #tpu.memory_space<hbm>>
      tpu.wait_indirect_dma semaphore(%arg12 : memref<!tpu.dma_semaphore, #tpu.memory_space<semaphore_mem>>) src(%dma_wait3A_1690 : memref<900000x64xf32, #tpu.memory_space<hbm>>) dst(%dma_wait3A_1687 : memref<16x64xf32, #tpu.memory_space<vmem>>)
      %dma_wait3A_1691 = arith.constant 144 : i32
      %dma_wait3A_1692 = arith.constant 0 : i32
      %dma_wait3A_1693 = tpu.memref_slice %arg8[%dma_wait3A_1691, %dma_wait3A_1692] : memref<256x64xf32, #tpu.memory_space<vmem>> -> memref<16x64xf32, #tpu.memory_space<vmem>>
      %dma_wait3A_1694 = arith.constant 0 : i32
      %dma_wait3A_1695 = arith.constant 0 : i32
      %dma_wait3A_1696 = tpu.memref_slice %arg3[%dma_wait3A_1694, %dma_wait3A_1695] : memref<900000x64xf32, #tpu.memory_space<hbm>> -> memref<900000x64xf32, #tpu.memory_space<hbm>>
      tpu.wait_indirect_dma semaphore(%arg12 : memref<!tpu.dma_semaphore, #tpu.memory_space<semaphore_mem>>) src(%dma_wait3A_1696 : memref<900000x64xf32, #tpu.memory_space<hbm>>) dst(%dma_wait3A_1693 : memref<16x64xf32, #tpu.memory_space<vmem>>)
      %dma_wait3A_1697 = arith.constant 160 : i32
      %dma_wait3A_1698 = arith.constant 0 : i32
      %dma_wait3A_1699 = tpu.memref_slice %arg8[%dma_wait3A_1697, %dma_wait3A_1698] : memref<256x64xf32, #tpu.memory_space<vmem>> -> memref<16x64xf32, #tpu.memory_space<vmem>>
      %dma_wait3A_1700 = arith.constant 0 : i32
      %dma_wait3A_1701 = arith.constant 0 : i32
      %dma_wait3A_1702 = tpu.memref_slice %arg3[%dma_wait3A_1700, %dma_wait3A_1701] : memref<900000x64xf32, #tpu.memory_space<hbm>> -> memref<900000x64xf32, #tpu.memory_space<hbm>>
      tpu.wait_indirect_dma semaphore(%arg12 : memref<!tpu.dma_semaphore, #tpu.memory_space<semaphore_mem>>) src(%dma_wait3A_1702 : memref<900000x64xf32, #tpu.memory_space<hbm>>) dst(%dma_wait3A_1699 : memref<16x64xf32, #tpu.memory_space<vmem>>)
      %dma_wait3A_1703 = arith.constant 176 : i32
      %dma_wait3A_1704 = arith.constant 0 : i32
      %dma_wait3A_1705 = tpu.memref_slice %arg8[%dma_wait3A_1703, %dma_wait3A_1704] : memref<256x64xf32, #tpu.memory_space<vmem>> -> memref<16x64xf32, #tpu.memory_space<vmem>>
      %dma_wait3A_1706 = arith.constant 0 : i32
      %dma_wait3A_1707 = arith.constant 0 : i32
      %dma_wait3A_1708 = tpu.memref_slice %arg3[%dma_wait3A_1706, %dma_wait3A_1707] : memref<900000x64xf32, #tpu.memory_space<hbm>> -> memref<900000x64xf32, #tpu.memory_space<hbm>>
      tpu.wait_indirect_dma semaphore(%arg12 : memref<!tpu.dma_semaphore, #tpu.memory_space<semaphore_mem>>) src(%dma_wait3A_1708 : memref<900000x64xf32, #tpu.memory_space<hbm>>) dst(%dma_wait3A_1705 : memref<16x64xf32, #tpu.memory_space<vmem>>)
      %dma_wait3A_1709 = arith.constant 192 : i32
      %dma_wait3A_1710 = arith.constant 0 : i32
      %dma_wait3A_1711 = tpu.memref_slice %arg8[%dma_wait3A_1709, %dma_wait3A_1710] : memref<256x64xf32, #tpu.memory_space<vmem>> -> memref<16x64xf32, #tpu.memory_space<vmem>>
      %dma_wait3A_1712 = arith.constant 0 : i32
      %dma_wait3A_1713 = arith.constant 0 : i32
      %dma_wait3A_1714 = tpu.memref_slice %arg3[%dma_wait3A_1712, %dma_wait3A_1713] : memref<900000x64xf32, #tpu.memory_space<hbm>> -> memref<900000x64xf32, #tpu.memory_space<hbm>>
      tpu.wait_indirect_dma semaphore(%arg12 : memref<!tpu.dma_semaphore, #tpu.memory_space<semaphore_mem>>) src(%dma_wait3A_1714 : memref<900000x64xf32, #tpu.memory_space<hbm>>) dst(%dma_wait3A_1711 : memref<16x64xf32, #tpu.memory_space<vmem>>)
      %dma_wait3A_1715 = arith.constant 208 : i32
      %dma_wait3A_1716 = arith.constant 0 : i32
      %dma_wait3A_1717 = tpu.memref_slice %arg8[%dma_wait3A_1715, %dma_wait3A_1716] : memref<256x64xf32, #tpu.memory_space<vmem>> -> memref<16x64xf32, #tpu.memory_space<vmem>>
      %dma_wait3A_1718 = arith.constant 0 : i32
      %dma_wait3A_1719 = arith.constant 0 : i32
      %dma_wait3A_1720 = tpu.memref_slice %arg3[%dma_wait3A_1718, %dma_wait3A_1719] : memref<900000x64xf32, #tpu.memory_space<hbm>> -> memref<900000x64xf32, #tpu.memory_space<hbm>>
      tpu.wait_indirect_dma semaphore(%arg12 : memref<!tpu.dma_semaphore, #tpu.memory_space<semaphore_mem>>) src(%dma_wait3A_1720 : memref<900000x64xf32, #tpu.memory_space<hbm>>) dst(%dma_wait3A_1717 : memref<16x64xf32, #tpu.memory_space<vmem>>)
      %dma_wait3A_1721 = arith.constant 224 : i32
      %dma_wait3A_1722 = arith.constant 0 : i32
      %dma_wait3A_1723 = tpu.memref_slice %arg8[%dma_wait3A_1721, %dma_wait3A_1722] : memref<256x64xf32, #tpu.memory_space<vmem>> -> memref<16x64xf32, #tpu.memory_space<vmem>>
      %dma_wait3A_1724 = arith.constant 0 : i32
      %dma_wait3A_1725 = arith.constant 0 : i32
      %dma_wait3A_1726 = tpu.memref_slice %arg3[%dma_wait3A_1724, %dma_wait3A_1725] : memref<900000x64xf32, #tpu.memory_space<hbm>> -> memref<900000x64xf32, #tpu.memory_space<hbm>>
      tpu.wait_indirect_dma semaphore(%arg12 : memref<!tpu.dma_semaphore, #tpu.memory_space<semaphore_mem>>) src(%dma_wait3A_1726 : memref<900000x64xf32, #tpu.memory_space<hbm>>) dst(%dma_wait3A_1723 : memref<16x64xf32, #tpu.memory_space<vmem>>)
      %dma_wait3A_1727 = arith.constant 240 : i32
      %dma_wait3A_1728 = arith.constant 0 : i32
      %dma_wait3A_1729 = tpu.memref_slice %arg8[%dma_wait3A_1727, %dma_wait3A_1728] : memref<256x64xf32, #tpu.memory_space<vmem>> -> memref<16x64xf32, #tpu.memory_space<vmem>>
      %dma_wait3A_1730 = arith.constant 0 : i32
      %dma_wait3A_1731 = arith.constant 0 : i32
      %dma_wait3A_1732 = tpu.memref_slice %arg3[%dma_wait3A_1730, %dma_wait3A_1731] : memref<900000x64xf32, #tpu.memory_space<hbm>> -> memref<900000x64xf32, #tpu.memory_space<hbm>>
      tpu.wait_indirect_dma semaphore(%arg12 : memref<!tpu.dma_semaphore, #tpu.memory_space<semaphore_mem>>) src(%dma_wait3A_1732 : memref<900000x64xf32, #tpu.memory_space<hbm>>) dst(%dma_wait3A_1729 : memref<16x64xf32, #tpu.memory_space<vmem>>)
      %mul3A_1733 = arith.constant 256 : i32
      %mul3A_1734 = arith.muli %add3A_910, %mul3A_1733 : i32
      %add3A_1735 = arith.addi %mul3A_2, %mul3A_1734 : i32
      %dma_start3A_1736 = arith.constant 0 : i32
      %dma_start3A_1737 = tpu.memref_slice %arg5[%add3A_1735, %dma_start3A_1736] : memref<819200x64xf32, #tpu.memory_space<hbm>> -> memref<256x64xf32, #tpu.memory_space<hbm>>
      %dma_start3A_1738 = arith.constant 0 : i32
      %dma_start3A_1739 = tpu.memref_slice %arg5[%add3A_1735, %dma_start3A_1738] : memref<819200x64xf32, #tpu.memory_space<hbm>> -> memref<256x64xf32, #tpu.memory_space<hbm>>
      tpu.enqueue_dma source(%arg8 : memref<256x64xf32, #tpu.memory_space<vmem>>) target(%dma_start3A_1739 : memref<256x64xf32, #tpu.memory_space<hbm>>) target_semaphore(%arg14 : memref<!tpu.dma_semaphore, #tpu.memory_space<semaphore_mem>>)
      scf.yield %add3A_1636 : i32
    }
    %scan3A_17 = arith.constant 50 : i32
    %dma_wait3A = arith.constant 0 : i32
    %dma_wait3A_18 = arith.constant 0 : i32
    %dma_wait3A_19 = tpu.memref_slice %arg5[%dma_wait3A, %dma_wait3A_18] : memref<819200x64xf32, #tpu.memory_space<hbm>> -> memref<256x64xf32, #tpu.memory_space<hbm>>
    %dma_wait3A_20 = arith.constant 0 : i32
    %dma_wait3A_21 = arith.constant 0 : i32
    %dma_wait3A_22 = tpu.memref_slice %arg5[%dma_wait3A_20, %dma_wait3A_21] : memref<819200x64xf32, #tpu.memory_space<hbm>> -> memref<256x64xf32, #tpu.memory_space<hbm>>
    tpu.wait_dma2 semaphore(%arg13 : memref<!tpu.dma_semaphore, #tpu.memory_space<semaphore_mem>>) src(%arg7 : memref<256x64xf32, #tpu.memory_space<vmem>>) dst(%dma_wait3A_22 : memref<256x64xf32, #tpu.memory_space<hbm>>)
    %dma_wait3A_23 = arith.constant 0 : i32
    %dma_wait3A_24 = arith.constant 0 : i32
    %dma_wait3A_25 = tpu.memref_slice %arg5[%dma_wait3A_23, %dma_wait3A_24] : memref<819200x64xf32, #tpu.memory_space<hbm>> -> memref<256x64xf32, #tpu.memory_space<hbm>>
    %dma_wait3A_26 = arith.constant 0 : i32
    %dma_wait3A_27 = arith.constant 0 : i32
    %dma_wait3A_28 = tpu.memref_slice %arg5[%dma_wait3A_26, %dma_wait3A_27] : memref<819200x64xf32, #tpu.memory_space<hbm>> -> memref<256x64xf32, #tpu.memory_space<hbm>>
    tpu.wait_dma2 semaphore(%arg14 : memref<!tpu.dma_semaphore, #tpu.memory_space<semaphore_mem>>) src(%arg8 : memref<256x64xf32, #tpu.memory_space<vmem>>) dst(%dma_wait3A_28 : memref<256x64xf32, #tpu.memory_space<hbm>>)
    %get3A = arith.constant 0 : index
    %get3A_29 = tpu.vector_load %arg9[%get3A] {strides = array<i32>} : memref<25872xi32, #tpu.memory_space<vmem>>, vector<16xi32>,
    %eq3A = arith.constant 0 : i32
    %eq3A_30 = vector.broadcast %eq3A : i32 to vector<16xi32>
    %eq3A_31 = arith.cmpi eq, %iota3A, %eq3A_30 : vector<16xi32>
    %jit3A = arith.constant 0 : i32
    %broadcast_in_dim3A = vector.broadcast %jit3A : i32 to vector<16xi32>
    %select_n3A = arith.select %eq3A_31, %get3A_29, %broadcast_in_dim3A : vector<16xi1>, vector<16xi32>
    %reduce_sum3A = arith.constant true
    %reduce_sum3A_32 = vector.broadcast %reduce_sum3A : i1 to vector<16xi1>
    %reduce_sum3A_33 = tpu.scan <sum>, %select_n3A masked %reduce_sum3A_32 : vector<16xi32>, vector<16xi1> -> vector<16xi32>
    %reduce_sum3A_34 = vector.extract %reduce_sum3A_33[15] : i32 from vector<16xi32>
    %broadcast_in_dim3A_35 = arith.constant 0 : i32
    %broadcast_in_dim3A_36 = vector.broadcast %broadcast_in_dim3A_35 : i32 to vector<16xi32>
    %add3A_37 = vector.broadcast %reduce_sum3A_34 : i32 to vector<16xi32>
    %add3A_38 = arith.addi %broadcast_in_dim3A_36, %add3A_37 : vector<16xi32>
    %scan3A_39 = arith.constant 0 : i32
    %scan3A_40 = arith.constant 0 : i32
    %scan3A_41 = arith.constant 16 : i32
    %scan3A_42 = arith.addi %scan3A_40, %scan3A_41 : i32
    %scan3A_43 = arith.constant 1 : i32
    %scan3A_44 = scf.for %scan3A_79 = %scan3A_40 to %scan3A_42 step %scan3A_43 iter_args(%scan3A_80 = %scan3A_39) -> (i32)  : i32 {
      %mul3A_81 = arith.constant 16 : i32
      %mul3A_82 = arith.muli %scan3A_79, %mul3A_81 : i32
      %add3A_83 = arith.addi %scan3A_16, %mul3A_82 : i32
      %swap3A = arith.index_cast %add3A_83 : i32 to index
      %swap3A_84 = tpu.vector_load %arg9[%swap3A] {strides = array<i32>} : memref<25872xi32, #tpu.memory_space<vmem>>, vector<16xi32>,
      tpu.vector_store %arg9[%swap3A], %add3A_38 {strides = array<i32>} : memref<25872xi32, #tpu.memory_space<vmem>>, vector<16xi32>,
      %scan3A_85 = arith.constant 0 : i32
      scf.yield %scan3A_85 : i32
    }
    %scan3A_45 = arith.constant 16 : i32
    %add3A_46 = arith.constant 256 : i32
    %add3A_47 = arith.addi %scan3A_16, %add3A_46 : i32
    %sub3A = arith.constant 1 : i32
    %sub3A_48 = arith.subi %add3A_47, %sub3A : i32
    %jit3A_49 = arith.constant 256 : i32
    %div3A = arith.divsi %sub3A_48, %jit3A_49 : i32
    %sign3A = arith.constant 0 : i32
    %sign3A_50 = arith.cmpi sgt, %sub3A_48, %sign3A : i32
    %sign3A_51 = arith.extui %sign3A_50 : i1 to i32
    %sign3A_52 = arith.constant 0 : i32
    %sign3A_53 = arith.cmpi slt, %sub3A_48, %sign3A_52 : i32
    %sign3A_54 = arith.extui %sign3A_53 : i1 to i32
    %sign3A_55 = arith.subi %sign3A_51, %sign3A_54 : i32
    %sign3A_56 = arith.constant 0 : i32
    %sign3A_57 = arith.cmpi sgt, %jit3A_49, %sign3A_56 : i32
    %sign3A_58 = arith.extui %sign3A_57 : i1 to i32
    %sign3A_59 = arith.constant 0 : i32
    %sign3A_60 = arith.cmpi slt, %jit3A_49, %sign3A_59 : i32
    %sign3A_61 = arith.extui %sign3A_60 : i1 to i32
    %sign3A_62 = arith.subi %sign3A_58, %sign3A_61 : i32
    %ne3A = arith.cmpi ne, %sign3A_55, %sign3A_62 : i32
    %rem3A = arith.remsi %sub3A_48, %jit3A_49 : i32
    %ne3A_63 = arith.constant 0 : i32
    %ne3A_64 = arith.cmpi ne, %rem3A, %ne3A_63 : i32
    %and3A = arith.andi %ne3A, %ne3A_64 : i1
    %sub3A_65 = arith.constant 1 : i32
    %sub3A_66 = arith.subi %div3A, %sub3A_65 : i32
    %select_n3A_67 = arith.select %and3A, %sub3A_66, %div3A : i32
    %while3A = arith.constant 0 : i32
    %while3A_68 = arith.constant 0 : i32
    %while3A_69 = arith.subi %select_n3A_67, %while3A : i32
    %while3A_70 = arith.addi %while3A, %while3A_69 : i32
    %while3A_71 = arith.constant 1 : i32
    %while3A_72 = arith.divsi %while3A_69, %while3A_71 : i32
    %while3A_73 = arith.muli %while3A_72, %while3A_71 : i32
    %while3A_74 = arith.addi %while3A, %while3A_73 : i32
    %while3A_75 = arith.constant 1 : i32
    %while3A_76 = scf.for %while3A_79 = %while3A to %while3A_74 step %while3A_75 iter_args(%while3A_80 = %while3A_68) -> (i32)  : i32 {
      %mul3A_81 = arith.constant 256 : i32
      %mul3A_82 = arith.muli %while3A_79, %mul3A_81 : i32
      %add3A_83 = arith.constant 0 : i32
      %add3A_84 = arith.addi %mul3A_82, %add3A_83 : i32
      %get3A_85 = arith.index_cast %add3A_84 : i32 to index
      %get3A_86 = tpu.vector_load %arg9[%get3A_85] {strides = array<i32>} : memref<25872xi32, #tpu.memory_space<vmem>>, vector<16xi32>,
      %swap3A = arith.constant 0 : index
      %swap3A_87 = tpu.vector_load %arg10[%swap3A] {strides = array<i32>} : memref<256xi32, #tpu.memory_space<vmem>>, vector<16xi32>,
      tpu.vector_store %arg10[%swap3A], %get3A_86 {strides = array<i32>} : memref<256xi32, #tpu.memory_space<vmem>>, vector<16xi32>,
      %mul3A_88 = arith.constant 256 : i32
      %mul3A_89 = arith.muli %while3A_79, %mul3A_88 : i32
      %add3A_90 = arith.constant 16 : i32
      %add3A_91 = arith.addi %mul3A_89, %add3A_90 : i32
      %get3A_92 = arith.index_cast %add3A_91 : i32 to index
      %get3A_93 = tpu.vector_load %arg9[%get3A_92] {strides = array<i32>} : memref<25872xi32, #tpu.memory_space<vmem>>, vector<16xi32>,
      %swap3A_94 = arith.constant 16 : index
      %swap3A_95 = tpu.vector_load %arg10[%swap3A_94] {strides = array<i32>} : memref<256xi32, #tpu.memory_space<vmem>>, vector<16xi32>,
      tpu.vector_store %arg10[%swap3A_94], %get3A_93 {strides = array<i32>} : memref<256xi32, #tpu.memory_space<vmem>>, vector<16xi32>,
      %mul3A_96 = arith.constant 256 : i32
      %mul3A_97 = arith.muli %while3A_79, %mul3A_96 : i32
      %add3A_98 = arith.constant 32 : i32
      %add3A_99 = arith.addi %mul3A_97, %add3A_98 : i32
      %get3A_100 = arith.index_cast %add3A_99 : i32 to index
      %get3A_101 = tpu.vector_load %arg9[%get3A_100] {strides = array<i32>} : memref<25872xi32, #tpu.memory_space<vmem>>, vector<16xi32>,
      %swap3A_102 = arith.constant 32 : index
      %swap3A_103 = tpu.vector_load %arg10[%swap3A_102] {strides = array<i32>} : memref<256xi32, #tpu.memory_space<vmem>>, vector<16xi32>,
      tpu.vector_store %arg10[%swap3A_102], %get3A_101 {strides = array<i32>} : memref<256xi32, #tpu.memory_space<vmem>>, vector<16xi32>,
      %mul3A_104 = arith.constant 256 : i32
      %mul3A_105 = arith.muli %while3A_79, %mul3A_104 : i32
      %add3A_106 = arith.constant 48 : i32
      %add3A_107 = arith.addi %mul3A_105, %add3A_106 : i32
      %get3A_108 = arith.index_cast %add3A_107 : i32 to index
      %get3A_109 = tpu.vector_load %arg9[%get3A_108] {strides = array<i32>} : memref<25872xi32, #tpu.memory_space<vmem>>, vector<16xi32>,
      %swap3A_110 = arith.constant 48 : index
      %swap3A_111 = tpu.vector_load %arg10[%swap3A_110] {strides = array<i32>} : memref<256xi32, #tpu.memory_space<vmem>>, vector<16xi32>,
      tpu.vector_store %arg10[%swap3A_110], %get3A_109 {strides = array<i32>} : memref<256xi32, #tpu.memory_space<vmem>>, vector<16xi32>,
      %mul3A_112 = arith.constant 256 : i32
      %mul3A_113 = arith.muli %while3A_79, %mul3A_112 : i32
      %add3A_114 = arith.constant 64 : i32
      %add3A_115 = arith.addi %mul3A_113, %add3A_114 : i32
      %get3A_116 = arith.index_cast %add3A_115 : i32 to index
      %get3A_117 = tpu.vector_load %arg9[%get3A_116] {strides = array<i32>} : memref<25872xi32, #tpu.memory_space<vmem>>, vector<16xi32>,
      %swap3A_118 = arith.constant 64 : index
      %swap3A_119 = tpu.vector_load %arg10[%swap3A_118] {strides = array<i32>} : memref<256xi32, #tpu.memory_space<vmem>>, vector<16xi32>,
      tpu.vector_store %arg10[%swap3A_118], %get3A_117 {strides = array<i32>} : memref<256xi32, #tpu.memory_space<vmem>>, vector<16xi32>,
      %mul3A_120 = arith.constant 256 : i32
      %mul3A_121 = arith.muli %while3A_79, %mul3A_120 : i32
      %add3A_122 = arith.constant 80 : i32
      %add3A_123 = arith.addi %mul3A_121, %add3A_122 : i32
      %get3A_124 = arith.index_cast %add3A_123 : i32 to index
      %get3A_125 = tpu.vector_load %arg9[%get3A_124] {strides = array<i32>} : memref<25872xi32, #tpu.memory_space<vmem>>, vector<16xi32>,
      %swap3A_126 = arith.constant 80 : index
      %swap3A_127 = tpu.vector_load %arg10[%swap3A_126] {strides = array<i32>} : memref<256xi32, #tpu.memory_space<vmem>>, vector<16xi32>,
      tpu.vector_store %arg10[%swap3A_126], %get3A_125 {strides = array<i32>} : memref<256xi32, #tpu.memory_space<vmem>>, vector<16xi32>,
      %mul3A_128 = arith.constant 256 : i32
      %mul3A_129 = arith.muli %while3A_79, %mul3A_128 : i32
      %add3A_130 = arith.constant 96 : i32
      %add3A_131 = arith.addi %mul3A_129, %add3A_130 : i32
      %get3A_132 = arith.index_cast %add3A_131 : i32 to index
      %get3A_133 = tpu.vector_load %arg9[%get3A_132] {strides = array<i32>} : memref<25872xi32, #tpu.memory_space<vmem>>, vector<16xi32>,
      %swap3A_134 = arith.constant 96 : index
      %swap3A_135 = tpu.vector_load %arg10[%swap3A_134] {strides = array<i32>} : memref<256xi32, #tpu.memory_space<vmem>>, vector<16xi32>,
      tpu.vector_store %arg10[%swap3A_134], %get3A_133 {strides = array<i32>} : memref<256xi32, #tpu.memory_space<vmem>>, vector<16xi32>,
      %mul3A_136 = arith.constant 256 : i32
      %mul3A_137 = arith.muli %while3A_79, %mul3A_136 : i32
      %add3A_138 = arith.constant 112 : i32
      %add3A_139 = arith.addi %mul3A_137, %add3A_138 : i32
      %get3A_140 = arith.index_cast %add3A_139 : i32 to index
      %get3A_141 = tpu.vector_load %arg9[%get3A_140] {strides = array<i32>} : memref<25872xi32, #tpu.memory_space<vmem>>, vector<16xi32>,
      %swap3A_142 = arith.constant 112 : index
      %swap3A_143 = tpu.vector_load %arg10[%swap3A_142] {strides = array<i32>} : memref<256xi32, #tpu.memory_space<vmem>>, vector<16xi32>,
      tpu.vector_store %arg10[%swap3A_142], %get3A_141 {strides = array<i32>} : memref<256xi32, #tpu.memory_space<vmem>>, vector<16xi32>,
      %mul3A_144 = arith.constant 256 : i32
      %mul3A_145 = arith.muli %while3A_79, %mul3A_144 : i32
      %add3A_146 = arith.constant 128 : i32
      %add3A_147 = arith.addi %mul3A_145, %add3A_146 : i32
      %get3A_148 = arith.index_cast %add3A_147 : i32 to index
      %get3A_149 = tpu.vector_load %arg9[%get3A_148] {strides = array<i32>} : memref<25872xi32, #tpu.memory_space<vmem>>, vector<16xi32>,
      %swap3A_150 = arith.constant 128 : index
      %swap3A_151 = tpu.vector_load %arg10[%swap3A_150] {strides = array<i32>} : memref<256xi32, #tpu.memory_space<vmem>>, vector<16xi32>,
      tpu.vector_store %arg10[%swap3A_150], %get3A_149 {strides = array<i32>} : memref<256xi32, #tpu.memory_space<vmem>>, vector<16xi32>,
      %mul3A_152 = arith.constant 256 : i32
      %mul3A_153 = arith.muli %while3A_79, %mul3A_152 : i32
      %add3A_154 = arith.constant 144 : i32
      %add3A_155 = arith.addi %mul3A_153, %add3A_154 : i32
      %get3A_156 = arith.index_cast %add3A_155 : i32 to index
      %get3A_157 = tpu.vector_load %arg9[%get3A_156] {strides = array<i32>} : memref<25872xi32, #tpu.memory_space<vmem>>, vector<16xi32>,
      %swap3A_158 = arith.constant 144 : index
      %swap3A_159 = tpu.vector_load %arg10[%swap3A_158] {strides = array<i32>} : memref<256xi32, #tpu.memory_space<vmem>>, vector<16xi32>,
      tpu.vector_store %arg10[%swap3A_158], %get3A_157 {strides = array<i32>} : memref<256xi32, #tpu.memory_space<vmem>>, vector<16xi32>,
      %mul3A_160 = arith.constant 256 : i32
      %mul3A_161 = arith.muli %while3A_79, %mul3A_160 : i32
      %add3A_162 = arith.constant 160 : i32
      %add3A_163 = arith.addi %mul3A_161, %add3A_162 : i32
      %get3A_164 = arith.index_cast %add3A_163 : i32 to index
      %get3A_165 = tpu.vector_load %arg9[%get3A_164] {strides = array<i32>} : memref<25872xi32, #tpu.memory_space<vmem>>, vector<16xi32>,
      %swap3A_166 = arith.constant 160 : index
      %swap3A_167 = tpu.vector_load %arg10[%swap3A_166] {strides = array<i32>} : memref<256xi32, #tpu.memory_space<vmem>>, vector<16xi32>,
      tpu.vector_store %arg10[%swap3A_166], %get3A_165 {strides = array<i32>} : memref<256xi32, #tpu.memory_space<vmem>>, vector<16xi32>,
      %mul3A_168 = arith.constant 256 : i32
      %mul3A_169 = arith.muli %while3A_79, %mul3A_168 : i32
      %add3A_170 = arith.constant 176 : i32
      %add3A_171 = arith.addi %mul3A_169, %add3A_170 : i32
      %get3A_172 = arith.index_cast %add3A_171 : i32 to index
      %get3A_173 = tpu.vector_load %arg9[%get3A_172] {strides = array<i32>} : memref<25872xi32, #tpu.memory_space<vmem>>, vector<16xi32>,
      %swap3A_174 = arith.constant 176 : index
      %swap3A_175 = tpu.vector_load %arg10[%swap3A_174] {strides = array<i32>} : memref<256xi32, #tpu.memory_space<vmem>>, vector<16xi32>,
      tpu.vector_store %arg10[%swap3A_174], %get3A_173 {strides = array<i32>} : memref<256xi32, #tpu.memory_space<vmem>>, vector<16xi32>,
      %mul3A_176 = arith.constant 256 : i32
      %mul3A_177 = arith.muli %while3A_79, %mul3A_176 : i32
      %add3A_178 = arith.constant 192 : i32
      %add3A_179 = arith.addi %mul3A_177, %add3A_178 : i32
      %get3A_180 = arith.index_cast %add3A_179 : i32 to index
      %get3A_181 = tpu.vector_load %arg9[%get3A_180] {strides = array<i32>} : memref<25872xi32, #tpu.memory_space<vmem>>, vector<16xi32>,
      %swap3A_182 = arith.constant 192 : index
      %swap3A_183 = tpu.vector_load %arg10[%swap3A_182] {strides = array<i32>} : memref<256xi32, #tpu.memory_space<vmem>>, vector<16xi32>,
      tpu.vector_store %arg10[%swap3A_182], %get3A_181 {strides = array<i32>} : memref<256xi32, #tpu.memory_space<vmem>>, vector<16xi32>,
      %mul3A_184 = arith.constant 256 : i32
      %mul3A_185 = arith.muli %while3A_79, %mul3A_184 : i32
      %add3A_186 = arith.constant 208 : i32
      %add3A_187 = arith.addi %mul3A_185, %add3A_186 : i32
      %get3A_188 = arith.index_cast %add3A_187 : i32 to index
      %get3A_189 = tpu.vector_load %arg9[%get3A_188] {strides = array<i32>} : memref<25872xi32, #tpu.memory_space<vmem>>, vector<16xi32>,
      %swap3A_190 = arith.constant 208 : index
      %swap3A_191 = tpu.vector_load %arg10[%swap3A_190] {strides = array<i32>} : memref<256xi32, #tpu.memory_space<vmem>>, vector<16xi32>,
      tpu.vector_store %arg10[%swap3A_190], %get3A_189 {strides = array<i32>} : memref<256xi32, #tpu.memory_space<vmem>>, vector<16xi32>,
      %mul3A_192 = arith.constant 256 : i32
      %mul3A_193 = arith.muli %while3A_79, %mul3A_192 : i32
      %add3A_194 = arith.constant 224 : i32
      %add3A_195 = arith.addi %mul3A_193, %add3A_194 : i32
      %get3A_196 = arith.index_cast %add3A_195 : i32 to index
      %get3A_197 = tpu.vector_load %arg9[%get3A_196] {strides = array<i32>} : memref<25872xi32, #tpu.memory_space<vmem>>, vector<16xi32>,
      %swap3A_198 = arith.constant 224 : index
      %swap3A_199 = tpu.vector_load %arg10[%swap3A_198] {strides = array<i32>} : memref<256xi32, #tpu.memory_space<vmem>>, vector<16xi32>,
      tpu.vector_store %arg10[%swap3A_198], %get3A_197 {strides = array<i32>} : memref<256xi32, #tpu.memory_space<vmem>>, vector<16xi32>,
      %mul3A_200 = arith.constant 256 : i32
      %mul3A_201 = arith.muli %while3A_79, %mul3A_200 : i32
      %add3A_202 = arith.constant 240 : i32
      %add3A_203 = arith.addi %mul3A_201, %add3A_202 : i32
      %get3A_204 = arith.index_cast %add3A_203 : i32 to index
      %get3A_205 = tpu.vector_load %arg9[%get3A_204] {strides = array<i32>} : memref<25872xi32, #tpu.memory_space<vmem>>, vector<16xi32>,
      %swap3A_206 = arith.constant 240 : index
      %swap3A_207 = tpu.vector_load %arg10[%swap3A_206] {strides = array<i32>} : memref<256xi32, #tpu.memory_space<vmem>>, vector<16xi32>,
      tpu.vector_store %arg10[%swap3A_206], %get3A_205 {strides = array<i32>} : memref<256xi32, #tpu.memory_space<vmem>>, vector<16xi32>,
      %dma_start3A_208 = arith.constant 0 : i32
      %dma_start3A_209 = tpu.memref_slice %arg2[%dma_start3A_208] : memref<819200xi32, #tpu.memory_space<hbm>> -> memref<819200xi32, #tpu.memory_space<hbm>>
      tpu.enqueue_indirect_dma source(%dma_start3A_209 : memref<819200xi32, #tpu.memory_space<hbm>>) target(%arg11 : memref<256xi32, #tpu.memory_space<vmem>>) offsets(%arg10 : memref<256xi32, #tpu.memory_space<vmem>>) semaphore(%arg12 : memref<!tpu.dma_semaphore, #tpu.memory_space<semaphore_mem>>)
      %dma_wait3A_210 = arith.constant 0 : i32
      %dma_wait3A_211 = tpu.memref_slice %arg2[%dma_wait3A_210] : memref<819200xi32, #tpu.memory_space<hbm>> -> memref<819200xi32, #tpu.memory_space<hbm>>
      tpu.wait_indirect_dma semaphore(%arg12 : memref<!tpu.dma_semaphore, #tpu.memory_space<semaphore_mem>>) src(%dma_wait3A_211 : memref<819200xi32, #tpu.memory_space<hbm>>) dst(%arg11 : memref<256xi32, #tpu.memory_space<vmem>>)
      %get3A_212 = arith.constant 0 : index
      %get3A_213 = tpu.vector_load %arg11[%get3A_212] {strides = array<i32>} : memref<256xi32, #tpu.memory_space<vmem>>, vector<16xi32>,
      %sub3A_214 = arith.constant 900000 : i32
      %sub3A_215 = vector.broadcast %sub3A_214 : i32 to vector<16xi32>
      %sub3A_216 = arith.subi %get3A_213, %sub3A_215 : vector<16xi32>
      %dma_start3A_217 = arith.constant 0 : i32
      %dma_start3A_218 = arith.constant 0 : i32
      %dma_start3A_219 = tpu.memref_slice %arg7[%dma_start3A_217, %dma_start3A_218] : memref<256x64xf32, #tpu.memory_space<vmem>> -> memref<16x64xf32, #tpu.memory_space<vmem>>
      %dma_start3A_220 = arith.constant 0 : i32
      %dma_start3A_221 = arith.constant 0 : i32
      %dma_start3A_222 = tpu.memref_slice %arg4[%dma_start3A_220, %dma_start3A_221] : memref<100000x64xf32, #tpu.memory_space<hbm>> -> memref<100000x64xf32, #tpu.memory_space<hbm>>
      tpu.enqueue_indirect_dma source(%dma_start3A_222 : memref<100000x64xf32, #tpu.memory_space<hbm>>) target(%dma_start3A_219 : memref<16x64xf32, #tpu.memory_space<vmem>>) offsets(%sub3A_216 : vector<16xi32>) semaphore(%arg12 : memref<!tpu.dma_semaphore, #tpu.memory_space<semaphore_mem>>)
      %get3A_223 = arith.constant 16 : index
      %get3A_224 = tpu.vector_load %arg11[%get3A_223] {strides = array<i32>} : memref<256xi32, #tpu.memory_space<vmem>>, vector<16xi32>,
      %sub3A_225 = arith.constant 900000 : i32
      %sub3A_226 = vector.broadcast %sub3A_225 : i32 to vector<16xi32>
      %sub3A_227 = arith.subi %get3A_224, %sub3A_226 : vector<16xi32>
      %dma_start3A_228 = arith.constant 16 : i32
      %dma_start3A_229 = arith.constant 0 : i32
      %dma_start3A_230 = tpu.memref_slice %arg7[%dma_start3A_228, %dma_start3A_229] : memref<256x64xf32, #tpu.memory_space<vmem>> -> memref<16x64xf32, #tpu.memory_space<vmem>>
      %dma_start3A_231 = arith.constant 0 : i32
      %dma_start3A_232 = arith.constant 0 : i32
      %dma_start3A_233 = tpu.memref_slice %arg4[%dma_start3A_231, %dma_start3A_232] : memref<100000x64xf32, #tpu.memory_space<hbm>> -> memref<100000x64xf32, #tpu.memory_space<hbm>>
      tpu.enqueue_indirect_dma source(%dma_start3A_233 : memref<100000x64xf32, #tpu.memory_space<hbm>>) target(%dma_start3A_230 : memref<16x64xf32, #tpu.memory_space<vmem>>) offsets(%sub3A_227 : vector<16xi32>) semaphore(%arg12 : memref<!tpu.dma_semaphore, #tpu.memory_space<semaphore_mem>>)
      %get3A_234 = arith.constant 32 : index
      %get3A_235 = tpu.vector_load %arg11[%get3A_234] {strides = array<i32>} : memref<256xi32, #tpu.memory_space<vmem>>, vector<16xi32>,
      %sub3A_236 = arith.constant 900000 : i32
      %sub3A_237 = vector.broadcast %sub3A_236 : i32 to vector<16xi32>
      %sub3A_238 = arith.subi %get3A_235, %sub3A_237 : vector<16xi32>
      %dma_start3A_239 = arith.constant 32 : i32
      %dma_start3A_240 = arith.constant 0 : i32
      %dma_start3A_241 = tpu.memref_slice %arg7[%dma_start3A_239, %dma_start3A_240] : memref<256x64xf32, #tpu.memory_space<vmem>> -> memref<16x64xf32, #tpu.memory_space<vmem>>
      %dma_start3A_242 = arith.constant 0 : i32
      %dma_start3A_243 = arith.constant 0 : i32
      %dma_start3A_244 = tpu.memref_slice %arg4[%dma_start3A_242, %dma_start3A_243] : memref<100000x64xf32, #tpu.memory_space<hbm>> -> memref<100000x64xf32, #tpu.memory_space<hbm>>
      tpu.enqueue_indirect_dma source(%dma_start3A_244 : memref<100000x64xf32, #tpu.memory_space<hbm>>) target(%dma_start3A_241 : memref<16x64xf32, #tpu.memory_space<vmem>>) offsets(%sub3A_238 : vector<16xi32>) semaphore(%arg12 : memref<!tpu.dma_semaphore, #tpu.memory_space<semaphore_mem>>)
      %get3A_245 = arith.constant 48 : index
      %get3A_246 = tpu.vector_load %arg11[%get3A_245] {strides = array<i32>} : memref<256xi32, #tpu.memory_space<vmem>>, vector<16xi32>,
      %sub3A_247 = arith.constant 900000 : i32
      %sub3A_248 = vector.broadcast %sub3A_247 : i32 to vector<16xi32>
      %sub3A_249 = arith.subi %get3A_246, %sub3A_248 : vector<16xi32>
      %dma_start3A_250 = arith.constant 48 : i32
      %dma_start3A_251 = arith.constant 0 : i32
      %dma_start3A_252 = tpu.memref_slice %arg7[%dma_start3A_250, %dma_start3A_251] : memref<256x64xf32, #tpu.memory_space<vmem>> -> memref<16x64xf32, #tpu.memory_space<vmem>>
      %dma_start3A_253 = arith.constant 0 : i32
      %dma_start3A_254 = arith.constant 0 : i32
      %dma_start3A_255 = tpu.memref_slice %arg4[%dma_start3A_253, %dma_start3A_254] : memref<100000x64xf32, #tpu.memory_space<hbm>> -> memref<100000x64xf32, #tpu.memory_space<hbm>>
      tpu.enqueue_indirect_dma source(%dma_start3A_255 : memref<100000x64xf32, #tpu.memory_space<hbm>>) target(%dma_start3A_252 : memref<16x64xf32, #tpu.memory_space<vmem>>) offsets(%sub3A_249 : vector<16xi32>) semaphore(%arg12 : memref<!tpu.dma_semaphore, #tpu.memory_space<semaphore_mem>>)
      %get3A_256 = arith.constant 64 : index
      %get3A_257 = tpu.vector_load %arg11[%get3A_256] {strides = array<i32>} : memref<256xi32, #tpu.memory_space<vmem>>, vector<16xi32>,
      %sub3A_258 = arith.constant 900000 : i32
      %sub3A_259 = vector.broadcast %sub3A_258 : i32 to vector<16xi32>
      %sub3A_260 = arith.subi %get3A_257, %sub3A_259 : vector<16xi32>
      %dma_start3A_261 = arith.constant 64 : i32
      %dma_start3A_262 = arith.constant 0 : i32
      %dma_start3A_263 = tpu.memref_slice %arg7[%dma_start3A_261, %dma_start3A_262] : memref<256x64xf32, #tpu.memory_space<vmem>> -> memref<16x64xf32, #tpu.memory_space<vmem>>
      %dma_start3A_264 = arith.constant 0 : i32
      %dma_start3A_265 = arith.constant 0 : i32
      %dma_start3A_266 = tpu.memref_slice %arg4[%dma_start3A_264, %dma_start3A_265] : memref<100000x64xf32, #tpu.memory_space<hbm>> -> memref<100000x64xf32, #tpu.memory_space<hbm>>
      tpu.enqueue_indirect_dma source(%dma_start3A_266 : memref<100000x64xf32, #tpu.memory_space<hbm>>) target(%dma_start3A_263 : memref<16x64xf32, #tpu.memory_space<vmem>>) offsets(%sub3A_260 : vector<16xi32>) semaphore(%arg12 : memref<!tpu.dma_semaphore, #tpu.memory_space<semaphore_mem>>)
      %get3A_267 = arith.constant 80 : index
      %get3A_268 = tpu.vector_load %arg11[%get3A_267] {strides = array<i32>} : memref<256xi32, #tpu.memory_space<vmem>>, vector<16xi32>,
      %sub3A_269 = arith.constant 900000 : i32
      %sub3A_270 = vector.broadcast %sub3A_269 : i32 to vector<16xi32>
      %sub3A_271 = arith.subi %get3A_268, %sub3A_270 : vector<16xi32>
      %dma_start3A_272 = arith.constant 80 : i32
      %dma_start3A_273 = arith.constant 0 : i32
      %dma_start3A_274 = tpu.memref_slice %arg7[%dma_start3A_272, %dma_start3A_273] : memref<256x64xf32, #tpu.memory_space<vmem>> -> memref<16x64xf32, #tpu.memory_space<vmem>>
      %dma_start3A_275 = arith.constant 0 : i32
      %dma_start3A_276 = arith.constant 0 : i32
      %dma_start3A_277 = tpu.memref_slice %arg4[%dma_start3A_275, %dma_start3A_276] : memref<100000x64xf32, #tpu.memory_space<hbm>> -> memref<100000x64xf32, #tpu.memory_space<hbm>>
      tpu.enqueue_indirect_dma source(%dma_start3A_277 : memref<100000x64xf32, #tpu.memory_space<hbm>>) target(%dma_start3A_274 : memref<16x64xf32, #tpu.memory_space<vmem>>) offsets(%sub3A_271 : vector<16xi32>) semaphore(%arg12 : memref<!tpu.dma_semaphore, #tpu.memory_space<semaphore_mem>>)
      %get3A_278 = arith.constant 96 : index
      %get3A_279 = tpu.vector_load %arg11[%get3A_278] {strides = array<i32>} : memref<256xi32, #tpu.memory_space<vmem>>, vector<16xi32>,
      %sub3A_280 = arith.constant 900000 : i32
      %sub3A_281 = vector.broadcast %sub3A_280 : i32 to vector<16xi32>
      %sub3A_282 = arith.subi %get3A_279, %sub3A_281 : vector<16xi32>
      %dma_start3A_283 = arith.constant 96 : i32
      %dma_start3A_284 = arith.constant 0 : i32
      %dma_start3A_285 = tpu.memref_slice %arg7[%dma_start3A_283, %dma_start3A_284] : memref<256x64xf32, #tpu.memory_space<vmem>> -> memref<16x64xf32, #tpu.memory_space<vmem>>
      %dma_start3A_286 = arith.constant 0 : i32
      %dma_start3A_287 = arith.constant 0 : i32
      %dma_start3A_288 = tpu.memref_slice %arg4[%dma_start3A_286, %dma_start3A_287] : memref<100000x64xf32, #tpu.memory_space<hbm>> -> memref<100000x64xf32, #tpu.memory_space<hbm>>
      tpu.enqueue_indirect_dma source(%dma_start3A_288 : memref<100000x64xf32, #tpu.memory_space<hbm>>) target(%dma_start3A_285 : memref<16x64xf32, #tpu.memory_space<vmem>>) offsets(%sub3A_282 : vector<16xi32>) semaphore(%arg12 : memref<!tpu.dma_semaphore, #tpu.memory_space<semaphore_mem>>)
      %get3A_289 = arith.constant 112 : index
      %get3A_290 = tpu.vector_load %arg11[%get3A_289] {strides = array<i32>} : memref<256xi32, #tpu.memory_space<vmem>>, vector<16xi32>,
      %sub3A_291 = arith.constant 900000 : i32
      %sub3A_292 = vector.broadcast %sub3A_291 : i32 to vector<16xi32>
      %sub3A_293 = arith.subi %get3A_290, %sub3A_292 : vector<16xi32>
      %dma_start3A_294 = arith.constant 112 : i32
      %dma_start3A_295 = arith.constant 0 : i32
      %dma_start3A_296 = tpu.memref_slice %arg7[%dma_start3A_294, %dma_start3A_295] : memref<256x64xf32, #tpu.memory_space<vmem>> -> memref<16x64xf32, #tpu.memory_space<vmem>>
      %dma_start3A_297 = arith.constant 0 : i32
      %dma_start3A_298 = arith.constant 0 : i32
      %dma_start3A_299 = tpu.memref_slice %arg4[%dma_start3A_297, %dma_start3A_298] : memref<100000x64xf32, #tpu.memory_space<hbm>> -> memref<100000x64xf32, #tpu.memory_space<hbm>>
      tpu.enqueue_indirect_dma source(%dma_start3A_299 : memref<100000x64xf32, #tpu.memory_space<hbm>>) target(%dma_start3A_296 : memref<16x64xf32, #tpu.memory_space<vmem>>) offsets(%sub3A_293 : vector<16xi32>) semaphore(%arg12 : memref<!tpu.dma_semaphore, #tpu.memory_space<semaphore_mem>>)
      %get3A_300 = arith.constant 128 : index
      %get3A_301 = tpu.vector_load %arg11[%get3A_300] {strides = array<i32>} : memref<256xi32, #tpu.memory_space<vmem>>, vector<16xi32>,
      %sub3A_302 = arith.constant 900000 : i32
      %sub3A_303 = vector.broadcast %sub3A_302 : i32 to vector<16xi32>
      %sub3A_304 = arith.subi %get3A_301, %sub3A_303 : vector<16xi32>
      %dma_start3A_305 = arith.constant 128 : i32
      %dma_start3A_306 = arith.constant 0 : i32
      %dma_start3A_307 = tpu.memref_slice %arg7[%dma_start3A_305, %dma_start3A_306] : memref<256x64xf32, #tpu.memory_space<vmem>> -> memref<16x64xf32, #tpu.memory_space<vmem>>
      %dma_start3A_308 = arith.constant 0 : i32
      %dma_start3A_309 = arith.constant 0 : i32
      %dma_start3A_310 = tpu.memref_slice %arg4[%dma_start3A_308, %dma_start3A_309] : memref<100000x64xf32, #tpu.memory_space<hbm>> -> memref<100000x64xf32, #tpu.memory_space<hbm>>
      tpu.enqueue_indirect_dma source(%dma_start3A_310 : memref<100000x64xf32, #tpu.memory_space<hbm>>) target(%dma_start3A_307 : memref<16x64xf32, #tpu.memory_space<vmem>>) offsets(%sub3A_304 : vector<16xi32>) semaphore(%arg12 : memref<!tpu.dma_semaphore, #tpu.memory_space<semaphore_mem>>)
      %get3A_311 = arith.constant 144 : index
      %get3A_312 = tpu.vector_load %arg11[%get3A_311] {strides = array<i32>} : memref<256xi32, #tpu.memory_space<vmem>>, vector<16xi32>,
      %sub3A_313 = arith.constant 900000 : i32
      %sub3A_314 = vector.broadcast %sub3A_313 : i32 to vector<16xi32>
      %sub3A_315 = arith.subi %get3A_312, %sub3A_314 : vector<16xi32>
      %dma_start3A_316 = arith.constant 144 : i32
      %dma_start3A_317 = arith.constant 0 : i32
      %dma_start3A_318 = tpu.memref_slice %arg7[%dma_start3A_316, %dma_start3A_317] : memref<256x64xf32, #tpu.memory_space<vmem>> -> memref<16x64xf32, #tpu.memory_space<vmem>>
      %dma_start3A_319 = arith.constant 0 : i32
      %dma_start3A_320 = arith.constant 0 : i32
      %dma_start3A_321 = tpu.memref_slice %arg4[%dma_start3A_319, %dma_start3A_320] : memref<100000x64xf32, #tpu.memory_space<hbm>> -> memref<100000x64xf32, #tpu.memory_space<hbm>>
      tpu.enqueue_indirect_dma source(%dma_start3A_321 : memref<100000x64xf32, #tpu.memory_space<hbm>>) target(%dma_start3A_318 : memref<16x64xf32, #tpu.memory_space<vmem>>) offsets(%sub3A_315 : vector<16xi32>) semaphore(%arg12 : memref<!tpu.dma_semaphore, #tpu.memory_space<semaphore_mem>>)
      %get3A_322 = arith.constant 160 : index
      %get3A_323 = tpu.vector_load %arg11[%get3A_322] {strides = array<i32>} : memref<256xi32, #tpu.memory_space<vmem>>, vector<16xi32>,
      %sub3A_324 = arith.constant 900000 : i32
      %sub3A_325 = vector.broadcast %sub3A_324 : i32 to vector<16xi32>
      %sub3A_326 = arith.subi %get3A_323, %sub3A_325 : vector<16xi32>
      %dma_start3A_327 = arith.constant 160 : i32
      %dma_start3A_328 = arith.constant 0 : i32
      %dma_start3A_329 = tpu.memref_slice %arg7[%dma_start3A_327, %dma_start3A_328] : memref<256x64xf32, #tpu.memory_space<vmem>> -> memref<16x64xf32, #tpu.memory_space<vmem>>
      %dma_start3A_330 = arith.constant 0 : i32
      %dma_start3A_331 = arith.constant 0 : i32
      %dma_start3A_332 = tpu.memref_slice %arg4[%dma_start3A_330, %dma_start3A_331] : memref<100000x64xf32, #tpu.memory_space<hbm>> -> memref<100000x64xf32, #tpu.memory_space<hbm>>
      tpu.enqueue_indirect_dma source(%dma_start3A_332 : memref<100000x64xf32, #tpu.memory_space<hbm>>) target(%dma_start3A_329 : memref<16x64xf32, #tpu.memory_space<vmem>>) offsets(%sub3A_326 : vector<16xi32>) semaphore(%arg12 : memref<!tpu.dma_semaphore, #tpu.memory_space<semaphore_mem>>)
      %get3A_333 = arith.constant 176 : index
      %get3A_334 = tpu.vector_load %arg11[%get3A_333] {strides = array<i32>} : memref<256xi32, #tpu.memory_space<vmem>>, vector<16xi32>,
      %sub3A_335 = arith.constant 900000 : i32
      %sub3A_336 = vector.broadcast %sub3A_335 : i32 to vector<16xi32>
      %sub3A_337 = arith.subi %get3A_334, %sub3A_336 : vector<16xi32>
      %dma_start3A_338 = arith.constant 176 : i32
      %dma_start3A_339 = arith.constant 0 : i32
      %dma_start3A_340 = tpu.memref_slice %arg7[%dma_start3A_338, %dma_start3A_339] : memref<256x64xf32, #tpu.memory_space<vmem>> -> memref<16x64xf32, #tpu.memory_space<vmem>>
      %dma_start3A_341 = arith.constant 0 : i32
      %dma_start3A_342 = arith.constant 0 : i32
      %dma_start3A_343 = tpu.memref_slice %arg4[%dma_start3A_341, %dma_start3A_342] : memref<100000x64xf32, #tpu.memory_space<hbm>> -> memref<100000x64xf32, #tpu.memory_space<hbm>>
      tpu.enqueue_indirect_dma source(%dma_start3A_343 : memref<100000x64xf32, #tpu.memory_space<hbm>>) target(%dma_start3A_340 : memref<16x64xf32, #tpu.memory_space<vmem>>) offsets(%sub3A_337 : vector<16xi32>) semaphore(%arg12 : memref<!tpu.dma_semaphore, #tpu.memory_space<semaphore_mem>>)
      %get3A_344 = arith.constant 192 : index
      %get3A_345 = tpu.vector_load %arg11[%get3A_344] {strides = array<i32>} : memref<256xi32, #tpu.memory_space<vmem>>, vector<16xi32>,
      %sub3A_346 = arith.constant 900000 : i32
      %sub3A_347 = vector.broadcast %sub3A_346 : i32 to vector<16xi32>
      %sub3A_348 = arith.subi %get3A_345, %sub3A_347 : vector<16xi32>
      %dma_start3A_349 = arith.constant 192 : i32
      %dma_start3A_350 = arith.constant 0 : i32
      %dma_start3A_351 = tpu.memref_slice %arg7[%dma_start3A_349, %dma_start3A_350] : memref<256x64xf32, #tpu.memory_space<vmem>> -> memref<16x64xf32, #tpu.memory_space<vmem>>
      %dma_start3A_352 = arith.constant 0 : i32
      %dma_start3A_353 = arith.constant 0 : i32
      %dma_start3A_354 = tpu.memref_slice %arg4[%dma_start3A_352, %dma_start3A_353] : memref<100000x64xf32, #tpu.memory_space<hbm>> -> memref<100000x64xf32, #tpu.memory_space<hbm>>
      tpu.enqueue_indirect_dma source(%dma_start3A_354 : memref<100000x64xf32, #tpu.memory_space<hbm>>) target(%dma_start3A_351 : memref<16x64xf32, #tpu.memory_space<vmem>>) offsets(%sub3A_348 : vector<16xi32>) semaphore(%arg12 : memref<!tpu.dma_semaphore, #tpu.memory_space<semaphore_mem>>)
      %get3A_355 = arith.constant 208 : index
      %get3A_356 = tpu.vector_load %arg11[%get3A_355] {strides = array<i32>} : memref<256xi32, #tpu.memory_space<vmem>>, vector<16xi32>,
      %sub3A_357 = arith.constant 900000 : i32
      %sub3A_358 = vector.broadcast %sub3A_357 : i32 to vector<16xi32>
      %sub3A_359 = arith.subi %get3A_356, %sub3A_358 : vector<16xi32>
      %dma_start3A_360 = arith.constant 208 : i32
      %dma_start3A_361 = arith.constant 0 : i32
      %dma_start3A_362 = tpu.memref_slice %arg7[%dma_start3A_360, %dma_start3A_361] : memref<256x64xf32, #tpu.memory_space<vmem>> -> memref<16x64xf32, #tpu.memory_space<vmem>>
      %dma_start3A_363 = arith.constant 0 : i32
      %dma_start3A_364 = arith.constant 0 : i32
      %dma_start3A_365 = tpu.memref_slice %arg4[%dma_start3A_363, %dma_start3A_364] : memref<100000x64xf32, #tpu.memory_space<hbm>> -> memref<100000x64xf32, #tpu.memory_space<hbm>>
      tpu.enqueue_indirect_dma source(%dma_start3A_365 : memref<100000x64xf32, #tpu.memory_space<hbm>>) target(%dma_start3A_362 : memref<16x64xf32, #tpu.memory_space<vmem>>) offsets(%sub3A_359 : vector<16xi32>) semaphore(%arg12 : memref<!tpu.dma_semaphore, #tpu.memory_space<semaphore_mem>>)
      %get3A_366 = arith.constant 224 : index
      %get3A_367 = tpu.vector_load %arg11[%get3A_366] {strides = array<i32>} : memref<256xi32, #tpu.memory_space<vmem>>, vector<16xi32>,
      %sub3A_368 = arith.constant 900000 : i32
      %sub3A_369 = vector.broadcast %sub3A_368 : i32 to vector<16xi32>
      %sub3A_370 = arith.subi %get3A_367, %sub3A_369 : vector<16xi32>
      %dma_start3A_371 = arith.constant 224 : i32
      %dma_start3A_372 = arith.constant 0 : i32
      %dma_start3A_373 = tpu.memref_slice %arg7[%dma_start3A_371, %dma_start3A_372] : memref<256x64xf32, #tpu.memory_space<vmem>> -> memref<16x64xf32, #tpu.memory_space<vmem>>
      %dma_start3A_374 = arith.constant 0 : i32
      %dma_start3A_375 = arith.constant 0 : i32
      %dma_start3A_376 = tpu.memref_slice %arg4[%dma_start3A_374, %dma_start3A_375] : memref<100000x64xf32, #tpu.memory_space<hbm>> -> memref<100000x64xf32, #tpu.memory_space<hbm>>
      tpu.enqueue_indirect_dma source(%dma_start3A_376 : memref<100000x64xf32, #tpu.memory_space<hbm>>) target(%dma_start3A_373 : memref<16x64xf32, #tpu.memory_space<vmem>>) offsets(%sub3A_370 : vector<16xi32>) semaphore(%arg12 : memref<!tpu.dma_semaphore, #tpu.memory_space<semaphore_mem>>)
      %get3A_377 = arith.constant 240 : index
      %get3A_378 = tpu.vector_load %arg11[%get3A_377] {strides = array<i32>} : memref<256xi32, #tpu.memory_space<vmem>>, vector<16xi32>,
      %sub3A_379 = arith.constant 900000 : i32
      %sub3A_380 = vector.broadcast %sub3A_379 : i32 to vector<16xi32>
      %sub3A_381 = arith.subi %get3A_378, %sub3A_380 : vector<16xi32>
      %dma_start3A_382 = arith.constant 240 : i32
      %dma_start3A_383 = arith.constant 0 : i32
      %dma_start3A_384 = tpu.memref_slice %arg7[%dma_start3A_382, %dma_start3A_383] : memref<256x64xf32, #tpu.memory_space<vmem>> -> memref<16x64xf32, #tpu.memory_space<vmem>>
      %dma_start3A_385 = arith.constant 0 : i32
      %dma_start3A_386 = arith.constant 0 : i32
      %dma_start3A_387 = tpu.memref_slice %arg4[%dma_start3A_385, %dma_start3A_386] : memref<100000x64xf32, #tpu.memory_space<hbm>> -> memref<100000x64xf32, #tpu.memory_space<hbm>>
      tpu.enqueue_indirect_dma source(%dma_start3A_387 : memref<100000x64xf32, #tpu.memory_space<hbm>>) target(%dma_start3A_384 : memref<16x64xf32, #tpu.memory_space<vmem>>) offsets(%sub3A_381 : vector<16xi32>) semaphore(%arg12 : memref<!tpu.dma_semaphore, #tpu.memory_space<semaphore_mem>>)
      %dma_wait3A_388 = arith.constant 0 : i32
      %dma_wait3A_389 = arith.constant 0 : i32
      %dma_wait3A_390 = tpu.memref_slice %arg7[%dma_wait3A_388, %dma_wait3A_389] : memref<256x64xf32, #tpu.memory_space<vmem>> -> memref<16x64xf32, #tpu.memory_space<vmem>>
      %dma_wait3A_391 = arith.constant 0 : i32
      %dma_wait3A_392 = arith.constant 0 : i32
      %dma_wait3A_393 = tpu.memref_slice %arg4[%dma_wait3A_391, %dma_wait3A_392] : memref<100000x64xf32, #tpu.memory_space<hbm>> -> memref<100000x64xf32, #tpu.memory_space<hbm>>
      tpu.wait_indirect_dma semaphore(%arg12 : memref<!tpu.dma_semaphore, #tpu.memory_space<semaphore_mem>>) src(%dma_wait3A_393 : memref<100000x64xf32, #tpu.memory_space<hbm>>) dst(%dma_wait3A_390 : memref<16x64xf32, #tpu.memory_space<vmem>>)
      %dma_wait3A_394 = arith.constant 16 : i32
      %dma_wait3A_395 = arith.constant 0 : i32
      %dma_wait3A_396 = tpu.memref_slice %arg7[%dma_wait3A_394, %dma_wait3A_395] : memref<256x64xf32, #tpu.memory_space<vmem>> -> memref<16x64xf32, #tpu.memory_space<vmem>>
      %dma_wait3A_397 = arith.constant 0 : i32
      %dma_wait3A_398 = arith.constant 0 : i32
      %dma_wait3A_399 = tpu.memref_slice %arg4[%dma_wait3A_397, %dma_wait3A_398] : memref<100000x64xf32, #tpu.memory_space<hbm>> -> memref<100000x64xf32, #tpu.memory_space<hbm>>
      tpu.wait_indirect_dma semaphore(%arg12 : memref<!tpu.dma_semaphore, #tpu.memory_space<semaphore_mem>>) src(%dma_wait3A_399 : memref<100000x64xf32, #tpu.memory_space<hbm>>) dst(%dma_wait3A_396 : memref<16x64xf32, #tpu.memory_space<vmem>>)
      %dma_wait3A_400 = arith.constant 32 : i32
      %dma_wait3A_401 = arith.constant 0 : i32
      %dma_wait3A_402 = tpu.memref_slice %arg7[%dma_wait3A_400, %dma_wait3A_401] : memref<256x64xf32, #tpu.memory_space<vmem>> -> memref<16x64xf32, #tpu.memory_space<vmem>>
      %dma_wait3A_403 = arith.constant 0 : i32
      %dma_wait3A_404 = arith.constant 0 : i32
      %dma_wait3A_405 = tpu.memref_slice %arg4[%dma_wait3A_403, %dma_wait3A_404] : memref<100000x64xf32, #tpu.memory_space<hbm>> -> memref<100000x64xf32, #tpu.memory_space<hbm>>
      tpu.wait_indirect_dma semaphore(%arg12 : memref<!tpu.dma_semaphore, #tpu.memory_space<semaphore_mem>>) src(%dma_wait3A_405 : memref<100000x64xf32, #tpu.memory_space<hbm>>) dst(%dma_wait3A_402 : memref<16x64xf32, #tpu.memory_space<vmem>>)
      %dma_wait3A_406 = arith.constant 48 : i32
      %dma_wait3A_407 = arith.constant 0 : i32
      %dma_wait3A_408 = tpu.memref_slice %arg7[%dma_wait3A_406, %dma_wait3A_407] : memref<256x64xf32, #tpu.memory_space<vmem>> -> memref<16x64xf32, #tpu.memory_space<vmem>>
      %dma_wait3A_409 = arith.constant 0 : i32
      %dma_wait3A_410 = arith.constant 0 : i32
      %dma_wait3A_411 = tpu.memref_slice %arg4[%dma_wait3A_409, %dma_wait3A_410] : memref<100000x64xf32, #tpu.memory_space<hbm>> -> memref<100000x64xf32, #tpu.memory_space<hbm>>
      tpu.wait_indirect_dma semaphore(%arg12 : memref<!tpu.dma_semaphore, #tpu.memory_space<semaphore_mem>>) src(%dma_wait3A_411 : memref<100000x64xf32, #tpu.memory_space<hbm>>) dst(%dma_wait3A_408 : memref<16x64xf32, #tpu.memory_space<vmem>>)
      %dma_wait3A_412 = arith.constant 64 : i32
      %dma_wait3A_413 = arith.constant 0 : i32
      %dma_wait3A_414 = tpu.memref_slice %arg7[%dma_wait3A_412, %dma_wait3A_413] : memref<256x64xf32, #tpu.memory_space<vmem>> -> memref<16x64xf32, #tpu.memory_space<vmem>>
      %dma_wait3A_415 = arith.constant 0 : i32
      %dma_wait3A_416 = arith.constant 0 : i32
      %dma_wait3A_417 = tpu.memref_slice %arg4[%dma_wait3A_415, %dma_wait3A_416] : memref<100000x64xf32, #tpu.memory_space<hbm>> -> memref<100000x64xf32, #tpu.memory_space<hbm>>
      tpu.wait_indirect_dma semaphore(%arg12 : memref<!tpu.dma_semaphore, #tpu.memory_space<semaphore_mem>>) src(%dma_wait3A_417 : memref<100000x64xf32, #tpu.memory_space<hbm>>) dst(%dma_wait3A_414 : memref<16x64xf32, #tpu.memory_space<vmem>>)
      %dma_wait3A_418 = arith.constant 80 : i32
      %dma_wait3A_419 = arith.constant 0 : i32
      %dma_wait3A_420 = tpu.memref_slice %arg7[%dma_wait3A_418, %dma_wait3A_419] : memref<256x64xf32, #tpu.memory_space<vmem>> -> memref<16x64xf32, #tpu.memory_space<vmem>>
      %dma_wait3A_421 = arith.constant 0 : i32
      %dma_wait3A_422 = arith.constant 0 : i32
      %dma_wait3A_423 = tpu.memref_slice %arg4[%dma_wait3A_421, %dma_wait3A_422] : memref<100000x64xf32, #tpu.memory_space<hbm>> -> memref<100000x64xf32, #tpu.memory_space<hbm>>
      tpu.wait_indirect_dma semaphore(%arg12 : memref<!tpu.dma_semaphore, #tpu.memory_space<semaphore_mem>>) src(%dma_wait3A_423 : memref<100000x64xf32, #tpu.memory_space<hbm>>) dst(%dma_wait3A_420 : memref<16x64xf32, #tpu.memory_space<vmem>>)
      %dma_wait3A_424 = arith.constant 96 : i32
      %dma_wait3A_425 = arith.constant 0 : i32
      %dma_wait3A_426 = tpu.memref_slice %arg7[%dma_wait3A_424, %dma_wait3A_425] : memref<256x64xf32, #tpu.memory_space<vmem>> -> memref<16x64xf32, #tpu.memory_space<vmem>>
      %dma_wait3A_427 = arith.constant 0 : i32
      %dma_wait3A_428 = arith.constant 0 : i32
      %dma_wait3A_429 = tpu.memref_slice %arg4[%dma_wait3A_427, %dma_wait3A_428] : memref<100000x64xf32, #tpu.memory_space<hbm>> -> memref<100000x64xf32, #tpu.memory_space<hbm>>
      tpu.wait_indirect_dma semaphore(%arg12 : memref<!tpu.dma_semaphore, #tpu.memory_space<semaphore_mem>>) src(%dma_wait3A_429 : memref<100000x64xf32, #tpu.memory_space<hbm>>) dst(%dma_wait3A_426 : memref<16x64xf32, #tpu.memory_space<vmem>>)
      %dma_wait3A_430 = arith.constant 112 : i32
      %dma_wait3A_431 = arith.constant 0 : i32
      %dma_wait3A_432 = tpu.memref_slice %arg7[%dma_wait3A_430, %dma_wait3A_431] : memref<256x64xf32, #tpu.memory_space<vmem>> -> memref<16x64xf32, #tpu.memory_space<vmem>>
      %dma_wait3A_433 = arith.constant 0 : i32
      %dma_wait3A_434 = arith.constant 0 : i32
      %dma_wait3A_435 = tpu.memref_slice %arg4[%dma_wait3A_433, %dma_wait3A_434] : memref<100000x64xf32, #tpu.memory_space<hbm>> -> memref<100000x64xf32, #tpu.memory_space<hbm>>
      tpu.wait_indirect_dma semaphore(%arg12 : memref<!tpu.dma_semaphore, #tpu.memory_space<semaphore_mem>>) src(%dma_wait3A_435 : memref<100000x64xf32, #tpu.memory_space<hbm>>) dst(%dma_wait3A_432 : memref<16x64xf32, #tpu.memory_space<vmem>>)
      %dma_wait3A_436 = arith.constant 128 : i32
      %dma_wait3A_437 = arith.constant 0 : i32
      %dma_wait3A_438 = tpu.memref_slice %arg7[%dma_wait3A_436, %dma_wait3A_437] : memref<256x64xf32, #tpu.memory_space<vmem>> -> memref<16x64xf32, #tpu.memory_space<vmem>>
      %dma_wait3A_439 = arith.constant 0 : i32
      %dma_wait3A_440 = arith.constant 0 : i32
      %dma_wait3A_441 = tpu.memref_slice %arg4[%dma_wait3A_439, %dma_wait3A_440] : memref<100000x64xf32, #tpu.memory_space<hbm>> -> memref<100000x64xf32, #tpu.memory_space<hbm>>
      tpu.wait_indirect_dma semaphore(%arg12 : memref<!tpu.dma_semaphore, #tpu.memory_space<semaphore_mem>>) src(%dma_wait3A_441 : memref<100000x64xf32, #tpu.memory_space<hbm>>) dst(%dma_wait3A_438 : memref<16x64xf32, #tpu.memory_space<vmem>>)
      %dma_wait3A_442 = arith.constant 144 : i32
      %dma_wait3A_443 = arith.constant 0 : i32
      %dma_wait3A_444 = tpu.memref_slice %arg7[%dma_wait3A_442, %dma_wait3A_443] : memref<256x64xf32, #tpu.memory_space<vmem>> -> memref<16x64xf32, #tpu.memory_space<vmem>>
      %dma_wait3A_445 = arith.constant 0 : i32
      %dma_wait3A_446 = arith.constant 0 : i32
      %dma_wait3A_447 = tpu.memref_slice %arg4[%dma_wait3A_445, %dma_wait3A_446] : memref<100000x64xf32, #tpu.memory_space<hbm>> -> memref<100000x64xf32, #tpu.memory_space<hbm>>
      tpu.wait_indirect_dma semaphore(%arg12 : memref<!tpu.dma_semaphore, #tpu.memory_space<semaphore_mem>>) src(%dma_wait3A_447 : memref<100000x64xf32, #tpu.memory_space<hbm>>) dst(%dma_wait3A_444 : memref<16x64xf32, #tpu.memory_space<vmem>>)
      %dma_wait3A_448 = arith.constant 160 : i32
      %dma_wait3A_449 = arith.constant 0 : i32
      %dma_wait3A_450 = tpu.memref_slice %arg7[%dma_wait3A_448, %dma_wait3A_449] : memref<256x64xf32, #tpu.memory_space<vmem>> -> memref<16x64xf32, #tpu.memory_space<vmem>>
      %dma_wait3A_451 = arith.constant 0 : i32
      %dma_wait3A_452 = arith.constant 0 : i32
      %dma_wait3A_453 = tpu.memref_slice %arg4[%dma_wait3A_451, %dma_wait3A_452] : memref<100000x64xf32, #tpu.memory_space<hbm>> -> memref<100000x64xf32, #tpu.memory_space<hbm>>
      tpu.wait_indirect_dma semaphore(%arg12 : memref<!tpu.dma_semaphore, #tpu.memory_space<semaphore_mem>>) src(%dma_wait3A_453 : memref<100000x64xf32, #tpu.memory_space<hbm>>) dst(%dma_wait3A_450 : memref<16x64xf32, #tpu.memory_space<vmem>>)
      %dma_wait3A_454 = arith.constant 176 : i32
      %dma_wait3A_455 = arith.constant 0 : i32
      %dma_wait3A_456 = tpu.memref_slice %arg7[%dma_wait3A_454, %dma_wait3A_455] : memref<256x64xf32, #tpu.memory_space<vmem>> -> memref<16x64xf32, #tpu.memory_space<vmem>>
      %dma_wait3A_457 = arith.constant 0 : i32
      %dma_wait3A_458 = arith.constant 0 : i32
      %dma_wait3A_459 = tpu.memref_slice %arg4[%dma_wait3A_457, %dma_wait3A_458] : memref<100000x64xf32, #tpu.memory_space<hbm>> -> memref<100000x64xf32, #tpu.memory_space<hbm>>
      tpu.wait_indirect_dma semaphore(%arg12 : memref<!tpu.dma_semaphore, #tpu.memory_space<semaphore_mem>>) src(%dma_wait3A_459 : memref<100000x64xf32, #tpu.memory_space<hbm>>) dst(%dma_wait3A_456 : memref<16x64xf32, #tpu.memory_space<vmem>>)
      %dma_wait3A_460 = arith.constant 192 : i32
      %dma_wait3A_461 = arith.constant 0 : i32
      %dma_wait3A_462 = tpu.memref_slice %arg7[%dma_wait3A_460, %dma_wait3A_461] : memref<256x64xf32, #tpu.memory_space<vmem>> -> memref<16x64xf32, #tpu.memory_space<vmem>>
      %dma_wait3A_463 = arith.constant 0 : i32
      %dma_wait3A_464 = arith.constant 0 : i32
      %dma_wait3A_465 = tpu.memref_slice %arg4[%dma_wait3A_463, %dma_wait3A_464] : memref<100000x64xf32, #tpu.memory_space<hbm>> -> memref<100000x64xf32, #tpu.memory_space<hbm>>
      tpu.wait_indirect_dma semaphore(%arg12 : memref<!tpu.dma_semaphore, #tpu.memory_space<semaphore_mem>>) src(%dma_wait3A_465 : memref<100000x64xf32, #tpu.memory_space<hbm>>) dst(%dma_wait3A_462 : memref<16x64xf32, #tpu.memory_space<vmem>>)
      %dma_wait3A_466 = arith.constant 208 : i32
      %dma_wait3A_467 = arith.constant 0 : i32
      %dma_wait3A_468 = tpu.memref_slice %arg7[%dma_wait3A_466, %dma_wait3A_467] : memref<256x64xf32, #tpu.memory_space<vmem>> -> memref<16x64xf32, #tpu.memory_space<vmem>>
      %dma_wait3A_469 = arith.constant 0 : i32
      %dma_wait3A_470 = arith.constant 0 : i32
      %dma_wait3A_471 = tpu.memref_slice %arg4[%dma_wait3A_469, %dma_wait3A_470] : memref<100000x64xf32, #tpu.memory_space<hbm>> -> memref<100000x64xf32, #tpu.memory_space<hbm>>
      tpu.wait_indirect_dma semaphore(%arg12 : memref<!tpu.dma_semaphore, #tpu.memory_space<semaphore_mem>>) src(%dma_wait3A_471 : memref<100000x64xf32, #tpu.memory_space<hbm>>) dst(%dma_wait3A_468 : memref<16x64xf32, #tpu.memory_space<vmem>>)
      %dma_wait3A_472 = arith.constant 224 : i32
      %dma_wait3A_473 = arith.constant 0 : i32
      %dma_wait3A_474 = tpu.memref_slice %arg7[%dma_wait3A_472, %dma_wait3A_473] : memref<256x64xf32, #tpu.memory_space<vmem>> -> memref<16x64xf32, #tpu.memory_space<vmem>>
      %dma_wait3A_475 = arith.constant 0 : i32
      %dma_wait3A_476 = arith.constant 0 : i32
      %dma_wait3A_477 = tpu.memref_slice %arg4[%dma_wait3A_475, %dma_wait3A_476] : memref<100000x64xf32, #tpu.memory_space<hbm>> -> memref<100000x64xf32, #tpu.memory_space<hbm>>
      tpu.wait_indirect_dma semaphore(%arg12 : memref<!tpu.dma_semaphore, #tpu.memory_space<semaphore_mem>>) src(%dma_wait3A_477 : memref<100000x64xf32, #tpu.memory_space<hbm>>) dst(%dma_wait3A_474 : memref<16x64xf32, #tpu.memory_space<vmem>>)
      %dma_wait3A_478 = arith.constant 240 : i32
      %dma_wait3A_479 = arith.constant 0 : i32
      %dma_wait3A_480 = tpu.memref_slice %arg7[%dma_wait3A_478, %dma_wait3A_479] : memref<256x64xf32, #tpu.memory_space<vmem>> -> memref<16x64xf32, #tpu.memory_space<vmem>>
      %dma_wait3A_481 = arith.constant 0 : i32
      %dma_wait3A_482 = arith.constant 0 : i32
      %dma_wait3A_483 = tpu.memref_slice %arg4[%dma_wait3A_481, %dma_wait3A_482] : memref<100000x64xf32, #tpu.memory_space<hbm>> -> memref<100000x64xf32, #tpu.memory_space<hbm>>
      tpu.wait_indirect_dma semaphore(%arg12 : memref<!tpu.dma_semaphore, #tpu.memory_space<semaphore_mem>>) src(%dma_wait3A_483 : memref<100000x64xf32, #tpu.memory_space<hbm>>) dst(%dma_wait3A_480 : memref<16x64xf32, #tpu.memory_space<vmem>>)
      %dma_start3A_484 = arith.constant 0 : i32
      %dma_start3A_485 = arith.constant 0 : i32
      %dma_start3A_486 = tpu.memref_slice %arg5[%dma_start3A_484, %dma_start3A_485] : memref<819200x64xf32, #tpu.memory_space<hbm>> -> memref<819200x64xf32, #tpu.memory_space<hbm>>
      tpu.enqueue_indirect_dma source(%arg7 : memref<256x64xf32, #tpu.memory_space<vmem>>) target(%dma_start3A_486 : memref<819200x64xf32, #tpu.memory_space<hbm>>) offsets(%arg10 : memref<256xi32, #tpu.memory_space<vmem>>) semaphore(%arg12 : memref<!tpu.dma_semaphore, #tpu.memory_space<semaphore_mem>>)
      %dma_wait3A_487 = arith.constant 0 : i32
      %dma_wait3A_488 = arith.constant 0 : i32
      %dma_wait3A_489 = tpu.memref_slice %arg5[%dma_wait3A_487, %dma_wait3A_488] : memref<819200x64xf32, #tpu.memory_space<hbm>> -> memref<819200x64xf32, #tpu.memory_space<hbm>>
      tpu.wait_indirect_dma semaphore(%arg12 : memref<!tpu.dma_semaphore, #tpu.memory_space<semaphore_mem>>) src(%arg7 : memref<256x64xf32, #tpu.memory_space<vmem>>) dst(%dma_wait3A_489 : memref<819200x64xf32, #tpu.memory_space<hbm>>)
      %while3A_490 = arith.constant 0 : i32
      scf.yield %while3A_490 : i32
    }
    %while3A_77 = arith.constant 1 : i32
    %while3A_78 = scf.for %while3A_79 = %while3A_74 to %while3A_70 step %while3A_77 iter_args(%while3A_80 = %while3A_76) -> (i32)  : i32 {
      %mul3A_81 = arith.constant 256 : i32
      %mul3A_82 = arith.muli %while3A_79, %mul3A_81 : i32
      %add3A_83 = arith.constant 0 : i32
      %add3A_84 = arith.addi %mul3A_82, %add3A_83 : i32
      %get3A_85 = arith.index_cast %add3A_84 : i32 to index
      %get3A_86 = tpu.vector_load %arg9[%get3A_85] {strides = array<i32>} : memref<25872xi32, #tpu.memory_space<vmem>>, vector<16xi32>,
      %swap3A = arith.constant 0 : index
      %swap3A_87 = tpu.vector_load %arg10[%swap3A] {strides = array<i32>} : memref<256xi32, #tpu.memory_space<vmem>>, vector<16xi32>,
      tpu.vector_store %arg10[%swap3A], %get3A_86 {strides = array<i32>} : memref<256xi32, #tpu.memory_space<vmem>>, vector<16xi32>,
      %mul3A_88 = arith.constant 256 : i32
      %mul3A_89 = arith.muli %while3A_79, %mul3A_88 : i32
      %add3A_90 = arith.constant 16 : i32
      %add3A_91 = arith.addi %mul3A_89, %add3A_90 : i32
      %get3A_92 = arith.index_cast %add3A_91 : i32 to index
      %get3A_93 = tpu.vector_load %arg9[%get3A_92] {strides = array<i32>} : memref<25872xi32, #tpu.memory_space<vmem>>, vector<16xi32>,
      %swap3A_94 = arith.constant 16 : index
      %swap3A_95 = tpu.vector_load %arg10[%swap3A_94] {strides = array<i32>} : memref<256xi32, #tpu.memory_space<vmem>>, vector<16xi32>,
      tpu.vector_store %arg10[%swap3A_94], %get3A_93 {strides = array<i32>} : memref<256xi32, #tpu.memory_space<vmem>>, vector<16xi32>,
      %mul3A_96 = arith.constant 256 : i32
      %mul3A_97 = arith.muli %while3A_79, %mul3A_96 : i32
      %add3A_98 = arith.constant 32 : i32
      %add3A_99 = arith.addi %mul3A_97, %add3A_98 : i32
      %get3A_100 = arith.index_cast %add3A_99 : i32 to index
      %get3A_101 = tpu.vector_load %arg9[%get3A_100] {strides = array<i32>} : memref<25872xi32, #tpu.memory_space<vmem>>, vector<16xi32>,
      %swap3A_102 = arith.constant 32 : index
      %swap3A_103 = tpu.vector_load %arg10[%swap3A_102] {strides = array<i32>} : memref<256xi32, #tpu.memory_space<vmem>>, vector<16xi32>,
      tpu.vector_store %arg10[%swap3A_102], %get3A_101 {strides = array<i32>} : memref<256xi32, #tpu.memory_space<vmem>>, vector<16xi32>,
      %mul3A_104 = arith.constant 256 : i32
      %mul3A_105 = arith.muli %while3A_79, %mul3A_104 : i32
      %add3A_106 = arith.constant 48 : i32
      %add3A_107 = arith.addi %mul3A_105, %add3A_106 : i32
      %get3A_108 = arith.index_cast %add3A_107 : i32 to index
      %get3A_109 = tpu.vector_load %arg9[%get3A_108] {strides = array<i32>} : memref<25872xi32, #tpu.memory_space<vmem>>, vector<16xi32>,
      %swap3A_110 = arith.constant 48 : index
      %swap3A_111 = tpu.vector_load %arg10[%swap3A_110] {strides = array<i32>} : memref<256xi32, #tpu.memory_space<vmem>>, vector<16xi32>,
      tpu.vector_store %arg10[%swap3A_110], %get3A_109 {strides = array<i32>} : memref<256xi32, #tpu.memory_space<vmem>>, vector<16xi32>,
      %mul3A_112 = arith.constant 256 : i32
      %mul3A_113 = arith.muli %while3A_79, %mul3A_112 : i32
      %add3A_114 = arith.constant 64 : i32
      %add3A_115 = arith.addi %mul3A_113, %add3A_114 : i32
      %get3A_116 = arith.index_cast %add3A_115 : i32 to index
      %get3A_117 = tpu.vector_load %arg9[%get3A_116] {strides = array<i32>} : memref<25872xi32, #tpu.memory_space<vmem>>, vector<16xi32>,
      %swap3A_118 = arith.constant 64 : index
      %swap3A_119 = tpu.vector_load %arg10[%swap3A_118] {strides = array<i32>} : memref<256xi32, #tpu.memory_space<vmem>>, vector<16xi32>,
      tpu.vector_store %arg10[%swap3A_118], %get3A_117 {strides = array<i32>} : memref<256xi32, #tpu.memory_space<vmem>>, vector<16xi32>,
      %mul3A_120 = arith.constant 256 : i32
      %mul3A_121 = arith.muli %while3A_79, %mul3A_120 : i32
      %add3A_122 = arith.constant 80 : i32
      %add3A_123 = arith.addi %mul3A_121, %add3A_122 : i32
      %get3A_124 = arith.index_cast %add3A_123 : i32 to index
      %get3A_125 = tpu.vector_load %arg9[%get3A_124] {strides = array<i32>} : memref<25872xi32, #tpu.memory_space<vmem>>, vector<16xi32>,
      %swap3A_126 = arith.constant 80 : index
      %swap3A_127 = tpu.vector_load %arg10[%swap3A_126] {strides = array<i32>} : memref<256xi32, #tpu.memory_space<vmem>>, vector<16xi32>,
      tpu.vector_store %arg10[%swap3A_126], %get3A_125 {strides = array<i32>} : memref<256xi32, #tpu.memory_space<vmem>>, vector<16xi32>,
      %mul3A_128 = arith.constant 256 : i32
      %mul3A_129 = arith.muli %while3A_79, %mul3A_128 : i32
      %add3A_130 = arith.constant 96 : i32
      %add3A_131 = arith.addi %mul3A_129, %add3A_130 : i32
      %get3A_132 = arith.index_cast %add3A_131 : i32 to index
      %get3A_133 = tpu.vector_load %arg9[%get3A_132] {strides = array<i32>} : memref<25872xi32, #tpu.memory_space<vmem>>, vector<16xi32>,
      %swap3A_134 = arith.constant 96 : index
      %swap3A_135 = tpu.vector_load %arg10[%swap3A_134] {strides = array<i32>} : memref<256xi32, #tpu.memory_space<vmem>>, vector<16xi32>,
      tpu.vector_store %arg10[%swap3A_134], %get3A_133 {strides = array<i32>} : memref<256xi32, #tpu.memory_space<vmem>>, vector<16xi32>,
      %mul3A_136 = arith.constant 256 : i32
      %mul3A_137 = arith.muli %while3A_79, %mul3A_136 : i32
      %add3A_138 = arith.constant 112 : i32
      %add3A_139 = arith.addi %mul3A_137, %add3A_138 : i32
      %get3A_140 = arith.index_cast %add3A_139 : i32 to index
      %get3A_141 = tpu.vector_load %arg9[%get3A_140] {strides = array<i32>} : memref<25872xi32, #tpu.memory_space<vmem>>, vector<16xi32>,
      %swap3A_142 = arith.constant 112 : index
      %swap3A_143 = tpu.vector_load %arg10[%swap3A_142] {strides = array<i32>} : memref<256xi32, #tpu.memory_space<vmem>>, vector<16xi32>,
      tpu.vector_store %arg10[%swap3A_142], %get3A_141 {strides = array<i32>} : memref<256xi32, #tpu.memory_space<vmem>>, vector<16xi32>,
      %mul3A_144 = arith.constant 256 : i32
      %mul3A_145 = arith.muli %while3A_79, %mul3A_144 : i32
      %add3A_146 = arith.constant 128 : i32
      %add3A_147 = arith.addi %mul3A_145, %add3A_146 : i32
      %get3A_148 = arith.index_cast %add3A_147 : i32 to index
      %get3A_149 = tpu.vector_load %arg9[%get3A_148] {strides = array<i32>} : memref<25872xi32, #tpu.memory_space<vmem>>, vector<16xi32>,
      %swap3A_150 = arith.constant 128 : index
      %swap3A_151 = tpu.vector_load %arg10[%swap3A_150] {strides = array<i32>} : memref<256xi32, #tpu.memory_space<vmem>>, vector<16xi32>,
      tpu.vector_store %arg10[%swap3A_150], %get3A_149 {strides = array<i32>} : memref<256xi32, #tpu.memory_space<vmem>>, vector<16xi32>,
      %mul3A_152 = arith.constant 256 : i32
      %mul3A_153 = arith.muli %while3A_79, %mul3A_152 : i32
      %add3A_154 = arith.constant 144 : i32
      %add3A_155 = arith.addi %mul3A_153, %add3A_154 : i32
      %get3A_156 = arith.index_cast %add3A_155 : i32 to index
      %get3A_157 = tpu.vector_load %arg9[%get3A_156] {strides = array<i32>} : memref<25872xi32, #tpu.memory_space<vmem>>, vector<16xi32>,
      %swap3A_158 = arith.constant 144 : index
      %swap3A_159 = tpu.vector_load %arg10[%swap3A_158] {strides = array<i32>} : memref<256xi32, #tpu.memory_space<vmem>>, vector<16xi32>,
      tpu.vector_store %arg10[%swap3A_158], %get3A_157 {strides = array<i32>} : memref<256xi32, #tpu.memory_space<vmem>>, vector<16xi32>,
      %mul3A_160 = arith.constant 256 : i32
      %mul3A_161 = arith.muli %while3A_79, %mul3A_160 : i32
      %add3A_162 = arith.constant 160 : i32
      %add3A_163 = arith.addi %mul3A_161, %add3A_162 : i32
      %get3A_164 = arith.index_cast %add3A_163 : i32 to index
      %get3A_165 = tpu.vector_load %arg9[%get3A_164] {strides = array<i32>} : memref<25872xi32, #tpu.memory_space<vmem>>, vector<16xi32>,
      %swap3A_166 = arith.constant 160 : index
      %swap3A_167 = tpu.vector_load %arg10[%swap3A_166] {strides = array<i32>} : memref<256xi32, #tpu.memory_space<vmem>>, vector<16xi32>,
      tpu.vector_store %arg10[%swap3A_166], %get3A_165 {strides = array<i32>} : memref<256xi32, #tpu.memory_space<vmem>>, vector<16xi32>,
      %mul3A_168 = arith.constant 256 : i32
      %mul3A_169 = arith.muli %while3A_79, %mul3A_168 : i32
      %add3A_170 = arith.constant 176 : i32
      %add3A_171 = arith.addi %mul3A_169, %add3A_170 : i32
      %get3A_172 = arith.index_cast %add3A_171 : i32 to index
      %get3A_173 = tpu.vector_load %arg9[%get3A_172] {strides = array<i32>} : memref<25872xi32, #tpu.memory_space<vmem>>, vector<16xi32>,
      %swap3A_174 = arith.constant 176 : index
      %swap3A_175 = tpu.vector_load %arg10[%swap3A_174] {strides = array<i32>} : memref<256xi32, #tpu.memory_space<vmem>>, vector<16xi32>,
      tpu.vector_store %arg10[%swap3A_174], %get3A_173 {strides = array<i32>} : memref<256xi32, #tpu.memory_space<vmem>>, vector<16xi32>,
      %mul3A_176 = arith.constant 256 : i32
      %mul3A_177 = arith.muli %while3A_79, %mul3A_176 : i32
      %add3A_178 = arith.constant 192 : i32
      %add3A_179 = arith.addi %mul3A_177, %add3A_178 : i32
      %get3A_180 = arith.index_cast %add3A_179 : i32 to index
      %get3A_181 = tpu.vector_load %arg9[%get3A_180] {strides = array<i32>} : memref<25872xi32, #tpu.memory_space<vmem>>, vector<16xi32>,
      %swap3A_182 = arith.constant 192 : index
      %swap3A_183 = tpu.vector_load %arg10[%swap3A_182] {strides = array<i32>} : memref<256xi32, #tpu.memory_space<vmem>>, vector<16xi32>,
      tpu.vector_store %arg10[%swap3A_182], %get3A_181 {strides = array<i32>} : memref<256xi32, #tpu.memory_space<vmem>>, vector<16xi32>,
      %mul3A_184 = arith.constant 256 : i32
      %mul3A_185 = arith.muli %while3A_79, %mul3A_184 : i32
      %add3A_186 = arith.constant 208 : i32
      %add3A_187 = arith.addi %mul3A_185, %add3A_186 : i32
      %get3A_188 = arith.index_cast %add3A_187 : i32 to index
      %get3A_189 = tpu.vector_load %arg9[%get3A_188] {strides = array<i32>} : memref<25872xi32, #tpu.memory_space<vmem>>, vector<16xi32>,
      %swap3A_190 = arith.constant 208 : index
      %swap3A_191 = tpu.vector_load %arg10[%swap3A_190] {strides = array<i32>} : memref<256xi32, #tpu.memory_space<vmem>>, vector<16xi32>,
      tpu.vector_store %arg10[%swap3A_190], %get3A_189 {strides = array<i32>} : memref<256xi32, #tpu.memory_space<vmem>>, vector<16xi32>,
      %mul3A_192 = arith.constant 256 : i32
      %mul3A_193 = arith.muli %while3A_79, %mul3A_192 : i32
      %add3A_194 = arith.constant 224 : i32
      %add3A_195 = arith.addi %mul3A_193, %add3A_194 : i32
      %get3A_196 = arith.index_cast %add3A_195 : i32 to index
      %get3A_197 = tpu.vector_load %arg9[%get3A_196] {strides = array<i32>} : memref<25872xi32, #tpu.memory_space<vmem>>, vector<16xi32>,
      %swap3A_198 = arith.constant 224 : index
      %swap3A_199 = tpu.vector_load %arg10[%swap3A_198] {strides = array<i32>} : memref<256xi32, #tpu.memory_space<vmem>>, vector<16xi32>,
      tpu.vector_store %arg10[%swap3A_198], %get3A_197 {strides = array<i32>} : memref<256xi32, #tpu.memory_space<vmem>>, vector<16xi32>,
      %mul3A_200 = arith.constant 256 : i32
      %mul3A_201 = arith.muli %while3A_79, %mul3A_200 : i32
      %add3A_202 = arith.constant 240 : i32
      %add3A_203 = arith.addi %mul3A_201, %add3A_202 : i32
      %get3A_204 = arith.index_cast %add3A_203 : i32 to index
      %get3A_205 = tpu.vector_load %arg9[%get3A_204] {strides = array<i32>} : memref<25872xi32, #tpu.memory_space<vmem>>, vector<16xi32>,
      %swap3A_206 = arith.constant 240 : index
      %swap3A_207 = tpu.vector_load %arg10[%swap3A_206] {strides = array<i32>} : memref<256xi32, #tpu.memory_space<vmem>>, vector<16xi32>,
      tpu.vector_store %arg10[%swap3A_206], %get3A_205 {strides = array<i32>} : memref<256xi32, #tpu.memory_space<vmem>>, vector<16xi32>,
      %dma_start3A_208 = arith.constant 0 : i32
      %dma_start3A_209 = tpu.memref_slice %arg2[%dma_start3A_208] : memref<819200xi32, #tpu.memory_space<hbm>> -> memref<819200xi32, #tpu.memory_space<hbm>>
      tpu.enqueue_indirect_dma source(%dma_start3A_209 : memref<819200xi32, #tpu.memory_space<hbm>>) target(%arg11 : memref<256xi32, #tpu.memory_space<vmem>>) offsets(%arg10 : memref<256xi32, #tpu.memory_space<vmem>>) semaphore(%arg12 : memref<!tpu.dma_semaphore, #tpu.memory_space<semaphore_mem>>)
      %dma_wait3A_210 = arith.constant 0 : i32
      %dma_wait3A_211 = tpu.memref_slice %arg2[%dma_wait3A_210] : memref<819200xi32, #tpu.memory_space<hbm>> -> memref<819200xi32, #tpu.memory_space<hbm>>
      tpu.wait_indirect_dma semaphore(%arg12 : memref<!tpu.dma_semaphore, #tpu.memory_space<semaphore_mem>>) src(%dma_wait3A_211 : memref<819200xi32, #tpu.memory_space<hbm>>) dst(%arg11 : memref<256xi32, #tpu.memory_space<vmem>>)
      %get3A_212 = arith.constant 0 : index
      %get3A_213 = tpu.vector_load %arg11[%get3A_212] {strides = array<i32>} : memref<256xi32, #tpu.memory_space<vmem>>, vector<16xi32>,
      %sub3A_214 = arith.constant 900000 : i32
      %sub3A_215 = vector.broadcast %sub3A_214 : i32 to vector<16xi32>
      %sub3A_216 = arith.subi %get3A_213, %sub3A_215 : vector<16xi32>
      %dma_start3A_217 = arith.constant 0 : i32
      %dma_start3A_218 = arith.constant 0 : i32
      %dma_start3A_219 = tpu.memref_slice %arg7[%dma_start3A_217, %dma_start3A_218] : memref<256x64xf32, #tpu.memory_space<vmem>> -> memref<16x64xf32, #tpu.memory_space<vmem>>
      %dma_start3A_220 = arith.constant 0 : i32
      %dma_start3A_221 = arith.constant 0 : i32
      %dma_start3A_222 = tpu.memref_slice %arg4[%dma_start3A_220, %dma_start3A_221] : memref<100000x64xf32, #tpu.memory_space<hbm>> -> memref<100000x64xf32, #tpu.memory_space<hbm>>
      tpu.enqueue_indirect_dma source(%dma_start3A_222 : memref<100000x64xf32, #tpu.memory_space<hbm>>) target(%dma_start3A_219 : memref<16x64xf32, #tpu.memory_space<vmem>>) offsets(%sub3A_216 : vector<16xi32>) semaphore(%arg12 : memref<!tpu.dma_semaphore, #tpu.memory_space<semaphore_mem>>)
      %get3A_223 = arith.constant 16 : index
      %get3A_224 = tpu.vector_load %arg11[%get3A_223] {strides = array<i32>} : memref<256xi32, #tpu.memory_space<vmem>>, vector<16xi32>,
      %sub3A_225 = arith.constant 900000 : i32
      %sub3A_226 = vector.broadcast %sub3A_225 : i32 to vector<16xi32>
      %sub3A_227 = arith.subi %get3A_224, %sub3A_226 : vector<16xi32>
      %dma_start3A_228 = arith.constant 16 : i32
      %dma_start3A_229 = arith.constant 0 : i32
      %dma_start3A_230 = tpu.memref_slice %arg7[%dma_start3A_228, %dma_start3A_229] : memref<256x64xf32, #tpu.memory_space<vmem>> -> memref<16x64xf32, #tpu.memory_space<vmem>>
      %dma_start3A_231 = arith.constant 0 : i32
      %dma_start3A_232 = arith.constant 0 : i32
      %dma_start3A_233 = tpu.memref_slice %arg4[%dma_start3A_231, %dma_start3A_232] : memref<100000x64xf32, #tpu.memory_space<hbm>> -> memref<100000x64xf32, #tpu.memory_space<hbm>>
      tpu.enqueue_indirect_dma source(%dma_start3A_233 : memref<100000x64xf32, #tpu.memory_space<hbm>>) target(%dma_start3A_230 : memref<16x64xf32, #tpu.memory_space<vmem>>) offsets(%sub3A_227 : vector<16xi32>) semaphore(%arg12 : memref<!tpu.dma_semaphore, #tpu.memory_space<semaphore_mem>>)
      %get3A_234 = arith.constant 32 : index
      %get3A_235 = tpu.vector_load %arg11[%get3A_234] {strides = array<i32>} : memref<256xi32, #tpu.memory_space<vmem>>, vector<16xi32>,
      %sub3A_236 = arith.constant 900000 : i32
      %sub3A_237 = vector.broadcast %sub3A_236 : i32 to vector<16xi32>
      %sub3A_238 = arith.subi %get3A_235, %sub3A_237 : vector<16xi32>
      %dma_start3A_239 = arith.constant 32 : i32
      %dma_start3A_240 = arith.constant 0 : i32
      %dma_start3A_241 = tpu.memref_slice %arg7[%dma_start3A_239, %dma_start3A_240] : memref<256x64xf32, #tpu.memory_space<vmem>> -> memref<16x64xf32, #tpu.memory_space<vmem>>
      %dma_start3A_242 = arith.constant 0 : i32
      %dma_start3A_243 = arith.constant 0 : i32
      %dma_start3A_244 = tpu.memref_slice %arg4[%dma_start3A_242, %dma_start3A_243] : memref<100000x64xf32, #tpu.memory_space<hbm>> -> memref<100000x64xf32, #tpu.memory_space<hbm>>
      tpu.enqueue_indirect_dma source(%dma_start3A_244 : memref<100000x64xf32, #tpu.memory_space<hbm>>) target(%dma_start3A_241 : memref<16x64xf32, #tpu.memory_space<vmem>>) offsets(%sub3A_238 : vector<16xi32>) semaphore(%arg12 : memref<!tpu.dma_semaphore, #tpu.memory_space<semaphore_mem>>)
      %get3A_245 = arith.constant 48 : index
      %get3A_246 = tpu.vector_load %arg11[%get3A_245] {strides = array<i32>} : memref<256xi32, #tpu.memory_space<vmem>>, vector<16xi32>,
      %sub3A_247 = arith.constant 900000 : i32
      %sub3A_248 = vector.broadcast %sub3A_247 : i32 to vector<16xi32>
      %sub3A_249 = arith.subi %get3A_246, %sub3A_248 : vector<16xi32>
      %dma_start3A_250 = arith.constant 48 : i32
      %dma_start3A_251 = arith.constant 0 : i32
      %dma_start3A_252 = tpu.memref_slice %arg7[%dma_start3A_250, %dma_start3A_251] : memref<256x64xf32, #tpu.memory_space<vmem>> -> memref<16x64xf32, #tpu.memory_space<vmem>>
      %dma_start3A_253 = arith.constant 0 : i32
      %dma_start3A_254 = arith.constant 0 : i32
      %dma_start3A_255 = tpu.memref_slice %arg4[%dma_start3A_253, %dma_start3A_254] : memref<100000x64xf32, #tpu.memory_space<hbm>> -> memref<100000x64xf32, #tpu.memory_space<hbm>>
      tpu.enqueue_indirect_dma source(%dma_start3A_255 : memref<100000x64xf32, #tpu.memory_space<hbm>>) target(%dma_start3A_252 : memref<16x64xf32, #tpu.memory_space<vmem>>) offsets(%sub3A_249 : vector<16xi32>) semaphore(%arg12 : memref<!tpu.dma_semaphore, #tpu.memory_space<semaphore_mem>>)
      %get3A_256 = arith.constant 64 : index
      %get3A_257 = tpu.vector_load %arg11[%get3A_256] {strides = array<i32>} : memref<256xi32, #tpu.memory_space<vmem>>, vector<16xi32>,
      %sub3A_258 = arith.constant 900000 : i32
      %sub3A_259 = vector.broadcast %sub3A_258 : i32 to vector<16xi32>
      %sub3A_260 = arith.subi %get3A_257, %sub3A_259 : vector<16xi32>
      %dma_start3A_261 = arith.constant 64 : i32
      %dma_start3A_262 = arith.constant 0 : i32
      %dma_start3A_263 = tpu.memref_slice %arg7[%dma_start3A_261, %dma_start3A_262] : memref<256x64xf32, #tpu.memory_space<vmem>> -> memref<16x64xf32, #tpu.memory_space<vmem>>
      %dma_start3A_264 = arith.constant 0 : i32
      %dma_start3A_265 = arith.constant 0 : i32
      %dma_start3A_266 = tpu.memref_slice %arg4[%dma_start3A_264, %dma_start3A_265] : memref<100000x64xf32, #tpu.memory_space<hbm>> -> memref<100000x64xf32, #tpu.memory_space<hbm>>
      tpu.enqueue_indirect_dma source(%dma_start3A_266 : memref<100000x64xf32, #tpu.memory_space<hbm>>) target(%dma_start3A_263 : memref<16x64xf32, #tpu.memory_space<vmem>>) offsets(%sub3A_260 : vector<16xi32>) semaphore(%arg12 : memref<!tpu.dma_semaphore, #tpu.memory_space<semaphore_mem>>)
      %get3A_267 = arith.constant 80 : index
      %get3A_268 = tpu.vector_load %arg11[%get3A_267] {strides = array<i32>} : memref<256xi32, #tpu.memory_space<vmem>>, vector<16xi32>,
      %sub3A_269 = arith.constant 900000 : i32
      %sub3A_270 = vector.broadcast %sub3A_269 : i32 to vector<16xi32>
      %sub3A_271 = arith.subi %get3A_268, %sub3A_270 : vector<16xi32>
      %dma_start3A_272 = arith.constant 80 : i32
      %dma_start3A_273 = arith.constant 0 : i32
      %dma_start3A_274 = tpu.memref_slice %arg7[%dma_start3A_272, %dma_start3A_273] : memref<256x64xf32, #tpu.memory_space<vmem>> -> memref<16x64xf32, #tpu.memory_space<vmem>>
      %dma_start3A_275 = arith.constant 0 : i32
      %dma_start3A_276 = arith.constant 0 : i32
      %dma_start3A_277 = tpu.memref_slice %arg4[%dma_start3A_275, %dma_start3A_276] : memref<100000x64xf32, #tpu.memory_space<hbm>> -> memref<100000x64xf32, #tpu.memory_space<hbm>>
      tpu.enqueue_indirect_dma source(%dma_start3A_277 : memref<100000x64xf32, #tpu.memory_space<hbm>>) target(%dma_start3A_274 : memref<16x64xf32, #tpu.memory_space<vmem>>) offsets(%sub3A_271 : vector<16xi32>) semaphore(%arg12 : memref<!tpu.dma_semaphore, #tpu.memory_space<semaphore_mem>>)
      %get3A_278 = arith.constant 96 : index
      %get3A_279 = tpu.vector_load %arg11[%get3A_278] {strides = array<i32>} : memref<256xi32, #tpu.memory_space<vmem>>, vector<16xi32>,
      %sub3A_280 = arith.constant 900000 : i32
      %sub3A_281 = vector.broadcast %sub3A_280 : i32 to vector<16xi32>
      %sub3A_282 = arith.subi %get3A_279, %sub3A_281 : vector<16xi32>
      %dma_start3A_283 = arith.constant 96 : i32
      %dma_start3A_284 = arith.constant 0 : i32
      %dma_start3A_285 = tpu.memref_slice %arg7[%dma_start3A_283, %dma_start3A_284] : memref<256x64xf32, #tpu.memory_space<vmem>> -> memref<16x64xf32, #tpu.memory_space<vmem>>
      %dma_start3A_286 = arith.constant 0 : i32
      %dma_start3A_287 = arith.constant 0 : i32
      %dma_start3A_288 = tpu.memref_slice %arg4[%dma_start3A_286, %dma_start3A_287] : memref<100000x64xf32, #tpu.memory_space<hbm>> -> memref<100000x64xf32, #tpu.memory_space<hbm>>
      tpu.enqueue_indirect_dma source(%dma_start3A_288 : memref<100000x64xf32, #tpu.memory_space<hbm>>) target(%dma_start3A_285 : memref<16x64xf32, #tpu.memory_space<vmem>>) offsets(%sub3A_282 : vector<16xi32>) semaphore(%arg12 : memref<!tpu.dma_semaphore, #tpu.memory_space<semaphore_mem>>)
      %get3A_289 = arith.constant 112 : index
      %get3A_290 = tpu.vector_load %arg11[%get3A_289] {strides = array<i32>} : memref<256xi32, #tpu.memory_space<vmem>>, vector<16xi32>,
      %sub3A_291 = arith.constant 900000 : i32
      %sub3A_292 = vector.broadcast %sub3A_291 : i32 to vector<16xi32>
      %sub3A_293 = arith.subi %get3A_290, %sub3A_292 : vector<16xi32>
      %dma_start3A_294 = arith.constant 112 : i32
      %dma_start3A_295 = arith.constant 0 : i32
      %dma_start3A_296 = tpu.memref_slice %arg7[%dma_start3A_294, %dma_start3A_295] : memref<256x64xf32, #tpu.memory_space<vmem>> -> memref<16x64xf32, #tpu.memory_space<vmem>>
      %dma_start3A_297 = arith.constant 0 : i32
      %dma_start3A_298 = arith.constant 0 : i32
      %dma_start3A_299 = tpu.memref_slice %arg4[%dma_start3A_297, %dma_start3A_298] : memref<100000x64xf32, #tpu.memory_space<hbm>> -> memref<100000x64xf32, #tpu.memory_space<hbm>>
      tpu.enqueue_indirect_dma source(%dma_start3A_299 : memref<100000x64xf32, #tpu.memory_space<hbm>>) target(%dma_start3A_296 : memref<16x64xf32, #tpu.memory_space<vmem>>) offsets(%sub3A_293 : vector<16xi32>) semaphore(%arg12 : memref<!tpu.dma_semaphore, #tpu.memory_space<semaphore_mem>>)
      %get3A_300 = arith.constant 128 : index
      %get3A_301 = tpu.vector_load %arg11[%get3A_300] {strides = array<i32>} : memref<256xi32, #tpu.memory_space<vmem>>, vector<16xi32>,
      %sub3A_302 = arith.constant 900000 : i32
      %sub3A_303 = vector.broadcast %sub3A_302 : i32 to vector<16xi32>
      %sub3A_304 = arith.subi %get3A_301, %sub3A_303 : vector<16xi32>
      %dma_start3A_305 = arith.constant 128 : i32
      %dma_start3A_306 = arith.constant 0 : i32
      %dma_start3A_307 = tpu.memref_slice %arg7[%dma_start3A_305, %dma_start3A_306] : memref<256x64xf32, #tpu.memory_space<vmem>> -> memref<16x64xf32, #tpu.memory_space<vmem>>
      %dma_start3A_308 = arith.constant 0 : i32
      %dma_start3A_309 = arith.constant 0 : i32
      %dma_start3A_310 = tpu.memref_slice %arg4[%dma_start3A_308, %dma_start3A_309] : memref<100000x64xf32, #tpu.memory_space<hbm>> -> memref<100000x64xf32, #tpu.memory_space<hbm>>
      tpu.enqueue_indirect_dma source(%dma_start3A_310 : memref<100000x64xf32, #tpu.memory_space<hbm>>) target(%dma_start3A_307 : memref<16x64xf32, #tpu.memory_space<vmem>>) offsets(%sub3A_304 : vector<16xi32>) semaphore(%arg12 : memref<!tpu.dma_semaphore, #tpu.memory_space<semaphore_mem>>)
      %get3A_311 = arith.constant 144 : index
      %get3A_312 = tpu.vector_load %arg11[%get3A_311] {strides = array<i32>} : memref<256xi32, #tpu.memory_space<vmem>>, vector<16xi32>,
      %sub3A_313 = arith.constant 900000 : i32
      %sub3A_314 = vector.broadcast %sub3A_313 : i32 to vector<16xi32>
      %sub3A_315 = arith.subi %get3A_312, %sub3A_314 : vector<16xi32>
      %dma_start3A_316 = arith.constant 144 : i32
      %dma_start3A_317 = arith.constant 0 : i32
      %dma_start3A_318 = tpu.memref_slice %arg7[%dma_start3A_316, %dma_start3A_317] : memref<256x64xf32, #tpu.memory_space<vmem>> -> memref<16x64xf32, #tpu.memory_space<vmem>>
      %dma_start3A_319 = arith.constant 0 : i32
      %dma_start3A_320 = arith.constant 0 : i32
      %dma_start3A_321 = tpu.memref_slice %arg4[%dma_start3A_319, %dma_start3A_320] : memref<100000x64xf32, #tpu.memory_space<hbm>> -> memref<100000x64xf32, #tpu.memory_space<hbm>>
      tpu.enqueue_indirect_dma source(%dma_start3A_321 : memref<100000x64xf32, #tpu.memory_space<hbm>>) target(%dma_start3A_318 : memref<16x64xf32, #tpu.memory_space<vmem>>) offsets(%sub3A_315 : vector<16xi32>) semaphore(%arg12 : memref<!tpu.dma_semaphore, #tpu.memory_space<semaphore_mem>>)
      %get3A_322 = arith.constant 160 : index
      %get3A_323 = tpu.vector_load %arg11[%get3A_322] {strides = array<i32>} : memref<256xi32, #tpu.memory_space<vmem>>, vector<16xi32>,
      %sub3A_324 = arith.constant 900000 : i32
      %sub3A_325 = vector.broadcast %sub3A_324 : i32 to vector<16xi32>
      %sub3A_326 = arith.subi %get3A_323, %sub3A_325 : vector<16xi32>
      %dma_start3A_327 = arith.constant 160 : i32
      %dma_start3A_328 = arith.constant 0 : i32
      %dma_start3A_329 = tpu.memref_slice %arg7[%dma_start3A_327, %dma_start3A_328] : memref<256x64xf32, #tpu.memory_space<vmem>> -> memref<16x64xf32, #tpu.memory_space<vmem>>
      %dma_start3A_330 = arith.constant 0 : i32
      %dma_start3A_331 = arith.constant 0 : i32
      %dma_start3A_332 = tpu.memref_slice %arg4[%dma_start3A_330, %dma_start3A_331] : memref<100000x64xf32, #tpu.memory_space<hbm>> -> memref<100000x64xf32, #tpu.memory_space<hbm>>
      tpu.enqueue_indirect_dma source(%dma_start3A_332 : memref<100000x64xf32, #tpu.memory_space<hbm>>) target(%dma_start3A_329 : memref<16x64xf32, #tpu.memory_space<vmem>>) offsets(%sub3A_326 : vector<16xi32>) semaphore(%arg12 : memref<!tpu.dma_semaphore, #tpu.memory_space<semaphore_mem>>)
      %get3A_333 = arith.constant 176 : index
      %get3A_334 = tpu.vector_load %arg11[%get3A_333] {strides = array<i32>} : memref<256xi32, #tpu.memory_space<vmem>>, vector<16xi32>,
      %sub3A_335 = arith.constant 900000 : i32
      %sub3A_336 = vector.broadcast %sub3A_335 : i32 to vector<16xi32>
      %sub3A_337 = arith.subi %get3A_334, %sub3A_336 : vector<16xi32>
      %dma_start3A_338 = arith.constant 176 : i32
      %dma_start3A_339 = arith.constant 0 : i32
      %dma_start3A_340 = tpu.memref_slice %arg7[%dma_start3A_338, %dma_start3A_339] : memref<256x64xf32, #tpu.memory_space<vmem>> -> memref<16x64xf32, #tpu.memory_space<vmem>>
      %dma_start3A_341 = arith.constant 0 : i32
      %dma_start3A_342 = arith.constant 0 : i32
      %dma_start3A_343 = tpu.memref_slice %arg4[%dma_start3A_341, %dma_start3A_342] : memref<100000x64xf32, #tpu.memory_space<hbm>> -> memref<100000x64xf32, #tpu.memory_space<hbm>>
      tpu.enqueue_indirect_dma source(%dma_start3A_343 : memref<100000x64xf32, #tpu.memory_space<hbm>>) target(%dma_start3A_340 : memref<16x64xf32, #tpu.memory_space<vmem>>) offsets(%sub3A_337 : vector<16xi32>) semaphore(%arg12 : memref<!tpu.dma_semaphore, #tpu.memory_space<semaphore_mem>>)
      %get3A_344 = arith.constant 192 : index
      %get3A_345 = tpu.vector_load %arg11[%get3A_344] {strides = array<i32>} : memref<256xi32, #tpu.memory_space<vmem>>, vector<16xi32>,
      %sub3A_346 = arith.constant 900000 : i32
      %sub3A_347 = vector.broadcast %sub3A_346 : i32 to vector<16xi32>
      %sub3A_348 = arith.subi %get3A_345, %sub3A_347 : vector<16xi32>
      %dma_start3A_349 = arith.constant 192 : i32
      %dma_start3A_350 = arith.constant 0 : i32
      %dma_start3A_351 = tpu.memref_slice %arg7[%dma_start3A_349, %dma_start3A_350] : memref<256x64xf32, #tpu.memory_space<vmem>> -> memref<16x64xf32, #tpu.memory_space<vmem>>
      %dma_start3A_352 = arith.constant 0 : i32
      %dma_start3A_353 = arith.constant 0 : i32
      %dma_start3A_354 = tpu.memref_slice %arg4[%dma_start3A_352, %dma_start3A_353] : memref<100000x64xf32, #tpu.memory_space<hbm>> -> memref<100000x64xf32, #tpu.memory_space<hbm>>
      tpu.enqueue_indirect_dma source(%dma_start3A_354 : memref<100000x64xf32, #tpu.memory_space<hbm>>) target(%dma_start3A_351 : memref<16x64xf32, #tpu.memory_space<vmem>>) offsets(%sub3A_348 : vector<16xi32>) semaphore(%arg12 : memref<!tpu.dma_semaphore, #tpu.memory_space<semaphore_mem>>)
      %get3A_355 = arith.constant 208 : index
      %get3A_356 = tpu.vector_load %arg11[%get3A_355] {strides = array<i32>} : memref<256xi32, #tpu.memory_space<vmem>>, vector<16xi32>,
      %sub3A_357 = arith.constant 900000 : i32
      %sub3A_358 = vector.broadcast %sub3A_357 : i32 to vector<16xi32>
      %sub3A_359 = arith.subi %get3A_356, %sub3A_358 : vector<16xi32>
      %dma_start3A_360 = arith.constant 208 : i32
      %dma_start3A_361 = arith.constant 0 : i32
      %dma_start3A_362 = tpu.memref_slice %arg7[%dma_start3A_360, %dma_start3A_361] : memref<256x64xf32, #tpu.memory_space<vmem>> -> memref<16x64xf32, #tpu.memory_space<vmem>>
      %dma_start3A_363 = arith.constant 0 : i32
      %dma_start3A_364 = arith.constant 0 : i32
      %dma_start3A_365 = tpu.memref_slice %arg4[%dma_start3A_363, %dma_start3A_364] : memref<100000x64xf32, #tpu.memory_space<hbm>> -> memref<100000x64xf32, #tpu.memory_space<hbm>>
      tpu.enqueue_indirect_dma source(%dma_start3A_365 : memref<100000x64xf32, #tpu.memory_space<hbm>>) target(%dma_start3A_362 : memref<16x64xf32, #tpu.memory_space<vmem>>) offsets(%sub3A_359 : vector<16xi32>) semaphore(%arg12 : memref<!tpu.dma_semaphore, #tpu.memory_space<semaphore_mem>>)
      %get3A_366 = arith.constant 224 : index
      %get3A_367 = tpu.vector_load %arg11[%get3A_366] {strides = array<i32>} : memref<256xi32, #tpu.memory_space<vmem>>, vector<16xi32>,
      %sub3A_368 = arith.constant 900000 : i32
      %sub3A_369 = vector.broadcast %sub3A_368 : i32 to vector<16xi32>
      %sub3A_370 = arith.subi %get3A_367, %sub3A_369 : vector<16xi32>
      %dma_start3A_371 = arith.constant 224 : i32
      %dma_start3A_372 = arith.constant 0 : i32
      %dma_start3A_373 = tpu.memref_slice %arg7[%dma_start3A_371, %dma_start3A_372] : memref<256x64xf32, #tpu.memory_space<vmem>> -> memref<16x64xf32, #tpu.memory_space<vmem>>
      %dma_start3A_374 = arith.constant 0 : i32
      %dma_start3A_375 = arith.constant 0 : i32
      %dma_start3A_376 = tpu.memref_slice %arg4[%dma_start3A_374, %dma_start3A_375] : memref<100000x64xf32, #tpu.memory_space<hbm>> -> memref<100000x64xf32, #tpu.memory_space<hbm>>
      tpu.enqueue_indirect_dma source(%dma_start3A_376 : memref<100000x64xf32, #tpu.memory_space<hbm>>) target(%dma_start3A_373 : memref<16x64xf32, #tpu.memory_space<vmem>>) offsets(%sub3A_370 : vector<16xi32>) semaphore(%arg12 : memref<!tpu.dma_semaphore, #tpu.memory_space<semaphore_mem>>)
      %get3A_377 = arith.constant 240 : index
      %get3A_378 = tpu.vector_load %arg11[%get3A_377] {strides = array<i32>} : memref<256xi32, #tpu.memory_space<vmem>>, vector<16xi32>,
      %sub3A_379 = arith.constant 900000 : i32
      %sub3A_380 = vector.broadcast %sub3A_379 : i32 to vector<16xi32>
      %sub3A_381 = arith.subi %get3A_378, %sub3A_380 : vector<16xi32>
      %dma_start3A_382 = arith.constant 240 : i32
      %dma_start3A_383 = arith.constant 0 : i32
      %dma_start3A_384 = tpu.memref_slice %arg7[%dma_start3A_382, %dma_start3A_383] : memref<256x64xf32, #tpu.memory_space<vmem>> -> memref<16x64xf32, #tpu.memory_space<vmem>>
      %dma_start3A_385 = arith.constant 0 : i32
      %dma_start3A_386 = arith.constant 0 : i32
      %dma_start3A_387 = tpu.memref_slice %arg4[%dma_start3A_385, %dma_start3A_386] : memref<100000x64xf32, #tpu.memory_space<hbm>> -> memref<100000x64xf32, #tpu.memory_space<hbm>>
      tpu.enqueue_indirect_dma source(%dma_start3A_387 : memref<100000x64xf32, #tpu.memory_space<hbm>>) target(%dma_start3A_384 : memref<16x64xf32, #tpu.memory_space<vmem>>) offsets(%sub3A_381 : vector<16xi32>) semaphore(%arg12 : memref<!tpu.dma_semaphore, #tpu.memory_space<semaphore_mem>>)
      %dma_wait3A_388 = arith.constant 0 : i32
      %dma_wait3A_389 = arith.constant 0 : i32
      %dma_wait3A_390 = tpu.memref_slice %arg7[%dma_wait3A_388, %dma_wait3A_389] : memref<256x64xf32, #tpu.memory_space<vmem>> -> memref<16x64xf32, #tpu.memory_space<vmem>>
      %dma_wait3A_391 = arith.constant 0 : i32
      %dma_wait3A_392 = arith.constant 0 : i32
      %dma_wait3A_393 = tpu.memref_slice %arg4[%dma_wait3A_391, %dma_wait3A_392] : memref<100000x64xf32, #tpu.memory_space<hbm>> -> memref<100000x64xf32, #tpu.memory_space<hbm>>
      tpu.wait_indirect_dma semaphore(%arg12 : memref<!tpu.dma_semaphore, #tpu.memory_space<semaphore_mem>>) src(%dma_wait3A_393 : memref<100000x64xf32, #tpu.memory_space<hbm>>) dst(%dma_wait3A_390 : memref<16x64xf32, #tpu.memory_space<vmem>>)
      %dma_wait3A_394 = arith.constant 16 : i32
      %dma_wait3A_395 = arith.constant 0 : i32
      %dma_wait3A_396 = tpu.memref_slice %arg7[%dma_wait3A_394, %dma_wait3A_395] : memref<256x64xf32, #tpu.memory_space<vmem>> -> memref<16x64xf32, #tpu.memory_space<vmem>>
      %dma_wait3A_397 = arith.constant 0 : i32
      %dma_wait3A_398 = arith.constant 0 : i32
      %dma_wait3A_399 = tpu.memref_slice %arg4[%dma_wait3A_397, %dma_wait3A_398] : memref<100000x64xf32, #tpu.memory_space<hbm>> -> memref<100000x64xf32, #tpu.memory_space<hbm>>
      tpu.wait_indirect_dma semaphore(%arg12 : memref<!tpu.dma_semaphore, #tpu.memory_space<semaphore_mem>>) src(%dma_wait3A_399 : memref<100000x64xf32, #tpu.memory_space<hbm>>) dst(%dma_wait3A_396 : memref<16x64xf32, #tpu.memory_space<vmem>>)
      %dma_wait3A_400 = arith.constant 32 : i32
      %dma_wait3A_401 = arith.constant 0 : i32
      %dma_wait3A_402 = tpu.memref_slice %arg7[%dma_wait3A_400, %dma_wait3A_401] : memref<256x64xf32, #tpu.memory_space<vmem>> -> memref<16x64xf32, #tpu.memory_space<vmem>>
      %dma_wait3A_403 = arith.constant 0 : i32
      %dma_wait3A_404 = arith.constant 0 : i32
      %dma_wait3A_405 = tpu.memref_slice %arg4[%dma_wait3A_403, %dma_wait3A_404] : memref<100000x64xf32, #tpu.memory_space<hbm>> -> memref<100000x64xf32, #tpu.memory_space<hbm>>
      tpu.wait_indirect_dma semaphore(%arg12 : memref<!tpu.dma_semaphore, #tpu.memory_space<semaphore_mem>>) src(%dma_wait3A_405 : memref<100000x64xf32, #tpu.memory_space<hbm>>) dst(%dma_wait3A_402 : memref<16x64xf32, #tpu.memory_space<vmem>>)
      %dma_wait3A_406 = arith.constant 48 : i32
      %dma_wait3A_407 = arith.constant 0 : i32
      %dma_wait3A_408 = tpu.memref_slice %arg7[%dma_wait3A_406, %dma_wait3A_407] : memref<256x64xf32, #tpu.memory_space<vmem>> -> memref<16x64xf32, #tpu.memory_space<vmem>>
      %dma_wait3A_409 = arith.constant 0 : i32
      %dma_wait3A_410 = arith.constant 0 : i32
      %dma_wait3A_411 = tpu.memref_slice %arg4[%dma_wait3A_409, %dma_wait3A_410] : memref<100000x64xf32, #tpu.memory_space<hbm>> -> memref<100000x64xf32, #tpu.memory_space<hbm>>
      tpu.wait_indirect_dma semaphore(%arg12 : memref<!tpu.dma_semaphore, #tpu.memory_space<semaphore_mem>>) src(%dma_wait3A_411 : memref<100000x64xf32, #tpu.memory_space<hbm>>) dst(%dma_wait3A_408 : memref<16x64xf32, #tpu.memory_space<vmem>>)
      %dma_wait3A_412 = arith.constant 64 : i32
      %dma_wait3A_413 = arith.constant 0 : i32
      %dma_wait3A_414 = tpu.memref_slice %arg7[%dma_wait3A_412, %dma_wait3A_413] : memref<256x64xf32, #tpu.memory_space<vmem>> -> memref<16x64xf32, #tpu.memory_space<vmem>>
      %dma_wait3A_415 = arith.constant 0 : i32
      %dma_wait3A_416 = arith.constant 0 : i32
      %dma_wait3A_417 = tpu.memref_slice %arg4[%dma_wait3A_415, %dma_wait3A_416] : memref<100000x64xf32, #tpu.memory_space<hbm>> -> memref<100000x64xf32, #tpu.memory_space<hbm>>
      tpu.wait_indirect_dma semaphore(%arg12 : memref<!tpu.dma_semaphore, #tpu.memory_space<semaphore_mem>>) src(%dma_wait3A_417 : memref<100000x64xf32, #tpu.memory_space<hbm>>) dst(%dma_wait3A_414 : memref<16x64xf32, #tpu.memory_space<vmem>>)
      %dma_wait3A_418 = arith.constant 80 : i32
      %dma_wait3A_419 = arith.constant 0 : i32
      %dma_wait3A_420 = tpu.memref_slice %arg7[%dma_wait3A_418, %dma_wait3A_419] : memref<256x64xf32, #tpu.memory_space<vmem>> -> memref<16x64xf32, #tpu.memory_space<vmem>>
      %dma_wait3A_421 = arith.constant 0 : i32
      %dma_wait3A_422 = arith.constant 0 : i32
      %dma_wait3A_423 = tpu.memref_slice %arg4[%dma_wait3A_421, %dma_wait3A_422] : memref<100000x64xf32, #tpu.memory_space<hbm>> -> memref<100000x64xf32, #tpu.memory_space<hbm>>
      tpu.wait_indirect_dma semaphore(%arg12 : memref<!tpu.dma_semaphore, #tpu.memory_space<semaphore_mem>>) src(%dma_wait3A_423 : memref<100000x64xf32, #tpu.memory_space<hbm>>) dst(%dma_wait3A_420 : memref<16x64xf32, #tpu.memory_space<vmem>>)
      %dma_wait3A_424 = arith.constant 96 : i32
      %dma_wait3A_425 = arith.constant 0 : i32
      %dma_wait3A_426 = tpu.memref_slice %arg7[%dma_wait3A_424, %dma_wait3A_425] : memref<256x64xf32, #tpu.memory_space<vmem>> -> memref<16x64xf32, #tpu.memory_space<vmem>>
      %dma_wait3A_427 = arith.constant 0 : i32
      %dma_wait3A_428 = arith.constant 0 : i32
      %dma_wait3A_429 = tpu.memref_slice %arg4[%dma_wait3A_427, %dma_wait3A_428] : memref<100000x64xf32, #tpu.memory_space<hbm>> -> memref<100000x64xf32, #tpu.memory_space<hbm>>
      tpu.wait_indirect_dma semaphore(%arg12 : memref<!tpu.dma_semaphore, #tpu.memory_space<semaphore_mem>>) src(%dma_wait3A_429 : memref<100000x64xf32, #tpu.memory_space<hbm>>) dst(%dma_wait3A_426 : memref<16x64xf32, #tpu.memory_space<vmem>>)
      %dma_wait3A_430 = arith.constant 112 : i32
      %dma_wait3A_431 = arith.constant 0 : i32
      %dma_wait3A_432 = tpu.memref_slice %arg7[%dma_wait3A_430, %dma_wait3A_431] : memref<256x64xf32, #tpu.memory_space<vmem>> -> memref<16x64xf32, #tpu.memory_space<vmem>>
      %dma_wait3A_433 = arith.constant 0 : i32
      %dma_wait3A_434 = arith.constant 0 : i32
      %dma_wait3A_435 = tpu.memref_slice %arg4[%dma_wait3A_433, %dma_wait3A_434] : memref<100000x64xf32, #tpu.memory_space<hbm>> -> memref<100000x64xf32, #tpu.memory_space<hbm>>
      tpu.wait_indirect_dma semaphore(%arg12 : memref<!tpu.dma_semaphore, #tpu.memory_space<semaphore_mem>>) src(%dma_wait3A_435 : memref<100000x64xf32, #tpu.memory_space<hbm>>) dst(%dma_wait3A_432 : memref<16x64xf32, #tpu.memory_space<vmem>>)
      %dma_wait3A_436 = arith.constant 128 : i32
      %dma_wait3A_437 = arith.constant 0 : i32
      %dma_wait3A_438 = tpu.memref_slice %arg7[%dma_wait3A_436, %dma_wait3A_437] : memref<256x64xf32, #tpu.memory_space<vmem>> -> memref<16x64xf32, #tpu.memory_space<vmem>>
      %dma_wait3A_439 = arith.constant 0 : i32
      %dma_wait3A_440 = arith.constant 0 : i32
      %dma_wait3A_441 = tpu.memref_slice %arg4[%dma_wait3A_439, %dma_wait3A_440] : memref<100000x64xf32, #tpu.memory_space<hbm>> -> memref<100000x64xf32, #tpu.memory_space<hbm>>
      tpu.wait_indirect_dma semaphore(%arg12 : memref<!tpu.dma_semaphore, #tpu.memory_space<semaphore_mem>>) src(%dma_wait3A_441 : memref<100000x64xf32, #tpu.memory_space<hbm>>) dst(%dma_wait3A_438 : memref<16x64xf32, #tpu.memory_space<vmem>>)
      %dma_wait3A_442 = arith.constant 144 : i32
      %dma_wait3A_443 = arith.constant 0 : i32
      %dma_wait3A_444 = tpu.memref_slice %arg7[%dma_wait3A_442, %dma_wait3A_443] : memref<256x64xf32, #tpu.memory_space<vmem>> -> memref<16x64xf32, #tpu.memory_space<vmem>>
      %dma_wait3A_445 = arith.constant 0 : i32
      %dma_wait3A_446 = arith.constant 0 : i32
      %dma_wait3A_447 = tpu.memref_slice %arg4[%dma_wait3A_445, %dma_wait3A_446] : memref<100000x64xf32, #tpu.memory_space<hbm>> -> memref<100000x64xf32, #tpu.memory_space<hbm>>
      tpu.wait_indirect_dma semaphore(%arg12 : memref<!tpu.dma_semaphore, #tpu.memory_space<semaphore_mem>>) src(%dma_wait3A_447 : memref<100000x64xf32, #tpu.memory_space<hbm>>) dst(%dma_wait3A_444 : memref<16x64xf32, #tpu.memory_space<vmem>>)
      %dma_wait3A_448 = arith.constant 160 : i32
      %dma_wait3A_449 = arith.constant 0 : i32
      %dma_wait3A_450 = tpu.memref_slice %arg7[%dma_wait3A_448, %dma_wait3A_449] : memref<256x64xf32, #tpu.memory_space<vmem>> -> memref<16x64xf32, #tpu.memory_space<vmem>>
      %dma_wait3A_451 = arith.constant 0 : i32
      %dma_wait3A_452 = arith.constant 0 : i32
      %dma_wait3A_453 = tpu.memref_slice %arg4[%dma_wait3A_451, %dma_wait3A_452] : memref<100000x64xf32, #tpu.memory_space<hbm>> -> memref<100000x64xf32, #tpu.memory_space<hbm>>
      tpu.wait_indirect_dma semaphore(%arg12 : memref<!tpu.dma_semaphore, #tpu.memory_space<semaphore_mem>>) src(%dma_wait3A_453 : memref<100000x64xf32, #tpu.memory_space<hbm>>) dst(%dma_wait3A_450 : memref<16x64xf32, #tpu.memory_space<vmem>>)
      %dma_wait3A_454 = arith.constant 176 : i32
      %dma_wait3A_455 = arith.constant 0 : i32
      %dma_wait3A_456 = tpu.memref_slice %arg7[%dma_wait3A_454, %dma_wait3A_455] : memref<256x64xf32, #tpu.memory_space<vmem>> -> memref<16x64xf32, #tpu.memory_space<vmem>>
      %dma_wait3A_457 = arith.constant 0 : i32
      %dma_wait3A_458 = arith.constant 0 : i32
      %dma_wait3A_459 = tpu.memref_slice %arg4[%dma_wait3A_457, %dma_wait3A_458] : memref<100000x64xf32, #tpu.memory_space<hbm>> -> memref<100000x64xf32, #tpu.memory_space<hbm>>
      tpu.wait_indirect_dma semaphore(%arg12 : memref<!tpu.dma_semaphore, #tpu.memory_space<semaphore_mem>>) src(%dma_wait3A_459 : memref<100000x64xf32, #tpu.memory_space<hbm>>) dst(%dma_wait3A_456 : memref<16x64xf32, #tpu.memory_space<vmem>>)
      %dma_wait3A_460 = arith.constant 192 : i32
      %dma_wait3A_461 = arith.constant 0 : i32
      %dma_wait3A_462 = tpu.memref_slice %arg7[%dma_wait3A_460, %dma_wait3A_461] : memref<256x64xf32, #tpu.memory_space<vmem>> -> memref<16x64xf32, #tpu.memory_space<vmem>>
      %dma_wait3A_463 = arith.constant 0 : i32
      %dma_wait3A_464 = arith.constant 0 : i32
      %dma_wait3A_465 = tpu.memref_slice %arg4[%dma_wait3A_463, %dma_wait3A_464] : memref<100000x64xf32, #tpu.memory_space<hbm>> -> memref<100000x64xf32, #tpu.memory_space<hbm>>
      tpu.wait_indirect_dma semaphore(%arg12 : memref<!tpu.dma_semaphore, #tpu.memory_space<semaphore_mem>>) src(%dma_wait3A_465 : memref<100000x64xf32, #tpu.memory_space<hbm>>) dst(%dma_wait3A_462 : memref<16x64xf32, #tpu.memory_space<vmem>>)
      %dma_wait3A_466 = arith.constant 208 : i32
      %dma_wait3A_467 = arith.constant 0 : i32
      %dma_wait3A_468 = tpu.memref_slice %arg7[%dma_wait3A_466, %dma_wait3A_467] : memref<256x64xf32, #tpu.memory_space<vmem>> -> memref<16x64xf32, #tpu.memory_space<vmem>>
      %dma_wait3A_469 = arith.constant 0 : i32
      %dma_wait3A_470 = arith.constant 0 : i32
      %dma_wait3A_471 = tpu.memref_slice %arg4[%dma_wait3A_469, %dma_wait3A_470] : memref<100000x64xf32, #tpu.memory_space<hbm>> -> memref<100000x64xf32, #tpu.memory_space<hbm>>
      tpu.wait_indirect_dma semaphore(%arg12 : memref<!tpu.dma_semaphore, #tpu.memory_space<semaphore_mem>>) src(%dma_wait3A_471 : memref<100000x64xf32, #tpu.memory_space<hbm>>) dst(%dma_wait3A_468 : memref<16x64xf32, #tpu.memory_space<vmem>>)
      %dma_wait3A_472 = arith.constant 224 : i32
      %dma_wait3A_473 = arith.constant 0 : i32
      %dma_wait3A_474 = tpu.memref_slice %arg7[%dma_wait3A_472, %dma_wait3A_473] : memref<256x64xf32, #tpu.memory_space<vmem>> -> memref<16x64xf32, #tpu.memory_space<vmem>>
      %dma_wait3A_475 = arith.constant 0 : i32
      %dma_wait3A_476 = arith.constant 0 : i32
      %dma_wait3A_477 = tpu.memref_slice %arg4[%dma_wait3A_475, %dma_wait3A_476] : memref<100000x64xf32, #tpu.memory_space<hbm>> -> memref<100000x64xf32, #tpu.memory_space<hbm>>
      tpu.wait_indirect_dma semaphore(%arg12 : memref<!tpu.dma_semaphore, #tpu.memory_space<semaphore_mem>>) src(%dma_wait3A_477 : memref<100000x64xf32, #tpu.memory_space<hbm>>) dst(%dma_wait3A_474 : memref<16x64xf32, #tpu.memory_space<vmem>>)
      %dma_wait3A_478 = arith.constant 240 : i32
      %dma_wait3A_479 = arith.constant 0 : i32
      %dma_wait3A_480 = tpu.memref_slice %arg7[%dma_wait3A_478, %dma_wait3A_479] : memref<256x64xf32, #tpu.memory_space<vmem>> -> memref<16x64xf32, #tpu.memory_space<vmem>>
      %dma_wait3A_481 = arith.constant 0 : i32
      %dma_wait3A_482 = arith.constant 0 : i32
      %dma_wait3A_483 = tpu.memref_slice %arg4[%dma_wait3A_481, %dma_wait3A_482] : memref<100000x64xf32, #tpu.memory_space<hbm>> -> memref<100000x64xf32, #tpu.memory_space<hbm>>
      tpu.wait_indirect_dma semaphore(%arg12 : memref<!tpu.dma_semaphore, #tpu.memory_space<semaphore_mem>>) src(%dma_wait3A_483 : memref<100000x64xf32, #tpu.memory_space<hbm>>) dst(%dma_wait3A_480 : memref<16x64xf32, #tpu.memory_space<vmem>>)
      %dma_start3A_484 = arith.constant 0 : i32
      %dma_start3A_485 = arith.constant 0 : i32
      %dma_start3A_486 = tpu.memref_slice %arg5[%dma_start3A_484, %dma_start3A_485] : memref<819200x64xf32, #tpu.memory_space<hbm>> -> memref<819200x64xf32, #tpu.memory_space<hbm>>
      tpu.enqueue_indirect_dma source(%arg7 : memref<256x64xf32, #tpu.memory_space<vmem>>) target(%dma_start3A_486 : memref<819200x64xf32, #tpu.memory_space<hbm>>) offsets(%arg10 : memref<256xi32, #tpu.memory_space<vmem>>) semaphore(%arg12 : memref<!tpu.dma_semaphore, #tpu.memory_space<semaphore_mem>>)
      %dma_wait3A_487 = arith.constant 0 : i32
      %dma_wait3A_488 = arith.constant 0 : i32
      %dma_wait3A_489 = tpu.memref_slice %arg5[%dma_wait3A_487, %dma_wait3A_488] : memref<819200x64xf32, #tpu.memory_space<hbm>> -> memref<819200x64xf32, #tpu.memory_space<hbm>>
      tpu.wait_indirect_dma semaphore(%arg12 : memref<!tpu.dma_semaphore, #tpu.memory_space<semaphore_mem>>) src(%arg7 : memref<256x64xf32, #tpu.memory_space<vmem>>) dst(%dma_wait3A_489 : memref<819200x64xf32, #tpu.memory_space<hbm>>)
      %while3A_490 = arith.constant 0 : i32
      scf.yield %while3A_490 : i32
    }
    return
  }
}

</mosaic_0001>

<sc_bundles>
// kernel: _sc_lookup.3.cloned.1.call-start
scs
__scs_entry_jumppad:
0x0: {  	(pc) =	sbr.rel $0x88, $3  }
0x1: {  	(tag) =	ssettag $0x0;
	lr =	simm.s32 $0x1  }
0x2: {  	[smem:$0x3F9E] =	sst lr;
	_ =	strace $0xD0000000  }
0x3: {  	_ = 	snop  }
0x4: {  	_ = 	snop  }
0x5: {  	_ = 	snop  }
0x6: {  	_ = 	snop  }
0x7: {  	_ = 	snop  }
__scs_overlays_trampoline_lowered:
0x8: {  	[smem:$0x3FAD] =	sst s0  }
0x9: {  	[smem:$0x3FAE] =	sst s1  }
0xa: {  	[smem:$0x3FAF] =	sst s2  }
0xb: {  	[smem:$0x3FB0] =	sst s3  }
0xc: {  	[smem:$0x3FB1] =	sst s4  }
0xd: {  	[smem:$0x3FB2] =	sst s5  }
0xe: {  	[smem:$0x3FB3] =	sst s6  }
0xf: {  	[smem:$0x3FB4] =	sst s7  }
0x10: {  	[smem:$0x3FB5] =	sst s8  }
0x11: {  	[smem:$0x3FB6] =	sst s9;
	s0 =	simm.s32 @!p0 $0x0  }
0x12: {  	s1 =	sld [smem:$0x3F9C];
	s0 =	simm.s32 @p0 $0x1  }
0x13: {  	[smem:$0x3FB7] =	sst s0;
	s0 =	simm.s32 @!p1 $0x0  }
0x14: {  	s2 =	sld [smem:$0x3F9B];
	s0 =	simm.s32 @p1 $0x1  }
0x15: {  	[smem:$0x3FB8] =	sst s0;
	s0 =	simm.s32 @!p2 $0x0  }
0x16: {  	s3 =	sld [smem:$0x3FDB];
	s0 =	simm.s32 @p2 $0x1  }
0x17: {  	s4 =	simm.s32 $0x1BF5;
	[smem:$0x3FBA] =	sst s0  }
0x18: {  	s0 =	sld [smem:$0x3F9D];
	_ =	swait.ge [sflag:s4], $0x0  }
0x19: {  	s7 =	sld [smem:$0x3F9E]  }
0x1a: {  	s8 =	sadd.s32 $0xFFFFE003, lr  }
0x1b: {  	s9 =	sadd.s32 $0xFFFFFEF7, lr;
	s5 =	simm.s32 $0xFFFFFFFF;
	p2 =	slt.u32 s8, $0xFFFFF086  }
0x1c: {  	p1 =	slt.u32 s9, $0xF7A;
	s5 =	simm.s32 @!p2 $0x0  }
0x1d: {  	s5 =	simm.s32 @p1 $0x1;
	p0 =	seq.s32 s7, s2  }
0x1e: {  	s7 =	smul.u32 @!p0 $0xF7A, s2;
	p2 =	seq.s32 @!p0 s5, $0x0  }
0x1f: {  	s9 =	smul.u32 $0xF7A, s1;
	s8 =	simm.s32 @!p0 $0x1BF5;
	p2 =	por !p2, p0  }
0x20: {  	[sflag:s8] =	ssyncset.s32 @!p0 $0xFFFFF086;
	s6 =	sadd.s32 @!p0 s3, s7;
	s7 =	simm.s32 @!p0 $0x108  }
0x21: {  	s3 =	sadd.s32 s3, s9;
	s6 =	sadd.s32 @!p0 $0x88, s6;
	s7 =	simm.s32 @p2 $0x1082  }
0x22: {  	[simem:s7], [sflag:s8] =	dma.local @!p0 [hbm:s6], $0xF7A  }
0x23: {  	s9 =	sor.u32 $0xD0000000, s2;
	s6 =	simm.s32 $0x108;
	_ =	swait.ge @!p0 [sflag:s8], $0x0  }
0x24: {  	s3 =	sadd.s32 $0x88, s3;
	s6 =	simm.s32 @!p1 $0x1082;
	[sflag:s4] =	ssyncset.s32 $0xFFFFF086  }
0x25: {  	[simem:s6], [sflag:s4] =	dma.local [hbm:s3], $0xF7A  }
0x26: {  	[smem:$0x3F9E] =	sst s1;
	(tag) =	ssettag s2;
	_ =	strace s9  }
0x27: {  	s1 =	sld [smem:$0x3FAE]  }
0x28: {  	s2 =	sld [smem:$0x3FAF]  }
0x29: {  	s4 =	sld [smem:$0x3FB1]  }
0x2a: {  	p0 =	seq.s32 s5, $0x0;
	s5 =	sld [smem:$0x3FB2]  }
0x2b: {  	s6 =	sld [smem:$0x3FB3]  }
0x2c: {  	s7 =	sld [smem:$0x3FB4]  }
0x2d: {  	s3 =	simm.s32 $0x108;
	s8 =	sld [smem:$0x3FB5]  }
0x2e: {  	s3 =	simm.s32 @!p0 $0x1082;
	s9 =	sld [smem:$0x3FB6]  }
0x2f: {  	lr =	sadd.s32 s0, s3;
	s0 =	sld [smem:$0x3FAD]  }
0x30: {  	s3 =	sld [smem:$0x3FB0]  }
0x31: {  	[smem:$0x3FB9] =	sst s10  }
0x32: {  	s10 =	sld [smem:$0x3FB7];
	_ =	sdelay $0x3  }
0x33: {  	p0 =	seq.s32 s10, $0x1;
	s10 =	sld [smem:$0x3FB9];
	_ =	sdelay $0x3  }
0x34: {  	[smem:$0x3FB9] =	sst s10  }
0x35: {  	s10 =	sld [smem:$0x3FB8];
	_ =	sdelay $0x3  }
0x36: {  	p1 =	seq.s32 s10, $0x1;
	s10 =	sld [smem:$0x3FB9];
	_ =	sdelay $0x3  }
0x37: {  	[smem:$0x3FB9] =	sst s10  }
0x38: {  	s10 =	sld [smem:$0x3FBA]  }
0x39: {  	_ = 	snop;
	(pc) =	sbr.ind lr, $3  }
0x3a: {  	_ = 	snop  }
0x3b: {  	_ = 	snop  }
0x3c: {  	p2 =	seq.s32 s10, $0x1;
	s10 =	sld [smem:$0x3FB9]  }
0x3d: {  	_ =	shalt  }
0x3e: {  	_ =	shalt  }
0x3f: {  	_ =	shalt  }
0x40: {  	_ =	shalt  }
0x41: {  	_ =	shalt  }
0x42: {  	_ =	shalt  }
0x43: {  	_ =	shalt  }
0x44: {  	_ =	shalt  }
0x45: {  	_ =	shalt  }
0x46: {  	_ =	shalt  }
0x47: {  	_ =	shalt  }
0x48: {  	_ =	shalt  }
0x49: {  	_ =	shalt  }
0x4a: {  	_ =	shalt  }
0x4b: {  	_ =	shalt  }
0x4c: {  	_ =	shalt  }
0x4d: {  	_ =	shalt  }
0x4e: {  	_ =	shalt  }
0x4f: {  	_ =	shalt  }
0x50: {  	_ =	shalt  }
0x51: {  	_ =	shalt  }
0x52: {  	_ =	shalt  }
0x53: {  	_ =	shalt  }
0x54: {  	_ =	shalt  }
0x55: {  	_ =	shalt  }
0x56: {  	_ =	shalt  }
0x57: {  	_ =	shalt  }
0x58: {  	_ =	shalt  }
0x59: {  	_ =	shalt  }
0x5a: {  	_ =	shalt  }
0x5b: {  	_ =	shalt  }
0x5c: {  	_ =	shalt  }
0x5d: {  	_ =	shalt  }
0x5e: {  	_ =	shalt  }
0x5f: {  	_ =	shalt  }
0x60: {  	_ =	shalt  }
0x61: {  	_ =	shalt  }
0x62: {  	_ =	shalt  }
0x63: {  	_ =	shalt  }
0x64: {  	_ =	shalt  }
0x65: {  	_ =	shalt  }
0x66: {  	_ =	shalt  }
0x67: {  	_ =	shalt  }
0x68: {  	_ =	shalt  }
0x69: {  	_ =	shalt  }
0x6a: {  	_ =	shalt  }
0x6b: {  	_ =	shalt  }
0x6c: {  	_ =	shalt  }
0x6d: {  	_ =	shalt  }
0x6e: {  	_ =	shalt  }
0x6f: {  	_ =	shalt  }
0x70: {  	_ =	shalt  }
0x71: {  	_ =	shalt  }
0x72: {  	_ =	shalt  }
0x73: {  	_ =	shalt  }
0x74: {  	_ =	shalt  }
0x75: {  	_ =	shalt  }
0x76: {  	_ =	shalt  }
0x77: {  	_ =	shalt  }
0x78: {  	_ =	shalt  }
0x79: {  	_ =	shalt  }
0x7a: {  	_ =	shalt  }
0x7b: {  	_ =	shalt  }
0x7c: {  	_ =	shalt  }
0x7d: {  	_ =	shalt  }
0x7e: {  	_ =	shalt  }
0x7f: {  	_ =	shalt  }
0x80: {  	_ =	shalt  }
0x81: {  	_ =	shalt  }
0x82: {  	_ =	shalt  }
0x83: {  	_ =	shalt  }
0x84: {  	_ =	shalt  }
0x85: {  	_ =	shalt  }
0x86: {  	_ =	shalt  }
0x87: {  	_ =	shalt  }
.Lfunc_end0:
.L_simem_size_0:
called_computation.1_lowered:
.L_overlay_start_0:
0x88: {  	s2 =	sld [smem:$0x3FD9]  }
0x89: {  	s3 =	sld [smem:$0x3FFE];
	_ =	sdelay $0x1  }
0x8a: {  	s1 =	srdreg.scid  }
0x8b: {  	s0 =	sand.u32 $0x1, s1  }
0x8c: {  	s17 =	sshll.u32 s0, $0xA;
	s2 =	sadd.s32 s3, s2  }
0x8d: {  	s2 =	sadd.s32 s2, s17  }
0x8e: {  	[smem:$0x3FC5] =	sst s2  }
0x8f: {  	_ = 	snop  }
0x90: {  	s2 =	sld [smem:$0x3FC9]  }
0x91: {  	s18 =	sld [smem:$0x3FD0];
	(tm) =	ssettm $0x1  }
0x92: {  	s4 =	sld [smem:$0x3FFB];
	_ =	sdelay $0x3  }
0x93: {  	_ =	strace s4  }
0x94: {  	s4 =	sld [smem:$0x3FFC];
	_ =	sdelay $0x3  }
0x95: {  	_ =	strace s4  }
0x96: {  	s4 =	sld [smem:$0x3FFD];
	_ =	sdelay $0x3  }
0x97: {  	_ =	strace s4  }
0x98: {  	_ =	strace $0x8FFFFFFF  }
0x99: {  	s19 =	sld [smem:$0x3FDB];
	_ =	sdelay $0x1  }
0x9a: {  	s5 =	simm.s32 $_scs_section_size  }
0x9b: {  	s6 =	simm.s32 $_size__tile_overlayer_lowered;
	s7 =	simm.s32 $_tile_overlayer_lowered  }
0x9c: {  	s22 =	simm.s32 $0x1BFF;
	s21 =	sshll.u32 s7, $0x1;
	s4 =	sadd.s32 s5, s19  }
0x9d: {  	s8 =	simm.s32 $0x0;
	s20 =	sshll.u32 s6, $0x1;
	s6 =	sadd.s32 s21, s4  }
0x9e: {  	[timem:s8], [sflag:s22] =	dma.local [hbm:s6], s20  }
0x9f: {  	_ =	swait.ge [sflag:s22], s20  }
0xa0: {  	s5 =	ssub.s32 $0x0, s20;
	[sflag:s22] =	ssyncset.done $0x0  }
0xa1: {  	[sflag:s22] =	ssyncadd.s32 s5;
	_ =	sdelay $0x1  }
0xa2: {  	s23 =	simm.s32 $0x1B8B  }
0xa3: {  	_ =	swait.ge [sflag:s23], $0x1  }
0xa4: {  	[sflag:s23] =	ssyncset.done $0x0  }
0xa5: {  	s25 =	simm.s32 $0x1B8E;
	s24 =	sld [smem:$0x3FFE];
	[sflag:s23] =	ssyncadd.s32 $0xFFFFFFFF  }
0xa6: {  	s26 =	simm.s32 $execute0_lowered;
	[smem:$0x3FD2] =	sst s25  }
0xa7: {  	s6 =	sshll.u32 s26, $0x1;
	_ =	strace $0x80000046;
	[dreg:$0x1] =	wrdreg $0xFFFFFFFF  }
0xa8: {  	s28 =	simm.s32 $_size_execute0_lowered;
	s4 =	sadd.s32 s4, s6;
	[dreg:$0x0] =	wrdreg $0x0  }
0xa9: {  	s6 =	sshll.u32 s28, $0x1;
	[dreg:$0x2] =	wrdreg s4  }
0xaa: {  	[dreg:$0x3] =	wrdreg s6  }
0xab: {  	[dreg:$0x4] =	wrdreg $0xC0  }
0xac: {  	_ =	task [dreg:s8], $0x5FFFF  }
0xad: {  	[dreg:$0x1] =	wrdreg $0xFFFFFFFF  }
0xae: {  	[dreg:$0x0] =	wrdreg $0x60  }
0xaf: {  	[dreg:$0x2] =	wrdreg s2  }
0xb0: {  	[dreg:$0x3] =	wrdreg s24  }
0xb1: {  	[dreg:$0x4] =	wrdreg s18  }
0xb2: {  	[dreg:$0x5] =	wrdreg $0x9  }
0xb3: {  	_ =	task.clear_ibuf [dreg:s8], $0x6FFFF;
	_ =	strace $0x90000046  }
0xb4: {  	s29 =	simm.s32 $0x9;
	_ =	strace $0x80000048  }
0xb5: {  	_ =	swait.ge [sflag:s29], $0x1  }
0xb6: {  	[sflag:s29] =	ssyncadd.s32 $0xFFFFFFFF  }
0xb7: {  	_ =	strace $0x90000048  }
0xb8: {  	_ =	sfence  }
0xb9: {  	s30 =	sld [smem:$0x0];
	_ =	sdelay $0x2  }
0xba: {  	s31 =	sshll.u32 s1, $0xD;
	s1 =	sshrl.u32 s1, $0x2  }
0xbb: {  	s3 =	sand.u32 $0x4000, s31;
	s1 =	sadd.s32 s1, s30  }
0xbc: {  	s0 =	sor.u32 s3, s0;
	s1 =	sshll.u32 s1, $0x11  }
0xbd: {  	s0 =	sor.u32 s1, s0  }
0xbe: {  	s0 =	sadd.s32 $0x8F2B, s0  }
0xbf: {  	[sflag:s0] =	ssyncadd.remote.s32 $0x1  }
0xc0: {  	_ =	sfence.sel $0xFFFF  }
0xc1: {  	[dreg:$0x0] =	wrdreg $0xFFFFFFFF;
	(pc) =	sbr.abs _section_cstart, $3  }
0xc2: {  	[dreg:$0x1] =	wrdreg $0xFFFFFFFF  }
0xc3: {  	_ =	task.clear_ibuf [dreg:s8], $0x2FFFF;
	_ =	strace $0x9FFFFFFF  }
0xc4: {  	(tm) =	ssettm $0x7FFFFFFF  }
0xc5: {  	_ =	shalt  }
tec
execute0_lowered:
.L_overlay_start_1:
0x0: {  	(tag) =	ssettag $0x1  }
0x1: {  	s12 =	rddreg [dreg:$0x0]  }
0x2: {  	s0 =	rddreg [dreg:$0x1]  }
0x3: {  	s1 =	srdreg.scid;
	s11 =	stileid.u32  }
0x4: {  	s13 =	rddreg [dreg:$0x2];
	s4 =	simm.s32 $0x0;
	s14 =	simm.s32 $0xB000  }
0x5: {  	s15 =	simm.s32 $0xB400;
	s16 =	simm.s32 $0xB800;
	s17 =	simm.s32 $0xBC00  }
0x6: {  	s18 =	simm.s32 $0xC000;
	s19 =	simm.s32 $0xC400;
	s20 =	simm.s32 $0xC800  }
0x7: {  	s21 =	simm.s32 $0xCC00;
	s22 =	simm.s32 $0xD000;
	s23 =	simm.s32 $0xD400  }
0x8: {  	s24 =	simm.s32 $0xD800;
	s28 =	simm.s32 $0x8C00;
	[smem:$0x7FF] =	sst s4  }
0x9: {  	s29 =	simm.s32 $0x9000;
	_ =	strace $0x80000047;
	[dreg:$0x6] =	wrdreg s14  }
0xa: {  	s30 =	simm.s32 $0x9400;
	s31 =	simm.s32 $0x9800;
	[dreg:$0x7] =	wrdreg s15  }
0xb: {  	s1 =	sand.u32 $0x1, s1;
	s2 =	sshll.u32 s11, $0x1;
	[dreg:$0x8] =	wrdreg s16  }
0xc: {  	s5 =	sadd.s32 $0xDBC400, s0;
	s8 =	smul.u32 $0xC800, s11;
	[dreg:$0x9] =	wrdreg s17  }
0xd: {  	s6 =	sadd.s32 $0xA00, s0;
	s2 =	sor.u32 s1, s2;
	[dreg:$0xa] =	wrdreg s18  }
0xe: {  	s7 =	ssub.s32 $0x2, s1;
	s10 =	smul.u32 $0x6400, s1;
	[dreg:$0xb] =	wrdreg s19  }
0xf: {  	s1 =	smul.u32 $0x32000, s1;
	s15 =	simm.s32 $0x6400;
	[dreg:$0xc] =	wrdreg s20  }
0x10: {  	s16 =	simm.s32 $0xA400;
	s17 =	simm.s32 $0x2;
	[dreg:$0xd] =	wrdreg s21  }
0x11: {  	s18 =	simm.s32 $0x6800;
	s19 =	simm.s32 $0x6C00;
	[dreg:$0xe] =	wrdreg s22  }
0x12: {  	s20 =	simm.s32 $0x7000;
	s21 =	simm.s32 $0x7400;
	[dreg:$0xf] =	wrdreg s23  }
0x13: {  	s22 =	simm.s32 $0x7800;
	s23 =	simm.s32 $0x7C00;
	[dreg:$0x10] =	wrdreg s24  }
0x14: {  	s24 =	simm.s32 $0x8000;
	s3 =	smul.u32 $0x6400, s2;
	s9 =	sshrl.u32 s7, $0x1  }
0x15: {  	s2 =	smul.u32 $0x32000, s2;
	s25 =	ssub.s32 s7, s9;
	s7 =	sadd.s32 $0x800, s13  }
0x16: {  	s9 =	sadd.s32 s10, s8;
	s10 =	smul.u32 $0x64000, s11;
	s11 =	simm.s32 $0xA800  }
0x17: {  	s3 =	sshrl.u32 s3, $0x3;
	s26 =	sadd.s32 s13, s2;
	[dreg:$0x4] =	wrdreg s11  }
0x18: {  	s2 =	sadd.s32 s2, s7;
	s0 =	smax.u32 s25, $0x1;
	[dreg:$0x14] =	wrdreg s26  }
0x19: {  	s8 =	sshll.u32 s9, $0x3;
	s25 =	simm.s32 $0xDC00;
	[dreg:$0x15] =	wrdreg s2  }
0x1a: {  	s3 =	sadd.s32 s12, s3;
	[dreg:$0x16] =	wrdreg s0;
	s0 =	sadd.s32 s8, s7  }
0x1b: {  	s12 =	simm.s32 $0xAC00;
	[dreg:$0x11] =	wrdreg s25;
	s26 =	simm.s32 $0xE000  }
.Ltmp0:
0x1c: {  	s25 =	simm.s32 $0x8400;
	[dreg:$0x13] =	wrdreg s3;
	(pc) =	sbr.rel .LBB2_1-.Ltmp0, $4  }
0x1d: {  	s2 =	simm.s32 $0x9C00;
	s7 =	simm.s32 $0x1;
	[dreg:$0x17] =	wrdreg s0  }
0x1e: {  	s8 =	simm.s32 $0x3;
	s0 =	sadd.s32 s10, s13;
	[dreg:$0x5] =	wrdreg s12  }
0x1f: {  	vm0 =	vmmov $0xffff;
	v0 =	vlaneseq.u32;
	[dreg:$0x12] =	wrdreg s26;
	s26 =	simm.s32 $0x8800;
	s0 =	sadd.s32 s1, s0  }
0x20: {  	v3 =	vimm.s32 $0x0;
	v1 =	vor.u32 $0x80000010, v0;
	v2 =	vor.u32 $0x80000000, v0;
	s3 =	simm.s32 $0x0;
	[dreg:$0x18] =	wrdreg s0;
	s0 =	simm.s32 $0xA000  }
.LBB2_5:
0x21: {  	s3 =	rddreg [dreg:$0x19]  }
0x22: {  	s1 =	rddreg [dreg:$0x16];
	s3 =	sadd.s32 $0x1, s3  }
0x23: {  	p0 =	sne.s32 s3, s1  }
.Ltmp1:
0x24: {  	_ = 	snop;
	(pc) =	sbr.rel @!p0 .LBB2_6-.Ltmp1, $1  }
0x25: {  	_ =	sdelay $0x3  }
.LBB2_1:
0x26: {  	[dreg:$0x19] =	wrdreg s3  }
0x27: {  	s1 =	rddreg [dreg:$0x13];
	s12 =	simm.s32 $0x4  }
0x28: {  	[tilespmem:s4], [sflag:$0x4] =	stream.linear.gather [hbm4b:s1+s4], $0x6400, $0x38;
	[tilespmem:$0x14B10] =	vst v63  }
0x29: {  	_ =	swait.ge [sflag:s12], $0x6400  }
0x2a: {  	[sflag:s12] =	ssyncset.done $0x0;
	s13 =	rddreg [dreg:$0x14]  }
0x2b: {  	s14 =	rddreg [dreg:$0x15];
	[sflag:s12] =	ssyncadd.s32 $0xFFFF9C00  }
0x2c: {  	[hbm4b:s13+s4] =	stream.linear.scatter [tilespmem:s15], [sflag:$0x2], $0x4000, $0x38;
	[tilespmem:$0x14B10] =	vst v63  }
0x2d: {  	s3 =	simm.s32 $0x0;
	s1 =	rddreg [dreg:$0x17]  }
0x2e: {  	[hbm4b:s14+s4] =	stream.linear.scatter [tilespmem:s16], [sflag:$0x3], $0x4000, $0x38;
	[tilespmem:$0x14B10] =	vst v63  }
0x2f: {  	s10 =	simm.s32 $0x0;
	s13 =	rddreg [dreg:$0x18];
	s14 =	simm.s32 $0x100  }
.LBB2_2:
0x30: {  	_ =	swait.ge [sflag:s17], $0x4000  }
0x31: {  	[sflag:s17] =	ssyncset.done $0x0  }
0x32: {  	[sflag:s17] =	ssyncadd.s32 $0xFFFFC000  }
0x33: {  	v4 =	vld [tilespmem:s14+$0xFFFFFF00];
	_ =	sdelay $0x4  }
0x34: {  	s12 =	sadd.s32 s3, s9;
	vm1 =	vgt.s32 v4, $0xDBB9F  }
0x35: {  	v5 =	vor.u32 s12, v0;
	v6 =	vsel vm1, v2, v1  }
0x36: {  	(xrf1) =	vsort.ascd.msk.u32 $0xffff, v6, v5;
	_ =	sdelay $0x8  }
0x37: {  	v4 =	vsel vm1, $0xDBB9F, v4;
	_ =	sdelay $0x2  }
0x38: {  	v5 =	vsel vm1, $0x1, v3  }
0x39: {  	(xrf0) =	vadd.scan.msk.s32 $0xffff, v5  }
0x3a: {  	[tilespmem:s15], [sflag:$0x1] =	stream.indirect_vreg.gather [hbm4b:s5+s4], $0x40, v4, vm0, $0xb8;
	_, v4, _ =	vpop (xrf1);
	[tilespmem:$0x14B10] =	vst v63  }
0x3b: {  	[tilespmem:s10+$0xE400] =	vst v4  }
0x3c: {  	v4 =	vld [tilespmem:s14+$0xFFFFFF10];
	_ =	sdelay $0x2  }
0x3d: {  	v5, _, _ =	vpop (xrf0)  }
0x3e: {  	(v2sf) =	vpush v5, $0xF  }
0x3f: {  	s11 =	sadd.s32 $0x10, s12;
	vm1 =	vgt.s32 v4, $0xDBB9F  }
0x40: {  	v5 =	vor.u32 s11, v0;
	v33 =	vsel vm1, v2, v1  }
0x41: {  	(xrf1) =	vsort.ascd.msk.u32 $0xffff, v33, v5;
	_ =	sdelay $0x8  }
0x42: {  	v4 =	vsel vm1, $0xDBB9F, v4;
	_ =	sdelay $0x2  }
0x43: {  	s11 =	spop (v2sf);
	v5 =	vsel vm1, $0x1, v3  }
0x44: {  	s10 =	sadd.s32 s10, s11;
	(xrf0) =	vadd.scan.msk.s32 $0xffff, v5  }
0x45: {  	[tilespmem:s18], [sflag:$0x1] =	stream.indirect_vreg.gather [hbm4b:s5+s4], $0x40, v4, vm0, $0xb8;
	_, v4, _ =	vpop (xrf1);
	[tilespmem:$0x14B10] =	vst v63  }
0x46: {  	[tilespmem:s10+$0xE400] =	vst v4  }
0x47: {  	v4 =	vld [tilespmem:s14+$0xFFFFFF20];
	_ =	sdelay $0x2  }
0x48: {  	v5, _, _ =	vpop (xrf0)  }
0x49: {  	(v2sf) =	vpush v5, $0xF  }
0x4a: {  	s18 =	sadd.s32 $0x20, s12;
	vm1 =	vgt.s32 v4, $0xDBB9F  }
0x4b: {  	v5 =	vor.u32 s18, v0;
	v34 =	vsel vm1, v2, v1  }
0x4c: {  	(xrf1) =	vsort.ascd.msk.u32 $0xffff, v34, v5;
	_ =	sdelay $0x8  }
0x4d: {  	v4 =	vsel vm1, $0xDBB9F, v4;
	_ =	sdelay $0x2  }
0x4e: {  	s18 =	spop (v2sf);
	v5 =	vsel vm1, $0x1, v3  }
0x4f: {  	s10 =	sadd.s32 s10, s18;
	(xrf0) =	vadd.scan.msk.s32 $0xffff, v5  }
0x50: {  	[tilespmem:s19], [sflag:$0x1] =	stream.indirect_vreg.gather [hbm4b:s5+s4], $0x40, v4, vm0, $0xb8;
	_, v4, _ =	vpop (xrf1);
	[tilespmem:$0x14B10] =	vst v63  }
0x51: {  	[tilespmem:s10+$0xE400] =	vst v4  }
0x52: {  	v4 =	vld [tilespmem:s14+$0xFFFFFF30];
	_ =	sdelay $0x2  }
0x53: {  	v5, _, _ =	vpop (xrf0)  }
0x54: {  	(v2sf) =	vpush v5, $0xF  }
0x55: {  	s18 =	sadd.s32 $0x30, s12;
	vm1 =	vgt.s32 v4, $0xDBB9F  }
0x56: {  	v5 =	vor.u32 s18, v0;
	v35 =	vsel vm1, v2, v1  }
0x57: {  	(xrf1) =	vsort.ascd.msk.u32 $0xffff, v35, v5;
	_ =	sdelay $0x8  }
0x58: {  	v4 =	vsel vm1, $0xDBB9F, v4;
	_ =	sdelay $0x2  }
0x59: {  	s18 =	spop (v2sf);
	v5 =	vsel vm1, $0x1, v3  }
0x5a: {  	s10 =	sadd.s32 s10, s18;
	(xrf0) =	vadd.scan.msk.s32 $0xffff, v5  }
0x5b: {  	[tilespmem:s20], [sflag:$0x1] =	stream.indirect_vreg.gather [hbm4b:s5+s4], $0x40, v4, vm0, $0xb8;
	_, v4, _ =	vpop (xrf1);
	[tilespmem:$0x14B10] =	vst v63  }
0x5c: {  	[tilespmem:s10+$0xE400] =	vst v4  }
0x5d: {  	v4 =	vld [tilespmem:s14+$0xFFFFFF40];
	_ =	sdelay $0x2  }
0x5e: {  	v5, _, _ =	vpop (xrf0)  }
0x5f: {  	(v2sf) =	vpush v5, $0xF  }
0x60: {  	s18 =	sadd.s32 $0x40, s12;
	vm1 =	vgt.s32 v4, $0xDBB9F  }
0x61: {  	v5 =	vor.u32 s18, v0;
	v36 =	vsel vm1, v2, v1  }
0x62: {  	(xrf1) =	vsort.ascd.msk.u32 $0xffff, v36, v5;
	_ =	sdelay $0x8  }
0x63: {  	v4 =	vsel vm1, $0xDBB9F, v4;
	_ =	sdelay $0x2  }
0x64: {  	s18 =	spop (v2sf);
	v5 =	vsel vm1, $0x1, v3  }
0x65: {  	s10 =	sadd.s32 s10, s18;
	(xrf0) =	vadd.scan.msk.s32 $0xffff, v5  }
0x66: {  	[tilespmem:s21], [sflag:$0x1] =	stream.indirect_vreg.gather [hbm4b:s5+s4], $0x40, v4, vm0, $0xb8;
	_, v4, _ =	vpop (xrf1);
	[tilespmem:$0x14B10] =	vst v63  }
0x67: {  	[tilespmem:s10+$0xE400] =	vst v4  }
0x68: {  	v4 =	vld [tilespmem:s14+$0xFFFFFF50];
	_ =	sdelay $0x2  }
0x69: {  	v5, _, _ =	vpop (xrf0)  }
0x6a: {  	(v2sf) =	vpush v5, $0xF  }
0x6b: {  	s18 =	sadd.s32 $0x50, s12;
	vm1 =	vgt.s32 v4, $0xDBB9F  }
0x6c: {  	v5 =	vor.u32 s18, v0;
	v37 =	vsel vm1, v2, v1  }
0x6d: {  	(xrf1) =	vsort.ascd.msk.u32 $0xffff, v37, v5;
	_ =	sdelay $0x8  }
0x6e: {  	v4 =	vsel vm1, $0xDBB9F, v4;
	_ =	sdelay $0x2  }
0x6f: {  	s18 =	spop (v2sf);
	v5 =	vsel vm1, $0x1, v3  }
0x70: {  	s10 =	sadd.s32 s10, s18;
	(xrf0) =	vadd.scan.msk.s32 $0xffff, v5  }
0x71: {  	[tilespmem:s22], [sflag:$0x1] =	stream.indirect_vreg.gather [hbm4b:s5+s4], $0x40, v4, vm0, $0xb8;
	_, v4, _ =	vpop (xrf1);
	[tilespmem:$0x14B10] =	vst v63  }
0x72: {  	[tilespmem:s10+$0xE400] =	vst v4  }
0x73: {  	v4 =	vld [tilespmem:s14+$0xFFFFFF60];
	_ =	sdelay $0x2  }
0x74: {  	v5, _, _ =	vpop (xrf0)  }
0x75: {  	(v2sf) =	vpush v5, $0xF  }
0x76: {  	s18 =	sadd.s32 $0x60, s12;
	vm1 =	vgt.s32 v4, $0xDBB9F  }
0x77: {  	v5 =	vor.u32 s18, v0;
	v38 =	vsel vm1, v2, v1  }
0x78: {  	(xrf1) =	vsort.ascd.msk.u32 $0xffff, v38, v5;
	_ =	sdelay $0x8  }
0x79: {  	v4 =	vsel vm1, $0xDBB9F, v4;
	_ =	sdelay $0x2  }
0x7a: {  	s18 =	spop (v2sf);
	v5 =	vsel vm1, $0x1, v3  }
0x7b: {  	s10 =	sadd.s32 s10, s18;
	(xrf0) =	vadd.scan.msk.s32 $0xffff, v5  }
0x7c: {  	[tilespmem:s23], [sflag:$0x1] =	stream.indirect_vreg.gather [hbm4b:s5+s4], $0x40, v4, vm0, $0xb8;
	_, v4, _ =	vpop (xrf1);
	[tilespmem:$0x14B10] =	vst v63  }
0x7d: {  	[tilespmem:s10+$0xE400] =	vst v4  }
0x7e: {  	v4 =	vld [tilespmem:s14+$0xFFFFFF70];
	_ =	sdelay $0x2  }
0x7f: {  	v5, _, _ =	vpop (xrf0)  }
0x80: {  	(v2sf) =	vpush v5, $0xF  }
0x81: {  	s18 =	sadd.s32 $0x70, s12;
	vm1 =	vgt.s32 v4, $0xDBB9F  }
0x82: {  	v5 =	vor.u32 s18, v0;
	v39 =	vsel vm1, v2, v1  }
0x83: {  	(xrf1) =	vsort.ascd.msk.u32 $0xffff, v39, v5;
	_ =	sdelay $0x8  }
0x84: {  	v4 =	vsel vm1, $0xDBB9F, v4;
	_ =	sdelay $0x2  }
0x85: {  	s18 =	spop (v2sf);
	v5 =	vsel vm1, $0x1, v3  }
0x86: {  	s10 =	sadd.s32 s10, s18;
	(xrf0) =	vadd.scan.msk.s32 $0xffff, v5  }
0x87: {  	[tilespmem:s24], [sflag:$0x1] =	stream.indirect_vreg.gather [hbm4b:s5+s4], $0x40, v4, vm0, $0xb8;
	_, v4, _ =	vpop (xrf1);
	[tilespmem:$0x14B10] =	vst v63  }
0x88: {  	[tilespmem:s10+$0xE400] =	vst v4  }
0x89: {  	v4 =	vld [tilespmem:s14+$0xFFFFFF80];
	_ =	sdelay $0x2  }
0x8a: {  	v5, _, _ =	vpop (xrf0)  }
0x8b: {  	(v2sf) =	vpush v5, $0xF  }
0x8c: {  	s18 =	sadd.s32 $0x80, s12;
	vm1 =	vgt.s32 v4, $0xDBB9F  }
0x8d: {  	v5 =	vor.u32 s18, v0;
	v40 =	vsel vm1, v2, v1  }
0x8e: {  	(xrf1) =	vsort.ascd.msk.u32 $0xffff, v40, v5;
	_ =	sdelay $0x8  }
0x8f: {  	v4 =	vsel vm1, $0xDBB9F, v4;
	_ =	sdelay $0x2  }
0x90: {  	s18 =	spop (v2sf);
	v5 =	vsel vm1, $0x1, v3  }
0x91: {  	s10 =	sadd.s32 s10, s18;
	(xrf0) =	vadd.scan.msk.s32 $0xffff, v5  }
0x92: {  	[tilespmem:s25], [sflag:$0x1] =	stream.indirect_vreg.gather [hbm4b:s5+s4], $0x40, v4, vm0, $0xb8;
	_, v4, _ =	vpop (xrf1);
	[tilespmem:$0x14B10] =	vst v63  }
0x93: {  	[tilespmem:s10+$0xE400] =	vst v4  }
0x94: {  	v4 =	vld [tilespmem:s14+$0xFFFFFF90];
	_ =	sdelay $0x2  }
0x95: {  	v5, _, _ =	vpop (xrf0)  }
0x96: {  	(v2sf) =	vpush v5, $0xF  }
0x97: {  	s18 =	sadd.s32 $0x90, s12;
	vm1 =	vgt.s32 v4, $0xDBB9F  }
0x98: {  	v5 =	vor.u32 s18, v0;
	v41 =	vsel vm1, v2, v1  }
0x99: {  	(xrf1) =	vsort.ascd.msk.u32 $0xffff, v41, v5;
	_ =	sdelay $0x8  }
0x9a: {  	v4 =	vsel vm1, $0xDBB9F, v4;
	_ =	sdelay $0x2  }
0x9b: {  	s18 =	spop (v2sf);
	v5 =	vsel vm1, $0x1, v3  }
0x9c: {  	s10 =	sadd.s32 s10, s18;
	(xrf0) =	vadd.scan.msk.s32 $0xffff, v5  }
0x9d: {  	[tilespmem:s26], [sflag:$0x1] =	stream.indirect_vreg.gather [hbm4b:s5+s4], $0x40, v4, vm0, $0xb8;
	_, v4, _ =	vpop (xrf1);
	[tilespmem:$0x14B10] =	vst v63  }
0x9e: {  	[tilespmem:s10+$0xE400] =	vst v4  }
0x9f: {  	v4 =	vld [tilespmem:s14+$0xFFFFFFA0];
	_ =	sdelay $0x2  }
0xa0: {  	v5, _, _ =	vpop (xrf0)  }
0xa1: {  	(v2sf) =	vpush v5, $0xF  }
0xa2: {  	s18 =	sadd.s32 $0xA0, s12;
	vm1 =	vgt.s32 v4, $0xDBB9F  }
0xa3: {  	v5 =	vor.u32 s18, v0;
	v42 =	vsel vm1, v2, v1  }
0xa4: {  	(xrf1) =	vsort.ascd.msk.u32 $0xffff, v42, v5;
	_ =	sdelay $0x8  }
0xa5: {  	v4 =	vsel vm1, $0xDBB9F, v4;
	_ =	sdelay $0x2  }
0xa6: {  	s18 =	spop (v2sf);
	v5 =	vsel vm1, $0x1, v3  }
0xa7: {  	s10 =	sadd.s32 s10, s18;
	(xrf0) =	vadd.scan.msk.s32 $0xffff, v5  }
0xa8: {  	[tilespmem:s28], [sflag:$0x1] =	stream.indirect_vreg.gather [hbm4b:s5+s4], $0x40, v4, vm0, $0xb8;
	_, v4, _ =	vpop (xrf1);
	[tilespmem:$0x14B10] =	vst v63  }
0xa9: {  	[tilespmem:s10+$0xE400] =	vst v4  }
0xaa: {  	v4 =	vld [tilespmem:s14+$0xFFFFFFB0];
	_ =	sdelay $0x2  }
0xab: {  	v5, _, _ =	vpop (xrf0)  }
0xac: {  	(v2sf) =	vpush v5, $0xF  }
0xad: {  	s18 =	sadd.s32 $0xB0, s12;
	vm1 =	vgt.s32 v4, $0xDBB9F  }
0xae: {  	v5 =	vor.u32 s18, v0;
	v43 =	vsel vm1, v2, v1  }
0xaf: {  	(xrf1) =	vsort.ascd.msk.u32 $0xffff, v43, v5;
	_ =	sdelay $0x8  }
0xb0: {  	v4 =	vsel vm1, $0xDBB9F, v4;
	_ =	sdelay $0x2  }
0xb1: {  	s18 =	spop (v2sf);
	v5 =	vsel vm1, $0x1, v3  }
0xb2: {  	s10 =	sadd.s32 s10, s18;
	(xrf0) =	vadd.scan.msk.s32 $0xffff, v5  }
0xb3: {  	[tilespmem:s29], [sflag:$0x1] =	stream.indirect_vreg.gather [hbm4b:s5+s4], $0x40, v4, vm0, $0xb8;
	_, v4, _ =	vpop (xrf1);
	[tilespmem:$0x14B10] =	vst v63  }
0xb4: {  	[tilespmem:s10+$0xE400] =	vst v4  }
0xb5: {  	v4 =	vld [tilespmem:s14+$0xFFFFFFC0];
	_ =	sdelay $0x2  }
0xb6: {  	v5, _, _ =	vpop (xrf0)  }
0xb7: {  	(v2sf) =	vpush v5, $0xF  }
0xb8: {  	s18 =	sadd.s32 $0xC0, s12;
	vm1 =	vgt.s32 v4, $0xDBB9F  }
0xb9: {  	v5 =	vor.u32 s18, v0;
	v44 =	vsel vm1, v2, v1  }
0xba: {  	(xrf1) =	vsort.ascd.msk.u32 $0xffff, v44, v5;
	_ =	sdelay $0x8  }
0xbb: {  	v4 =	vsel vm1, $0xDBB9F, v4;
	_ =	sdelay $0x2  }
0xbc: {  	s18 =	spop (v2sf);
	v5 =	vsel vm1, $0x1, v3  }
0xbd: {  	s10 =	sadd.s32 s10, s18;
	(xrf0) =	vadd.scan.msk.s32 $0xffff, v5  }
0xbe: {  	[tilespmem:s30], [sflag:$0x1] =	stream.indirect_vreg.gather [hbm4b:s5+s4], $0x40, v4, vm0, $0xb8;
	_, v4, _ =	vpop (xrf1);
	[tilespmem:$0x14B10] =	vst v63  }
0xbf: {  	[tilespmem:s10+$0xE400] =	vst v4  }
0xc0: {  	v4 =	vld [tilespmem:s14+$0xFFFFFFD0];
	_ =	sdelay $0x2  }
0xc1: {  	v5, _, _ =	vpop (xrf0)  }
0xc2: {  	(v2sf) =	vpush v5, $0xF  }
0xc3: {  	s18 =	sadd.s32 $0xD0, s12;
	vm1 =	vgt.s32 v4, $0xDBB9F  }
0xc4: {  	v5 =	vor.u32 s18, v0;
	v45 =	vsel vm1, v2, v1  }
0xc5: {  	(xrf1) =	vsort.ascd.msk.u32 $0xffff, v45, v5;
	_ =	sdelay $0x8  }
0xc6: {  	v4 =	vsel vm1, $0xDBB9F, v4;
	_ =	sdelay $0x2  }
0xc7: {  	s18 =	spop (v2sf);
	v5 =	vsel vm1, $0x1, v3  }
0xc8: {  	s10 =	sadd.s32 s10, s18;
	(xrf0) =	vadd.scan.msk.s32 $0xffff, v5  }
0xc9: {  	[tilespmem:s31], [sflag:$0x1] =	stream.indirect_vreg.gather [hbm4b:s5+s4], $0x40, v4, vm0, $0xb8;
	_, v4, _ =	vpop (xrf1);
	[tilespmem:$0x14B10] =	vst v63  }
0xca: {  	[tilespmem:s10+$0xE400] =	vst v4  }
0xcb: {  	v4 =	vld [tilespmem:s14+$0xFFFFFFE0];
	_ =	sdelay $0x2  }
0xcc: {  	v5, _, _ =	vpop (xrf0)  }
0xcd: {  	(v2sf) =	vpush v5, $0xF  }
0xce: {  	s18 =	sadd.s32 $0xE0, s12;
	vm1 =	vgt.s32 v4, $0xDBB9F  }
0xcf: {  	v5 =	vor.u32 s18, v0;
	v46 =	vsel vm1, v2, v1  }
0xd0: {  	(xrf1) =	vsort.ascd.msk.u32 $0xffff, v46, v5;
	_ =	sdelay $0x8  }
0xd1: {  	v4 =	vsel vm1, $0xDBB9F, v4;
	_ =	sdelay $0x2  }
0xd2: {  	s18 =	spop (v2sf);
	v5 =	vsel vm1, $0x1, v3  }
0xd3: {  	s10 =	sadd.s32 s10, s18;
	(xrf0) =	vadd.scan.msk.s32 $0xffff, v5  }
0xd4: {  	[tilespmem:s2], [sflag:$0x1] =	stream.indirect_vreg.gather [hbm4b:s5+s4], $0x40, v4, vm0, $0xb8;
	_, v4, _ =	vpop (xrf1);
	[tilespmem:$0x14B10] =	vst v63  }
0xd5: {  	[tilespmem:s10+$0xE400] =	vst v4  }
0xd6: {  	v4 =	vld [tilespmem:s14+$0xFFFFFFF0];
	_ =	sdelay $0x2  }
0xd7: {  	v5, _, _ =	vpop (xrf0)  }
0xd8: {  	(v2sf) =	vpush v5, $0xF  }
0xd9: {  	s18 =	sadd.s32 $0xF0, s12;
	vm1 =	vgt.s32 v4, $0xDBB9F  }
0xda: {  	v5 =	vor.u32 s18, v0;
	v47 =	vsel vm1, v2, v1  }
0xdb: {  	(xrf1) =	vsort.ascd.msk.u32 $0xffff, v47, v5;
	_ =	sdelay $0x8  }
0xdc: {  	v4 =	vsel vm1, $0xDBB9F, v4;
	_ =	sdelay $0x2  }
0xdd: {  	s18 =	spop (v2sf)  }
0xde: {  	s10 =	sadd.s32 s10, s18  }
0xdf: {  	[tilespmem:s0], [sflag:$0x1] =	stream.indirect_vreg.gather [hbm4b:s5+s4], $0x40, v4, vm0, $0xb8;
	_, v4, _ =	vpop (xrf1);
	[tilespmem:$0x14B10] =	vst v63  }
0xe0: {  	[tilespmem:s10+$0xE400] =	vst v4  }
0xe1: {  	_ =	swait.ge [sflag:s7], $0x400  }
0xe2: {  	[sflag:s7] =	ssyncset.done $0x0  }
0xe3: {  	[sflag:s7] =	ssyncadd.s32 $0xFFFFFC00  }
0xe4: {  	_ =	swait.ge [sflag:s7], $0x400  }
0xe5: {  	[sflag:s7] =	ssyncset.done $0x0  }
0xe6: {  	[sflag:s7] =	ssyncadd.s32 $0xFFFFFC00  }
0xe7: {  	_ =	swait.ge [sflag:s7], $0x400  }
0xe8: {  	[sflag:s7] =	ssyncset.done $0x0  }
0xe9: {  	[sflag:s7] =	ssyncadd.s32 $0xFFFFFC00  }
0xea: {  	_ =	swait.ge [sflag:s7], $0x400  }
0xeb: {  	[sflag:s7] =	ssyncset.done $0x0  }
0xec: {  	[sflag:s7] =	ssyncadd.s32 $0xFFFFFC00  }
0xed: {  	_ =	swait.ge [sflag:s7], $0x400  }
0xee: {  	[sflag:s7] =	ssyncset.done $0x0  }
0xef: {  	[sflag:s7] =	ssyncadd.s32 $0xFFFFFC00  }
0xf0: {  	_ =	swait.ge [sflag:s7], $0x400  }
0xf1: {  	[sflag:s7] =	ssyncset.done $0x0  }
0xf2: {  	[sflag:s7] =	ssyncadd.s32 $0xFFFFFC00  }
0xf3: {  	_ =	swait.ge [sflag:s7], $0x400  }
0xf4: {  	[sflag:s7] =	ssyncset.done $0x0  }
0xf5: {  	[sflag:s7] =	ssyncadd.s32 $0xFFFFFC00  }
0xf6: {  	_ =	swait.ge [sflag:s7], $0x400  }
0xf7: {  	[sflag:s7] =	ssyncset.done $0x0  }
0xf8: {  	[sflag:s7] =	ssyncadd.s32 $0xFFFFFC00  }
0xf9: {  	_ =	swait.ge [sflag:s7], $0x400  }
0xfa: {  	[sflag:s7] =	ssyncset.done $0x0  }
0xfb: {  	[sflag:s7] =	ssyncadd.s32 $0xFFFFFC00  }
0xfc: {  	_ =	swait.ge [sflag:s7], $0x400  }
0xfd: {  	[sflag:s7] =	ssyncset.done $0x0  }
0xfe: {  	[sflag:s7] =	ssyncadd.s32 $0xFFFFFC00  }
0xff: {  	_ =	swait.ge [sflag:s7], $0x400  }
0x100: {  	[sflag:s7] =	ssyncset.done $0x0  }
0x101: {  	[sflag:s7] =	ssyncadd.s32 $0xFFFFFC00  }
0x102: {  	_ =	swait.ge [sflag:s7], $0x400  }
0x103: {  	[sflag:s7] =	ssyncset.done $0x0  }
0x104: {  	[sflag:s7] =	ssyncadd.s32 $0xFFFFFC00  }
0x105: {  	_ =	swait.ge [sflag:s7], $0x400  }
0x106: {  	[sflag:s7] =	ssyncset.done $0x0  }
0x107: {  	[sflag:s7] =	ssyncadd.s32 $0xFFFFFC00  }
0x108: {  	_ =	swait.ge [sflag:s7], $0x400  }
0x109: {  	[sflag:s7] =	ssyncset.done $0x0  }
0x10a: {  	[sflag:s7] =	ssyncadd.s32 $0xFFFFFC00  }
0x10b: {  	_ =	swait.ge [sflag:s7], $0x400  }
0x10c: {  	[sflag:s7] =	ssyncset.done $0x0  }
0x10d: {  	[sflag:s7] =	ssyncadd.s32 $0xFFFFFC00  }
0x10e: {  	v4 =	vsel vm1, $0x1, v3;
	_ =	swait.ge [sflag:s7], $0x400  }
0x10f: {  	(xrf0) =	vadd.scan.msk.s32 $0xffff, v4;
	_ =	sdelay $0x5  }
0x110: {  	v4, _, _ =	vpop (xrf0)  }
0x111: {  	(v2sf) =	vpush v4, $0xF;
	_ =	sdelay $0xb  }
0x112: {  	[sflag:s7] =	ssyncset.done $0x0  }
0x113: {  	[sflag:s7] =	ssyncadd.s32 $0xFFFFFC00  }
0x114: {  	[hbm4b:s13+s4] =	stream.linear.scatter [tilespmem:s15], [sflag:$0x2], $0x4000, $0x38;
	[tilespmem:$0x14B10] =	vst v63  }
0x115: {  	s11 =	spop (v2sf)  }
0x116: {  	_ =	swait.ge [sflag:s8], $0x4000  }
0x117: {  	[sflag:s8] =	ssyncset.done $0x0  }
0x118: {  	[sflag:s8] =	ssyncadd.s32 $0xFFFFC000  }
0x119: {  	v4 =	vld [tilespmem:s14+$0x0];
	_ =	sdelay $0x4  }
0x11a: {  	s18 =	sadd.s32 $0x100, s12;
	vm1 =	vgt.s32 v4, $0xDBB9F  }
0x11b: {  	v5 =	vor.u32 s18, v0;
	v48 =	vsel vm1, v2, v1  }
0x11c: {  	(xrf1) =	vsort.ascd.msk.u32 $0xffff, v48, v5;
	_ =	sdelay $0x8  }
0x11d: {  	v4 =	vsel vm1, $0xDBB9F, v4;
	_ =	sdelay $0x2  }
0x11e: {  	v5 =	vsel vm1, $0x1, v3  }
0x11f: {  	s10 =	sadd.s32 s10, s11;
	(xrf0) =	vadd.scan.msk.s32 $0xffff, v5  }
0x120: {  	[tilespmem:s16], [sflag:$0x1] =	stream.indirect_vreg.gather [hbm4b:s5+s4], $0x40, v4, vm0, $0xb8;
	_, v4, _ =	vpop (xrf1);
	[tilespmem:$0x14B10] =	vst v63  }
0x121: {  	[tilespmem:s10+$0xE400] =	vst v4  }
0x122: {  	v4 =	vld [tilespmem:s14+$0x10];
	_ =	sdelay $0x2  }
0x123: {  	v5, _, _ =	vpop (xrf0)  }
0x124: {  	(v2sf) =	vpush v5, $0xF  }
0x125: {  	s18 =	sadd.s32 $0x110, s12;
	vm1 =	vgt.s32 v4, $0xDBB9F  }
0x126: {  	v5 =	vor.u32 s18, v0;
	v49 =	vsel vm1, v2, v1  }
0x127: {  	(xrf1) =	vsort.ascd.msk.u32 $0xffff, v49, v5;
	_ =	sdelay $0x8  }
0x128: {  	v4 =	vsel vm1, $0xDBB9F, v4;
	_ =	sdelay $0x2  }
0x129: {  	s18 =	spop (v2sf);
	v5 =	vsel vm1, $0x1, v3  }
0x12a: {  	s11 =	rddreg [dreg:$0x4];
	s10 =	sadd.s32 s10, s18;
	(xrf0) =	vadd.scan.msk.s32 $0xffff, v5  }
0x12b: {  	[tilespmem:s11], [sflag:$0x1] =	stream.indirect_vreg.gather [hbm4b:s5+s4], $0x40, v4, vm0, $0xb8;
	_, v4, _ =	vpop (xrf1);
	[tilespmem:$0x14B10] =	vst v63  }
0x12c: {  	[tilespmem:s10+$0xE400] =	vst v4  }
0x12d: {  	v4 =	vld [tilespmem:s14+$0x20];
	_ =	sdelay $0x2  }
0x12e: {  	v5, _, _ =	vpop (xrf0)  }
0x12f: {  	(v2sf) =	vpush v5, $0xF  }
0x130: {  	s18 =	sadd.s32 $0x120, s12;
	vm1 =	vgt.s32 v4, $0xDBB9F  }
0x131: {  	v5 =	vor.u32 s18, v0;
	v50 =	vsel vm1, v2, v1  }
0x132: {  	(xrf1) =	vsort.ascd.msk.u32 $0xffff, v50, v5;
	_ =	sdelay $0x8  }
0x133: {  	v4 =	vsel vm1, $0xDBB9F, v4;
	_ =	sdelay $0x2  }
0x134: {  	s18 =	spop (v2sf);
	v5 =	vsel vm1, $0x1, v3  }
0x135: {  	s11 =	rddreg [dreg:$0x5];
	s10 =	sadd.s32 s10, s18;
	(xrf0) =	vadd.scan.msk.s32 $0xffff, v5  }
0x136: {  	[tilespmem:s11], [sflag:$0x1] =	stream.indirect_vreg.gather [hbm4b:s5+s4], $0x40, v4, vm0, $0xb8;
	_, v4, _ =	vpop (xrf1);
	[tilespmem:$0x14B10] =	vst v63  }
0x137: {  	[tilespmem:s10+$0xE400] =	vst v4  }
0x138: {  	v4 =	vld [tilespmem:s14+$0x30];
	_ =	sdelay $0x2  }
0x139: {  	v5, _, _ =	vpop (xrf0)  }
0x13a: {  	(v2sf) =	vpush v5, $0xF  }
0x13b: {  	s18 =	sadd.s32 $0x130, s12;
	vm1 =	vgt.s32 v4, $0xDBB9F  }
0x13c: {  	v5 =	vor.u32 s18, v0;
	v51 =	vsel vm1, v2, v1  }
0x13d: {  	(xrf1) =	vsort.ascd.msk.u32 $0xffff, v51, v5;
	_ =	sdelay $0x8  }
0x13e: {  	v4 =	vsel vm1, $0xDBB9F, v4;
	_ =	sdelay $0x2  }
0x13f: {  	s18 =	spop (v2sf);
	v5 =	vsel vm1, $0x1, v3  }
0x140: {  	s11 =	rddreg [dreg:$0x6];
	s10 =	sadd.s32 s10, s18;
	(xrf0) =	vadd.scan.msk.s32 $0xffff, v5  }
0x141: {  	[tilespmem:s11], [sflag:$0x1] =	stream.indirect_vreg.gather [hbm4b:s5+s4], $0x40, v4, vm0, $0xb8;
	_, v4, _ =	vpop (xrf1);
	[tilespmem:$0x14B10] =	vst v63  }
0x142: {  	[tilespmem:s10+$0xE400] =	vst v4  }
0x143: {  	v4 =	vld [tilespmem:s14+$0x40];
	_ =	sdelay $0x2  }
0x144: {  	v5, _, _ =	vpop (xrf0)  }
0x145: {  	(v2sf) =	vpush v5, $0xF  }
0x146: {  	s18 =	sadd.s32 $0x140, s12;
	vm1 =	vgt.s32 v4, $0xDBB9F  }
0x147: {  	v5 =	vor.u32 s18, v0;
	v52 =	vsel vm1, v2, v1  }
0x148: {  	(xrf1) =	vsort.ascd.msk.u32 $0xffff, v52, v5;
	_ =	sdelay $0x8  }
0x149: {  	v4 =	vsel vm1, $0xDBB9F, v4;
	_ =	sdelay $0x2  }
0x14a: {  	s18 =	spop (v2sf);
	v5 =	vsel vm1, $0x1, v3  }
0x14b: {  	s11 =	rddreg [dreg:$0x7];
	s10 =	sadd.s32 s10, s18;
	(xrf0) =	vadd.scan.msk.s32 $0xffff, v5  }
0x14c: {  	[tilespmem:s11], [sflag:$0x1] =	stream.indirect_vreg.gather [hbm4b:s5+s4], $0x40, v4, vm0, $0xb8;
	_, v4, _ =	vpop (xrf1);
	[tilespmem:$0x14B10] =	vst v63  }
0x14d: {  	[tilespmem:s10+$0xE400] =	vst v4  }
0x14e: {  	v4 =	vld [tilespmem:s14+$0x50];
	_ =	sdelay $0x2  }
0x14f: {  	v5, _, _ =	vpop (xrf0)  }
0x150: {  	(v2sf) =	vpush v5, $0xF  }
0x151: {  	s18 =	sadd.s32 $0x150, s12;
	vm1 =	vgt.s32 v4, $0xDBB9F  }
0x152: {  	v5 =	vor.u32 s18, v0;
	v53 =	vsel vm1, v2, v1  }
0x153: {  	(xrf1) =	vsort.ascd.msk.u32 $0xffff, v53, v5;
	_ =	sdelay $0x8  }
0x154: {  	v4 =	vsel vm1, $0xDBB9F, v4;
	_ =	sdelay $0x2  }
0x155: {  	s18 =	spop (v2sf);
	v5 =	vsel vm1, $0x1, v3  }
0x156: {  	s11 =	rddreg [dreg:$0x8];
	s10 =	sadd.s32 s10, s18;
	(xrf0) =	vadd.scan.msk.s32 $0xffff, v5  }
0x157: {  	[tilespmem:s11], [sflag:$0x1] =	stream.indirect_vreg.gather [hbm4b:s5+s4], $0x40, v4, vm0, $0xb8;
	_, v4, _ =	vpop (xrf1);
	[tilespmem:$0x14B10] =	vst v63  }
0x158: {  	[tilespmem:s10+$0xE400] =	vst v4  }
0x159: {  	v4 =	vld [tilespmem:s14+$0x60];
	_ =	sdelay $0x2  }
0x15a: {  	v5, _, _ =	vpop (xrf0)  }
0x15b: {  	(v2sf) =	vpush v5, $0xF  }
0x15c: {  	s18 =	sadd.s32 $0x160, s12;
	vm1 =	vgt.s32 v4, $0xDBB9F  }
0x15d: {  	v5 =	vor.u32 s18, v0;
	v54 =	vsel vm1, v2, v1  }
0x15e: {  	(xrf1) =	vsort.ascd.msk.u32 $0xffff, v54, v5;
	_ =	sdelay $0x8  }
0x15f: {  	v4 =	vsel vm1, $0xDBB9F, v4;
	_ =	sdelay $0x2  }
0x160: {  	s18 =	spop (v2sf);
	v5 =	vsel vm1, $0x1, v3  }
0x161: {  	s11 =	rddreg [dreg:$0x9];
	s10 =	sadd.s32 s10, s18;
	(xrf0) =	vadd.scan.msk.s32 $0xffff, v5  }
0x162: {  	[tilespmem:s11], [sflag:$0x1] =	stream.indirect_vreg.gather [hbm4b:s5+s4], $0x40, v4, vm0, $0xb8;
	_, v4, _ =	vpop (xrf1);
	[tilespmem:$0x14B10] =	vst v63  }
0x163: {  	[tilespmem:s10+$0xE400] =	vst v4  }
0x164: {  	v4 =	vld [tilespmem:s14+$0x70];
	_ =	sdelay $0x2  }
0x165: {  	v5, _, _ =	vpop (xrf0)  }
0x166: {  	(v2sf) =	vpush v5, $0xF  }
0x167: {  	s18 =	sadd.s32 $0x170, s12;
	vm1 =	vgt.s32 v4, $0xDBB9F  }
0x168: {  	v5 =	vor.u32 s18, v0;
	v55 =	vsel vm1, v2, v1  }
0x169: {  	(xrf1) =	vsort.ascd.msk.u32 $0xffff, v55, v5;
	_ =	sdelay $0x8  }
0x16a: {  	v4 =	vsel vm1, $0xDBB9F, v4;
	_ =	sdelay $0x2  }
0x16b: {  	s18 =	spop (v2sf);
	v5 =	vsel vm1, $0x1, v3  }
0x16c: {  	s11 =	rddreg [dreg:$0xa];
	s10 =	sadd.s32 s10, s18;
	(xrf0) =	vadd.scan.msk.s32 $0xffff, v5  }
0x16d: {  	[tilespmem:s11], [sflag:$0x1] =	stream.indirect_vreg.gather [hbm4b:s5+s4], $0x40, v4, vm0, $0xb8;
	_, v4, _ =	vpop (xrf1);
	[tilespmem:$0x14B10] =	vst v63  }
0x16e: {  	[tilespmem:s10+$0xE400] =	vst v4  }
0x16f: {  	v4 =	vld [tilespmem:s14+$0x80];
	_ =	sdelay $0x2  }
0x170: {  	v5, _, _ =	vpop (xrf0)  }
0x171: {  	(v2sf) =	vpush v5, $0xF  }
0x172: {  	s18 =	sadd.s32 $0x180, s12;
	vm1 =	vgt.s32 v4, $0xDBB9F  }
0x173: {  	v5 =	vor.u32 s18, v0;
	v56 =	vsel vm1, v2, v1  }
0x174: {  	(xrf1) =	vsort.ascd.msk.u32 $0xffff, v56, v5;
	_ =	sdelay $0x8  }
0x175: {  	v4 =	vsel vm1, $0xDBB9F, v4;
	_ =	sdelay $0x2  }
0x176: {  	s18 =	spop (v2sf);
	v5 =	vsel vm1, $0x1, v3  }
0x177: {  	s11 =	rddreg [dreg:$0xb];
	s10 =	sadd.s32 s10, s18;
	(xrf0) =	vadd.scan.msk.s32 $0xffff, v5  }
0x178: {  	[tilespmem:s11], [sflag:$0x1] =	stream.indirect_vreg.gather [hbm4b:s5+s4], $0x40, v4, vm0, $0xb8;
	_, v4, _ =	vpop (xrf1);
	[tilespmem:$0x14B10] =	vst v63  }
0x179: {  	[tilespmem:s10+$0xE400] =	vst v4  }
0x17a: {  	v4 =	vld [tilespmem:s14+$0x90];
	_ =	sdelay $0x2  }
0x17b: {  	v5, _, _ =	vpop (xrf0)  }
0x17c: {  	(v2sf) =	vpush v5, $0xF  }
0x17d: {  	s18 =	sadd.s32 $0x190, s12;
	vm1 =	vgt.s32 v4, $0xDBB9F  }
0x17e: {  	v5 =	vor.u32 s18, v0;
	v57 =	vsel vm1, v2, v1  }
0x17f: {  	(xrf1) =	vsort.ascd.msk.u32 $0xffff, v57, v5;
	_ =	sdelay $0x8  }
0x180: {  	v4 =	vsel vm1, $0xDBB9F, v4;
	_ =	sdelay $0x2  }
0x181: {  	s18 =	spop (v2sf);
	v5 =	vsel vm1, $0x1, v3  }
0x182: {  	s11 =	rddreg [dreg:$0xc];
	s10 =	sadd.s32 s10, s18;
	(xrf0) =	vadd.scan.msk.s32 $0xffff, v5  }
0x183: {  	[tilespmem:s11], [sflag:$0x1] =	stream.indirect_vreg.gather [hbm4b:s5+s4], $0x40, v4, vm0, $0xb8;
	_, v4, _ =	vpop (xrf1);
	[tilespmem:$0x14B10] =	vst v63  }
0x184: {  	[tilespmem:s10+$0xE400] =	vst v4  }
0x185: {  	v4 =	vld [tilespmem:s14+$0xA0];
	_ =	sdelay $0x2  }
0x186: {  	v5, _, _ =	vpop (xrf0)  }
0x187: {  	(v2sf) =	vpush v5, $0xF  }
0x188: {  	s18 =	sadd.s32 $0x1A0, s12;
	vm1 =	vgt.s32 v4, $0xDBB9F  }
0x189: {  	v5 =	vor.u32 s18, v0;
	v58 =	vsel vm1, v2, v1  }
0x18a: {  	(xrf1) =	vsort.ascd.msk.u32 $0xffff, v58, v5;
	_ =	sdelay $0x8  }
0x18b: {  	v4 =	vsel vm1, $0xDBB9F, v4;
	_ =	sdelay $0x2  }
0x18c: {  	s18 =	spop (v2sf);
	v5 =	vsel vm1, $0x1, v3  }
0x18d: {  	s11 =	rddreg [dreg:$0xd];
	s10 =	sadd.s32 s10, s18;
	(xrf0) =	vadd.scan.msk.s32 $0xffff, v5  }
0x18e: {  	[tilespmem:s11], [sflag:$0x1] =	stream.indirect_vreg.gather [hbm4b:s5+s4], $0x40, v4, vm0, $0xb8;
	_, v4, _ =	vpop (xrf1);
	[tilespmem:$0x14B10] =	vst v63  }
0x18f: {  	[tilespmem:s10+$0xE400] =	vst v4  }
0x190: {  	v4 =	vld [tilespmem:s14+$0xB0];
	_ =	sdelay $0x2  }
0x191: {  	v5, _, _ =	vpop (xrf0)  }
0x192: {  	(v2sf) =	vpush v5, $0xF  }
0x193: {  	s18 =	sadd.s32 $0x1B0, s12;
	vm1 =	vgt.s32 v4, $0xDBB9F  }
0x194: {  	v5 =	vor.u32 s18, v0;
	v59 =	vsel vm1, v2, v1  }
0x195: {  	(xrf1) =	vsort.ascd.msk.u32 $0xffff, v59, v5;
	_ =	sdelay $0x8  }
0x196: {  	v4 =	vsel vm1, $0xDBB9F, v4;
	_ =	sdelay $0x2  }
0x197: {  	s18 =	spop (v2sf);
	v5 =	vsel vm1, $0x1, v3  }
0x198: {  	s11 =	rddreg [dreg:$0xe];
	s10 =	sadd.s32 s10, s18;
	(xrf0) =	vadd.scan.msk.s32 $0xffff, v5  }
0x199: {  	[tilespmem:s11], [sflag:$0x1] =	stream.indirect_vreg.gather [hbm4b:s5+s4], $0x40, v4, vm0, $0xb8;
	_, v4, _ =	vpop (xrf1);
	[tilespmem:$0x14B10] =	vst v63  }
0x19a: {  	[tilespmem:s10+$0xE400] =	vst v4  }
0x19b: {  	v4 =	vld [tilespmem:s14+$0xC0];
	_ =	sdelay $0x2  }
0x19c: {  	v5, _, _ =	vpop (xrf0)  }
0x19d: {  	(v2sf) =	vpush v5, $0xF  }
0x19e: {  	s18 =	sadd.s32 $0x1C0, s12;
	vm1 =	vgt.s32 v4, $0xDBB9F  }
0x19f: {  	v5 =	vor.u32 s18, v0;
	v60 =	vsel vm1, v2, v1  }
0x1a0: {  	(xrf1) =	vsort.ascd.msk.u32 $0xffff, v60, v5;
	_ =	sdelay $0x8  }
0x1a1: {  	v4 =	vsel vm1, $0xDBB9F, v4;
	_ =	sdelay $0x2  }
0x1a2: {  	s18 =	spop (v2sf);
	v5 =	vsel vm1, $0x1, v3  }
0x1a3: {  	s11 =	rddreg [dreg:$0xf];
	s10 =	sadd.s32 s10, s18;
	(xrf0) =	vadd.scan.msk.s32 $0xffff, v5  }
0x1a4: {  	[tilespmem:s11], [sflag:$0x1] =	stream.indirect_vreg.gather [hbm4b:s5+s4], $0x40, v4, vm0, $0xb8;
	_, v4, _ =	vpop (xrf1);
	[tilespmem:$0x14B10] =	vst v63  }
0x1a5: {  	[tilespmem:s10+$0xE400] =	vst v4  }
0x1a6: {  	v4 =	vld [tilespmem:s14+$0xD0];
	_ =	sdelay $0x2  }
0x1a7: {  	v5, _, _ =	vpop (xrf0)  }
0x1a8: {  	(v2sf) =	vpush v5, $0xF  }
0x1a9: {  	s18 =	sadd.s32 $0x1D0, s12;
	vm1 =	vgt.s32 v4, $0xDBB9F  }
0x1aa: {  	v5 =	vor.u32 s18, v0;
	v61 =	vsel vm1, v2, v1  }
0x1ab: {  	(xrf1) =	vsort.ascd.msk.u32 $0xffff, v61, v5;
	_ =	sdelay $0x8  }
0x1ac: {  	v4 =	vsel vm1, $0xDBB9F, v4;
	_ =	sdelay $0x2  }
0x1ad: {  	s18 =	spop (v2sf);
	v5 =	vsel vm1, $0x1, v3  }
0x1ae: {  	s11 =	rddreg [dreg:$0x10];
	s10 =	sadd.s32 s10, s18;
	(xrf0) =	vadd.scan.msk.s32 $0xffff, v5  }
0x1af: {  	[tilespmem:s11], [sflag:$0x1] =	stream.indirect_vreg.gather [hbm4b:s5+s4], $0x40, v4, vm0, $0xb8;
	_, v4, _ =	vpop (xrf1);
	[tilespmem:$0x14B10] =	vst v63  }
0x1b0: {  	[tilespmem:s10+$0xE400] =	vst v4  }
0x1b1: {  	v4 =	vld [tilespmem:s14+$0xE0];
	_ =	sdelay $0x2  }
0x1b2: {  	v5, _, _ =	vpop (xrf0)  }
0x1b3: {  	(v2sf) =	vpush v5, $0xF  }
0x1b4: {  	s18 =	sadd.s32 $0x1E0, s12;
	vm1 =	vgt.s32 v4, $0xDBB9F  }
0x1b5: {  	v5 =	vor.u32 s18, v0;
	v62 =	vsel vm1, v2, v1  }
0x1b6: {  	(xrf1) =	vsort.ascd.msk.u32 $0xffff, v62, v5;
	_ =	sdelay $0x8  }
0x1b7: {  	v4 =	vsel vm1, $0xDBB9F, v4;
	_ =	sdelay $0x2  }
0x1b8: {  	s18 =	spop (v2sf);
	v5 =	vsel vm1, $0x1, v3  }
0x1b9: {  	s11 =	rddreg [dreg:$0x11];
	s10 =	sadd.s32 s10, s18;
	(xrf0) =	vadd.scan.msk.s32 $0xffff, v5  }
0x1ba: {  	[tilespmem:s11], [sflag:$0x1] =	stream.indirect_vreg.gather [hbm4b:s5+s4], $0x40, v4, vm0, $0xb8;
	_, v4, _ =	vpop (xrf1);
	[tilespmem:$0x14B10] =	vst v63  }
0x1bb: {  	[tilespmem:s10+$0xE400] =	vst v4  }
0x1bc: {  	v4 =	vld [tilespmem:s14+$0xF0];
	_ =	sdelay $0x2  }
0x1bd: {  	v5, _, _ =	vpop (xrf0)  }
0x1be: {  	(v2sf) =	vpush v5, $0xF  }
0x1bf: {  	s12 =	sadd.s32 $0x1F0, s12;
	vm1 =	vgt.s32 v4, $0xDBB9F  }
0x1c0: {  	v5 =	vor.u32 s12, v0;
	v63 =	vsel vm1, v2, v1  }
0x1c1: {  	(xrf1) =	vsort.ascd.msk.u32 $0xffff, v63, v5;
	_ =	sdelay $0x8  }
0x1c2: {  	v4 =	vsel vm1, $0xDBB9F, v4;
	_ =	sdelay $0x2  }
0x1c3: {  	s12 =	spop (v2sf)  }
0x1c4: {  	s11 =	rddreg [dreg:$0x12];
	s10 =	sadd.s32 s10, s12  }
0x1c5: {  	[tilespmem:s11], [sflag:$0x1] =	stream.indirect_vreg.gather [hbm4b:s5+s4], $0x40, v4, vm0, $0xb8;
	_, v4, _ =	vpop (xrf1);
	[tilespmem:$0x14B10] =	vst v63  }
0x1c6: {  	[tilespmem:s10+$0xE400] =	vst v4  }
0x1c7: {  	_ =	swait.ge [sflag:s7], $0x400  }
0x1c8: {  	[sflag:s7] =	ssyncset.done $0x0  }
0x1c9: {  	[sflag:s7] =	ssyncadd.s32 $0xFFFFFC00  }
0x1ca: {  	_ =	swait.ge [sflag:s7], $0x400  }
0x1cb: {  	[sflag:s7] =	ssyncset.done $0x0  }
0x1cc: {  	[sflag:s7] =	ssyncadd.s32 $0xFFFFFC00  }
0x1cd: {  	_ =	swait.ge [sflag:s7], $0x400  }
0x1ce: {  	[sflag:s7] =	ssyncset.done $0x0  }
0x1cf: {  	[sflag:s7] =	ssyncadd.s32 $0xFFFFFC00  }
0x1d0: {  	_ =	swait.ge [sflag:s7], $0x400  }
0x1d1: {  	[sflag:s7] =	ssyncset.done $0x0  }
0x1d2: {  	[sflag:s7] =	ssyncadd.s32 $0xFFFFFC00  }
0x1d3: {  	_ =	swait.ge [sflag:s7], $0x400  }
0x1d4: {  	[sflag:s7] =	ssyncset.done $0x0  }
0x1d5: {  	[sflag:s7] =	ssyncadd.s32 $0xFFFFFC00  }
0x1d6: {  	_ =	swait.ge [sflag:s7], $0x400  }
0x1d7: {  	[sflag:s7] =	ssyncset.done $0x0  }
0x1d8: {  	[sflag:s7] =	ssyncadd.s32 $0xFFFFFC00  }
0x1d9: {  	_ =	swait.ge [sflag:s7], $0x400  }
0x1da: {  	[sflag:s7] =	ssyncset.done $0x0  }
0x1db: {  	[sflag:s7] =	ssyncadd.s32 $0xFFFFFC00  }
0x1dc: {  	_ =	swait.ge [sflag:s7], $0x400  }
0x1dd: {  	[sflag:s7] =	ssyncset.done $0x0  }
0x1de: {  	[sflag:s7] =	ssyncadd.s32 $0xFFFFFC00  }
0x1df: {  	_ =	swait.ge [sflag:s7], $0x400  }
0x1e0: {  	[sflag:s7] =	ssyncset.done $0x0  }
0x1e1: {  	[sflag:s7] =	ssyncadd.s32 $0xFFFFFC00  }
0x1e2: {  	_ =	swait.ge [sflag:s7], $0x400  }
0x1e3: {  	[sflag:s7] =	ssyncset.done $0x0  }
0x1e4: {  	[sflag:s7] =	ssyncadd.s32 $0xFFFFFC00  }
0x1e5: {  	_ =	swait.ge [sflag:s7], $0x400  }
0x1e6: {  	[sflag:s7] =	ssyncset.done $0x0  }
0x1e7: {  	[sflag:s7] =	ssyncadd.s32 $0xFFFFFC00  }
0x1e8: {  	_ =	swait.ge [sflag:s7], $0x400  }
0x1e9: {  	[sflag:s7] =	ssyncset.done $0x0  }
0x1ea: {  	[sflag:s7] =	ssyncadd.s32 $0xFFFFFC00  }
0x1eb: {  	_ =	swait.ge [sflag:s7], $0x400  }
0x1ec: {  	[sflag:s7] =	ssyncset.done $0x0  }
0x1ed: {  	[sflag:s7] =	ssyncadd.s32 $0xFFFFFC00  }
0x1ee: {  	_ =	swait.ge [sflag:s7], $0x400  }
0x1ef: {  	[sflag:s7] =	ssyncset.done $0x0  }
0x1f0: {  	[sflag:s7] =	ssyncadd.s32 $0xFFFFFC00  }
0x1f1: {  	_ =	swait.ge [sflag:s7], $0x400  }
0x1f2: {  	[sflag:s7] =	ssyncset.done $0x0  }
0x1f3: {  	[sflag:s7] =	ssyncadd.s32 $0xFFFFFC00  }
0x1f4: {  	v4 =	vsel vm1, $0x1, v3;
	_ =	swait.ge [sflag:s7], $0x400  }
0x1f5: {  	(xrf0) =	vadd.scan.msk.s32 $0xffff, v4;
	_ =	sdelay $0x5  }
0x1f6: {  	v4, _, _ =	vpop (xrf0)  }
0x1f7: {  	(v2sf) =	vpush v4, $0xF;
	_ =	sdelay $0xa  }
0x1f8: {  	p0 =	sne.s32 s3, $0x6200  }
.Ltmp2:
0x1f9: {  	[sflag:s7] =	ssyncset.done $0x0;
	(pc) =	sbr.rel @p0 .LBB2_2-.Ltmp2, $4  }
0x1fa: {  	s3 =	sadd.s32 $0x200, s3;
	[sflag:s7] =	ssyncadd.s32 $0xFFFFFC00  }
0x1fb: {  	[hbm4b:s1+s4] =	stream.linear.scatter [tilespmem:s16], [sflag:$0x3], $0x4000, $0x38;
	[tilespmem:$0x14B10] =	vst v63  }
0x1fc: {  	s13 =	sadd.s32 $0x1000, s13;
	s18 =	simm.s32 $0x6800;
	s12 =	spop (v2sf)  }
0x1fd: {  	s14 =	sadd.s32 $0x200, s14;
	s1 =	sadd.s32 $0x1000, s1;
	s10 =	sadd.s32 s10, s12  }
0x1fe: {  	_ =	swait.ge [sflag:s17], $0x4000  }
0x1ff: {  	[sflag:s17] =	ssyncset.done $0x0  }
0x200: {  	[sflag:s17] =	ssyncadd.s32 $0xFFFFC000  }
0x201: {  	_ =	swait.ge [sflag:s8], $0x4000  }
0x202: {  	[sflag:s8] =	ssyncset.done $0x0  }
0x203: {  	[sflag:s8] =	ssyncadd.s32 $0xFFFFC000  }
0x204: {  	v4 =	vld [tilespmem:$0xE400];
	_ =	sdelay $0x3  }
0x205: {  	vm1 =	vmmov $0x1  }
0x206: {  	v4 =	vnsel vm1, $0x0, v4  }
0x207: {  	(xrf0) =	vadd.scan.msk.s32 $0xffff, v4;
	_ =	sdelay $0x5  }
0x208: {  	v4, _, _ =	vpop (xrf0)  }
0x209: {  	v4 =	vbroadcast v4, $0xF;
	_ =	sdelay $0x1  }
0x20a: {  	[tilespmem:s10+$0xE400] =	vst v4  }
0x20b: {  	[tilespmem:s10+$0xE410] =	vst v4  }
0x20c: {  	[tilespmem:s10+$0xE420] =	vst v4  }
0x20d: {  	s1 =	sadd.s32 $0xFF, s10;
	[tilespmem:s10+$0xE430] =	vst v4  }
0x20e: {  	s3 =	sand.u32 $0xFF, s1;
	[tilespmem:s10+$0xE440] =	vst v4  }
0x20f: {  	s14 =	sshra.s32 s1, $0x1F;
	p1 =	slt.s32 s1, $0x1;
	p0 =	sne.s32 s3, $0x0;
	[tilespmem:s10+$0xE450] =	vst v4  }
0x210: {  	s3 =	sshrl.u32 s14, $0x18;
	p0 =	por !p1, !p0;
	[tilespmem:s10+$0xE460] =	vst v4  }
0x211: {  	s1 =	sadd.s32 s3, s1;
	s3 =	simm.s32 $0x1;
	p0 =	por !p0, !p0;
	[tilespmem:s10+$0xE470] =	vst v4  }
0x212: {  	s1 =	sshra.s32 s1, $0x8;
	s3 =	simm.s32 @!p0 $0x0;
	[tilespmem:s10+$0xE480] =	vst v4  }
0x213: {  	s1 =	ssub.s32 s1, s3;
	[tilespmem:s10+$0xE490] =	vst v4  }
0x214: {  	p0 =	slt.s32 s1, $0x1;
	[tilespmem:s10+$0xE4A0] =	vst v4  }
.Ltmp3:
0x215: {  	[tilespmem:s10+$0xE4B0] =	vst v4;
	(pc) =	sbr.rel @p0 .LBB2_5-.Ltmp3, $4  }
0x216: {  	[tilespmem:s10+$0xE4C0] =	vst v4  }
0x217: {  	[tilespmem:s10+$0xE4D0] =	vst v4  }
0x218: {  	s12 =	simm.s32 $0x100;
	s13 =	simm.s32 $0x14910;
	s11 =	rddreg [dreg:$0x2];
	[tilespmem:s10+$0xE4E0] =	vst v4  }
0x219: {  	s14 =	simm.s32 $0x14A10;
	s3 =	simm.s32 $0xE480;
	[tilespmem:s10+$0xE4F0] =	vst v4;
	s10 =	rddreg [dreg:$0x0]  }
.LBB2_4:
0x21a: {  	v4 =	vld [tilespmem:s3+$0xFFFFFF80];
	_ =	sdelay $0x4  }
0x21b: {  	[tilespmem:$0x14910] =	vst v4  }
0x21c: {  	v4 =	vld [tilespmem:s3+$0xFFFFFF90];
	_ =	sdelay $0x4  }
0x21d: {  	[tilespmem:$0x14920] =	vst v4  }
0x21e: {  	v4 =	vld [tilespmem:s3+$0xFFFFFFA0];
	_ =	sdelay $0x4  }
0x21f: {  	[tilespmem:$0x14930] =	vst v4  }
0x220: {  	v4 =	vld [tilespmem:s3+$0xFFFFFFB0];
	_ =	sdelay $0x4  }
0x221: {  	[tilespmem:$0x14940] =	vst v4  }
0x222: {  	v4 =	vld [tilespmem:s3+$0xFFFFFFC0];
	_ =	sdelay $0x4  }
0x223: {  	[tilespmem:$0x14950] =	vst v4  }
0x224: {  	v4 =	vld [tilespmem:s3+$0xFFFFFFD0];
	_ =	sdelay $0x4  }
0x225: {  	[tilespmem:$0x14960] =	vst v4  }
0x226: {  	v4 =	vld [tilespmem:s3+$0xFFFFFFE0];
	_ =	sdelay $0x4  }
0x227: {  	[tilespmem:$0x14970] =	vst v4  }
0x228: {  	v4 =	vld [tilespmem:s3+$0xFFFFFFF0];
	_ =	sdelay $0x4  }
0x229: {  	[tilespmem:$0x14980] =	vst v4  }
0x22a: {  	v4 =	vld [tilespmem:s3+$0x0];
	_ =	sdelay $0x4  }
0x22b: {  	[tilespmem:$0x14990] =	vst v4  }
0x22c: {  	v4 =	vld [tilespmem:s3+$0x10];
	_ =	sdelay $0x4  }
0x22d: {  	[tilespmem:$0x149A0] =	vst v4  }
0x22e: {  	v4 =	vld [tilespmem:s3+$0x20];
	_ =	sdelay $0x4  }
0x22f: {  	[tilespmem:$0x149B0] =	vst v4  }
0x230: {  	v4 =	vld [tilespmem:s3+$0x30];
	_ =	sdelay $0x4  }
0x231: {  	[tilespmem:$0x149C0] =	vst v4  }
0x232: {  	v4 =	vld [tilespmem:s3+$0x40];
	_ =	sdelay $0x4  }
0x233: {  	[tilespmem:$0x149D0] =	vst v4  }
0x234: {  	v4 =	vld [tilespmem:s3+$0x50];
	_ =	sdelay $0x4  }
0x235: {  	[tilespmem:$0x149E0] =	vst v4  }
0x236: {  	v4 =	vld [tilespmem:s3+$0x60];
	_ =	sdelay $0x4  }
0x237: {  	[tilespmem:$0x149F0] =	vst v4  }
0x238: {  	v4 =	vld [tilespmem:s3+$0x70];
	_ =	sdelay $0x4  }
0x239: {  	[tilespmem:$0x14A00] =	vst v4  }
0x23a: {  	[tilespmem:s14], [sflag:$0x1] =	stream.indirect.gather [hbm4b:s10+s12], $0x1, s13, s12, $0xb8;
	[tilespmem:$0x14B10] =	vst v63  }
0x23b: {  	_ =	swait.ge [sflag:s7], $0x100  }
0x23c: {  	[sflag:s7] =	ssyncset.done $0x0  }
0x23d: {  	[sflag:s7] =	ssyncadd.s32 $0xFFFFFF00  }
0x23e: {  	v4 =	vld [tilespmem:$0x14A10];
	_ =	sdelay $0x4  }
0x23f: {  	v4 =	vadd.s32 $0xFFF24460, v4;
	_ =	sdelay $0x4  }
0x240: {  	[tilespmem:s15], [sflag:$0x1] =	stream.indirect_vreg.gather [hbm4b:s6+s4], $0x40, v4, vm0, $0xb8;
	[tilespmem:$0x14B10] =	vst v63  }
0x241: {  	v4 =	vld [tilespmem:$0x14A20];
	_ =	sdelay $0x4  }
0x242: {  	v4 =	vadd.s32 $0xFFF24460, v4;
	_ =	sdelay $0x4  }
0x243: {  	[tilespmem:s18], [sflag:$0x1] =	stream.indirect_vreg.gather [hbm4b:s6+s4], $0x40, v4, vm0, $0xb8;
	[tilespmem:$0x14B10] =	vst v63  }
0x244: {  	v4 =	vld [tilespmem:$0x14A30];
	_ =	sdelay $0x4  }
0x245: {  	v4 =	vadd.s32 $0xFFF24460, v4;
	_ =	sdelay $0x4  }
0x246: {  	[tilespmem:s19], [sflag:$0x1] =	stream.indirect_vreg.gather [hbm4b:s6+s4], $0x40, v4, vm0, $0xb8;
	[tilespmem:$0x14B10] =	vst v63  }
0x247: {  	v4 =	vld [tilespmem:$0x14A40];
	_ =	sdelay $0x4  }
0x248: {  	v4 =	vadd.s32 $0xFFF24460, v4;
	_ =	sdelay $0x4  }
0x249: {  	[tilespmem:s20], [sflag:$0x1] =	stream.indirect_vreg.gather [hbm4b:s6+s4], $0x40, v4, vm0, $0xb8;
	[tilespmem:$0x14B10] =	vst v63  }
0x24a: {  	v4 =	vld [tilespmem:$0x14A50];
	_ =	sdelay $0x4  }
0x24b: {  	v4 =	vadd.s32 $0xFFF24460, v4;
	_ =	sdelay $0x4  }
0x24c: {  	[tilespmem:s21], [sflag:$0x1] =	stream.indirect_vreg.gather [hbm4b:s6+s4], $0x40, v4, vm0, $0xb8;
	[tilespmem:$0x14B10] =	vst v63  }
0x24d: {  	v4 =	vld [tilespmem:$0x14A60];
	_ =	sdelay $0x4  }
0x24e: {  	v4 =	vadd.s32 $0xFFF24460, v4;
	_ =	sdelay $0x4  }
0x24f: {  	[tilespmem:s22], [sflag:$0x1] =	stream.indirect_vreg.gather [hbm4b:s6+s4], $0x40, v4, vm0, $0xb8;
	[tilespmem:$0x14B10] =	vst v63  }
0x250: {  	v4 =	vld [tilespmem:$0x14A70];
	_ =	sdelay $0x4  }
0x251: {  	v4 =	vadd.s32 $0xFFF24460, v4;
	_ =	sdelay $0x4  }
0x252: {  	[tilespmem:s23], [sflag:$0x1] =	stream.indirect_vreg.gather [hbm4b:s6+s4], $0x40, v4, vm0, $0xb8;
	[tilespmem:$0x14B10] =	vst v63  }
0x253: {  	v4 =	vld [tilespmem:$0x14A80];
	_ =	sdelay $0x4  }
0x254: {  	v4 =	vadd.s32 $0xFFF24460, v4;
	_ =	sdelay $0x4  }
0x255: {  	[tilespmem:s24], [sflag:$0x1] =	stream.indirect_vreg.gather [hbm4b:s6+s4], $0x40, v4, vm0, $0xb8;
	[tilespmem:$0x14B10] =	vst v63  }
0x256: {  	v4 =	vld [tilespmem:$0x14A90];
	_ =	sdelay $0x4  }
0x257: {  	v4 =	vadd.s32 $0xFFF24460, v4;
	_ =	sdelay $0x4  }
0x258: {  	[tilespmem:s25], [sflag:$0x1] =	stream.indirect_vreg.gather [hbm4b:s6+s4], $0x40, v4, vm0, $0xb8;
	[tilespmem:$0x14B10] =	vst v63  }
0x259: {  	v4 =	vld [tilespmem:$0x14AA0];
	_ =	sdelay $0x4  }
0x25a: {  	v4 =	vadd.s32 $0xFFF24460, v4;
	_ =	sdelay $0x4  }
0x25b: {  	[tilespmem:s26], [sflag:$0x1] =	stream.indirect_vreg.gather [hbm4b:s6+s4], $0x40, v4, vm0, $0xb8;
	[tilespmem:$0x14B10] =	vst v63  }
0x25c: {  	v4 =	vld [tilespmem:$0x14AB0];
	_ =	sdelay $0x4  }
0x25d: {  	v4 =	vadd.s32 $0xFFF24460, v4;
	_ =	sdelay $0x4  }
0x25e: {  	[tilespmem:s28], [sflag:$0x1] =	stream.indirect_vreg.gather [hbm4b:s6+s4], $0x40, v4, vm0, $0xb8;
	[tilespmem:$0x14B10] =	vst v63  }
0x25f: {  	v4 =	vld [tilespmem:$0x14AC0];
	_ =	sdelay $0x4  }
0x260: {  	v4 =	vadd.s32 $0xFFF24460, v4;
	_ =	sdelay $0x4  }
0x261: {  	[tilespmem:s29], [sflag:$0x1] =	stream.indirect_vreg.gather [hbm4b:s6+s4], $0x40, v4, vm0, $0xb8;
	[tilespmem:$0x14B10] =	vst v63  }
0x262: {  	v4 =	vld [tilespmem:$0x14AD0];
	_ =	sdelay $0x4  }
0x263: {  	v4 =	vadd.s32 $0xFFF24460, v4;
	_ =	sdelay $0x4  }
0x264: {  	[tilespmem:s30], [sflag:$0x1] =	stream.indirect_vreg.gather [hbm4b:s6+s4], $0x40, v4, vm0, $0xb8;
	[tilespmem:$0x14B10] =	vst v63  }
0x265: {  	v4 =	vld [tilespmem:$0x14AE0];
	_ =	sdelay $0x4  }
0x266: {  	v4 =	vadd.s32 $0xFFF24460, v4;
	_ =	sdelay $0x4  }
0x267: {  	[tilespmem:s31], [sflag:$0x1] =	stream.indirect_vreg.gather [hbm4b:s6+s4], $0x40, v4, vm0, $0xb8;
	[tilespmem:$0x14B10] =	vst v63  }
0x268: {  	v4 =	vld [tilespmem:$0x14AF0];
	_ =	sdelay $0x4  }
0x269: {  	v4 =	vadd.s32 $0xFFF24460, v4;
	_ =	sdelay $0x4  }
0x26a: {  	[tilespmem:s2], [sflag:$0x1] =	stream.indirect_vreg.gather [hbm4b:s6+s4], $0x40, v4, vm0, $0xb8;
	[tilespmem:$0x14B10] =	vst v63  }
0x26b: {  	v4 =	vld [tilespmem:$0x14B00];
	_ =	sdelay $0x4  }
0x26c: {  	v4 =	vadd.s32 $0xFFF24460, v4;
	_ =	sdelay $0x4  }
0x26d: {  	[tilespmem:s0], [sflag:$0x1] =	stream.indirect_vreg.gather [hbm4b:s6+s4], $0x40, v4, vm0, $0xb8;
	[tilespmem:$0x14B10] =	vst v63  }
0x26e: {  	_ =	swait.ge [sflag:s7], $0x400  }
0x26f: {  	[sflag:s7] =	ssyncset.done $0x0  }
0x270: {  	[sflag:s7] =	ssyncadd.s32 $0xFFFFFC00  }
0x271: {  	_ =	swait.ge [sflag:s7], $0x400  }
0x272: {  	[sflag:s7] =	ssyncset.done $0x0  }
0x273: {  	[sflag:s7] =	ssyncadd.s32 $0xFFFFFC00  }
0x274: {  	_ =	swait.ge [sflag:s7], $0x400  }
0x275: {  	[sflag:s7] =	ssyncset.done $0x0  }
0x276: {  	[sflag:s7] =	ssyncadd.s32 $0xFFFFFC00  }
0x277: {  	_ =	swait.ge [sflag:s7], $0x400  }
0x278: {  	[sflag:s7] =	ssyncset.done $0x0  }
0x279: {  	[sflag:s7] =	ssyncadd.s32 $0xFFFFFC00  }
0x27a: {  	_ =	swait.ge [sflag:s7], $0x400  }
0x27b: {  	[sflag:s7] =	ssyncset.done $0x0  }
0x27c: {  	[sflag:s7] =	ssyncadd.s32 $0xFFFFFC00  }
0x27d: {  	_ =	swait.ge [sflag:s7], $0x400  }
0x27e: {  	[sflag:s7] =	ssyncset.done $0x0  }
0x27f: {  	[sflag:s7] =	ssyncadd.s32 $0xFFFFFC00  }
0x280: {  	_ =	swait.ge [sflag:s7], $0x400  }
0x281: {  	[sflag:s7] =	ssyncset.done $0x0  }
0x282: {  	[sflag:s7] =	ssyncadd.s32 $0xFFFFFC00  }
0x283: {  	_ =	swait.ge [sflag:s7], $0x400  }
0x284: {  	[sflag:s7] =	ssyncset.done $0x0  }
0x285: {  	[sflag:s7] =	ssyncadd.s32 $0xFFFFFC00  }
0x286: {  	_ =	swait.ge [sflag:s7], $0x400  }
0x287: {  	[sflag:s7] =	ssyncset.done $0x0  }
0x288: {  	[sflag:s7] =	ssyncadd.s32 $0xFFFFFC00  }
0x289: {  	_ =	swait.ge [sflag:s7], $0x400  }
0x28a: {  	[sflag:s7] =	ssyncset.done $0x0  }
0x28b: {  	[sflag:s7] =	ssyncadd.s32 $0xFFFFFC00  }
0x28c: {  	_ =	swait.ge [sflag:s7], $0x400  }
0x28d: {  	[sflag:s7] =	ssyncset.done $0x0  }
0x28e: {  	[sflag:s7] =	ssyncadd.s32 $0xFFFFFC00  }
0x28f: {  	_ =	swait.ge [sflag:s7], $0x400  }
0x290: {  	[sflag:s7] =	ssyncset.done $0x0  }
0x291: {  	[sflag:s7] =	ssyncadd.s32 $0xFFFFFC00  }
0x292: {  	_ =	swait.ge [sflag:s7], $0x400  }
0x293: {  	[sflag:s7] =	ssyncset.done $0x0  }
0x294: {  	[sflag:s7] =	ssyncadd.s32 $0xFFFFFC00  }
0x295: {  	_ =	swait.ge [sflag:s7], $0x400  }
0x296: {  	[sflag:s7] =	ssyncset.done $0x0  }
0x297: {  	[sflag:s7] =	ssyncadd.s32 $0xFFFFFC00  }
0x298: {  	_ =	swait.ge [sflag:s7], $0x400  }
0x299: {  	[sflag:s7] =	ssyncset.done $0x0  }
0x29a: {  	[sflag:s7] =	ssyncadd.s32 $0xFFFFFC00  }
0x29b: {  	_ =	swait.ge [sflag:s7], $0x400  }
0x29c: {  	p0 =	sne.s32 s1, $0x1;
	[sflag:s7] =	ssyncset.done $0x0  }
.Ltmp4:
0x29d: {  	[sflag:s7] =	ssyncadd.s32 $0xFFFFFC00;
	(pc) =	sbr.rel @p0 .LBB2_4-.Ltmp4, $4  }
0x29e: {  	[hbm4b:s11+s12] =	stream.indirect.scatter [tilespmem:s15], [sflag:$0x1], $0x40, s13, s12, $0xb8;
	[tilespmem:$0x14B10] =	vst v63  }
0x29f: {  	_ =	swait.ge [sflag:s7], $0x4000  }
0x2a0: {  	[sflag:s7] =	ssyncset.done $0x0  }
0x2a1: {  	s1 =	sadd.s32 $0xFFFFFFFF, s1;
	s3 =	sadd.s32 $0x100, s3;
	[sflag:s7] =	ssyncadd.s32 $0xFFFFC000  }
.Ltmp5:
0x2a2: {  	_ = 	snop;
	(pc) =	sbr.rel .LBB2_5-.Ltmp5, $1  }
0x2a3: {  	_ =	sdelay $0x3  }
.LBB2_6:
0x2a4: {  	_ =	sfence.sel $0x180000  }
0x2a5: {  	[bflag:$0x0] =	sbarrier.arrive $0xFFFF  }
0x2a6: {  	_ =	strace $0x90000047  }
0x2a7: {  	s0 =	stileid.u32;
	[bflag:$0x2] =	sbarrier.arrive $0xFFFF  }
0x2a8: {  	p0 =	sne.s32 s0, $0x0;
	s0 =	rddreg [dreg:$0x3]  }
0x2a9: {  	s0 =	sadd.s32 @!p0 $0x100000, s0  }
0x2aa: {  	[sflag:s0] =	ssyncadd.tile.s32 @!p0 $0x1;
	_ =	shalt  }
.Lfunc_end2:
_tile_overlayer_lowered:
.L_overlay_start_2:
0x2ab: {  	(tag) =	ssettag $0x2  }
0x2ac: {  	s0 =	rddreg [dreg:$0x0];
	s2 =	stileid.u32  }
0x2ad: {  	s1 =	rddreg [dreg:$0x1];
	p0 =	sne.s32 s2, $0x0  }
0x2ae: {  	s3 =	rddreg [dreg:$0x2];
	[bflag:$0x3] =	sbarrier.arrive $0xFFFF;
	s2 =	simm.s32 @!p0 $0x1C04  }
0x2af: {  	[timem:s3], [sflag:s2] =	dma.local @!p0 [hbm:s0], s1  }
0x2b0: {  	s0 =	simm.s32 @!p0 $0x4  }
0x2b1: {  	_ =	swait.ge @!p0 [sflag:s0], s1  }
0x2b2: {  	s1 =	ssub.s32 @!p0 $0x0, s1;
	[sflag:s0] =	ssyncset.done @!p0 $0x0  }
0x2b3: {  	[sflag:s0] =	ssyncadd.s32 @!p0 s1  }
0x2b4: {  	[bflag:$0x3] =	sbarrier.arrive $0xFFFF  }
0x2b5: {  	_ =	shalt  }

// kernel: sparse-core-data-format-call.cloned.1.call-start
scs
called_computation_lowered:
.L_overlay_start_0:
0x0: {  	s2 =	sld [smem:$0x3FD9]  }
0x1: {  	s3 =	sld [smem:$0x3FFE];
	_ =	sdelay $0x1  }
0x2: {  	s1 =	srdreg.scid  }
0x3: {  	s0 =	sand.u32 $0x1, s1  }
0x4: {  	s18 =	sshll.u32 s0, $0xA;
	s2 =	sadd.s32 s3, s2  }
0x5: {  	s2 =	sadd.s32 s2, s18  }
0x6: {  	[smem:$0x3FC5] =	sst s2  }
0x7: {  	_ = 	snop  }
0x8: {  	s2 =	sld [smem:$0x3FD0];
	(tm) =	ssettm $0x1  }
0x9: {  	s19 =	sld [smem:$0x3FFB];
	_ =	sdelay $0x3  }
0xa: {  	_ =	strace s19  }
0xb: {  	s3 =	sld [smem:$0x3FFC];
	_ =	sdelay $0x3  }
0xc: {  	_ =	strace s3  }
0xd: {  	s3 =	sld [smem:$0x3FFD];
	_ =	sdelay $0x3  }
0xe: {  	_ =	strace s3  }
0xf: {  	_ =	strace $0x8FFFFFFF  }
0x10: {  	s20 =	sld [smem:$0x3FDB];
	_ =	sdelay $0x1  }
0x11: {  	s4 =	simm.s32 $_scs_section_size  }
0x12: {  	s5 =	simm.s32 $_size__tile_overlayer_lowered;
	s6 =	simm.s32 $_tile_overlayer_lowered  }
0x13: {  	s23 =	simm.s32 $0x1BFF;
	s22 =	sshll.u32 s6, $0x1;
	s3 =	sadd.s32 s4, s20  }
0x14: {  	s7 =	simm.s32 $0x0;
	s21 =	sshll.u32 s5, $0x1;
	s5 =	sadd.s32 s22, s3  }
0x15: {  	[timem:s7], [sflag:s23] =	dma.local [hbm:s5], s21  }
0x16: {  	_ =	swait.ge [sflag:s23], s21  }
0x17: {  	s4 =	ssub.s32 $0x0, s21;
	[sflag:s23] =	ssyncset.done $0x0  }
0x18: {  	[sflag:s23] =	ssyncadd.s32 s4;
	_ =	sdelay $0x1  }
0x19: {  	s24 =	simm.s32 $0x1B8B  }
0x1a: {  	_ =	swait.ge [sflag:s24], $0x1  }
0x1b: {  	[sflag:s24] =	ssyncset.done $0x0  }
0x1c: {  	s26 =	simm.s32 $0x1B8E;
	s25 =	sld [smem:$0x3FFE];
	[sflag:s24] =	ssyncadd.s32 $0xFFFFFFFF  }
0x1d: {  	s27 =	simm.s32 $execute0_lowered;
	[smem:$0x3FD2] =	sst s26  }
0x1e: {  	s5 =	sshll.u32 s27, $0x1;
	_ =	strace $0x80000049;
	[dreg:$0x1] =	wrdreg $0xFFFFFFFF  }
0x1f: {  	s28 =	simm.s32 $_size_execute0_lowered;
	s3 =	sadd.s32 s3, s5;
	[dreg:$0x0] =	wrdreg $0x0  }
0x20: {  	s5 =	sshll.u32 s28, $0x1;
	[dreg:$0x2] =	wrdreg s3  }
0x21: {  	[dreg:$0x3] =	wrdreg s5  }
0x22: {  	[dreg:$0x4] =	wrdreg $0xC0  }
0x23: {  	_ =	task [dreg:s7], $0x5FFFF  }
0x24: {  	[dreg:$0x1] =	wrdreg $0xFFFFFFFF  }
0x25: {  	[dreg:$0x0] =	wrdreg $0x60  }
0x26: {  	[dreg:$0x2] =	wrdreg s25  }
0x27: {  	[dreg:$0x3] =	wrdreg s2  }
0x28: {  	[dreg:$0x4] =	wrdreg $0x9  }
0x29: {  	_ =	task.clear_ibuf [dreg:s7], $0x5FFFF;
	_ =	strace $0x90000049  }
0x2a: {  	s29 =	simm.s32 $0x9;
	_ =	strace $0x8000004B  }
0x2b: {  	_ =	swait.ge [sflag:s29], $0x1  }
0x2c: {  	[sflag:s29] =	ssyncadd.s32 $0xFFFFFFFF  }
0x2d: {  	_ =	strace $0x9000004B  }
0x2e: {  	_ =	sfence  }
0x2f: {  	s30 =	sld [smem:$0x0];
	_ =	sdelay $0x2  }
0x30: {  	s31 =	sshll.u32 s1, $0xD;
	s1 =	sshrl.u32 s1, $0x2  }
0x31: {  	s3 =	sand.u32 $0x4000, s31;
	s1 =	sadd.s32 s1, s30  }
0x32: {  	s0 =	sor.u32 s3, s0;
	s1 =	sshll.u32 s1, $0x11  }
0x33: {  	s0 =	sor.u32 s1, s0  }
0x34: {  	s0 =	sadd.s32 $0x8F2B, s0  }
0x35: {  	[sflag:s0] =	ssyncadd.remote.s32 $0x1  }
0x36: {  	_ =	sfence.sel $0xFFFF  }
0x37: {  	[dreg:$0x0] =	wrdreg $0xFFFFFFFF;
	(pc) =	sbr.abs _section_cstart, $3  }
0x38: {  	[dreg:$0x1] =	wrdreg $0xFFFFFFFF  }
0x39: {  	_ =	task.clear_ibuf [dreg:s7], $0x2FFFF;
	_ =	strace $0x9FFFFFFF  }
0x3a: {  	(tm) =	ssettm $0x7FFFFFFF  }
0x3b: {  	_ =	shalt  }
tec
execute0_lowered:
.L_overlay_start_1:
0x0: {  	(tag) =	ssettag $0x1  }
0x1: {  	s0 =	srdreg.scid  }
0x2: {  	s1 =	sshll.u32 s0, $0x4  }
0x3: {  	s4 =	rddreg [dreg:$0x0];
	s0 =	stileid.u32;
	s1 =	sand.u32 $0x10, s1  }
0x4: {  	s2 =	rddreg [dreg:$0x1];
	s7 =	simm.s32 $0x1;
	s1 =	sor.u32 s0, s1  }
0x5: {  	s8 =	simm.s32 $0x2;
	s11 =	simm.s32 $0x0;
	s3 =	sshll.u32 s1, $0x7  }
0x6: {  	s10 =	simm.s32 $0x0;
	s4 =	sadd.s32 $0xA00, s4;
	s6 =	ssub.s32 $0xC8000, s3  }
.Ltmp0:
0x7: {  	s1 =	rddreg [dreg:$0x2];
	s5 =	sand.u32 $0xF80, s6;
	(pc) =	sbr.rel .LBB1_1-.Ltmp0, $4  }
0x8: {  	_ =	strace $0x8000004A;
	s9 =	smov.u32 s3;
	p0 =	sne.s32 s5, $0x0  }
0x9: {  	s6 =	sshrl.u32 s6, $0xC;
	s5 =	simm.s32 $0x1;
	s7 =	simm.s32 @!p0 $0x0  }
0xa: {  	[sflag:s5] =	ssyncpa.u1 $0x0;
	p0 =	por $0x0, $0x0;
	s6 =	sadd.s32 s7, s6  }
0xb: {  	[sflag:s8] =	ssyncpa.u1 $0x0;
	s8 =	simm.s32 $0x640000;
	s7 =	sadd.s32 $0x1, s6  }
.LBB1_4:
0xc: {  	s14 =	sshll.u32 s11, $0x3  }
0xd: {  	s30 =	sand.u32 $0x7F, s11;
	s15 =	sand.u32 $0xFFFFFC00, s14  }
0xe: {  	s11 =	sor.u32 s30, s15  }
0xf: {  	s15 =	smulhi.u32 $0x51EB851F, s11  }
0x10: {  	s14 =	smulhi.u32 $0x51EB851F, s14  }
0x11: {  	s15 =	sshrl.u32 s15, $0x12  }
0x12: {  	s14 =	sshrl.u32 s14, $0x12;
	s15 =	smul.u32 $0xC8000, s15  }
0x13: {  	s14 =	sand.u32 $0x3F, s14  }
0x14: {  	s14 =	smul.u32 $0x19000, s14;
	s11 =	ssub.s32 s11, s15  }
0x15: {  	[tilespmem:s13+$0x810 ss:$0x81] =	vst.msk $0xffff, v2;
	s15 =	sand.u32 $0x7, s11  }
0x16: {  	[tilespmem:s13+$0x1020 ss:$0x81] =	vst.msk $0xffff, v0;
	s14 =	sadd.s32 s2, s14;
	s11 =	sshrl.u32 s11, $0x3;
	s15 =	sshll.u32 s15, $0x12  }
0x17: {  	[tilespmem:s13+$0x0 ss:$0x81] =	vst.msk $0xffff, v1;
	s11 =	sadd.s32 s11, s14;
	s31 =	sor.u32 $0x400, s15  }
0x18: {  	[hbm4b:s11+s31] =	stream.strided.scatter [tilespmem:s12], [sflag:$0x2], $0x2000, s8, s31, $0x20;
	[tilespmem:$0x8080] =	vst v63  }
.LBB1_5:
0x19: {  	s13 =	sadd.s32 $0x1000, s9  }
0x1a: {  	p2 =	sgt.s32 s13, $0xC7FFF  }
0x1b: {  	s13 =	smov.u32 @p2 s3;
	p2 =	sne.s32 s10, s7  }
.Ltmp1:
0x1c: {  	p1 =	slt.u32 s10, $0x2;
	(pc) =	sbr.rel @!p2 .LBB1_6-.Ltmp1, $4  }
0x1d: {  	s12 =	simm.s32 @!p1 $0x2  }
0x1e: {  	s14 =	sadd.s32 $0x1, s10;
	_ =	swait.ge @!p1 [sflag:s12], $0x2000  }
0x1f: {  	s11 =	smov.u32 s9;
	p0 =	por !p0, !p0;
	[sflag:s12] =	ssyncset.done @!p1 $0x0  }
0x20: {  	s10 =	smov.u32 s14;
	s9 =	smov.u32 s13;
	[sflag:s12] =	ssyncadd.s32 @!p1 $0xFFFFE000  }
.LBB1_1:
0x21: {  	p1 =	sge.u32 s10, s6  }
0x22: {  	s12 =	sand.u32 @!p1 $0x1FFFFFF, s9  }
0x23: {  	s13 =	smulhi.u32 @!p1 $0x147AE15, s12;
	_ =	sdelay $0x1  }
0x24: {  	s13 =	sshrl.u32 @!p1 s13, $0xC  }
0x25: {  	s13 =	smul.u32 @!p1 $0xC8000, s13;
	_ =	sdelay $0x1  }
0x26: {  	s31 =	sadd.s32 $0xFFFFFFFF, s10;
	s14 =	sxor.u32 @!p1 $0xFFFFFFFF, s10;
	s12 =	ssub.s32 @!p1 s12, s13  }
0x27: {  	s15 =	simm.s32 @!p1 $0x80;
	s14 =	sshll.u32 @!p1 s14, $0xD;
	s12 =	sshll.u32 @!p1 s12, $0x4  }
0x28: {  	s13 =	sand.u32 @!p1 $0x2000, s14;
	s14 =	simm.s32 @!p1 $0x40;
	s12 =	sadd.s32 @!p1 s4, s12  }
0x29: {  	[tilespmem:s13], [sflag:$0x1] =	stream.strided.gather @!p1 [hbm4b:s12+s14], $0x2000, s15, s14, $0x38;
	[tilespmem:$0x8080] =	vst v63  }
0x2a: {  	p1 =	sge.u32 s31, s6  }
.Ltmp2:
0x2b: {  	_ = 	snop;
	(pc) =	sbr.rel @p1 .LBB1_5-.Ltmp2, $1  }
0x2c: {  	_ =	sdelay $0x3  }
0x2d: {  	s12 =	simm.s32 $0x1  }
0x2e: {  	_ =	swait.ge [sflag:s5], $0x2000;
	s12 =	simm.s32 @!p0 $0x0  }
0x2f: {  	[sflag:s5] =	ssyncset.done $0x0;
	s13 =	sshll.u32 s12, $0xD  }
0x30: {  	[sflag:s5] =	ssyncadd.s32 $0xFFFFE000;
	s16 =	sor.u32 $0x20, s13  }
0x31: {  	s12 =	smul.u32 $0x8100, s12;
	v3 =	vld [tilespmem:s16+$0x10]  }
0x32: {  	s30 =	sand.u32 $0x1, s10;
	v2 =	vld [tilespmem:s16+$0xFFFFFFF0]  }
0x33: {  	s13 =	smul.u32 $0x8100, s30;
	s12 =	sshrl.u32 s12, $0x2;
	v0 =	vld [tilespmem:s16+$0x0]  }
0x34: {  	v1 =	vld [tilespmem:s16+$0xFFFFFFE0];
	s14 =	sor.u32 $0x4000, s12  }
0x35: {  	s31 =	sshrl.u32 s13, $0x2;
	s13 =	sadd.s32 $0x0, s14  }
0x36: {  	s15 =	simm.s32 $0x4;
	s16 =	sadd.s32 $0x40, s16;
	s12 =	sor.u32 $0x4000, s31;
	[tilespmem:s13+$0x1830 ss:$0x81] =	vst.msk $0xffff, v3  }
.LBB1_3:
0x37: {  	v3 =	vld [tilespmem:s16+$0x10];
	p1 =	sne.s32 s15, $0x1FC;
	[tilespmem:s13+$0x810 ss:$0x81] =	vst.msk $0xffff, v2;
	s17 =	smov.u32 s15;
	s15 =	sadd.s32 $0x4, s15  }
.Ltmp3:
0x38: {  	v2 =	vld [tilespmem:s16+$0xFFFFFFF0];
	[tilespmem:s13+$0x1020 ss:$0x81] =	vst.msk $0xffff, v0;
	(pc) =	sbr.rel @p1 .LBB1_3-.Ltmp3, $4  }
0x39: {  	v0 =	vld [tilespmem:s16+$0x0];
	[tilespmem:s13+$0x0 ss:$0x81] =	vst.msk $0xffff, v1  }
0x3a: {  	s13 =	sshra.s32 s17, $0x2;
	v1 =	vld [tilespmem:s16+$0xFFFFFFE0]  }
0x3b: {  	s13 =	sadd.s32 s13, s14  }
0x3c: {  	s16 =	sadd.s32 $0x40, s16;
	[tilespmem:s13+$0x1830 ss:$0x81] =	vst.msk $0xffff, v3  }
.Ltmp4:
0x3d: {  	_ = 	snop;
	(pc) =	sbr.rel .LBB1_4-.Ltmp4, $1  }
0x3e: {  	_ =	sdelay $0x3  }
.LBB1_6:
0x3f: {  	_ =	sfence.sel $0x180000  }
0x40: {  	s2 =	simm.s32 $0x1;
	[bflag:$0x0] =	sbarrier.arrive $0xFFFF  }
0x41: {  	s31 =	simm.s32 $0x2;
	[sflag:s2] =	ssyncpa.u1 $0x1  }
0x42: {  	[sflag:s31] =	ssyncpa.u1 $0x1  }
0x43: {  	p0 =	sne.s32 s0, $0x0;
	_ =	strace $0x9000004A  }
0x44: {  	s0 =	sadd.s32 @!p0 $0x100000, s1;
	[bflag:$0x2] =	sbarrier.arrive $0xFFFF  }
0x45: {  	[sflag:s0] =	ssyncadd.tile.s32 @!p0 $0x1;
	_ =	shalt  }
.Lfunc_end1:
_tile_overlayer_lowered:
.L_overlay_start_2:
0x46: {  	(tag) =	ssettag $0x2  }
0x47: {  	s0 =	rddreg [dreg:$0x0];
	s2 =	stileid.u32  }
0x48: {  	s1 =	rddreg [dreg:$0x1];
	p0 =	sne.s32 s2, $0x0  }
0x49: {  	s3 =	rddreg [dreg:$0x2];
	[bflag:$0x3] =	sbarrier.arrive $0xFFFF;
	s2 =	simm.s32 @!p0 $0x1C01  }
0x4a: {  	[timem:s3], [sflag:s2] =	dma.local @!p0 [hbm:s0], s1  }
0x4b: {  	s0 =	simm.s32 @!p0 $0x1  }
0x4c: {  	_ =	swait.ge @!p0 [sflag:s0], s1  }
0x4d: {  	s1 =	ssub.s32 @!p0 $0x0, s1;
	[sflag:s0] =	ssyncset.done @!p0 $0x0  }
0x4e: {  	[sflag:s0] =	ssyncadd.s32 @!p0 s1  }
0x4f: {  	[bflag:$0x3] =	sbarrier.arrive $0xFFFF  }
0x50: {  	_ =	shalt  }

</sc_bundles>
